<compile_context>
chip_gen: v7x
topology: tpu7x:2x2x1
jax: 0.10.2.dev20260603
libtpu: 0.0.44.dev20260713+nightly
codegen_flags: <defaults>
</compile_context>

<pallas_src>
import functools

import jax
import jax.numpy as jnp
from jax import lax
from jax.experimental import pallas as pl
from jax.experimental.pallas import tpu as pltpu
from jax.experimental.pallas import tpu_sc as plsc

N_NODES = 10000
N_EDGES = 320000
IN_DIM = 128
HID_DIM = 256
OUT_DIM = 128

NPAD = 10240
ROWS_PER_TILE = NPAD // 16
CHUNK = 128
NCHUNK = 160
EDGES_PER_TILE = NCHUNK * CHUNK
EPAD = 16 * EDGES_PER_TILE
T_SPLIT = 80
GCH = 5
BR = 1024

_sc_mesh = plsc.VectorSubcoreMesh(core_axis_name="c", subcore_axis_name="s")
_sc_params = pltpu.CompilerParams(needs_layout_passes=False)


@functools.partial(
    pl.kernel,
    out_type=(
        jax.ShapeDtypeStruct((NPAD, IN_DIM), jnp.float32),
        jax.ShapeDtypeStruct((NPAD,), jnp.float32),
    ),
    mesh=_sc_mesh,
    scratch_types=[
        pltpu.VMEM((GCH, CHUNK), jnp.int32),
        pltpu.VMEM((NCHUNK, CHUNK), jnp.int32),
        pltpu.VMEM((CHUNK, IN_DIM), jnp.float32),
        pltpu.VMEM((CHUNK, IN_DIM), jnp.float32),
        pltpu.VMEM((CHUNK, IN_DIM), jnp.float32),
        pltpu.VMEM((CHUNK,), jnp.float32),
        pltpu.VMEM((ROWS_PER_TILE,), jnp.float32),
        pltpu.VMEM_SHARED((NPAD,), jnp.float32),
        pltpu.SemaphoreType.DMA,
        pltpu.SemaphoreType.DMA,
        pltpu.SemaphoreType.DMA,
        pltpu.SemaphoreType.DMA,
        pltpu.SemaphoreType.DMA,
        pltpu.SemaphoreType.DMA,
        pltpu.SemaphoreType.DMA,
    ],
    compiler_params=_sc_params,
)
def _gather_deg_kernel(embed, ids3, dst3, ones, zvec, x_out, deg_out,
                       idx_all, didx_all, rows0, rows1, rows2, ones_v, zvec_v,
                       deg_sh, g0, g1, g2, s0, s1, s2, dsem):
    c = lax.axis_index("c")
    s = lax.axis_index("s")
    rows = [rows0, rows1, rows2]
    gsem = [g0, g1, g2]
    ssem = [s0, s1, s2]

    @pl.when(c == 1)
    def _():
        pltpu.sync_copy(zvec, zvec_v)
        pltpu.sync_copy(zvec_v, deg_sh.at[pl.ds(s * ROWS_PER_TILE, ROWS_PER_TILE)])

    plsc.subcore_barrier()

    @pl.when(c == 0)
    def _():
        pltpu.sync_copy(ids3.at[s], idx_all)
        for j in range(2):
            pltpu.async_copy(embed.at[idx_all.at[j]], rows[j], gsem[j])
        for j in range(GCH):
            b = j % 3
            pltpu.make_async_copy(embed.at[pl.ds(0, CHUNK)], rows[b], gsem[b]).wait()
            pltpu.async_copy(
                rows[b], x_out.at[pl.ds(s * ROWS_PER_TILE + j * CHUNK, CHUNK)],
                ssem[b])
            if j + 2 < GCH:
                nb = (j + 2) % 3
                if j >= 1:
                    pltpu.make_async_copy(
                        embed.at[pl.ds(0, CHUNK)], rows[nb], ssem[nb]).wait()
                pltpu.async_copy(embed.at[idx_all.at[j + 2]], rows[nb], gsem[nb])
        for j in range(3, 6):
            b = j % 3
            pltpu.make_async_copy(embed.at[pl.ds(0, CHUNK)], rows[b], ssem[b]).wait()

    @pl.when(c == 1)
    def _():
        pltpu.sync_copy(ones, ones_v)
        pltpu.sync_copy(dst3.at[s], didx_all)

        @pl.loop(0, NCHUNK)
        def _(j):
            pltpu.async_copy(ones_v, deg_sh.at[didx_all.at[j]], dsem, add=True)

        pltpu.make_async_copy(dst3.at[s], didx_all, dsem).wait()

    plsc.subcore_barrier()

    @pl.when(c == 1)
    def _():
        off = s * ROWS_PER_TILE
        pltpu.sync_copy(deg_sh.at[pl.ds(off, ROWS_PER_TILE)],
                        deg_out.at[pl.ds(off, ROWS_PER_TILE)])


@functools.partial(
    pl.kernel,
    out_type=(
        jax.ShapeDtypeStruct((NPAD, 128), jnp.float32),
        jax.ShapeDtypeStruct((NPAD, 128), jnp.float32),
        jax.ShapeDtypeStruct((NPAD,), jnp.float32),
        jax.ShapeDtypeStruct((NPAD,), jnp.float32),
    ),
    mesh=_sc_mesh,
    scratch_types=[
        pltpu.VMEM((8, CHUNK), jnp.int32),
        pltpu.VMEM((8, CHUNK), jnp.int32),
        pltpu.VMEM((CHUNK, 128), jnp.float32),
        pltpu.VMEM((CHUNK, 128), jnp.float32),
        pltpu.VMEM((CHUNK,), jnp.float32),
        pltpu.VMEM((CHUNK,), jnp.float32),
        pltpu.VMEM((ROWS_PER_TILE,), jnp.float32),
        pltpu.VMEM_SHARED((NPAD, 128), jnp.float32),
        pltpu.VMEM_SHARED((NPAD,), jnp.float32),
        [pltpu.SemaphoreType.DMA] * 8,
        [pltpu.SemaphoreType.DMA] * 2,
        [pltpu.SemaphoreType.DMA] * 2,
        [pltpu.SemaphoreType.DMA] * 2,
        [pltpu.SemaphoreType.DMA] * 2,
    ],
    compiler_params=_sc_params,
)
def _agg_kernel(y0, y1, src3, dst3, dinv, zvec,
                agg0, agg1, t0, t1,
                sidx, didx, rows0, rows1, dvals0, dvals1, zvec_v,
                agg_sh, t_sh, isem, gsem, ssem, dgsem, tsem):
    c = lax.axis_index("c")
    s = lax.axis_index("s")
    off = s * ROWS_PER_TILE
    rows = [rows0, rows1]
    dvals = [dvals0, dvals1]

    for k in range(ROWS_PER_TILE // CHUNK):
        sl = pl.ds(off + k * CHUNK, CHUNK)

        @pl.when(c == 0)
        def _():
            pltpu.sync_copy(y0.at[sl], rows0)
            pltpu.sync_copy(rows0, agg_sh.at[sl])

        @pl.when(c == 1)
        def _():
            pltpu.sync_copy(y1.at[sl], rows0)
            pltpu.sync_copy(rows0, agg_sh.at[sl])

    pltpu.sync_copy(zvec, zvec_v)
    pltpu.sync_copy(zvec_v, t_sh.at[pl.ds(off, ROWS_PER_TILE)])

    plsc.subcore_barrier()

    def fire_idx(g, b8):
        pltpu.async_copy(src3.at[s, g], sidx.at[b8], isem[b8])
        pltpu.async_copy(dst3.at[s, g], didx.at[b8], isem[b8])

    def wait_idx(b8):
        pltpu.make_async_copy(src3.at[s, 0], sidx.at[b8], isem[b8]).wait()
        pltpu.make_async_copy(src3.at[s, 0], didx.at[b8], isem[b8]).wait()

    def fire_gather(b8, b2):
        @pl.when(c == 0)
        def _():
            pltpu.async_copy(y0.at[sidx.at[b8]], rows[b2], gsem[b2])

        @pl.when(c == 1)
        def _():
            pltpu.async_copy(y1.at[sidx.at[b8]], rows[b2], gsem[b2])

    def wait_rows(sem):
        pltpu.make_async_copy(y0.at[pl.ds(0, CHUNK)], rows0, sem).wait()

    def wait_dvals(sem, p):
        pltpu.make_async_copy(zvec.at[pl.ds(0, CHUNK)], dvals[p], sem).wait()

    def do_t(g):
        return jnp.where(c == 0, g < T_SPLIT, g >= T_SPLIT)

    fire_idx(0, 0)
    fire_idx(1, 1)
    wait_idx(0)
    fire_gather(0, 0)

    @pl.when(c == 0)
    def _():
        pltpu.async_copy(dinv.at[didx.at[0]], dvals[0], dgsem[0])

    @pl.loop(0, NCHUNK // 8)
    def _(G):
        for u in range(8):
            g = G * 8 + u
            b2 = u % 2
            p = u % 2
            pn = (u + 1) % 2
            nb8 = (u + 1) % 8

            wait_rows(gsem[b2])
            pltpu.async_copy(rows[b2], agg_sh.at[didx.at[u]], ssem[b2],
                             add=True)

            @pl.when(do_t(g))
            def _():
                wait_dvals(dgsem[p], p)
                pltpu.async_copy(dvals[p], t_sh.at[sidx.at[u]], tsem[p],
                                 add=True)

            @pl.when(g + 1 < NCHUNK)
            def _():
                wait_idx(nb8)

                @pl.when(do_t(g + 1))
                def _():
                    @pl.when(jnp.where(c == 0, g >= 1, g >= T_SPLIT + 1))
                    def _():
                        wait_dvals(tsem[pn], pn)

                    pltpu.async_copy(dinv.at[didx.at[nb8]], dvals[pn],
                                     dgsem[pn])

                @pl.when(g >= 1)
                def _():
                    wait_rows(ssem[pn])

                fire_gather(nb8, pn)

            @pl.when(g + 2 < NCHUNK)
            def _():
                fire_idx(g + 2, (u + 2) % 8)

    wait_rows(ssem[0])
    wait_rows(ssem[1])
    wait_dvals(tsem[0], 0)
    wait_dvals(tsem[1], 1)

    plsc.subcore_barrier()

    @pl.when(c == 0)
    def _():
        for k in range(ROWS_PER_TILE // CHUNK):
            o = off + k * CHUNK
            pltpu.sync_copy(agg_sh.at[pl.ds(o, CHUNK)], agg0.at[pl.ds(o, CHUNK)])
        pltpu.sync_copy(t_sh.at[pl.ds(off, ROWS_PER_TILE)],
                        t0.at[pl.ds(off, ROWS_PER_TILE)])

    @pl.when(c == 1)
    def _():
        for k in range(ROWS_PER_TILE // CHUNK):
            o = off + k * CHUNK
            pltpu.sync_copy(agg_sh.at[pl.ds(o, CHUNK)], agg1.at[pl.ds(o, CHUNK)])
        pltpu.sync_copy(t_sh.at[pl.ds(off, ROWS_PER_TILE)],
                        t1.at[pl.ds(off, ROWS_PER_TILE)])


def _layer1_body(x_ref, w_ref, deg_ref, y0_ref, y1_ref, dinv_ref):
    i = pl.program_id(0)
    rows = lax.broadcasted_iota(jnp.int32, (BR, 1), 0) + i * BR
    dinv = jnp.where(rows < N_NODES, lax.rsqrt(deg_ref[...] + 1.0), 0.0)
    h = jnp.dot(x_ref[...], w_ref[...], preferred_element_type=jnp.float32,
                precision=lax.Precision.DEFAULT)
    y = h * dinv
    y0_ref[...] = y[:, :128]
    y1_ref[...] = y[:, 128:]
    dinv_ref[...] = dinv


def _layer1(x, w_in, deg_col):
    return pl.pallas_call(
        _layer1_body,
        grid=(NPAD // BR,),
        in_specs=[
            pl.BlockSpec((BR, IN_DIM), lambda i: (i, 0)),
            pl.BlockSpec((IN_DIM, HID_DIM), lambda i: (0, 0)),
            pl.BlockSpec((BR, 1), lambda i: (i, 0)),
        ],
        out_specs=[
            pl.BlockSpec((BR, 128), lambda i: (i, 0)),
            pl.BlockSpec((BR, 128), lambda i: (i, 0)),
            pl.BlockSpec((BR, 1), lambda i: (i, 0)),
        ],
        out_shape=[
            jax.ShapeDtypeStruct((NPAD, 128), jnp.float32),
            jax.ShapeDtypeStruct((NPAD, 128), jnp.float32),
            jax.ShapeDtypeStruct((NPAD, 1), jnp.float32),
        ],
    )(x, w_in, deg_col)


def _final_body(agg0_ref, agg1_ref, dinv_ref, t0_ref, t1_ref,
                b_in_ref, w_out_ref, b_out_ref, out_ref, acc):
    i = pl.program_id(0)
    dinv = dinv_ref[...]
    cvec = dinv * (dinv + t0_ref[...] + t1_ref[...])
    pre = jnp.concatenate([agg0_ref[...], agg1_ref[...]], axis=1)
    x1 = jnp.maximum(pre * dinv + b_in_ref[...], 0.0)
    v = jnp.sum(x1 * cvec, axis=0, keepdims=True)

    @pl.when(i == 0)
    def _():
        acc[...] = v

    @pl.when(i > 0)
    def _():
        acc[...] += v

    @pl.when(i == NPAD // BR - 1)
    def _():
        out_ref[...] = (
            jnp.dot(acc[...], w_out_ref[...], preferred_element_type=jnp.float32,
                    precision=lax.Precision.HIGHEST) * (1.0 / N_NODES)
            + b_out_ref[...])


def _final(agg0, agg1, dinv_col, t0_col, t1_col, b_in, w_out, b_out):
    return pl.pallas_call(
        _final_body,
        grid=(NPAD // BR,),
        in_specs=[
            pl.BlockSpec((BR, 128), lambda i: (i, 0)),
            pl.BlockSpec((BR, 128), lambda i: (i, 0)),
            pl.BlockSpec((BR, 1), lambda i: (i, 0)),
            pl.BlockSpec((BR, 1), lambda i: (i, 0)),
            pl.BlockSpec((BR, 1), lambda i: (i, 0)),
            pl.BlockSpec((1, HID_DIM), lambda i: (0, 0)),
            pl.BlockSpec((HID_DIM, OUT_DIM), lambda i: (0, 0)),
            pl.BlockSpec((1, OUT_DIM), lambda i: (0, 0)),
        ],
        out_specs=pl.BlockSpec((1, OUT_DIM), lambda i: (0, 0)),
        out_shape=jax.ShapeDtypeStruct((1, OUT_DIM), jnp.float32),
        scratch_shapes=[pltpu.VMEM((1, HID_DIM), jnp.float32)],
    )(agg0, agg1, dinv_col, t0_col, t1_col, b_in, w_out, b_out)


def kernel(node_ids, edge_index, embed, W_in, b_in, W_out, b_out):
    src = edge_index[0].astype(jnp.int32)
    dst = edge_index[1].astype(jnp.int32)
    ids3 = jnp.concatenate(
        [node_ids.astype(jnp.int32), jnp.zeros((NPAD - N_NODES,), jnp.int32)]
    ).reshape(16, GCH, CHUNK)
    src3 = jnp.concatenate(
        [src, jnp.zeros((EPAD - N_EDGES,), jnp.int32)]).reshape(16, NCHUNK, CHUNK)
    dst3 = jnp.concatenate(
        [dst, jnp.full((EPAD - N_EDGES,), NPAD - 1, jnp.int32)]
    ).reshape(16, NCHUNK, CHUNK)
    ones = jnp.ones((CHUNK,), jnp.float32)
    zvec = jnp.zeros((ROWS_PER_TILE,), jnp.float32)

    x, deg = _gather_deg_kernel(embed, ids3, dst3, ones, zvec)
    y0, y1, dinv_col = _layer1(x, W_in, deg.reshape(NPAD, 1))
    agg0, agg1, t0, t1 = _agg_kernel(
        y0, y1, src3, dst3, dinv_col.reshape(NPAD), zvec)
    out = _final(agg0, agg1, dinv_col,
                 t0.reshape(NPAD, 1), t1.reshape(NPAD, 1),
                 b_in.reshape(1, HID_DIM), W_out, b_out.reshape(1, OUT_DIM))
    return out.reshape(OUT_DIM)

# --- scband reference (transcript-rebuilt; emitter-appended) ---
"""Pipeline reference for scband-gcnnet-74053826118319 (READ-ONLY COPY).

The authoritative reference and input builder live on the scoring server;
editing this copy changes nothing except your own understanding.
"""

import jax, jax.numpy as jnp
import numpy as np

N_NODES = 10000
N_EDGES = 320000
IN_DIM = 128
HID_DIM = 256
OUT_DIM = 128
NUM_EMBS = 10000


def gcn_conv(x, src, dst, W, b):
    # GCN: D^{-1/2} (A + I) D^{-1/2} X W + b, with self-loops added.
    n = x.shape[0]
    loop = jnp.arange(n, dtype=src.dtype)
    s = jnp.concatenate([src, loop])
    d = jnp.concatenate([dst, loop])
    deg = jnp.zeros((n,), dtype=x.dtype).at[d].add(1.0)
    dinv = jnp.where(deg > 0, 1.0 / jnp.sqrt(deg), 0.0)
    norm = dinv[s] * dinv[d]
    h = x @ W
    msg = h[s] * norm[:, None]
    out = jnp.zeros((n, h.shape[1]), dtype=x.dtype).at[d].add(msg)
    return out + b


def setup_inputs(seed: int = 0) -> dict:
    key = jax.random.key(seed)
    k1, k2, k3, k4, k5, k6 = jax.random.split(key, 6)
    node_ids = jax.random.randint(k1, (N_NODES,), 0, NUM_EMBS, dtype=jnp.int64 if jax.config.jax_enable_x64 else jnp.int32)
    edge_index = jax.random.randint(k2, (2, N_EDGES), 0, N_NODES, dtype=jnp.int64 if jax.config.jax_enable_x64 else jnp.int32)
    embed = jax.random.normal(k3, (NUM_EMBS, IN_DIM), dtype=jnp.float32) * 0.02
    W_in = jax.random.normal(k4, (IN_DIM, HID_DIM), dtype=jnp.float32) * (1.0 / np.sqrt(IN_DIM))
    b_in = jnp.zeros((HID_DIM,), dtype=jnp.float32)
    W_out = jax.random.normal(k5, (HID_DIM, OUT_DIM), dtype=jnp.float32) * (1.0 / np.sqrt(HID_DIM))
    b_out = jnp.zeros((OUT_DIM,), dtype=jnp.float32)
    return {"node_ids": node_ids, "edge_index": edge_index, "embed": embed,
            "W_in": W_in, "b_in": b_in, "W_out": W_out, "b_out": b_out}


def reference(node_ids, edge_index, embed, W_in, b_in, W_out, b_out):
    src = edge_index[0]
    dst = edge_index[1]
    # Embedding lookup of node ids
    x = jnp.take(embed, node_ids, axis=0)
    # in_layer GCNConv -> ReLU (dropout is identity in eval)
    x = gcn_conv(x, src, dst, W_in, b_in)
    x = jax.nn.relu(x)
    # num_layers=2 -> no hidden residual layers
    # out_layer GCNConv
    x = gcn_conv(x, src, dst, W_out, b_out)
    # GlobalAggregator: global mean pooling over all nodes (single graph)
    out = jnp.mean(x, axis=0)
    return out

if __name__ == "__main__":
    import jax
    _d = setup_inputs()
    print(jax.jit(kernel)(*tuple(_d.values())))

</pallas_src>

<mosaic_0001>
#map = affine_map<(d0, d1) -> (0, 0)>
#map1 = affine_map<(d0, d1) -> (0, 0, 0)>
#map2 = affine_map<(d0, d1) -> (0)>
module attributes {stable_mosaic.version = 14 : i64} {
  func.func @_agg_kernel(%arg0: i32, %arg1: i32, %arg2: memref<10240x128xf32, #tpu.memory_space<hbm>>, %arg3: memref<10240x128xf32, #tpu.memory_space<hbm>>, %arg4: memref<16x160x128xi32, #tpu.memory_space<hbm>>, %arg5: memref<16x160x128xi32, #tpu.memory_space<hbm>>, %arg6: memref<10240xf32, #tpu.memory_space<hbm>>, %arg7: memref<640xf32, #tpu.memory_space<hbm>>, %arg8: memref<10240x128xf32, #tpu.memory_space<hbm>>, %arg9: memref<10240x128xf32, #tpu.memory_space<hbm>>, %arg10: memref<10240xf32, #tpu.memory_space<hbm>>, %arg11: memref<10240xf32, #tpu.memory_space<hbm>>, %arg12: memref<8x128xi32, #tpu.memory_space<vmem>>, %arg13: memref<8x128xi32, #tpu.memory_space<vmem>>, %arg14: memref<128x128xf32, #tpu.memory_space<vmem>>, %arg15: memref<128x128xf32, #tpu.memory_space<vmem>>, %arg16: memref<128xf32, #tpu.memory_space<vmem>>, %arg17: memref<128xf32, #tpu.memory_space<vmem>>, %arg18: memref<640xf32, #tpu.memory_space<vmem>>, %arg19: memref<10240x128xf32, #tpu.memory_space<vmem_shared>>, %arg20: memref<10240xf32, #tpu.memory_space<vmem_shared>>, %arg21: memref<!tpu.dma_semaphore, #tpu.memory_space<semaphore_mem>>, %arg22: memref<!tpu.dma_semaphore, #tpu.memory_space<semaphore_mem>>, %arg23: memref<!tpu.dma_semaphore, #tpu.memory_space<semaphore_mem>>, %arg24: memref<!tpu.dma_semaphore, #tpu.memory_space<semaphore_mem>>, %arg25: memref<!tpu.dma_semaphore, #tpu.memory_space<semaphore_mem>>, %arg26: memref<!tpu.dma_semaphore, #tpu.memory_space<semaphore_mem>>, %arg27: memref<!tpu.dma_semaphore, #tpu.memory_space<semaphore_mem>>, %arg28: memref<!tpu.dma_semaphore, #tpu.memory_space<semaphore_mem>>, %arg29: memref<!tpu.dma_semaphore, #tpu.memory_space<semaphore_mem>>, %arg30: memref<!tpu.dma_semaphore, #tpu.memory_space<semaphore_mem>>, %arg31: memref<!tpu.dma_semaphore, #tpu.memory_space<semaphore_mem>>, %arg32: memref<!tpu.dma_semaphore, #tpu.memory_space<semaphore_mem>>, %arg33: memref<!tpu.dma_semaphore, #tpu.memory_space<semaphore_mem>>, %arg34: memref<!tpu.dma_semaphore, #tpu.memory_space<semaphore_mem>>, %arg35: memref<!tpu.dma_semaphore, #tpu.memory_space<semaphore_mem>>, %arg36: memref<!tpu.dma_semaphore, #tpu.memory_space<semaphore_mem>>) attributes {dimension_semantics = [#tpu.dimension_semantics<core_parallel>, #tpu.dimension_semantics<subcore_parallel>], iteration_bounds = array<i64: 2, 16>, scalar_prefetch = 0 : i64, scratch_operands = 25 : i64, tpu.core_type = #tpu.core_type<sc_vector_subcore>, window_params = [{transform_indices = #map}, {transform_indices = #map}, {transform_indices = #map1}, {transform_indices = #map1}, {transform_indices = #map2}, {transform_indices = #map2}, {transform_indices = #map}, {transform_indices = #map}, {transform_indices = #map2}, {transform_indices = #map2}]} {
    %mul3A = arith.constant 640 : i32
    %mul3A_0 = arith.muli %arg1, %mul3A : i32
    %add3A = arith.constant 0 : i32
    %add3A_1 = arith.addi %mul3A_0, %add3A : i32
    %eq3A = arith.constant 0 : i32
    %eq3A_2 = arith.cmpi eq, %arg0, %eq3A : i32
    %convert_element_type3A = arith.extui %eq3A_2 : i1 to i32
    %cond3A = arith.constant 0 : i32
    %cond3A_3 = arith.cmpi ne, %convert_element_type3A, %cond3A : i32
    scf.if %cond3A_3 {
      "tpu.region"() ({
        %run_scoped3A = tpu.sem_alloc : memref<!tpu.dma_semaphore, #tpu.memory_space<semaphore_mem>>
        %dma_start3A_189 = arith.constant 0 : i32
        %dma_start3A_190 = tpu.memref_slice %arg2[%add3A_1, %dma_start3A_189] : memref<10240x128xf32, #tpu.memory_space<hbm>> -> memref<128x128xf32, #tpu.memory_space<hbm>>
        %dma_start3A_191 = arith.constant 0 : i32
        %dma_start3A_192 = tpu.memref_slice %arg2[%add3A_1, %dma_start3A_191] : memref<10240x128xf32, #tpu.memory_space<hbm>> -> memref<128x128xf32, #tpu.memory_space<hbm>>
        tpu.enqueue_dma source(%dma_start3A_192 : memref<128x128xf32, #tpu.memory_space<hbm>>) target(%arg14 : memref<128x128xf32, #tpu.memory_space<vmem>>) target_semaphore(%run_scoped3A : memref<!tpu.dma_semaphore, #tpu.memory_space<semaphore_mem>>)
        %dma_wait3A_193 = arith.constant 0 : i32
        %dma_wait3A_194 = tpu.memref_slice %arg2[%add3A_1, %dma_wait3A_193] : memref<10240x128xf32, #tpu.memory_space<hbm>> -> memref<128x128xf32, #tpu.memory_space<hbm>>
        %dma_wait3A_195 = arith.constant 0 : i32
        %dma_wait3A_196 = tpu.memref_slice %arg2[%add3A_1, %dma_wait3A_195] : memref<10240x128xf32, #tpu.memory_space<hbm>> -> memref<128x128xf32, #tpu.memory_space<hbm>>
        tpu.wait_dma2 semaphore(%run_scoped3A : memref<!tpu.dma_semaphore, #tpu.memory_space<semaphore_mem>>) src(%dma_wait3A_196 : memref<128x128xf32, #tpu.memory_space<hbm>>) dst(%arg14 : memref<128x128xf32, #tpu.memory_space<vmem>>)
        tpu.yield
      }) : () -> ()
      "tpu.region"() ({
        %run_scoped3A = tpu.sem_alloc : memref<!tpu.dma_semaphore, #tpu.memory_space<semaphore_mem>>
        %dma_start3A_189 = arith.constant 0 : i32
        %dma_start3A_190 = tpu.memref_slice %arg19[%add3A_1, %dma_start3A_189] : memref<10240x128xf32, #tpu.memory_space<vmem_shared>> -> memref<128x128xf32, #tpu.memory_space<vmem_shared>>
        %dma_start3A_191 = arith.constant 0 : i32
        %dma_start3A_192 = tpu.memref_slice %arg19[%add3A_1, %dma_start3A_191] : memref<10240x128xf32, #tpu.memory_space<vmem_shared>> -> memref<128x128xf32, #tpu.memory_space<vmem_shared>>
        tpu.enqueue_dma source(%arg14 : memref<128x128xf32, #tpu.memory_space<vmem>>) target(%dma_start3A_192 : memref<128x128xf32, #tpu.memory_space<vmem_shared>>) target_semaphore(%run_scoped3A : memref<!tpu.dma_semaphore, #tpu.memory_space<semaphore_mem>>)
        %dma_wait3A_193 = arith.constant 0 : i32
        %dma_wait3A_194 = tpu.memref_slice %arg19[%add3A_1, %dma_wait3A_193] : memref<10240x128xf32, #tpu.memory_space<vmem_shared>> -> memref<128x128xf32, #tpu.memory_space<vmem_shared>>
        %dma_wait3A_195 = arith.constant 0 : i32
        %dma_wait3A_196 = tpu.memref_slice %arg19[%add3A_1, %dma_wait3A_195] : memref<10240x128xf32, #tpu.memory_space<vmem_shared>> -> memref<128x128xf32, #tpu.memory_space<vmem_shared>>
        tpu.wait_dma2 semaphore(%run_scoped3A : memref<!tpu.dma_semaphore, #tpu.memory_space<semaphore_mem>>) src(%arg14 : memref<128x128xf32, #tpu.memory_space<vmem>>) dst(%dma_wait3A_196 : memref<128x128xf32, #tpu.memory_space<vmem_shared>>)
        tpu.yield
      }) : () -> ()
    } else {
    }
    %eq3A_4 = arith.constant 1 : i32
    %eq3A_5 = arith.cmpi eq, %arg0, %eq3A_4 : i32
    %convert_element_type3A_6 = arith.extui %eq3A_5 : i1 to i32
    %cond3A_7 = arith.constant 0 : i32
    %cond3A_8 = arith.cmpi ne, %convert_element_type3A_6, %cond3A_7 : i32
    scf.if %cond3A_8 {
      "tpu.region"() ({
        %run_scoped3A = tpu.sem_alloc : memref<!tpu.dma_semaphore, #tpu.memory_space<semaphore_mem>>
        %dma_start3A_189 = arith.constant 0 : i32
        %dma_start3A_190 = tpu.memref_slice %arg3[%add3A_1, %dma_start3A_189] : memref<10240x128xf32, #tpu.memory_space<hbm>> -> memref<128x128xf32, #tpu.memory_space<hbm>>
        %dma_start3A_191 = arith.constant 0 : i32
        %dma_start3A_192 = tpu.memref_slice %arg3[%add3A_1, %dma_start3A_191] : memref<10240x128xf32, #tpu.memory_space<hbm>> -> memref<128x128xf32, #tpu.memory_space<hbm>>
        tpu.enqueue_dma source(%dma_start3A_192 : memref<128x128xf32, #tpu.memory_space<hbm>>) target(%arg14 : memref<128x128xf32, #tpu.memory_space<vmem>>) target_semaphore(%run_scoped3A : memref<!tpu.dma_semaphore, #tpu.memory_space<semaphore_mem>>)
        %dma_wait3A_193 = arith.constant 0 : i32
        %dma_wait3A_194 = tpu.memref_slice %arg3[%add3A_1, %dma_wait3A_193] : memref<10240x128xf32, #tpu.memory_space<hbm>> -> memref<128x128xf32, #tpu.memory_space<hbm>>
        %dma_wait3A_195 = arith.constant 0 : i32
        %dma_wait3A_196 = tpu.memref_slice %arg3[%add3A_1, %dma_wait3A_195] : memref<10240x128xf32, #tpu.memory_space<hbm>> -> memref<128x128xf32, #tpu.memory_space<hbm>>
        tpu.wait_dma2 semaphore(%run_scoped3A : memref<!tpu.dma_semaphore, #tpu.memory_space<semaphore_mem>>) src(%dma_wait3A_196 : memref<128x128xf32, #tpu.memory_space<hbm>>) dst(%arg14 : memref<128x128xf32, #tpu.memory_space<vmem>>)
        tpu.yield
      }) : () -> ()
      "tpu.region"() ({
        %run_scoped3A = tpu.sem_alloc : memref<!tpu.dma_semaphore, #tpu.memory_space<semaphore_mem>>
        %dma_start3A_189 = arith.constant 0 : i32
        %dma_start3A_190 = tpu.memref_slice %arg19[%add3A_1, %dma_start3A_189] : memref<10240x128xf32, #tpu.memory_space<vmem_shared>> -> memref<128x128xf32, #tpu.memory_space<vmem_shared>>
        %dma_start3A_191 = arith.constant 0 : i32
        %dma_start3A_192 = tpu.memref_slice %arg19[%add3A_1, %dma_start3A_191] : memref<10240x128xf32, #tpu.memory_space<vmem_shared>> -> memref<128x128xf32, #tpu.memory_space<vmem_shared>>
        tpu.enqueue_dma source(%arg14 : memref<128x128xf32, #tpu.memory_space<vmem>>) target(%dma_start3A_192 : memref<128x128xf32, #tpu.memory_space<vmem_shared>>) target_semaphore(%run_scoped3A : memref<!tpu.dma_semaphore, #tpu.memory_space<semaphore_mem>>)
        %dma_wait3A_193 = arith.constant 0 : i32
        %dma_wait3A_194 = tpu.memref_slice %arg19[%add3A_1, %dma_wait3A_193] : memref<10240x128xf32, #tpu.memory_space<vmem_shared>> -> memref<128x128xf32, #tpu.memory_space<vmem_shared>>
        %dma_wait3A_195 = arith.constant 0 : i32
        %dma_wait3A_196 = tpu.memref_slice %arg19[%add3A_1, %dma_wait3A_195] : memref<10240x128xf32, #tpu.memory_space<vmem_shared>> -> memref<128x128xf32, #tpu.memory_space<vmem_shared>>
        tpu.wait_dma2 semaphore(%run_scoped3A : memref<!tpu.dma_semaphore, #tpu.memory_space<semaphore_mem>>) src(%arg14 : memref<128x128xf32, #tpu.memory_space<vmem>>) dst(%dma_wait3A_196 : memref<128x128xf32, #tpu.memory_space<vmem_shared>>)
        tpu.yield
      }) : () -> ()
    } else {
    }
    %add3A_9 = arith.constant 128 : i32
    %add3A_10 = arith.addi %mul3A_0, %add3A_9 : i32
    %eq3A_11 = arith.constant 0 : i32
    %eq3A_12 = arith.cmpi eq, %arg0, %eq3A_11 : i32
    %convert_element_type3A_13 = arith.extui %eq3A_12 : i1 to i32
    %cond3A_14 = arith.constant 0 : i32
    %cond3A_15 = arith.cmpi ne, %convert_element_type3A_13, %cond3A_14 : i32
    scf.if %cond3A_15 {
      "tpu.region"() ({
        %run_scoped3A = tpu.sem_alloc : memref<!tpu.dma_semaphore, #tpu.memory_space<semaphore_mem>>
        %dma_start3A_189 = arith.constant 0 : i32
        %dma_start3A_190 = tpu.memref_slice %arg2[%add3A_10, %dma_start3A_189] : memref<10240x128xf32, #tpu.memory_space<hbm>> -> memref<128x128xf32, #tpu.memory_space<hbm>>
        %dma_start3A_191 = arith.constant 0 : i32
        %dma_start3A_192 = tpu.memref_slice %arg2[%add3A_10, %dma_start3A_191] : memref<10240x128xf32, #tpu.memory_space<hbm>> -> memref<128x128xf32, #tpu.memory_space<hbm>>
        tpu.enqueue_dma source(%dma_start3A_192 : memref<128x128xf32, #tpu.memory_space<hbm>>) target(%arg14 : memref<128x128xf32, #tpu.memory_space<vmem>>) target_semaphore(%run_scoped3A : memref<!tpu.dma_semaphore, #tpu.memory_space<semaphore_mem>>)
        %dma_wait3A_193 = arith.constant 0 : i32
        %dma_wait3A_194 = tpu.memref_slice %arg2[%add3A_10, %dma_wait3A_193] : memref<10240x128xf32, #tpu.memory_space<hbm>> -> memref<128x128xf32, #tpu.memory_space<hbm>>
        %dma_wait3A_195 = arith.constant 0 : i32
        %dma_wait3A_196 = tpu.memref_slice %arg2[%add3A_10, %dma_wait3A_195] : memref<10240x128xf32, #tpu.memory_space<hbm>> -> memref<128x128xf32, #tpu.memory_space<hbm>>
        tpu.wait_dma2 semaphore(%run_scoped3A : memref<!tpu.dma_semaphore, #tpu.memory_space<semaphore_mem>>) src(%dma_wait3A_196 : memref<128x128xf32, #tpu.memory_space<hbm>>) dst(%arg14 : memref<128x128xf32, #tpu.memory_space<vmem>>)
        tpu.yield
      }) : () -> ()
      "tpu.region"() ({
        %run_scoped3A = tpu.sem_alloc : memref<!tpu.dma_semaphore, #tpu.memory_space<semaphore_mem>>
        %dma_start3A_189 = arith.constant 0 : i32
        %dma_start3A_190 = tpu.memref_slice %arg19[%add3A_10, %dma_start3A_189] : memref<10240x128xf32, #tpu.memory_space<vmem_shared>> -> memref<128x128xf32, #tpu.memory_space<vmem_shared>>
        %dma_start3A_191 = arith.constant 0 : i32
        %dma_start3A_192 = tpu.memref_slice %arg19[%add3A_10, %dma_start3A_191] : memref<10240x128xf32, #tpu.memory_space<vmem_shared>> -> memref<128x128xf32, #tpu.memory_space<vmem_shared>>
        tpu.enqueue_dma source(%arg14 : memref<128x128xf32, #tpu.memory_space<vmem>>) target(%dma_start3A_192 : memref<128x128xf32, #tpu.memory_space<vmem_shared>>) target_semaphore(%run_scoped3A : memref<!tpu.dma_semaphore, #tpu.memory_space<semaphore_mem>>)
        %dma_wait3A_193 = arith.constant 0 : i32
        %dma_wait3A_194 = tpu.memref_slice %arg19[%add3A_10, %dma_wait3A_193] : memref<10240x128xf32, #tpu.memory_space<vmem_shared>> -> memref<128x128xf32, #tpu.memory_space<vmem_shared>>
        %dma_wait3A_195 = arith.constant 0 : i32
        %dma_wait3A_196 = tpu.memref_slice %arg19[%add3A_10, %dma_wait3A_195] : memref<10240x128xf32, #tpu.memory_space<vmem_shared>> -> memref<128x128xf32, #tpu.memory_space<vmem_shared>>
        tpu.wait_dma2 semaphore(%run_scoped3A : memref<!tpu.dma_semaphore, #tpu.memory_space<semaphore_mem>>) src(%arg14 : memref<128x128xf32, #tpu.memory_space<vmem>>) dst(%dma_wait3A_196 : memref<128x128xf32, #tpu.memory_space<vmem_shared>>)
        tpu.yield
      }) : () -> ()
    } else {
    }
    %eq3A_16 = arith.constant 1 : i32
    %eq3A_17 = arith.cmpi eq, %arg0, %eq3A_16 : i32
    %convert_element_type3A_18 = arith.extui %eq3A_17 : i1 to i32
    %cond3A_19 = arith.constant 0 : i32
    %cond3A_20 = arith.cmpi ne, %convert_element_type3A_18, %cond3A_19 : i32
    scf.if %cond3A_20 {
      "tpu.region"() ({
        %run_scoped3A = tpu.sem_alloc : memref<!tpu.dma_semaphore, #tpu.memory_space<semaphore_mem>>
        %dma_start3A_189 = arith.constant 0 : i32
        %dma_start3A_190 = tpu.memref_slice %arg3[%add3A_10, %dma_start3A_189] : memref<10240x128xf32, #tpu.memory_space<hbm>> -> memref<128x128xf32, #tpu.memory_space<hbm>>
        %dma_start3A_191 = arith.constant 0 : i32
        %dma_start3A_192 = tpu.memref_slice %arg3[%add3A_10, %dma_start3A_191] : memref<10240x128xf32, #tpu.memory_space<hbm>> -> memref<128x128xf32, #tpu.memory_space<hbm>>
        tpu.enqueue_dma source(%dma_start3A_192 : memref<128x128xf32, #tpu.memory_space<hbm>>) target(%arg14 : memref<128x128xf32, #tpu.memory_space<vmem>>) target_semaphore(%run_scoped3A : memref<!tpu.dma_semaphore, #tpu.memory_space<semaphore_mem>>)
        %dma_wait3A_193 = arith.constant 0 : i32
        %dma_wait3A_194 = tpu.memref_slice %arg3[%add3A_10, %dma_wait3A_193] : memref<10240x128xf32, #tpu.memory_space<hbm>> -> memref<128x128xf32, #tpu.memory_space<hbm>>
        %dma_wait3A_195 = arith.constant 0 : i32
        %dma_wait3A_196 = tpu.memref_slice %arg3[%add3A_10, %dma_wait3A_195] : memref<10240x128xf32, #tpu.memory_space<hbm>> -> memref<128x128xf32, #tpu.memory_space<hbm>>
        tpu.wait_dma2 semaphore(%run_scoped3A : memref<!tpu.dma_semaphore, #tpu.memory_space<semaphore_mem>>) src(%dma_wait3A_196 : memref<128x128xf32, #tpu.memory_space<hbm>>) dst(%arg14 : memref<128x128xf32, #tpu.memory_space<vmem>>)
        tpu.yield
      }) : () -> ()
      "tpu.region"() ({
        %run_scoped3A = tpu.sem_alloc : memref<!tpu.dma_semaphore, #tpu.memory_space<semaphore_mem>>
        %dma_start3A_189 = arith.constant 0 : i32
        %dma_start3A_190 = tpu.memref_slice %arg19[%add3A_10, %dma_start3A_189] : memref<10240x128xf32, #tpu.memory_space<vmem_shared>> -> memref<128x128xf32, #tpu.memory_space<vmem_shared>>
        %dma_start3A_191 = arith.constant 0 : i32
        %dma_start3A_192 = tpu.memref_slice %arg19[%add3A_10, %dma_start3A_191] : memref<10240x128xf32, #tpu.memory_space<vmem_shared>> -> memref<128x128xf32, #tpu.memory_space<vmem_shared>>
        tpu.enqueue_dma source(%arg14 : memref<128x128xf32, #tpu.memory_space<vmem>>) target(%dma_start3A_192 : memref<128x128xf32, #tpu.memory_space<vmem_shared>>) target_semaphore(%run_scoped3A : memref<!tpu.dma_semaphore, #tpu.memory_space<semaphore_mem>>)
        %dma_wait3A_193 = arith.constant 0 : i32
        %dma_wait3A_194 = tpu.memref_slice %arg19[%add3A_10, %dma_wait3A_193] : memref<10240x128xf32, #tpu.memory_space<vmem_shared>> -> memref<128x128xf32, #tpu.memory_space<vmem_shared>>
        %dma_wait3A_195 = arith.constant 0 : i32
        %dma_wait3A_196 = tpu.memref_slice %arg19[%add3A_10, %dma_wait3A_195] : memref<10240x128xf32, #tpu.memory_space<vmem_shared>> -> memref<128x128xf32, #tpu.memory_space<vmem_shared>>
        tpu.wait_dma2 semaphore(%run_scoped3A : memref<!tpu.dma_semaphore, #tpu.memory_space<semaphore_mem>>) src(%arg14 : memref<128x128xf32, #tpu.memory_space<vmem>>) dst(%dma_wait3A_196 : memref<128x128xf32, #tpu.memory_space<vmem_shared>>)
        tpu.yield
      }) : () -> ()
    } else {
    }
    %add3A_21 = arith.constant 256 : i32
    %add3A_22 = arith.addi %mul3A_0, %add3A_21 : i32
    %eq3A_23 = arith.constant 0 : i32
    %eq3A_24 = arith.cmpi eq, %arg0, %eq3A_23 : i32
    %convert_element_type3A_25 = arith.extui %eq3A_24 : i1 to i32
    %cond3A_26 = arith.constant 0 : i32
    %cond3A_27 = arith.cmpi ne, %convert_element_type3A_25, %cond3A_26 : i32
    scf.if %cond3A_27 {
      "tpu.region"() ({
        %run_scoped3A = tpu.sem_alloc : memref<!tpu.dma_semaphore, #tpu.memory_space<semaphore_mem>>
        %dma_start3A_189 = arith.constant 0 : i32
        %dma_start3A_190 = tpu.memref_slice %arg2[%add3A_22, %dma_start3A_189] : memref<10240x128xf32, #tpu.memory_space<hbm>> -> memref<128x128xf32, #tpu.memory_space<hbm>>
        %dma_start3A_191 = arith.constant 0 : i32
        %dma_start3A_192 = tpu.memref_slice %arg2[%add3A_22, %dma_start3A_191] : memref<10240x128xf32, #tpu.memory_space<hbm>> -> memref<128x128xf32, #tpu.memory_space<hbm>>
        tpu.enqueue_dma source(%dma_start3A_192 : memref<128x128xf32, #tpu.memory_space<hbm>>) target(%arg14 : memref<128x128xf32, #tpu.memory_space<vmem>>) target_semaphore(%run_scoped3A : memref<!tpu.dma_semaphore, #tpu.memory_space<semaphore_mem>>)
        %dma_wait3A_193 = arith.constant 0 : i32
        %dma_wait3A_194 = tpu.memref_slice %arg2[%add3A_22, %dma_wait3A_193] : memref<10240x128xf32, #tpu.memory_space<hbm>> -> memref<128x128xf32, #tpu.memory_space<hbm>>
        %dma_wait3A_195 = arith.constant 0 : i32
        %dma_wait3A_196 = tpu.memref_slice %arg2[%add3A_22, %dma_wait3A_195] : memref<10240x128xf32, #tpu.memory_space<hbm>> -> memref<128x128xf32, #tpu.memory_space<hbm>>
        tpu.wait_dma2 semaphore(%run_scoped3A : memref<!tpu.dma_semaphore, #tpu.memory_space<semaphore_mem>>) src(%dma_wait3A_196 : memref<128x128xf32, #tpu.memory_space<hbm>>) dst(%arg14 : memref<128x128xf32, #tpu.memory_space<vmem>>)
        tpu.yield
      }) : () -> ()
      "tpu.region"() ({
        %run_scoped3A = tpu.sem_alloc : memref<!tpu.dma_semaphore, #tpu.memory_space<semaphore_mem>>
        %dma_start3A_189 = arith.constant 0 : i32
        %dma_start3A_190 = tpu.memref_slice %arg19[%add3A_22, %dma_start3A_189] : memref<10240x128xf32, #tpu.memory_space<vmem_shared>> -> memref<128x128xf32, #tpu.memory_space<vmem_shared>>
        %dma_start3A_191 = arith.constant 0 : i32
        %dma_start3A_192 = tpu.memref_slice %arg19[%add3A_22, %dma_start3A_191] : memref<10240x128xf32, #tpu.memory_space<vmem_shared>> -> memref<128x128xf32, #tpu.memory_space<vmem_shared>>
        tpu.enqueue_dma source(%arg14 : memref<128x128xf32, #tpu.memory_space<vmem>>) target(%dma_start3A_192 : memref<128x128xf32, #tpu.memory_space<vmem_shared>>) target_semaphore(%run_scoped3A : memref<!tpu.dma_semaphore, #tpu.memory_space<semaphore_mem>>)
        %dma_wait3A_193 = arith.constant 0 : i32
        %dma_wait3A_194 = tpu.memref_slice %arg19[%add3A_22, %dma_wait3A_193] : memref<10240x128xf32, #tpu.memory_space<vmem_shared>> -> memref<128x128xf32, #tpu.memory_space<vmem_shared>>
        %dma_wait3A_195 = arith.constant 0 : i32
        %dma_wait3A_196 = tpu.memref_slice %arg19[%add3A_22, %dma_wait3A_195] : memref<10240x128xf32, #tpu.memory_space<vmem_shared>> -> memref<128x128xf32, #tpu.memory_space<vmem_shared>>
        tpu.wait_dma2 semaphore(%run_scoped3A : memref<!tpu.dma_semaphore, #tpu.memory_space<semaphore_mem>>) src(%arg14 : memref<128x128xf32, #tpu.memory_space<vmem>>) dst(%dma_wait3A_196 : memref<128x128xf32, #tpu.memory_space<vmem_shared>>)
        tpu.yield
      }) : () -> ()
    } else {
    }
    %eq3A_28 = arith.constant 1 : i32
    %eq3A_29 = arith.cmpi eq, %arg0, %eq3A_28 : i32
    %convert_element_type3A_30 = arith.extui %eq3A_29 : i1 to i32
    %cond3A_31 = arith.constant 0 : i32
    %cond3A_32 = arith.cmpi ne, %convert_element_type3A_30, %cond3A_31 : i32
    scf.if %cond3A_32 {
      "tpu.region"() ({
        %run_scoped3A = tpu.sem_alloc : memref<!tpu.dma_semaphore, #tpu.memory_space<semaphore_mem>>
        %dma_start3A_189 = arith.constant 0 : i32
        %dma_start3A_190 = tpu.memref_slice %arg3[%add3A_22, %dma_start3A_189] : memref<10240x128xf32, #tpu.memory_space<hbm>> -> memref<128x128xf32, #tpu.memory_space<hbm>>
        %dma_start3A_191 = arith.constant 0 : i32
        %dma_start3A_192 = tpu.memref_slice %arg3[%add3A_22, %dma_start3A_191] : memref<10240x128xf32, #tpu.memory_space<hbm>> -> memref<128x128xf32, #tpu.memory_space<hbm>>
        tpu.enqueue_dma source(%dma_start3A_192 : memref<128x128xf32, #tpu.memory_space<hbm>>) target(%arg14 : memref<128x128xf32, #tpu.memory_space<vmem>>) target_semaphore(%run_scoped3A : memref<!tpu.dma_semaphore, #tpu.memory_space<semaphore_mem>>)
        %dma_wait3A_193 = arith.constant 0 : i32
        %dma_wait3A_194 = tpu.memref_slice %arg3[%add3A_22, %dma_wait3A_193] : memref<10240x128xf32, #tpu.memory_space<hbm>> -> memref<128x128xf32, #tpu.memory_space<hbm>>
        %dma_wait3A_195 = arith.constant 0 : i32
        %dma_wait3A_196 = tpu.memref_slice %arg3[%add3A_22, %dma_wait3A_195] : memref<10240x128xf32, #tpu.memory_space<hbm>> -> memref<128x128xf32, #tpu.memory_space<hbm>>
        tpu.wait_dma2 semaphore(%run_scoped3A : memref<!tpu.dma_semaphore, #tpu.memory_space<semaphore_mem>>) src(%dma_wait3A_196 : memref<128x128xf32, #tpu.memory_space<hbm>>) dst(%arg14 : memref<128x128xf32, #tpu.memory_space<vmem>>)
        tpu.yield
      }) : () -> ()
      "tpu.region"() ({
        %run_scoped3A = tpu.sem_alloc : memref<!tpu.dma_semaphore, #tpu.memory_space<semaphore_mem>>
        %dma_start3A_189 = arith.constant 0 : i32
        %dma_start3A_190 = tpu.memref_slice %arg19[%add3A_22, %dma_start3A_189] : memref<10240x128xf32, #tpu.memory_space<vmem_shared>> -> memref<128x128xf32, #tpu.memory_space<vmem_shared>>
        %dma_start3A_191 = arith.constant 0 : i32
        %dma_start3A_192 = tpu.memref_slice %arg19[%add3A_22, %dma_start3A_191] : memref<10240x128xf32, #tpu.memory_space<vmem_shared>> -> memref<128x128xf32, #tpu.memory_space<vmem_shared>>
        tpu.enqueue_dma source(%arg14 : memref<128x128xf32, #tpu.memory_space<vmem>>) target(%dma_start3A_192 : memref<128x128xf32, #tpu.memory_space<vmem_shared>>) target_semaphore(%run_scoped3A : memref<!tpu.dma_semaphore, #tpu.memory_space<semaphore_mem>>)
        %dma_wait3A_193 = arith.constant 0 : i32
        %dma_wait3A_194 = tpu.memref_slice %arg19[%add3A_22, %dma_wait3A_193] : memref<10240x128xf32, #tpu.memory_space<vmem_shared>> -> memref<128x128xf32, #tpu.memory_space<vmem_shared>>
        %dma_wait3A_195 = arith.constant 0 : i32
        %dma_wait3A_196 = tpu.memref_slice %arg19[%add3A_22, %dma_wait3A_195] : memref<10240x128xf32, #tpu.memory_space<vmem_shared>> -> memref<128x128xf32, #tpu.memory_space<vmem_shared>>
        tpu.wait_dma2 semaphore(%run_scoped3A : memref<!tpu.dma_semaphore, #tpu.memory_space<semaphore_mem>>) src(%arg14 : memref<128x128xf32, #tpu.memory_space<vmem>>) dst(%dma_wait3A_196 : memref<128x128xf32, #tpu.memory_space<vmem_shared>>)
        tpu.yield
      }) : () -> ()
    } else {
    }
    %add3A_33 = arith.constant 384 : i32
    %add3A_34 = arith.addi %mul3A_0, %add3A_33 : i32
    %eq3A_35 = arith.constant 0 : i32
    %eq3A_36 = arith.cmpi eq, %arg0, %eq3A_35 : i32
    %convert_element_type3A_37 = arith.extui %eq3A_36 : i1 to i32
    %cond3A_38 = arith.constant 0 : i32
    %cond3A_39 = arith.cmpi ne, %convert_element_type3A_37, %cond3A_38 : i32
    scf.if %cond3A_39 {
      "tpu.region"() ({
        %run_scoped3A = tpu.sem_alloc : memref<!tpu.dma_semaphore, #tpu.memory_space<semaphore_mem>>
        %dma_start3A_189 = arith.constant 0 : i32
        %dma_start3A_190 = tpu.memref_slice %arg2[%add3A_34, %dma_start3A_189] : memref<10240x128xf32, #tpu.memory_space<hbm>> -> memref<128x128xf32, #tpu.memory_space<hbm>>
        %dma_start3A_191 = arith.constant 0 : i32
        %dma_start3A_192 = tpu.memref_slice %arg2[%add3A_34, %dma_start3A_191] : memref<10240x128xf32, #tpu.memory_space<hbm>> -> memref<128x128xf32, #tpu.memory_space<hbm>>
        tpu.enqueue_dma source(%dma_start3A_192 : memref<128x128xf32, #tpu.memory_space<hbm>>) target(%arg14 : memref<128x128xf32, #tpu.memory_space<vmem>>) target_semaphore(%run_scoped3A : memref<!tpu.dma_semaphore, #tpu.memory_space<semaphore_mem>>)
        %dma_wait3A_193 = arith.constant 0 : i32
        %dma_wait3A_194 = tpu.memref_slice %arg2[%add3A_34, %dma_wait3A_193] : memref<10240x128xf32, #tpu.memory_space<hbm>> -> memref<128x128xf32, #tpu.memory_space<hbm>>
        %dma_wait3A_195 = arith.constant 0 : i32
        %dma_wait3A_196 = tpu.memref_slice %arg2[%add3A_34, %dma_wait3A_195] : memref<10240x128xf32, #tpu.memory_space<hbm>> -> memref<128x128xf32, #tpu.memory_space<hbm>>
        tpu.wait_dma2 semaphore(%run_scoped3A : memref<!tpu.dma_semaphore, #tpu.memory_space<semaphore_mem>>) src(%dma_wait3A_196 : memref<128x128xf32, #tpu.memory_space<hbm>>) dst(%arg14 : memref<128x128xf32, #tpu.memory_space<vmem>>)
        tpu.yield
      }) : () -> ()
      "tpu.region"() ({
        %run_scoped3A = tpu.sem_alloc : memref<!tpu.dma_semaphore, #tpu.memory_space<semaphore_mem>>
        %dma_start3A_189 = arith.constant 0 : i32
        %dma_start3A_190 = tpu.memref_slice %arg19[%add3A_34, %dma_start3A_189] : memref<10240x128xf32, #tpu.memory_space<vmem_shared>> -> memref<128x128xf32, #tpu.memory_space<vmem_shared>>
        %dma_start3A_191 = arith.constant 0 : i32
        %dma_start3A_192 = tpu.memref_slice %arg19[%add3A_34, %dma_start3A_191] : memref<10240x128xf32, #tpu.memory_space<vmem_shared>> -> memref<128x128xf32, #tpu.memory_space<vmem_shared>>
        tpu.enqueue_dma source(%arg14 : memref<128x128xf32, #tpu.memory_space<vmem>>) target(%dma_start3A_192 : memref<128x128xf32, #tpu.memory_space<vmem_shared>>) target_semaphore(%run_scoped3A : memref<!tpu.dma_semaphore, #tpu.memory_space<semaphore_mem>>)
        %dma_wait3A_193 = arith.constant 0 : i32
        %dma_wait3A_194 = tpu.memref_slice %arg19[%add3A_34, %dma_wait3A_193] : memref<10240x128xf32, #tpu.memory_space<vmem_shared>> -> memref<128x128xf32, #tpu.memory_space<vmem_shared>>
        %dma_wait3A_195 = arith.constant 0 : i32
        %dma_wait3A_196 = tpu.memref_slice %arg19[%add3A_34, %dma_wait3A_195] : memref<10240x128xf32, #tpu.memory_space<vmem_shared>> -> memref<128x128xf32, #tpu.memory_space<vmem_shared>>
        tpu.wait_dma2 semaphore(%run_scoped3A : memref<!tpu.dma_semaphore, #tpu.memory_space<semaphore_mem>>) src(%arg14 : memref<128x128xf32, #tpu.memory_space<vmem>>) dst(%dma_wait3A_196 : memref<128x128xf32, #tpu.memory_space<vmem_shared>>)
        tpu.yield
      }) : () -> ()
    } else {
    }
    %eq3A_40 = arith.constant 1 : i32
    %eq3A_41 = arith.cmpi eq, %arg0, %eq3A_40 : i32
    %convert_element_type3A_42 = arith.extui %eq3A_41 : i1 to i32
    %cond3A_43 = arith.constant 0 : i32
    %cond3A_44 = arith.cmpi ne, %convert_element_type3A_42, %cond3A_43 : i32
    scf.if %cond3A_44 {
      "tpu.region"() ({
        %run_scoped3A = tpu.sem_alloc : memref<!tpu.dma_semaphore, #tpu.memory_space<semaphore_mem>>
        %dma_start3A_189 = arith.constant 0 : i32
        %dma_start3A_190 = tpu.memref_slice %arg3[%add3A_34, %dma_start3A_189] : memref<10240x128xf32, #tpu.memory_space<hbm>> -> memref<128x128xf32, #tpu.memory_space<hbm>>
        %dma_start3A_191 = arith.constant 0 : i32
        %dma_start3A_192 = tpu.memref_slice %arg3[%add3A_34, %dma_start3A_191] : memref<10240x128xf32, #tpu.memory_space<hbm>> -> memref<128x128xf32, #tpu.memory_space<hbm>>
        tpu.enqueue_dma source(%dma_start3A_192 : memref<128x128xf32, #tpu.memory_space<hbm>>) target(%arg14 : memref<128x128xf32, #tpu.memory_space<vmem>>) target_semaphore(%run_scoped3A : memref<!tpu.dma_semaphore, #tpu.memory_space<semaphore_mem>>)
        %dma_wait3A_193 = arith.constant 0 : i32
        %dma_wait3A_194 = tpu.memref_slice %arg3[%add3A_34, %dma_wait3A_193] : memref<10240x128xf32, #tpu.memory_space<hbm>> -> memref<128x128xf32, #tpu.memory_space<hbm>>
        %dma_wait3A_195 = arith.constant 0 : i32
        %dma_wait3A_196 = tpu.memref_slice %arg3[%add3A_34, %dma_wait3A_195] : memref<10240x128xf32, #tpu.memory_space<hbm>> -> memref<128x128xf32, #tpu.memory_space<hbm>>
        tpu.wait_dma2 semaphore(%run_scoped3A : memref<!tpu.dma_semaphore, #tpu.memory_space<semaphore_mem>>) src(%dma_wait3A_196 : memref<128x128xf32, #tpu.memory_space<hbm>>) dst(%arg14 : memref<128x128xf32, #tpu.memory_space<vmem>>)
        tpu.yield
      }) : () -> ()
      "tpu.region"() ({
        %run_scoped3A = tpu.sem_alloc : memref<!tpu.dma_semaphore, #tpu.memory_space<semaphore_mem>>
        %dma_start3A_189 = arith.constant 0 : i32
        %dma_start3A_190 = tpu.memref_slice %arg19[%add3A_34, %dma_start3A_189] : memref<10240x128xf32, #tpu.memory_space<vmem_shared>> -> memref<128x128xf32, #tpu.memory_space<vmem_shared>>
        %dma_start3A_191 = arith.constant 0 : i32
        %dma_start3A_192 = tpu.memref_slice %arg19[%add3A_34, %dma_start3A_191] : memref<10240x128xf32, #tpu.memory_space<vmem_shared>> -> memref<128x128xf32, #tpu.memory_space<vmem_shared>>
        tpu.enqueue_dma source(%arg14 : memref<128x128xf32, #tpu.memory_space<vmem>>) target(%dma_start3A_192 : memref<128x128xf32, #tpu.memory_space<vmem_shared>>) target_semaphore(%run_scoped3A : memref<!tpu.dma_semaphore, #tpu.memory_space<semaphore_mem>>)
        %dma_wait3A_193 = arith.constant 0 : i32
        %dma_wait3A_194 = tpu.memref_slice %arg19[%add3A_34, %dma_wait3A_193] : memref<10240x128xf32, #tpu.memory_space<vmem_shared>> -> memref<128x128xf32, #tpu.memory_space<vmem_shared>>
        %dma_wait3A_195 = arith.constant 0 : i32
        %dma_wait3A_196 = tpu.memref_slice %arg19[%add3A_34, %dma_wait3A_195] : memref<10240x128xf32, #tpu.memory_space<vmem_shared>> -> memref<128x128xf32, #tpu.memory_space<vmem_shared>>
        tpu.wait_dma2 semaphore(%run_scoped3A : memref<!tpu.dma_semaphore, #tpu.memory_space<semaphore_mem>>) src(%arg14 : memref<128x128xf32, #tpu.memory_space<vmem>>) dst(%dma_wait3A_196 : memref<128x128xf32, #tpu.memory_space<vmem_shared>>)
        tpu.yield
      }) : () -> ()
    } else {
    }
    %add3A_45 = arith.constant 512 : i32
    %add3A_46 = arith.addi %mul3A_0, %add3A_45 : i32
    %eq3A_47 = arith.constant 0 : i32
    %eq3A_48 = arith.cmpi eq, %arg0, %eq3A_47 : i32
    %convert_element_type3A_49 = arith.extui %eq3A_48 : i1 to i32
    %cond3A_50 = arith.constant 0 : i32
    %cond3A_51 = arith.cmpi ne, %convert_element_type3A_49, %cond3A_50 : i32
    scf.if %cond3A_51 {
      "tpu.region"() ({
        %run_scoped3A = tpu.sem_alloc : memref<!tpu.dma_semaphore, #tpu.memory_space<semaphore_mem>>
        %dma_start3A_189 = arith.constant 0 : i32
        %dma_start3A_190 = tpu.memref_slice %arg2[%add3A_46, %dma_start3A_189] : memref<10240x128xf32, #tpu.memory_space<hbm>> -> memref<128x128xf32, #tpu.memory_space<hbm>>
        %dma_start3A_191 = arith.constant 0 : i32
        %dma_start3A_192 = tpu.memref_slice %arg2[%add3A_46, %dma_start3A_191] : memref<10240x128xf32, #tpu.memory_space<hbm>> -> memref<128x128xf32, #tpu.memory_space<hbm>>
        tpu.enqueue_dma source(%dma_start3A_192 : memref<128x128xf32, #tpu.memory_space<hbm>>) target(%arg14 : memref<128x128xf32, #tpu.memory_space<vmem>>) target_semaphore(%run_scoped3A : memref<!tpu.dma_semaphore, #tpu.memory_space<semaphore_mem>>)
        %dma_wait3A_193 = arith.constant 0 : i32
        %dma_wait3A_194 = tpu.memref_slice %arg2[%add3A_46, %dma_wait3A_193] : memref<10240x128xf32, #tpu.memory_space<hbm>> -> memref<128x128xf32, #tpu.memory_space<hbm>>
        %dma_wait3A_195 = arith.constant 0 : i32
        %dma_wait3A_196 = tpu.memref_slice %arg2[%add3A_46, %dma_wait3A_195] : memref<10240x128xf32, #tpu.memory_space<hbm>> -> memref<128x128xf32, #tpu.memory_space<hbm>>
        tpu.wait_dma2 semaphore(%run_scoped3A : memref<!tpu.dma_semaphore, #tpu.memory_space<semaphore_mem>>) src(%dma_wait3A_196 : memref<128x128xf32, #tpu.memory_space<hbm>>) dst(%arg14 : memref<128x128xf32, #tpu.memory_space<vmem>>)
        tpu.yield
      }) : () -> ()
      "tpu.region"() ({
        %run_scoped3A = tpu.sem_alloc : memref<!tpu.dma_semaphore, #tpu.memory_space<semaphore_mem>>
        %dma_start3A_189 = arith.constant 0 : i32
        %dma_start3A_190 = tpu.memref_slice %arg19[%add3A_46, %dma_start3A_189] : memref<10240x128xf32, #tpu.memory_space<vmem_shared>> -> memref<128x128xf32, #tpu.memory_space<vmem_shared>>
        %dma_start3A_191 = arith.constant 0 : i32
        %dma_start3A_192 = tpu.memref_slice %arg19[%add3A_46, %dma_start3A_191] : memref<10240x128xf32, #tpu.memory_space<vmem_shared>> -> memref<128x128xf32, #tpu.memory_space<vmem_shared>>
        tpu.enqueue_dma source(%arg14 : memref<128x128xf32, #tpu.memory_space<vmem>>) target(%dma_start3A_192 : memref<128x128xf32, #tpu.memory_space<vmem_shared>>) target_semaphore(%run_scoped3A : memref<!tpu.dma_semaphore, #tpu.memory_space<semaphore_mem>>)
        %dma_wait3A_193 = arith.constant 0 : i32
        %dma_wait3A_194 = tpu.memref_slice %arg19[%add3A_46, %dma_wait3A_193] : memref<10240x128xf32, #tpu.memory_space<vmem_shared>> -> memref<128x128xf32, #tpu.memory_space<vmem_shared>>
        %dma_wait3A_195 = arith.constant 0 : i32
        %dma_wait3A_196 = tpu.memref_slice %arg19[%add3A_46, %dma_wait3A_195] : memref<10240x128xf32, #tpu.memory_space<vmem_shared>> -> memref<128x128xf32, #tpu.memory_space<vmem_shared>>
        tpu.wait_dma2 semaphore(%run_scoped3A : memref<!tpu.dma_semaphore, #tpu.memory_space<semaphore_mem>>) src(%arg14 : memref<128x128xf32, #tpu.memory_space<vmem>>) dst(%dma_wait3A_196 : memref<128x128xf32, #tpu.memory_space<vmem_shared>>)
        tpu.yield
      }) : () -> ()
    } else {
    }
    %eq3A_52 = arith.constant 1 : i32
    %eq3A_53 = arith.cmpi eq, %arg0, %eq3A_52 : i32
    %convert_element_type3A_54 = arith.extui %eq3A_53 : i1 to i32
    %cond3A_55 = arith.constant 0 : i32
    %cond3A_56 = arith.cmpi ne, %convert_element_type3A_54, %cond3A_55 : i32
    scf.if %cond3A_56 {
      "tpu.region"() ({
        %run_scoped3A = tpu.sem_alloc : memref<!tpu.dma_semaphore, #tpu.memory_space<semaphore_mem>>
        %dma_start3A_189 = arith.constant 0 : i32
        %dma_start3A_190 = tpu.memref_slice %arg3[%add3A_46, %dma_start3A_189] : memref<10240x128xf32, #tpu.memory_space<hbm>> -> memref<128x128xf32, #tpu.memory_space<hbm>>
        %dma_start3A_191 = arith.constant 0 : i32
        %dma_start3A_192 = tpu.memref_slice %arg3[%add3A_46, %dma_start3A_191] : memref<10240x128xf32, #tpu.memory_space<hbm>> -> memref<128x128xf32, #tpu.memory_space<hbm>>
        tpu.enqueue_dma source(%dma_start3A_192 : memref<128x128xf32, #tpu.memory_space<hbm>>) target(%arg14 : memref<128x128xf32, #tpu.memory_space<vmem>>) target_semaphore(%run_scoped3A : memref<!tpu.dma_semaphore, #tpu.memory_space<semaphore_mem>>)
        %dma_wait3A_193 = arith.constant 0 : i32
        %dma_wait3A_194 = tpu.memref_slice %arg3[%add3A_46, %dma_wait3A_193] : memref<10240x128xf32, #tpu.memory_space<hbm>> -> memref<128x128xf32, #tpu.memory_space<hbm>>
        %dma_wait3A_195 = arith.constant 0 : i32
        %dma_wait3A_196 = tpu.memref_slice %arg3[%add3A_46, %dma_wait3A_195] : memref<10240x128xf32, #tpu.memory_space<hbm>> -> memref<128x128xf32, #tpu.memory_space<hbm>>
        tpu.wait_dma2 semaphore(%run_scoped3A : memref<!tpu.dma_semaphore, #tpu.memory_space<semaphore_mem>>) src(%dma_wait3A_196 : memref<128x128xf32, #tpu.memory_space<hbm>>) dst(%arg14 : memref<128x128xf32, #tpu.memory_space<vmem>>)
        tpu.yield
      }) : () -> ()
      "tpu.region"() ({
        %run_scoped3A = tpu.sem_alloc : memref<!tpu.dma_semaphore, #tpu.memory_space<semaphore_mem>>
        %dma_start3A_189 = arith.constant 0 : i32
        %dma_start3A_190 = tpu.memref_slice %arg19[%add3A_46, %dma_start3A_189] : memref<10240x128xf32, #tpu.memory_space<vmem_shared>> -> memref<128x128xf32, #tpu.memory_space<vmem_shared>>
        %dma_start3A_191 = arith.constant 0 : i32
        %dma_start3A_192 = tpu.memref_slice %arg19[%add3A_46, %dma_start3A_191] : memref<10240x128xf32, #tpu.memory_space<vmem_shared>> -> memref<128x128xf32, #tpu.memory_space<vmem_shared>>
        tpu.enqueue_dma source(%arg14 : memref<128x128xf32, #tpu.memory_space<vmem>>) target(%dma_start3A_192 : memref<128x128xf32, #tpu.memory_space<vmem_shared>>) target_semaphore(%run_scoped3A : memref<!tpu.dma_semaphore, #tpu.memory_space<semaphore_mem>>)
        %dma_wait3A_193 = arith.constant 0 : i32
        %dma_wait3A_194 = tpu.memref_slice %arg19[%add3A_46, %dma_wait3A_193] : memref<10240x128xf32, #tpu.memory_space<vmem_shared>> -> memref<128x128xf32, #tpu.memory_space<vmem_shared>>
        %dma_wait3A_195 = arith.constant 0 : i32
        %dma_wait3A_196 = tpu.memref_slice %arg19[%add3A_46, %dma_wait3A_195] : memref<10240x128xf32, #tpu.memory_space<vmem_shared>> -> memref<128x128xf32, #tpu.memory_space<vmem_shared>>
        tpu.wait_dma2 semaphore(%run_scoped3A : memref<!tpu.dma_semaphore, #tpu.memory_space<semaphore_mem>>) src(%arg14 : memref<128x128xf32, #tpu.memory_space<vmem>>) dst(%dma_wait3A_196 : memref<128x128xf32, #tpu.memory_space<vmem_shared>>)
        tpu.yield
      }) : () -> ()
    } else {
    }
    "tpu.region"() ({
      %run_scoped3A = tpu.sem_alloc : memref<!tpu.dma_semaphore, #tpu.memory_space<semaphore_mem>>
      tpu.enqueue_dma source(%arg7 : memref<640xf32, #tpu.memory_space<hbm>>) target(%arg18 : memref<640xf32, #tpu.memory_space<vmem>>) target_semaphore(%run_scoped3A : memref<!tpu.dma_semaphore, #tpu.memory_space<semaphore_mem>>)
      tpu.wait_dma2 semaphore(%run_scoped3A : memref<!tpu.dma_semaphore, #tpu.memory_space<semaphore_mem>>) src(%arg7 : memref<640xf32, #tpu.memory_space<hbm>>) dst(%arg18 : memref<640xf32, #tpu.memory_space<vmem>>)
      tpu.yield
    }) : () -> ()
    "tpu.region"() ({
      %run_scoped3A = tpu.sem_alloc : memref<!tpu.dma_semaphore, #tpu.memory_space<semaphore_mem>>
      %dma_start3A_189 = tpu.memref_slice %arg20[%mul3A_0] : memref<10240xf32, #tpu.memory_space<vmem_shared>> -> memref<640xf32, #tpu.memory_space<vmem_shared>>
      %dma_start3A_190 = tpu.memref_slice %arg20[%mul3A_0] : memref<10240xf32, #tpu.memory_space<vmem_shared>> -> memref<640xf32, #tpu.memory_space<vmem_shared>>
      tpu.enqueue_dma source(%arg18 : memref<640xf32, #tpu.memory_space<vmem>>) target(%dma_start3A_190 : memref<640xf32, #tpu.memory_space<vmem_shared>>) target_semaphore(%run_scoped3A : memref<!tpu.dma_semaphore, #tpu.memory_space<semaphore_mem>>)
      %dma_wait3A_191 = tpu.memref_slice %arg20[%mul3A_0] : memref<10240xf32, #tpu.memory_space<vmem_shared>> -> memref<640xf32, #tpu.memory_space<vmem_shared>>
      %dma_wait3A_192 = tpu.memref_slice %arg20[%mul3A_0] : memref<10240xf32, #tpu.memory_space<vmem_shared>> -> memref<640xf32, #tpu.memory_space<vmem_shared>>
      tpu.wait_dma2 semaphore(%run_scoped3A : memref<!tpu.dma_semaphore, #tpu.memory_space<semaphore_mem>>) src(%arg18 : memref<640xf32, #tpu.memory_space<vmem>>) dst(%dma_wait3A_192 : memref<640xf32, #tpu.memory_space<vmem_shared>>)
      tpu.yield
    }) : () -> ()
    %barrier3A = arith.constant 0 : index
    tpu.barrier barrier_id(%barrier3A)
    %dma_start3A = arith.constant 0 : i32
    %dma_start3A_57 = arith.constant 0 : i32
    %dma_start3A_58 = arith.constant 0 : i32
    %dma_start3A_59 = tpu.memref_slice %arg12[%dma_start3A_57, %dma_start3A_58] : memref<8x128xi32, #tpu.memory_space<vmem>> -> memref<1x128xi32, #tpu.memory_space<vmem>>
    %dma_start3A_60 = tpu.memref_squeeze %dma_start3A_59 : memref<1x128xi32, #tpu.memory_space<vmem>> -> memref<128xi32, #tpu.memory_space<vmem>>
    %dma_start3A_61 = arith.constant 0 : i32
    %dma_start3A_62 = tpu.memref_slice %arg4[%arg1, %dma_start3A, %dma_start3A_61] : memref<16x160x128xi32, #tpu.memory_space<hbm>> -> memref<1x1x128xi32, #tpu.memory_space<hbm>>
    %dma_start3A_63 = tpu.memref_squeeze %dma_start3A_62 : memref<1x1x128xi32, #tpu.memory_space<hbm>> -> memref<128xi32, #tpu.memory_space<hbm>>
    %dma_start3A_64 = arith.constant 0 : i32
    %dma_start3A_65 = tpu.memref_slice %arg12[%dma_start3A_57, %dma_start3A_64] : memref<8x128xi32, #tpu.memory_space<vmem>> -> memref<1x128xi32, #tpu.memory_space<vmem>>
    %dma_start3A_66 = tpu.memref_squeeze %dma_start3A_65 : memref<1x128xi32, #tpu.memory_space<vmem>> -> memref<128xi32, #tpu.memory_space<vmem>>
    %dma_start3A_67 = arith.constant 0 : i32
    %dma_start3A_68 = tpu.memref_slice %arg4[%arg1, %dma_start3A, %dma_start3A_67] : memref<16x160x128xi32, #tpu.memory_space<hbm>> -> memref<1x1x128xi32, #tpu.memory_space<hbm>>
    %dma_start3A_69 = tpu.memref_squeeze %dma_start3A_68 : memref<1x1x128xi32, #tpu.memory_space<hbm>> -> memref<128xi32, #tpu.memory_space<hbm>>
    tpu.enqueue_dma source(%dma_start3A_69 : memref<128xi32, #tpu.memory_space<hbm>>) target(%dma_start3A_66 : memref<128xi32, #tpu.memory_space<vmem>>) target_semaphore(%arg21 : memref<!tpu.dma_semaphore, #tpu.memory_space<semaphore_mem>>)
    %dma_start3A_70 = arith.constant 0 : i32
    %dma_start3A_71 = arith.constant 0 : i32
    %dma_start3A_72 = arith.constant 0 : i32
    %dma_start3A_73 = tpu.memref_slice %arg13[%dma_start3A_71, %dma_start3A_72] : memref<8x128xi32, #tpu.memory_space<vmem>> -> memref<1x128xi32, #tpu.memory_space<vmem>>
    %dma_start3A_74 = tpu.memref_squeeze %dma_start3A_73 : memref<1x128xi32, #tpu.memory_space<vmem>> -> memref<128xi32, #tpu.memory_space<vmem>>
    %dma_start3A_75 = arith.constant 0 : i32
    %dma_start3A_76 = tpu.memref_slice %arg5[%arg1, %dma_start3A_70, %dma_start3A_75] : memref<16x160x128xi32, #tpu.memory_space<hbm>> -> memref<1x1x128xi32, #tpu.memory_space<hbm>>
    %dma_start3A_77 = tpu.memref_squeeze %dma_start3A_76 : memref<1x1x128xi32, #tpu.memory_space<hbm>> -> memref<128xi32, #tpu.memory_space<hbm>>
    %dma_start3A_78 = arith.constant 0 : i32
    %dma_start3A_79 = tpu.memref_slice %arg13[%dma_start3A_71, %dma_start3A_78] : memref<8x128xi32, #tpu.memory_space<vmem>> -> memref<1x128xi32, #tpu.memory_space<vmem>>
    %dma_start3A_80 = tpu.memref_squeeze %dma_start3A_79 : memref<1x128xi32, #tpu.memory_space<vmem>> -> memref<128xi32, #tpu.memory_space<vmem>>
    %dma_start3A_81 = arith.constant 0 : i32
    %dma_start3A_82 = tpu.memref_slice %arg5[%arg1, %dma_start3A_70, %dma_start3A_81] : memref<16x160x128xi32, #tpu.memory_space<hbm>> -> memref<1x1x128xi32, #tpu.memory_space<hbm>>
    %dma_start3A_83 = tpu.memref_squeeze %dma_start3A_82 : memref<1x1x128xi32, #tpu.memory_space<hbm>> -> memref<128xi32, #tpu.memory_space<hbm>>
    tpu.enqueue_dma source(%dma_start3A_83 : memref<128xi32, #tpu.memory_space<hbm>>) target(%dma_start3A_80 : memref<128xi32, #tpu.memory_space<vmem>>) target_semaphore(%arg21 : memref<!tpu.dma_semaphore, #tpu.memory_space<semaphore_mem>>)
    %dma_start3A_84 = arith.constant 1 : i32
    %dma_start3A_85 = arith.constant 1 : i32
    %dma_start3A_86 = arith.constant 0 : i32
    %dma_start3A_87 = tpu.memref_slice %arg12[%dma_start3A_85, %dma_start3A_86] : memref<8x128xi32, #tpu.memory_space<vmem>> -> memref<1x128xi32, #tpu.memory_space<vmem>>
    %dma_start3A_88 = tpu.memref_squeeze %dma_start3A_87 : memref<1x128xi32, #tpu.memory_space<vmem>> -> memref<128xi32, #tpu.memory_space<vmem>>
    %dma_start3A_89 = arith.constant 0 : i32
    %dma_start3A_90 = tpu.memref_slice %arg4[%arg1, %dma_start3A_84, %dma_start3A_89] : memref<16x160x128xi32, #tpu.memory_space<hbm>> -> memref<1x1x128xi32, #tpu.memory_space<hbm>>
    %dma_start3A_91 = tpu.memref_squeeze %dma_start3A_90 : memref<1x1x128xi32, #tpu.memory_space<hbm>> -> memref<128xi32, #tpu.memory_space<hbm>>
    %dma_start3A_92 = arith.constant 0 : i32
    %dma_start3A_93 = tpu.memref_slice %arg12[%dma_start3A_85, %dma_start3A_92] : memref<8x128xi32, #tpu.memory_space<vmem>> -> memref<1x128xi32, #tpu.memory_space<vmem>>
    %dma_start3A_94 = tpu.memref_squeeze %dma_start3A_93 : memref<1x128xi32, #tpu.memory_space<vmem>> -> memref<128xi32, #tpu.memory_space<vmem>>
    %dma_start3A_95 = arith.constant 0 : i32
    %dma_start3A_96 = tpu.memref_slice %arg4[%arg1, %dma_start3A_84, %dma_start3A_95] : memref<16x160x128xi32, #tpu.memory_space<hbm>> -> memref<1x1x128xi32, #tpu.memory_space<hbm>>
    %dma_start3A_97 = tpu.memref_squeeze %dma_start3A_96 : memref<1x1x128xi32, #tpu.memory_space<hbm>> -> memref<128xi32, #tpu.memory_space<hbm>>
    tpu.enqueue_dma source(%dma_start3A_97 : memref<128xi32, #tpu.memory_space<hbm>>) target(%dma_start3A_94 : memref<128xi32, #tpu.memory_space<vmem>>) target_semaphore(%arg22 : memref<!tpu.dma_semaphore, #tpu.memory_space<semaphore_mem>>)
    %dma_start3A_98 = arith.constant 1 : i32
    %dma_start3A_99 = arith.constant 1 : i32
    %dma_start3A_100 = arith.constant 0 : i32
    %dma_start3A_101 = tpu.memref_slice %arg13[%dma_start3A_99, %dma_start3A_100] : memref<8x128xi32, #tpu.memory_space<vmem>> -> memref<1x128xi32, #tpu.memory_space<vmem>>
    %dma_start3A_102 = tpu.memref_squeeze %dma_start3A_101 : memref<1x128xi32, #tpu.memory_space<vmem>> -> memref<128xi32, #tpu.memory_space<vmem>>
    %dma_start3A_103 = arith.constant 0 : i32
    %dma_start3A_104 = tpu.memref_slice %arg5[%arg1, %dma_start3A_98, %dma_start3A_103] : memref<16x160x128xi32, #tpu.memory_space<hbm>> -> memref<1x1x128xi32, #tpu.memory_space<hbm>>
    %dma_start3A_105 = tpu.memref_squeeze %dma_start3A_104 : memref<1x1x128xi32, #tpu.memory_space<hbm>> -> memref<128xi32, #tpu.memory_space<hbm>>
    %dma_start3A_106 = arith.constant 0 : i32
    %dma_start3A_107 = tpu.memref_slice %arg13[%dma_start3A_99, %dma_start3A_106] : memref<8x128xi32, #tpu.memory_space<vmem>> -> memref<1x128xi32, #tpu.memory_space<vmem>>
    %dma_start3A_108 = tpu.memref_squeeze %dma_start3A_107 : memref<1x128xi32, #tpu.memory_space<vmem>> -> memref<128xi32, #tpu.memory_space<vmem>>
    %dma_start3A_109 = arith.constant 0 : i32
    %dma_start3A_110 = tpu.memref_slice %arg5[%arg1, %dma_start3A_98, %dma_start3A_109] : memref<16x160x128xi32, #tpu.memory_space<hbm>> -> memref<1x1x128xi32, #tpu.memory_space<hbm>>
    %dma_start3A_111 = tpu.memref_squeeze %dma_start3A_110 : memref<1x1x128xi32, #tpu.memory_space<hbm>> -> memref<128xi32, #tpu.memory_space<hbm>>
    tpu.enqueue_dma source(%dma_start3A_111 : memref<128xi32, #tpu.memory_space<hbm>>) target(%dma_start3A_108 : memref<128xi32, #tpu.memory_space<vmem>>) target_semaphore(%arg22 : memref<!tpu.dma_semaphore, #tpu.memory_space<semaphore_mem>>)
    %dma_wait3A = arith.constant 0 : i32
    %dma_wait3A_112 = arith.constant 0 : i32
    %dma_wait3A_113 = arith.constant 0 : i32
    %dma_wait3A_114 = tpu.memref_slice %arg12[%dma_wait3A_112, %dma_wait3A_113] : memref<8x128xi32, #tpu.memory_space<vmem>> -> memref<1x128xi32, #tpu.memory_space<vmem>>
    %dma_wait3A_115 = tpu.memref_squeeze %dma_wait3A_114 : memref<1x128xi32, #tpu.memory_space<vmem>> -> memref<128xi32, #tpu.memory_space<vmem>>
    %dma_wait3A_116 = arith.constant 0 : i32
    %dma_wait3A_117 = tpu.memref_slice %arg4[%arg1, %dma_wait3A, %dma_wait3A_116] : memref<16x160x128xi32, #tpu.memory_space<hbm>> -> memref<1x1x128xi32, #tpu.memory_space<hbm>>
    %dma_wait3A_118 = tpu.memref_squeeze %dma_wait3A_117 : memref<1x1x128xi32, #tpu.memory_space<hbm>> -> memref<128xi32, #tpu.memory_space<hbm>>
    %dma_wait3A_119 = arith.constant 0 : i32
    %dma_wait3A_120 = tpu.memref_slice %arg12[%dma_wait3A_112, %dma_wait3A_119] : memref<8x128xi32, #tpu.memory_space<vmem>> -> memref<1x128xi32, #tpu.memory_space<vmem>>
    %dma_wait3A_121 = tpu.memref_squeeze %dma_wait3A_120 : memref<1x128xi32, #tpu.memory_space<vmem>> -> memref<128xi32, #tpu.memory_space<vmem>>
    %dma_wait3A_122 = arith.constant 0 : i32
    %dma_wait3A_123 = tpu.memref_slice %arg4[%arg1, %dma_wait3A, %dma_wait3A_122] : memref<16x160x128xi32, #tpu.memory_space<hbm>> -> memref<1x1x128xi32, #tpu.memory_space<hbm>>
    %dma_wait3A_124 = tpu.memref_squeeze %dma_wait3A_123 : memref<1x1x128xi32, #tpu.memory_space<hbm>> -> memref<128xi32, #tpu.memory_space<hbm>>
    tpu.wait_dma2 semaphore(%arg21 : memref<!tpu.dma_semaphore, #tpu.memory_space<semaphore_mem>>) src(%dma_wait3A_124 : memref<128xi32, #tpu.memory_space<hbm>>) dst(%dma_wait3A_121 : memref<128xi32, #tpu.memory_space<vmem>>)
    %dma_wait3A_125 = arith.constant 0 : i32
    %dma_wait3A_126 = arith.constant 0 : i32
    %dma_wait3A_127 = arith.constant 0 : i32
    %dma_wait3A_128 = tpu.memref_slice %arg13[%dma_wait3A_126, %dma_wait3A_127] : memref<8x128xi32, #tpu.memory_space<vmem>> -> memref<1x128xi32, #tpu.memory_space<vmem>>
    %dma_wait3A_129 = tpu.memref_squeeze %dma_wait3A_128 : memref<1x128xi32, #tpu.memory_space<vmem>> -> memref<128xi32, #tpu.memory_space<vmem>>
    %dma_wait3A_130 = arith.constant 0 : i32
    %dma_wait3A_131 = tpu.memref_slice %arg4[%arg1, %dma_wait3A_125, %dma_wait3A_130] : memref<16x160x128xi32, #tpu.memory_space<hbm>> -> memref<1x1x128xi32, #tpu.memory_space<hbm>>
    %dma_wait3A_132 = tpu.memref_squeeze %dma_wait3A_131 : memref<1x1x128xi32, #tpu.memory_space<hbm>> -> memref<128xi32, #tpu.memory_space<hbm>>
    %dma_wait3A_133 = arith.constant 0 : i32
    %dma_wait3A_134 = tpu.memref_slice %arg13[%dma_wait3A_126, %dma_wait3A_133] : memref<8x128xi32, #tpu.memory_space<vmem>> -> memref<1x128xi32, #tpu.memory_space<vmem>>
    %dma_wait3A_135 = tpu.memref_squeeze %dma_wait3A_134 : memref<1x128xi32, #tpu.memory_space<vmem>> -> memref<128xi32, #tpu.memory_space<vmem>>
    %dma_wait3A_136 = arith.constant 0 : i32
    %dma_wait3A_137 = tpu.memref_slice %arg4[%arg1, %dma_wait3A_125, %dma_wait3A_136] : memref<16x160x128xi32, #tpu.memory_space<hbm>> -> memref<1x1x128xi32, #tpu.memory_space<hbm>>
    %dma_wait3A_138 = tpu.memref_squeeze %dma_wait3A_137 : memref<1x1x128xi32, #tpu.memory_space<hbm>> -> memref<128xi32, #tpu.memory_space<hbm>>
    tpu.wait_dma2 semaphore(%arg21 : memref<!tpu.dma_semaphore, #tpu.memory_space<semaphore_mem>>) src(%dma_wait3A_138 : memref<128xi32, #tpu.memory_space<hbm>>) dst(%dma_wait3A_135 : memref<128xi32, #tpu.memory_space<vmem>>)
    %eq3A_139 = arith.constant 0 : i32
    %eq3A_140 = arith.cmpi eq, %arg0, %eq3A_139 : i32
    %convert_element_type3A_141 = arith.extui %eq3A_140 : i1 to i32
    %cond3A_142 = arith.constant 0 : i32
    %cond3A_143 = arith.cmpi ne, %convert_element_type3A_141, %cond3A_142 : i32
    scf.if %cond3A_143 {
      %dma_start3A_189 = arith.constant 0 : i32
      %dma_start3A_190 = arith.constant 0 : i32
      %dma_start3A_191 = tpu.memref_slice %arg12[%dma_start3A_189, %dma_start3A_190] : memref<8x128xi32, #tpu.memory_space<vmem>> -> memref<1x128xi32, #tpu.memory_space<vmem>>
      %dma_start3A_192 = tpu.memref_squeeze %dma_start3A_191 : memref<1x128xi32, #tpu.memory_space<vmem>> -> memref<128xi32, #tpu.memory_space<vmem>>
      %dma_start3A_193 = arith.constant 0 : i32
      %dma_start3A_194 = arith.constant 0 : i32
      %dma_start3A_195 = tpu.memref_slice %arg2[%dma_start3A_193, %dma_start3A_194] : memref<10240x128xf32, #tpu.memory_space<hbm>> -> memref<10240x128xf32, #tpu.memory_space<hbm>>
      tpu.enqueue_indirect_dma source(%dma_start3A_195 : memref<10240x128xf32, #tpu.memory_space<hbm>>) target(%arg14 : memref<128x128xf32, #tpu.memory_space<vmem>>) offsets(%dma_start3A_192 : memref<128xi32, #tpu.memory_space<vmem>>) semaphore(%arg29 : memref<!tpu.dma_semaphore, #tpu.memory_space<semaphore_mem>>)
    } else {
    }
    %eq3A_144 = arith.constant 1 : i32
    %eq3A_145 = arith.cmpi eq, %arg0, %eq3A_144 : i32
    %convert_element_type3A_146 = arith.extui %eq3A_145 : i1 to i32
    %cond3A_147 = arith.constant 0 : i32
    %cond3A_148 = arith.cmpi ne, %convert_element_type3A_146, %cond3A_147 : i32
    scf.if %cond3A_148 {
      %dma_start3A_189 = arith.constant 0 : i32
      %dma_start3A_190 = arith.constant 0 : i32
      %dma_start3A_191 = tpu.memref_slice %arg12[%dma_start3A_189, %dma_start3A_190] : memref<8x128xi32, #tpu.memory_space<vmem>> -> memref<1x128xi32, #tpu.memory_space<vmem>>
      %dma_start3A_192 = tpu.memref_squeeze %dma_start3A_191 : memref<1x128xi32, #tpu.memory_space<vmem>> -> memref<128xi32, #tpu.memory_space<vmem>>
      %dma_start3A_193 = arith.constant 0 : i32
      %dma_start3A_194 = arith.constant 0 : i32
      %dma_start3A_195 = tpu.memref_slice %arg3[%dma_start3A_193, %dma_start3A_194] : memref<10240x128xf32, #tpu.memory_space<hbm>> -> memref<10240x128xf32, #tpu.memory_space<hbm>>
      tpu.enqueue_indirect_dma source(%dma_start3A_195 : memref<10240x128xf32, #tpu.memory_space<hbm>>) target(%arg14 : memref<128x128xf32, #tpu.memory_space<vmem>>) offsets(%dma_start3A_192 : memref<128xi32, #tpu.memory_space<vmem>>) semaphore(%arg29 : memref<!tpu.dma_semaphore, #tpu.memory_space<semaphore_mem>>)
    } else {
    }
    %eq3A_149 = arith.constant 0 : i32
    %eq3A_150 = arith.cmpi eq, %arg0, %eq3A_149 : i32
    %convert_element_type3A_151 = arith.extui %eq3A_150 : i1 to i32
    %cond3A_152 = arith.constant 0 : i32
    %cond3A_153 = arith.cmpi ne, %convert_element_type3A_151, %cond3A_152 : i32
    scf.if %cond3A_153 {
      %dma_start3A_189 = arith.constant 0 : i32
      %dma_start3A_190 = arith.constant 0 : i32
      %dma_start3A_191 = tpu.memref_slice %arg13[%dma_start3A_189, %dma_start3A_190] : memref<8x128xi32, #tpu.memory_space<vmem>> -> memref<1x128xi32, #tpu.memory_space<vmem>>
      %dma_start3A_192 = tpu.memref_squeeze %dma_start3A_191 : memref<1x128xi32, #tpu.memory_space<vmem>> -> memref<128xi32, #tpu.memory_space<vmem>>
      %dma_start3A_193 = arith.constant 0 : i32
      %dma_start3A_194 = tpu.memref_slice %arg6[%dma_start3A_193] : memref<10240xf32, #tpu.memory_space<hbm>> -> memref<10240xf32, #tpu.memory_space<hbm>>
      tpu.enqueue_indirect_dma source(%dma_start3A_194 : memref<10240xf32, #tpu.memory_space<hbm>>) target(%arg16 : memref<128xf32, #tpu.memory_space<vmem>>) offsets(%dma_start3A_192 : memref<128xi32, #tpu.memory_space<vmem>>) semaphore(%arg33 : memref<!tpu.dma_semaphore, #tpu.memory_space<semaphore_mem>>)
    } else {
    }
    %scan3A = arith.constant 0 : i32
    %scan3A_154 = arith.constant 20 : i32
    %scan3A_155 = arith.addi %scan3A, %scan3A_154 : i32
    %scan3A_156 = arith.constant 1 : i32
    scf.for %scan3A_189 = %scan3A to %scan3A_155 step %scan3A_156  : i32 {
      %mul3A_190 = arith.constant 1 : i32
      %mul3A_191 = arith.muli %scan3A_189, %mul3A_190 : i32
      %add3A_192 = arith.constant 0 : i32
      %add3A_193 = arith.addi %add3A_192, %mul3A_191 : i32
      %mul3A_194 = arith.constant 8 : i32
      %mul3A_195 = arith.muli %add3A_193, %mul3A_194 : i32
      %add3A_196 = arith.constant 0 : i32
      %add3A_197 = arith.addi %mul3A_195, %add3A_196 : i32
      %dma_wait3A_198 = arith.constant 0 : i32
      %dma_wait3A_199 = arith.constant 0 : i32
      %dma_wait3A_200 = tpu.memref_slice %arg2[%dma_wait3A_198, %dma_wait3A_199] : memref<10240x128xf32, #tpu.memory_space<hbm>> -> memref<128x128xf32, #tpu.memory_space<hbm>>
      %dma_wait3A_201 = arith.constant 0 : i32
      %dma_wait3A_202 = arith.constant 0 : i32
      %dma_wait3A_203 = tpu.memref_slice %arg2[%dma_wait3A_201, %dma_wait3A_202] : memref<10240x128xf32, #tpu.memory_space<hbm>> -> memref<128x128xf32, #tpu.memory_space<hbm>>
      tpu.wait_dma2 semaphore(%arg29 : memref<!tpu.dma_semaphore, #tpu.memory_space<semaphore_mem>>) src(%dma_wait3A_203 : memref<128x128xf32, #tpu.memory_space<hbm>>) dst(%arg14 : memref<128x128xf32, #tpu.memory_space<vmem>>)
      %dma_start3A_204 = arith.constant 0 : i32
      %dma_start3A_205 = arith.constant 0 : i32
      %dma_start3A_206 = tpu.memref_slice %arg13[%dma_start3A_204, %dma_start3A_205] : memref<8x128xi32, #tpu.memory_space<vmem>> -> memref<1x128xi32, #tpu.memory_space<vmem>>
      %dma_start3A_207 = tpu.memref_squeeze %dma_start3A_206 : memref<1x128xi32, #tpu.memory_space<vmem>> -> memref<128xi32, #tpu.memory_space<vmem>>
      %dma_start3A_208 = arith.constant 0 : i32
      %dma_start3A_209 = arith.constant 0 : i32
      %dma_start3A_210 = tpu.memref_slice %arg19[%dma_start3A_208, %dma_start3A_209] : memref<10240x128xf32, #tpu.memory_space<vmem_shared>> -> memref<10240x128xf32, #tpu.memory_space<vmem_shared>>
      tpu.enqueue_indirect_dma source(%arg14 : memref<128x128xf32, #tpu.memory_space<vmem>>) target(%dma_start3A_210 : memref<10240x128xf32, #tpu.memory_space<vmem_shared>>) offsets(%dma_start3A_207 : memref<128xi32, #tpu.memory_space<vmem>>) semaphore(%arg31 : memref<!tpu.dma_semaphore, #tpu.memory_space<semaphore_mem>>) {add = true}
      %eq3A_211 = arith.constant 0 : i32
      %eq3A_212 = arith.cmpi eq, %arg0, %eq3A_211 : i32
      %lt3A = arith.constant 80 : i32
      %lt3A_213 = arith.cmpi slt, %add3A_197, %lt3A : i32
      %ge3A = arith.constant 80 : i32
      %ge3A_214 = arith.cmpi sge, %add3A_197, %ge3A : i32
      %select_n3A = arith.select %eq3A_212, %lt3A_213, %ge3A_214 : i1
      %convert_element_type3A_215 = arith.extui %select_n3A : i1 to i32
      %cond3A_216 = arith.constant 0 : i32
      %cond3A_217 = arith.cmpi ne, %convert_element_type3A_215, %cond3A_216 : i32
      scf.if %cond3A_217 {
        %dma_wait3A_519 = arith.constant 0 : i32
        %dma_wait3A_520 = tpu.memref_slice %arg7[%dma_wait3A_519] : memref<640xf32, #tpu.memory_space<hbm>> -> memref<128xf32, #tpu.memory_space<hbm>>
        %dma_wait3A_521 = arith.constant 0 : i32
        %dma_wait3A_522 = tpu.memref_slice %arg7[%dma_wait3A_521] : memref<640xf32, #tpu.memory_space<hbm>> -> memref<128xf32, #tpu.memory_space<hbm>>
        tpu.wait_dma2 semaphore(%arg33 : memref<!tpu.dma_semaphore, #tpu.memory_space<semaphore_mem>>) src(%dma_wait3A_522 : memref<128xf32, #tpu.memory_space<hbm>>) dst(%arg16 : memref<128xf32, #tpu.memory_space<vmem>>)
        %dma_start3A_523 = arith.constant 0 : i32
        %dma_start3A_524 = arith.constant 0 : i32
        %dma_start3A_525 = tpu.memref_slice %arg12[%dma_start3A_523, %dma_start3A_524] : memref<8x128xi32, #tpu.memory_space<vmem>> -> memref<1x128xi32, #tpu.memory_space<vmem>>
        %dma_start3A_526 = tpu.memref_squeeze %dma_start3A_525 : memref<1x128xi32, #tpu.memory_space<vmem>> -> memref<128xi32, #tpu.memory_space<vmem>>
        %dma_start3A_527 = arith.constant 0 : i32
        %dma_start3A_528 = tpu.memref_slice %arg20[%dma_start3A_527] : memref<10240xf32, #tpu.memory_space<vmem_shared>> -> memref<10240xf32, #tpu.memory_space<vmem_shared>>
        tpu.enqueue_indirect_dma source(%arg16 : memref<128xf32, #tpu.memory_space<vmem>>) target(%dma_start3A_528 : memref<10240xf32, #tpu.memory_space<vmem_shared>>) offsets(%dma_start3A_526 : memref<128xi32, #tpu.memory_space<vmem>>) semaphore(%arg35 : memref<!tpu.dma_semaphore, #tpu.memory_space<semaphore_mem>>) {add = true}
      } else {
      }
      %add3A_218 = arith.constant 1 : i32
      %add3A_219 = arith.addi %add3A_197, %add3A_218 : i32
      %lt3A_220 = arith.constant 160 : i32
      %lt3A_221 = arith.cmpi slt, %add3A_219, %lt3A_220 : i32
      %convert_element_type3A_222 = arith.extui %lt3A_221 : i1 to i32
      %cond3A_223 = arith.constant 0 : i32
      %cond3A_224 = arith.cmpi ne, %convert_element_type3A_222, %cond3A_223 : i32
      scf.if %cond3A_224 {
        %dma_wait3A_519 = arith.constant 0 : i32
        %dma_wait3A_520 = arith.constant 1 : i32
        %dma_wait3A_521 = arith.constant 0 : i32
        %dma_wait3A_522 = tpu.memref_slice %arg12[%dma_wait3A_520, %dma_wait3A_521] : memref<8x128xi32, #tpu.memory_space<vmem>> -> memref<1x128xi32, #tpu.memory_space<vmem>>
        %dma_wait3A_523 = tpu.memref_squeeze %dma_wait3A_522 : memref<1x128xi32, #tpu.memory_space<vmem>> -> memref<128xi32, #tpu.memory_space<vmem>>
        %dma_wait3A_524 = arith.constant 0 : i32
        %dma_wait3A_525 = tpu.memref_slice %arg4[%arg1, %dma_wait3A_519, %dma_wait3A_524] : memref<16x160x128xi32, #tpu.memory_space<hbm>> -> memref<1x1x128xi32, #tpu.memory_space<hbm>>
        %dma_wait3A_526 = tpu.memref_squeeze %dma_wait3A_525 : memref<1x1x128xi32, #tpu.memory_space<hbm>> -> memref<128xi32, #tpu.memory_space<hbm>>
        %dma_wait3A_527 = arith.constant 0 : i32
        %dma_wait3A_528 = tpu.memref_slice %arg12[%dma_wait3A_520, %dma_wait3A_527] : memref<8x128xi32, #tpu.memory_space<vmem>> -> memref<1x128xi32, #tpu.memory_space<vmem>>
        %dma_wait3A_529 = tpu.memref_squeeze %dma_wait3A_528 : memref<1x128xi32, #tpu.memory_space<vmem>> -> memref<128xi32, #tpu.memory_space<vmem>>
        %dma_wait3A_530 = arith.constant 0 : i32
        %dma_wait3A_531 = tpu.memref_slice %arg4[%arg1, %dma_wait3A_519, %dma_wait3A_530] : memref<16x160x128xi32, #tpu.memory_space<hbm>> -> memref<1x1x128xi32, #tpu.memory_space<hbm>>
        %dma_wait3A_532 = tpu.memref_squeeze %dma_wait3A_531 : memref<1x1x128xi32, #tpu.memory_space<hbm>> -> memref<128xi32, #tpu.memory_space<hbm>>
        tpu.wait_dma2 semaphore(%arg22 : memref<!tpu.dma_semaphore, #tpu.memory_space<semaphore_mem>>) src(%dma_wait3A_532 : memref<128xi32, #tpu.memory_space<hbm>>) dst(%dma_wait3A_529 : memref<128xi32, #tpu.memory_space<vmem>>)
        %dma_wait3A_533 = arith.constant 0 : i32
        %dma_wait3A_534 = arith.constant 1 : i32
        %dma_wait3A_535 = arith.constant 0 : i32
        %dma_wait3A_536 = tpu.memref_slice %arg13[%dma_wait3A_534, %dma_wait3A_535] : memref<8x128xi32, #tpu.memory_space<vmem>> -> memref<1x128xi32, #tpu.memory_space<vmem>>
        %dma_wait3A_537 = tpu.memref_squeeze %dma_wait3A_536 : memref<1x128xi32, #tpu.memory_space<vmem>> -> memref<128xi32, #tpu.memory_space<vmem>>
        %dma_wait3A_538 = arith.constant 0 : i32
        %dma_wait3A_539 = tpu.memref_slice %arg4[%arg1, %dma_wait3A_533, %dma_wait3A_538] : memref<16x160x128xi32, #tpu.memory_space<hbm>> -> memref<1x1x128xi32, #tpu.memory_space<hbm>>
        %dma_wait3A_540 = tpu.memref_squeeze %dma_wait3A_539 : memref<1x1x128xi32, #tpu.memory_space<hbm>> -> memref<128xi32, #tpu.memory_space<hbm>>
        %dma_wait3A_541 = arith.constant 0 : i32
        %dma_wait3A_542 = tpu.memref_slice %arg13[%dma_wait3A_534, %dma_wait3A_541] : memref<8x128xi32, #tpu.memory_space<vmem>> -> memref<1x128xi32, #tpu.memory_space<vmem>>
        %dma_wait3A_543 = tpu.memref_squeeze %dma_wait3A_542 : memref<1x128xi32, #tpu.memory_space<vmem>> -> memref<128xi32, #tpu.memory_space<vmem>>
        %dma_wait3A_544 = arith.constant 0 : i32
        %dma_wait3A_545 = tpu.memref_slice %arg4[%arg1, %dma_wait3A_533, %dma_wait3A_544] : memref<16x160x128xi32, #tpu.memory_space<hbm>> -> memref<1x1x128xi32, #tpu.memory_space<hbm>>
        %dma_wait3A_546 = tpu.memref_squeeze %dma_wait3A_545 : memref<1x1x128xi32, #tpu.memory_space<hbm>> -> memref<128xi32, #tpu.memory_space<hbm>>
        tpu.wait_dma2 semaphore(%arg22 : memref<!tpu.dma_semaphore, #tpu.memory_space<semaphore_mem>>) src(%dma_wait3A_546 : memref<128xi32, #tpu.memory_space<hbm>>) dst(%dma_wait3A_543 : memref<128xi32, #tpu.memory_space<vmem>>)
        %add3A_547 = arith.constant 1 : i32
        %add3A_548 = arith.addi %add3A_197, %add3A_547 : i32
        %eq3A_549 = arith.constant 0 : i32
        %eq3A_550 = arith.cmpi eq, %arg0, %eq3A_549 : i32
        %lt3A_551 = arith.constant 80 : i32
        %lt3A_552 = arith.cmpi slt, %add3A_548, %lt3A_551 : i32
        %ge3A_553 = arith.constant 80 : i32
        %ge3A_554 = arith.cmpi sge, %add3A_548, %ge3A_553 : i32
        %select_n3A_555 = arith.select %eq3A_550, %lt3A_552, %ge3A_554 : i1
        %convert_element_type3A_556 = arith.extui %select_n3A_555 : i1 to i32
        %cond3A_557 = arith.constant 0 : i32
        %cond3A_558 = arith.cmpi ne, %convert_element_type3A_556, %cond3A_557 : i32
        scf.if %cond3A_558 {
          %eq3A_574 = arith.constant 0 : i32
          %eq3A_575 = arith.cmpi eq, %arg0, %eq3A_574 : i32
          %ge3A_576 = arith.constant 1 : i32
          %ge3A_577 = arith.cmpi sge, %add3A_197, %ge3A_576 : i32
          %ge3A_578 = arith.constant 81 : i32
          %ge3A_579 = arith.cmpi sge, %add3A_197, %ge3A_578 : i32
          %select_n3A_580 = arith.select %eq3A_575, %ge3A_577, %ge3A_579 : i1
          %convert_element_type3A_581 = arith.extui %select_n3A_580 : i1 to i32
          %cond3A_582 = arith.constant 0 : i32
          %cond3A_583 = arith.cmpi ne, %convert_element_type3A_581, %cond3A_582 : i32
          scf.if %cond3A_583 {
            %dma_wait3A_590 = arith.constant 0 : i32
            %dma_wait3A_591 = tpu.memref_slice %arg7[%dma_wait3A_590] : memref<640xf32, #tpu.memory_space<hbm>> -> memref<128xf32, #tpu.memory_space<hbm>>
            %dma_wait3A_592 = arith.constant 0 : i32
            %dma_wait3A_593 = tpu.memref_slice %arg7[%dma_wait3A_592] : memref<640xf32, #tpu.memory_space<hbm>> -> memref<128xf32, #tpu.memory_space<hbm>>
            tpu.wait_dma2 semaphore(%arg36 : memref<!tpu.dma_semaphore, #tpu.memory_space<semaphore_mem>>) src(%dma_wait3A_593 : memref<128xf32, #tpu.memory_space<hbm>>) dst(%arg17 : memref<128xf32, #tpu.memory_space<vmem>>)
          } else {
          }
          %dma_start3A_584 = arith.constant 1 : i32
          %dma_start3A_585 = arith.constant 0 : i32
          %dma_start3A_586 = tpu.memref_slice %arg13[%dma_start3A_584, %dma_start3A_585] : memref<8x128xi32, #tpu.memory_space<vmem>> -> memref<1x128xi32, #tpu.memory_space<vmem>>
          %dma_start3A_587 = tpu.memref_squeeze %dma_start3A_586 : memref<1x128xi32, #tpu.memory_space<vmem>> -> memref<128xi32, #tpu.memory_space<vmem>>
          %dma_start3A_588 = arith.constant 0 : i32
          %dma_start3A_589 = tpu.memref_slice %arg6[%dma_start3A_588] : memref<10240xf32, #tpu.memory_space<hbm>> -> memref<10240xf32, #tpu.memory_space<hbm>>
          tpu.enqueue_indirect_dma source(%dma_start3A_589 : memref<10240xf32, #tpu.memory_space<hbm>>) target(%arg17 : memref<128xf32, #tpu.memory_space<vmem>>) offsets(%dma_start3A_587 : memref<128xi32, #tpu.memory_space<vmem>>) semaphore(%arg34 : memref<!tpu.dma_semaphore, #tpu.memory_space<semaphore_mem>>)
        } else {
        }
        %ge3A_559 = arith.constant 1 : i32
        %ge3A_560 = arith.cmpi sge, %add3A_197, %ge3A_559 : i32
        %convert_element_type3A_561 = arith.extui %ge3A_560 : i1 to i32
        %cond3A_562 = arith.constant 0 : i32
        %cond3A_563 = arith.cmpi ne, %convert_element_type3A_561, %cond3A_562 : i32
        scf.if %cond3A_563 {
          %dma_wait3A_574 = arith.constant 0 : i32
          %dma_wait3A_575 = arith.constant 0 : i32
          %dma_wait3A_576 = tpu.memref_slice %arg2[%dma_wait3A_574, %dma_wait3A_575] : memref<10240x128xf32, #tpu.memory_space<hbm>> -> memref<128x128xf32, #tpu.memory_space<hbm>>
          %dma_wait3A_577 = arith.constant 0 : i32
          %dma_wait3A_578 = arith.constant 0 : i32
          %dma_wait3A_579 = tpu.memref_slice %arg2[%dma_wait3A_577, %dma_wait3A_578] : memref<10240x128xf32, #tpu.memory_space<hbm>> -> memref<128x128xf32, #tpu.memory_space<hbm>>
          tpu.wait_dma2 semaphore(%arg32 : memref<!tpu.dma_semaphore, #tpu.memory_space<semaphore_mem>>) src(%dma_wait3A_579 : memref<128x128xf32, #tpu.memory_space<hbm>>) dst(%arg14 : memref<128x128xf32, #tpu.memory_space<vmem>>)
        } else {
        }
        %eq3A_564 = arith.constant 0 : i32
        %eq3A_565 = arith.cmpi eq, %arg0, %eq3A_564 : i32
        %convert_element_type3A_566 = arith.extui %eq3A_565 : i1 to i32
        %cond3A_567 = arith.constant 0 : i32
        %cond3A_568 = arith.cmpi ne, %convert_element_type3A_566, %cond3A_567 : i32
        scf.if %cond3A_568 {
          %dma_start3A_574 = arith.constant 1 : i32
          %dma_start3A_575 = arith.constant 0 : i32
          %dma_start3A_576 = tpu.memref_slice %arg12[%dma_start3A_574, %dma_start3A_575] : memref<8x128xi32, #tpu.memory_space<vmem>> -> memref<1x128xi32, #tpu.memory_space<vmem>>
          %dma_start3A_577 = tpu.memref_squeeze %dma_start3A_576 : memref<1x128xi32, #tpu.memory_space<vmem>> -> memref<128xi32, #tpu.memory_space<vmem>>
          %dma_start3A_578 = arith.constant 0 : i32
          %dma_start3A_579 = arith.constant 0 : i32
          %dma_start3A_580 = tpu.memref_slice %arg2[%dma_start3A_578, %dma_start3A_579] : memref<10240x128xf32, #tpu.memory_space<hbm>> -> memref<10240x128xf32, #tpu.memory_space<hbm>>
          tpu.enqueue_indirect_dma source(%dma_start3A_580 : memref<10240x128xf32, #tpu.memory_space<hbm>>) target(%arg15 : memref<128x128xf32, #tpu.memory_space<vmem>>) offsets(%dma_start3A_577 : memref<128xi32, #tpu.memory_space<vmem>>) semaphore(%arg30 : memref<!tpu.dma_semaphore, #tpu.memory_space<semaphore_mem>>)
        } else {
        }
        %eq3A_569 = arith.constant 1 : i32
        %eq3A_570 = arith.cmpi eq, %arg0, %eq3A_569 : i32
        %convert_element_type3A_571 = arith.extui %eq3A_570 : i1 to i32
        %cond3A_572 = arith.constant 0 : i32
        %cond3A_573 = arith.cmpi ne, %convert_element_type3A_571, %cond3A_572 : i32
        scf.if %cond3A_573 {
          %dma_start3A_574 = arith.constant 1 : i32
          %dma_start3A_575 = arith.constant 0 : i32
          %dma_start3A_576 = tpu.memref_slice %arg12[%dma_start3A_574, %dma_start3A_575] : memref<8x128xi32, #tpu.memory_space<vmem>> -> memref<1x128xi32, #tpu.memory_space<vmem>>
          %dma_start3A_577 = tpu.memref_squeeze %dma_start3A_576 : memref<1x128xi32, #tpu.memory_space<vmem>> -> memref<128xi32, #tpu.memory_space<vmem>>
          %dma_start3A_578 = arith.constant 0 : i32
          %dma_start3A_579 = arith.constant 0 : i32
          %dma_start3A_580 = tpu.memref_slice %arg3[%dma_start3A_578, %dma_start3A_579] : memref<10240x128xf32, #tpu.memory_space<hbm>> -> memref<10240x128xf32, #tpu.memory_space<hbm>>
          tpu.enqueue_indirect_dma source(%dma_start3A_580 : memref<10240x128xf32, #tpu.memory_space<hbm>>) target(%arg15 : memref<128x128xf32, #tpu.memory_space<vmem>>) offsets(%dma_start3A_577 : memref<128xi32, #tpu.memory_space<vmem>>) semaphore(%arg30 : memref<!tpu.dma_semaphore, #tpu.memory_space<semaphore_mem>>)
        } else {
        }
      } else {
      }
      %add3A_225 = arith.constant 2 : i32
      %add3A_226 = arith.addi %add3A_197, %add3A_225 : i32
      %lt3A_227 = arith.constant 160 : i32
      %lt3A_228 = arith.cmpi slt, %add3A_226, %lt3A_227 : i32
      %convert_element_type3A_229 = arith.extui %lt3A_228 : i1 to i32
      %cond3A_230 = arith.constant 0 : i32
      %cond3A_231 = arith.cmpi ne, %convert_element_type3A_229, %cond3A_230 : i32
      scf.if %cond3A_231 {
        %add3A_519 = arith.constant 2 : i32
        %add3A_520 = arith.addi %add3A_197, %add3A_519 : i32
        %dma_start3A_521 = arith.constant 2 : i32
        %dma_start3A_522 = arith.constant 0 : i32
        %dma_start3A_523 = tpu.memref_slice %arg12[%dma_start3A_521, %dma_start3A_522] : memref<8x128xi32, #tpu.memory_space<vmem>> -> memref<1x128xi32, #tpu.memory_space<vmem>>
        %dma_start3A_524 = tpu.memref_squeeze %dma_start3A_523 : memref<1x128xi32, #tpu.memory_space<vmem>> -> memref<128xi32, #tpu.memory_space<vmem>>
        %dma_start3A_525 = arith.constant 0 : i32
        %dma_start3A_526 = tpu.memref_slice %arg4[%arg1, %add3A_520, %dma_start3A_525] : memref<16x160x128xi32, #tpu.memory_space<hbm>> -> memref<1x1x128xi32, #tpu.memory_space<hbm>>
        %dma_start3A_527 = tpu.memref_squeeze %dma_start3A_526 : memref<1x1x128xi32, #tpu.memory_space<hbm>> -> memref<128xi32, #tpu.memory_space<hbm>>
        %dma_start3A_528 = arith.constant 0 : i32
        %dma_start3A_529 = tpu.memref_slice %arg12[%dma_start3A_521, %dma_start3A_528] : memref<8x128xi32, #tpu.memory_space<vmem>> -> memref<1x128xi32, #tpu.memory_space<vmem>>
        %dma_start3A_530 = tpu.memref_squeeze %dma_start3A_529 : memref<1x128xi32, #tpu.memory_space<vmem>> -> memref<128xi32, #tpu.memory_space<vmem>>
        %dma_start3A_531 = arith.constant 0 : i32
        %dma_start3A_532 = tpu.memref_slice %arg4[%arg1, %add3A_520, %dma_start3A_531] : memref<16x160x128xi32, #tpu.memory_space<hbm>> -> memref<1x1x128xi32, #tpu.memory_space<hbm>>
        %dma_start3A_533 = tpu.memref_squeeze %dma_start3A_532 : memref<1x1x128xi32, #tpu.memory_space<hbm>> -> memref<128xi32, #tpu.memory_space<hbm>>
        tpu.enqueue_dma source(%dma_start3A_533 : memref<128xi32, #tpu.memory_space<hbm>>) target(%dma_start3A_530 : memref<128xi32, #tpu.memory_space<vmem>>) target_semaphore(%arg23 : memref<!tpu.dma_semaphore, #tpu.memory_space<semaphore_mem>>)
        %dma_start3A_534 = arith.constant 2 : i32
        %dma_start3A_535 = arith.constant 0 : i32
        %dma_start3A_536 = tpu.memref_slice %arg13[%dma_start3A_534, %dma_start3A_535] : memref<8x128xi32, #tpu.memory_space<vmem>> -> memref<1x128xi32, #tpu.memory_space<vmem>>
        %dma_start3A_537 = tpu.memref_squeeze %dma_start3A_536 : memref<1x128xi32, #tpu.memory_space<vmem>> -> memref<128xi32, #tpu.memory_space<vmem>>
        %dma_start3A_538 = arith.constant 0 : i32
        %dma_start3A_539 = tpu.memref_slice %arg5[%arg1, %add3A_520, %dma_start3A_538] : memref<16x160x128xi32, #tpu.memory_space<hbm>> -> memref<1x1x128xi32, #tpu.memory_space<hbm>>
        %dma_start3A_540 = tpu.memref_squeeze %dma_start3A_539 : memref<1x1x128xi32, #tpu.memory_space<hbm>> -> memref<128xi32, #tpu.memory_space<hbm>>
        %dma_start3A_541 = arith.constant 0 : i32
        %dma_start3A_542 = tpu.memref_slice %arg13[%dma_start3A_534, %dma_start3A_541] : memref<8x128xi32, #tpu.memory_space<vmem>> -> memref<1x128xi32, #tpu.memory_space<vmem>>
        %dma_start3A_543 = tpu.memref_squeeze %dma_start3A_542 : memref<1x128xi32, #tpu.memory_space<vmem>> -> memref<128xi32, #tpu.memory_space<vmem>>
        %dma_start3A_544 = arith.constant 0 : i32
        %dma_start3A_545 = tpu.memref_slice %arg5[%arg1, %add3A_520, %dma_start3A_544] : memref<16x160x128xi32, #tpu.memory_space<hbm>> -> memref<1x1x128xi32, #tpu.memory_space<hbm>>
        %dma_start3A_546 = tpu.memref_squeeze %dma_start3A_545 : memref<1x1x128xi32, #tpu.memory_space<hbm>> -> memref<128xi32, #tpu.memory_space<hbm>>
        tpu.enqueue_dma source(%dma_start3A_546 : memref<128xi32, #tpu.memory_space<hbm>>) target(%dma_start3A_543 : memref<128xi32, #tpu.memory_space<vmem>>) target_semaphore(%arg23 : memref<!tpu.dma_semaphore, #tpu.memory_space<semaphore_mem>>)
      } else {
      }
      %mul3A_232 = arith.constant 8 : i32
      %mul3A_233 = arith.muli %add3A_193, %mul3A_232 : i32
      %add3A_234 = arith.constant 1 : i32
      %add3A_235 = arith.addi %mul3A_233, %add3A_234 : i32
      %dma_wait3A_236 = arith.constant 0 : i32
      %dma_wait3A_237 = arith.constant 0 : i32
      %dma_wait3A_238 = tpu.memref_slice %arg2[%dma_wait3A_236, %dma_wait3A_237] : memref<10240x128xf32, #tpu.memory_space<hbm>> -> memref<128x128xf32, #tpu.memory_space<hbm>>
      %dma_wait3A_239 = arith.constant 0 : i32
      %dma_wait3A_240 = arith.constant 0 : i32
      %dma_wait3A_241 = tpu.memref_slice %arg2[%dma_wait3A_239, %dma_wait3A_240] : memref<10240x128xf32, #tpu.memory_space<hbm>> -> memref<128x128xf32, #tpu.memory_space<hbm>>
      tpu.wait_dma2 semaphore(%arg30 : memref<!tpu.dma_semaphore, #tpu.memory_space<semaphore_mem>>) src(%dma_wait3A_241 : memref<128x128xf32, #tpu.memory_space<hbm>>) dst(%arg14 : memref<128x128xf32, #tpu.memory_space<vmem>>)
      %dma_start3A_242 = arith.constant 1 : i32
      %dma_start3A_243 = arith.constant 0 : i32
      %dma_start3A_244 = tpu.memref_slice %arg13[%dma_start3A_242, %dma_start3A_243] : memref<8x128xi32, #tpu.memory_space<vmem>> -> memref<1x128xi32, #tpu.memory_space<vmem>>
      %dma_start3A_245 = tpu.memref_squeeze %dma_start3A_244 : memref<1x128xi32, #tpu.memory_space<vmem>> -> memref<128xi32, #tpu.memory_space<vmem>>
      %dma_start3A_246 = arith.constant 0 : i32
      %dma_start3A_247 = arith.constant 0 : i32
      %dma_start3A_248 = tpu.memref_slice %arg19[%dma_start3A_246, %dma_start3A_247] : memref<10240x128xf32, #tpu.memory_space<vmem_shared>> -> memref<10240x128xf32, #tpu.memory_space<vmem_shared>>
      tpu.enqueue_indirect_dma source(%arg15 : memref<128x128xf32, #tpu.memory_space<vmem>>) target(%dma_start3A_248 : memref<10240x128xf32, #tpu.memory_space<vmem_shared>>) offsets(%dma_start3A_245 : memref<128xi32, #tpu.memory_space<vmem>>) semaphore(%arg32 : memref<!tpu.dma_semaphore, #tpu.memory_space<semaphore_mem>>) {add = true}
      %eq3A_249 = arith.constant 0 : i32
      %eq3A_250 = arith.cmpi eq, %arg0, %eq3A_249 : i32
      %lt3A_251 = arith.constant 80 : i32
      %lt3A_252 = arith.cmpi slt, %add3A_235, %lt3A_251 : i32
      %ge3A_253 = arith.constant 80 : i32
      %ge3A_254 = arith.cmpi sge, %add3A_235, %ge3A_253 : i32
      %select_n3A_255 = arith.select %eq3A_250, %lt3A_252, %ge3A_254 : i1
      %convert_element_type3A_256 = arith.extui %select_n3A_255 : i1 to i32
      %cond3A_257 = arith.constant 0 : i32
      %cond3A_258 = arith.cmpi ne, %convert_element_type3A_256, %cond3A_257 : i32
      scf.if %cond3A_258 {
        %dma_wait3A_519 = arith.constant 0 : i32
        %dma_wait3A_520 = tpu.memref_slice %arg7[%dma_wait3A_519] : memref<640xf32, #tpu.memory_space<hbm>> -> memref<128xf32, #tpu.memory_space<hbm>>
        %dma_wait3A_521 = arith.constant 0 : i32
        %dma_wait3A_522 = tpu.memref_slice %arg7[%dma_wait3A_521] : memref<640xf32, #tpu.memory_space<hbm>> -> memref<128xf32, #tpu.memory_space<hbm>>
        tpu.wait_dma2 semaphore(%arg34 : memref<!tpu.dma_semaphore, #tpu.memory_space<semaphore_mem>>) src(%dma_wait3A_522 : memref<128xf32, #tpu.memory_space<hbm>>) dst(%arg17 : memref<128xf32, #tpu.memory_space<vmem>>)
        %dma_start3A_523 = arith.constant 1 : i32
        %dma_start3A_524 = arith.constant 0 : i32
        %dma_start3A_525 = tpu.memref_slice %arg12[%dma_start3A_523, %dma_start3A_524] : memref<8x128xi32, #tpu.memory_space<vmem>> -> memref<1x128xi32, #tpu.memory_space<vmem>>
        %dma_start3A_526 = tpu.memref_squeeze %dma_start3A_525 : memref<1x128xi32, #tpu.memory_space<vmem>> -> memref<128xi32, #tpu.memory_space<vmem>>
        %dma_start3A_527 = arith.constant 0 : i32
        %dma_start3A_528 = tpu.memref_slice %arg20[%dma_start3A_527] : memref<10240xf32, #tpu.memory_space<vmem_shared>> -> memref<10240xf32, #tpu.memory_space<vmem_shared>>
        tpu.enqueue_indirect_dma source(%arg17 : memref<128xf32, #tpu.memory_space<vmem>>) target(%dma_start3A_528 : memref<10240xf32, #tpu.memory_space<vmem_shared>>) offsets(%dma_start3A_526 : memref<128xi32, #tpu.memory_space<vmem>>) semaphore(%arg36 : memref<!tpu.dma_semaphore, #tpu.memory_space<semaphore_mem>>) {add = true}
      } else {
      }
      %add3A_259 = arith.constant 1 : i32
      %add3A_260 = arith.addi %add3A_235, %add3A_259 : i32
      %lt3A_261 = arith.constant 160 : i32
      %lt3A_262 = arith.cmpi slt, %add3A_260, %lt3A_261 : i32
      %convert_element_type3A_263 = arith.extui %lt3A_262 : i1 to i32
      %cond3A_264 = arith.constant 0 : i32
      %cond3A_265 = arith.cmpi ne, %convert_element_type3A_263, %cond3A_264 : i32
      scf.if %cond3A_265 {
        %dma_wait3A_519 = arith.constant 0 : i32
        %dma_wait3A_520 = arith.constant 2 : i32
        %dma_wait3A_521 = arith.constant 0 : i32
        %dma_wait3A_522 = tpu.memref_slice %arg12[%dma_wait3A_520, %dma_wait3A_521] : memref<8x128xi32, #tpu.memory_space<vmem>> -> memref<1x128xi32, #tpu.memory_space<vmem>>
        %dma_wait3A_523 = tpu.memref_squeeze %dma_wait3A_522 : memref<1x128xi32, #tpu.memory_space<vmem>> -> memref<128xi32, #tpu.memory_space<vmem>>
        %dma_wait3A_524 = arith.constant 0 : i32
        %dma_wait3A_525 = tpu.memref_slice %arg4[%arg1, %dma_wait3A_519, %dma_wait3A_524] : memref<16x160x128xi32, #tpu.memory_space<hbm>> -> memref<1x1x128xi32, #tpu.memory_space<hbm>>
        %dma_wait3A_526 = tpu.memref_squeeze %dma_wait3A_525 : memref<1x1x128xi32, #tpu.memory_space<hbm>> -> memref<128xi32, #tpu.memory_space<hbm>>
        %dma_wait3A_527 = arith.constant 0 : i32
        %dma_wait3A_528 = tpu.memref_slice %arg12[%dma_wait3A_520, %dma_wait3A_527] : memref<8x128xi32, #tpu.memory_space<vmem>> -> memref<1x128xi32, #tpu.memory_space<vmem>>
        %dma_wait3A_529 = tpu.memref_squeeze %dma_wait3A_528 : memref<1x128xi32, #tpu.memory_space<vmem>> -> memref<128xi32, #tpu.memory_space<vmem>>
        %dma_wait3A_530 = arith.constant 0 : i32
        %dma_wait3A_531 = tpu.memref_slice %arg4[%arg1, %dma_wait3A_519, %dma_wait3A_530] : memref<16x160x128xi32, #tpu.memory_space<hbm>> -> memref<1x1x128xi32, #tpu.memory_space<hbm>>
        %dma_wait3A_532 = tpu.memref_squeeze %dma_wait3A_531 : memref<1x1x128xi32, #tpu.memory_space<hbm>> -> memref<128xi32, #tpu.memory_space<hbm>>
        tpu.wait_dma2 semaphore(%arg23 : memref<!tpu.dma_semaphore, #tpu.memory_space<semaphore_mem>>) src(%dma_wait3A_532 : memref<128xi32, #tpu.memory_space<hbm>>) dst(%dma_wait3A_529 : memref<128xi32, #tpu.memory_space<vmem>>)
        %dma_wait3A_533 = arith.constant 0 : i32
        %dma_wait3A_534 = arith.constant 2 : i32
        %dma_wait3A_535 = arith.constant 0 : i32
        %dma_wait3A_536 = tpu.memref_slice %arg13[%dma_wait3A_534, %dma_wait3A_535] : memref<8x128xi32, #tpu.memory_space<vmem>> -> memref<1x128xi32, #tpu.memory_space<vmem>>
        %dma_wait3A_537 = tpu.memref_squeeze %dma_wait3A_536 : memref<1x128xi32, #tpu.memory_space<vmem>> -> memref<128xi32, #tpu.memory_space<vmem>>
        %dma_wait3A_538 = arith.constant 0 : i32
        %dma_wait3A_539 = tpu.memref_slice %arg4[%arg1, %dma_wait3A_533, %dma_wait3A_538] : memref<16x160x128xi32, #tpu.memory_space<hbm>> -> memref<1x1x128xi32, #tpu.memory_space<hbm>>
        %dma_wait3A_540 = tpu.memref_squeeze %dma_wait3A_539 : memref<1x1x128xi32, #tpu.memory_space<hbm>> -> memref<128xi32, #tpu.memory_space<hbm>>
        %dma_wait3A_541 = arith.constant 0 : i32
        %dma_wait3A_542 = tpu.memref_slice %arg13[%dma_wait3A_534, %dma_wait3A_541] : memref<8x128xi32, #tpu.memory_space<vmem>> -> memref<1x128xi32, #tpu.memory_space<vmem>>
        %dma_wait3A_543 = tpu.memref_squeeze %dma_wait3A_542 : memref<1x128xi32, #tpu.memory_space<vmem>> -> memref<128xi32, #tpu.memory_space<vmem>>
        %dma_wait3A_544 = arith.constant 0 : i32
        %dma_wait3A_545 = tpu.memref_slice %arg4[%arg1, %dma_wait3A_533, %dma_wait3A_544] : memref<16x160x128xi32, #tpu.memory_space<hbm>> -> memref<1x1x128xi32, #tpu.memory_space<hbm>>
        %dma_wait3A_546 = tpu.memref_squeeze %dma_wait3A_545 : memref<1x1x128xi32, #tpu.memory_space<hbm>> -> memref<128xi32, #tpu.memory_space<hbm>>
        tpu.wait_dma2 semaphore(%arg23 : memref<!tpu.dma_semaphore, #tpu.memory_space<semaphore_mem>>) src(%dma_wait3A_546 : memref<128xi32, #tpu.memory_space<hbm>>) dst(%dma_wait3A_543 : memref<128xi32, #tpu.memory_space<vmem>>)
        %add3A_547 = arith.constant 1 : i32
        %add3A_548 = arith.addi %add3A_235, %add3A_547 : i32
        %eq3A_549 = arith.constant 0 : i32
        %eq3A_550 = arith.cmpi eq, %arg0, %eq3A_549 : i32
        %lt3A_551 = arith.constant 80 : i32
        %lt3A_552 = arith.cmpi slt, %add3A_548, %lt3A_551 : i32
        %ge3A_553 = arith.constant 80 : i32
        %ge3A_554 = arith.cmpi sge, %add3A_548, %ge3A_553 : i32
        %select_n3A_555 = arith.select %eq3A_550, %lt3A_552, %ge3A_554 : i1
        %convert_element_type3A_556 = arith.extui %select_n3A_555 : i1 to i32
        %cond3A_557 = arith.constant 0 : i32
        %cond3A_558 = arith.cmpi ne, %convert_element_type3A_556, %cond3A_557 : i32
        scf.if %cond3A_558 {
          %eq3A_574 = arith.constant 0 : i32
          %eq3A_575 = arith.cmpi eq, %arg0, %eq3A_574 : i32
          %ge3A_576 = arith.constant 1 : i32
          %ge3A_577 = arith.cmpi sge, %add3A_235, %ge3A_576 : i32
          %ge3A_578 = arith.constant 81 : i32
          %ge3A_579 = arith.cmpi sge, %add3A_235, %ge3A_578 : i32
          %select_n3A_580 = arith.select %eq3A_575, %ge3A_577, %ge3A_579 : i1
          %convert_element_type3A_581 = arith.extui %select_n3A_580 : i1 to i32
          %cond3A_582 = arith.constant 0 : i32
          %cond3A_583 = arith.cmpi ne, %convert_element_type3A_581, %cond3A_582 : i32
          scf.if %cond3A_583 {
            %dma_wait3A_590 = arith.constant 0 : i32
            %dma_wait3A_591 = tpu.memref_slice %arg7[%dma_wait3A_590] : memref<640xf32, #tpu.memory_space<hbm>> -> memref<128xf32, #tpu.memory_space<hbm>>
            %dma_wait3A_592 = arith.constant 0 : i32
            %dma_wait3A_593 = tpu.memref_slice %arg7[%dma_wait3A_592] : memref<640xf32, #tpu.memory_space<hbm>> -> memref<128xf32, #tpu.memory_space<hbm>>
            tpu.wait_dma2 semaphore(%arg35 : memref<!tpu.dma_semaphore, #tpu.memory_space<semaphore_mem>>) src(%dma_wait3A_593 : memref<128xf32, #tpu.memory_space<hbm>>) dst(%arg16 : memref<128xf32, #tpu.memory_space<vmem>>)
          } else {
          }
          %dma_start3A_584 = arith.constant 2 : i32
          %dma_start3A_585 = arith.constant 0 : i32
          %dma_start3A_586 = tpu.memref_slice %arg13[%dma_start3A_584, %dma_start3A_585] : memref<8x128xi32, #tpu.memory_space<vmem>> -> memref<1x128xi32, #tpu.memory_space<vmem>>
          %dma_start3A_587 = tpu.memref_squeeze %dma_start3A_586 : memref<1x128xi32, #tpu.memory_space<vmem>> -> memref<128xi32, #tpu.memory_space<vmem>>
          %dma_start3A_588 = arith.constant 0 : i32
          %dma_start3A_589 = tpu.memref_slice %arg6[%dma_start3A_588] : memref<10240xf32, #tpu.memory_space<hbm>> -> memref<10240xf32, #tpu.memory_space<hbm>>
          tpu.enqueue_indirect_dma source(%dma_start3A_589 : memref<10240xf32, #tpu.memory_space<hbm>>) target(%arg16 : memref<128xf32, #tpu.memory_space<vmem>>) offsets(%dma_start3A_587 : memref<128xi32, #tpu.memory_space<vmem>>) semaphore(%arg33 : memref<!tpu.dma_semaphore, #tpu.memory_space<semaphore_mem>>)
        } else {
        }
        %ge3A_559 = arith.constant 1 : i32
        %ge3A_560 = arith.cmpi sge, %add3A_235, %ge3A_559 : i32
        %convert_element_type3A_561 = arith.extui %ge3A_560 : i1 to i32
        %cond3A_562 = arith.constant 0 : i32
        %cond3A_563 = arith.cmpi ne, %convert_element_type3A_561, %cond3A_562 : i32
        scf.if %cond3A_563 {
          %dma_wait3A_574 = arith.constant 0 : i32
          %dma_wait3A_575 = arith.constant 0 : i32
          %dma_wait3A_576 = tpu.memref_slice %arg2[%dma_wait3A_574, %dma_wait3A_575] : memref<10240x128xf32, #tpu.memory_space<hbm>> -> memref<128x128xf32, #tpu.memory_space<hbm>>
          %dma_wait3A_577 = arith.constant 0 : i32
          %dma_wait3A_578 = arith.constant 0 : i32
          %dma_wait3A_579 = tpu.memref_slice %arg2[%dma_wait3A_577, %dma_wait3A_578] : memref<10240x128xf32, #tpu.memory_space<hbm>> -> memref<128x128xf32, #tpu.memory_space<hbm>>
          tpu.wait_dma2 semaphore(%arg31 : memref<!tpu.dma_semaphore, #tpu.memory_space<semaphore_mem>>) src(%dma_wait3A_579 : memref<128x128xf32, #tpu.memory_space<hbm>>) dst(%arg14 : memref<128x128xf32, #tpu.memory_space<vmem>>)
        } else {
        }
        %eq3A_564 = arith.constant 0 : i32
        %eq3A_565 = arith.cmpi eq, %arg0, %eq3A_564 : i32
        %convert_element_type3A_566 = arith.extui %eq3A_565 : i1 to i32
        %cond3A_567 = arith.constant 0 : i32
        %cond3A_568 = arith.cmpi ne, %convert_element_type3A_566, %cond3A_567 : i32
        scf.if %cond3A_568 {
          %dma_start3A_574 = arith.constant 2 : i32
          %dma_start3A_575 = arith.constant 0 : i32
          %dma_start3A_576 = tpu.memref_slice %arg12[%dma_start3A_574, %dma_start3A_575] : memref<8x128xi32, #tpu.memory_space<vmem>> -> memref<1x128xi32, #tpu.memory_space<vmem>>
          %dma_start3A_577 = tpu.memref_squeeze %dma_start3A_576 : memref<1x128xi32, #tpu.memory_space<vmem>> -> memref<128xi32, #tpu.memory_space<vmem>>
          %dma_start3A_578 = arith.constant 0 : i32
          %dma_start3A_579 = arith.constant 0 : i32
          %dma_start3A_580 = tpu.memref_slice %arg2[%dma_start3A_578, %dma_start3A_579] : memref<10240x128xf32, #tpu.memory_space<hbm>> -> memref<10240x128xf32, #tpu.memory_space<hbm>>
          tpu.enqueue_indirect_dma source(%dma_start3A_580 : memref<10240x128xf32, #tpu.memory_space<hbm>>) target(%arg14 : memref<128x128xf32, #tpu.memory_space<vmem>>) offsets(%dma_start3A_577 : memref<128xi32, #tpu.memory_space<vmem>>) semaphore(%arg29 : memref<!tpu.dma_semaphore, #tpu.memory_space<semaphore_mem>>)
        } else {
        }
        %eq3A_569 = arith.constant 1 : i32
        %eq3A_570 = arith.cmpi eq, %arg0, %eq3A_569 : i32
        %convert_element_type3A_571 = arith.extui %eq3A_570 : i1 to i32
        %cond3A_572 = arith.constant 0 : i32
        %cond3A_573 = arith.cmpi ne, %convert_element_type3A_571, %cond3A_572 : i32
        scf.if %cond3A_573 {
          %dma_start3A_574 = arith.constant 2 : i32
          %dma_start3A_575 = arith.constant 0 : i32
          %dma_start3A_576 = tpu.memref_slice %arg12[%dma_start3A_574, %dma_start3A_575] : memref<8x128xi32, #tpu.memory_space<vmem>> -> memref<1x128xi32, #tpu.memory_space<vmem>>
          %dma_start3A_577 = tpu.memref_squeeze %dma_start3A_576 : memref<1x128xi32, #tpu.memory_space<vmem>> -> memref<128xi32, #tpu.memory_space<vmem>>
          %dma_start3A_578 = arith.constant 0 : i32
          %dma_start3A_579 = arith.constant 0 : i32
          %dma_start3A_580 = tpu.memref_slice %arg3[%dma_start3A_578, %dma_start3A_579] : memref<10240x128xf32, #tpu.memory_space<hbm>> -> memref<10240x128xf32, #tpu.memory_space<hbm>>
          tpu.enqueue_indirect_dma source(%dma_start3A_580 : memref<10240x128xf32, #tpu.memory_space<hbm>>) target(%arg14 : memref<128x128xf32, #tpu.memory_space<vmem>>) offsets(%dma_start3A_577 : memref<128xi32, #tpu.memory_space<vmem>>) semaphore(%arg29 : memref<!tpu.dma_semaphore, #tpu.memory_space<semaphore_mem>>)
        } else {
        }
      } else {
      }
      %add3A_266 = arith.constant 2 : i32
      %add3A_267 = arith.addi %add3A_235, %add3A_266 : i32
      %lt3A_268 = arith.constant 160 : i32
      %lt3A_269 = arith.cmpi slt, %add3A_267, %lt3A_268 : i32
      %convert_element_type3A_270 = arith.extui %lt3A_269 : i1 to i32
      %cond3A_271 = arith.constant 0 : i32
      %cond3A_272 = arith.cmpi ne, %convert_element_type3A_270, %cond3A_271 : i32
      scf.if %cond3A_272 {
        %add3A_519 = arith.constant 2 : i32
        %add3A_520 = arith.addi %add3A_235, %add3A_519 : i32
        %dma_start3A_521 = arith.constant 3 : i32
        %dma_start3A_522 = arith.constant 0 : i32
        %dma_start3A_523 = tpu.memref_slice %arg12[%dma_start3A_521, %dma_start3A_522] : memref<8x128xi32, #tpu.memory_space<vmem>> -> memref<1x128xi32, #tpu.memory_space<vmem>>
        %dma_start3A_524 = tpu.memref_squeeze %dma_start3A_523 : memref<1x128xi32, #tpu.memory_space<vmem>> -> memref<128xi32, #tpu.memory_space<vmem>>
        %dma_start3A_525 = arith.constant 0 : i32
        %dma_start3A_526 = tpu.memref_slice %arg4[%arg1, %add3A_520, %dma_start3A_525] : memref<16x160x128xi32, #tpu.memory_space<hbm>> -> memref<1x1x128xi32, #tpu.memory_space<hbm>>
        %dma_start3A_527 = tpu.memref_squeeze %dma_start3A_526 : memref<1x1x128xi32, #tpu.memory_space<hbm>> -> memref<128xi32, #tpu.memory_space<hbm>>
        %dma_start3A_528 = arith.constant 0 : i32
        %dma_start3A_529 = tpu.memref_slice %arg12[%dma_start3A_521, %dma_start3A_528] : memref<8x128xi32, #tpu.memory_space<vmem>> -> memref<1x128xi32, #tpu.memory_space<vmem>>
        %dma_start3A_530 = tpu.memref_squeeze %dma_start3A_529 : memref<1x128xi32, #tpu.memory_space<vmem>> -> memref<128xi32, #tpu.memory_space<vmem>>
        %dma_start3A_531 = arith.constant 0 : i32
        %dma_start3A_532 = tpu.memref_slice %arg4[%arg1, %add3A_520, %dma_start3A_531] : memref<16x160x128xi32, #tpu.memory_space<hbm>> -> memref<1x1x128xi32, #tpu.memory_space<hbm>>
        %dma_start3A_533 = tpu.memref_squeeze %dma_start3A_532 : memref<1x1x128xi32, #tpu.memory_space<hbm>> -> memref<128xi32, #tpu.memory_space<hbm>>
        tpu.enqueue_dma source(%dma_start3A_533 : memref<128xi32, #tpu.memory_space<hbm>>) target(%dma_start3A_530 : memref<128xi32, #tpu.memory_space<vmem>>) target_semaphore(%arg24 : memref<!tpu.dma_semaphore, #tpu.memory_space<semaphore_mem>>)
        %dma_start3A_534 = arith.constant 3 : i32
        %dma_start3A_535 = arith.constant 0 : i32
        %dma_start3A_536 = tpu.memref_slice %arg13[%dma_start3A_534, %dma_start3A_535] : memref<8x128xi32, #tpu.memory_space<vmem>> -> memref<1x128xi32, #tpu.memory_space<vmem>>
        %dma_start3A_537 = tpu.memref_squeeze %dma_start3A_536 : memref<1x128xi32, #tpu.memory_space<vmem>> -> memref<128xi32, #tpu.memory_space<vmem>>
        %dma_start3A_538 = arith.constant 0 : i32
        %dma_start3A_539 = tpu.memref_slice %arg5[%arg1, %add3A_520, %dma_start3A_538] : memref<16x160x128xi32, #tpu.memory_space<hbm>> -> memref<1x1x128xi32, #tpu.memory_space<hbm>>
        %dma_start3A_540 = tpu.memref_squeeze %dma_start3A_539 : memref<1x1x128xi32, #tpu.memory_space<hbm>> -> memref<128xi32, #tpu.memory_space<hbm>>
        %dma_start3A_541 = arith.constant 0 : i32
        %dma_start3A_542 = tpu.memref_slice %arg13[%dma_start3A_534, %dma_start3A_541] : memref<8x128xi32, #tpu.memory_space<vmem>> -> memref<1x128xi32, #tpu.memory_space<vmem>>
        %dma_start3A_543 = tpu.memref_squeeze %dma_start3A_542 : memref<1x128xi32, #tpu.memory_space<vmem>> -> memref<128xi32, #tpu.memory_space<vmem>>
        %dma_start3A_544 = arith.constant 0 : i32
        %dma_start3A_545 = tpu.memref_slice %arg5[%arg1, %add3A_520, %dma_start3A_544] : memref<16x160x128xi32, #tpu.memory_space<hbm>> -> memref<1x1x128xi32, #tpu.memory_space<hbm>>
        %dma_start3A_546 = tpu.memref_squeeze %dma_start3A_545 : memref<1x1x128xi32, #tpu.memory_space<hbm>> -> memref<128xi32, #tpu.memory_space<hbm>>
        tpu.enqueue_dma source(%dma_start3A_546 : memref<128xi32, #tpu.memory_space<hbm>>) target(%dma_start3A_543 : memref<128xi32, #tpu.memory_space<vmem>>) target_semaphore(%arg24 : memref<!tpu.dma_semaphore, #tpu.memory_space<semaphore_mem>>)
      } else {
      }
      %mul3A_273 = arith.constant 8 : i32
      %mul3A_274 = arith.muli %add3A_193, %mul3A_273 : i32
      %add3A_275 = arith.constant 2 : i32
      %add3A_276 = arith.addi %mul3A_274, %add3A_275 : i32
      %dma_wait3A_277 = arith.constant 0 : i32
      %dma_wait3A_278 = arith.constant 0 : i32
      %dma_wait3A_279 = tpu.memref_slice %arg2[%dma_wait3A_277, %dma_wait3A_278] : memref<10240x128xf32, #tpu.memory_space<hbm>> -> memref<128x128xf32, #tpu.memory_space<hbm>>
      %dma_wait3A_280 = arith.constant 0 : i32
      %dma_wait3A_281 = arith.constant 0 : i32
      %dma_wait3A_282 = tpu.memref_slice %arg2[%dma_wait3A_280, %dma_wait3A_281] : memref<10240x128xf32, #tpu.memory_space<hbm>> -> memref<128x128xf32, #tpu.memory_space<hbm>>
      tpu.wait_dma2 semaphore(%arg29 : memref<!tpu.dma_semaphore, #tpu.memory_space<semaphore_mem>>) src(%dma_wait3A_282 : memref<128x128xf32, #tpu.memory_space<hbm>>) dst(%arg14 : memref<128x128xf32, #tpu.memory_space<vmem>>)
      %dma_start3A_283 = arith.constant 2 : i32
      %dma_start3A_284 = arith.constant 0 : i32
      %dma_start3A_285 = tpu.memref_slice %arg13[%dma_start3A_283, %dma_start3A_284] : memref<8x128xi32, #tpu.memory_space<vmem>> -> memref<1x128xi32, #tpu.memory_space<vmem>>
      %dma_start3A_286 = tpu.memref_squeeze %dma_start3A_285 : memref<1x128xi32, #tpu.memory_space<vmem>> -> memref<128xi32, #tpu.memory_space<vmem>>
      %dma_start3A_287 = arith.constant 0 : i32
      %dma_start3A_288 = arith.constant 0 : i32
      %dma_start3A_289 = tpu.memref_slice %arg19[%dma_start3A_287, %dma_start3A_288] : memref<10240x128xf32, #tpu.memory_space<vmem_shared>> -> memref<10240x128xf32, #tpu.memory_space<vmem_shared>>
      tpu.enqueue_indirect_dma source(%arg14 : memref<128x128xf32, #tpu.memory_space<vmem>>) target(%dma_start3A_289 : memref<10240x128xf32, #tpu.memory_space<vmem_shared>>) offsets(%dma_start3A_286 : memref<128xi32, #tpu.memory_space<vmem>>) semaphore(%arg31 : memref<!tpu.dma_semaphore, #tpu.memory_space<semaphore_mem>>) {add = true}
      %eq3A_290 = arith.constant 0 : i32
      %eq3A_291 = arith.cmpi eq, %arg0, %eq3A_290 : i32
      %lt3A_292 = arith.constant 80 : i32
      %lt3A_293 = arith.cmpi slt, %add3A_276, %lt3A_292 : i32
      %ge3A_294 = arith.constant 80 : i32
      %ge3A_295 = arith.cmpi sge, %add3A_276, %ge3A_294 : i32
      %select_n3A_296 = arith.select %eq3A_291, %lt3A_293, %ge3A_295 : i1
      %convert_element_type3A_297 = arith.extui %select_n3A_296 : i1 to i32
      %cond3A_298 = arith.constant 0 : i32
      %cond3A_299 = arith.cmpi ne, %convert_element_type3A_297, %cond3A_298 : i32
      scf.if %cond3A_299 {
        %dma_wait3A_519 = arith.constant 0 : i32
        %dma_wait3A_520 = tpu.memref_slice %arg7[%dma_wait3A_519] : memref<640xf32, #tpu.memory_space<hbm>> -> memref<128xf32, #tpu.memory_space<hbm>>
        %dma_wait3A_521 = arith.constant 0 : i32
        %dma_wait3A_522 = tpu.memref_slice %arg7[%dma_wait3A_521] : memref<640xf32, #tpu.memory_space<hbm>> -> memref<128xf32, #tpu.memory_space<hbm>>
        tpu.wait_dma2 semaphore(%arg33 : memref<!tpu.dma_semaphore, #tpu.memory_space<semaphore_mem>>) src(%dma_wait3A_522 : memref<128xf32, #tpu.memory_space<hbm>>) dst(%arg16 : memref<128xf32, #tpu.memory_space<vmem>>)
        %dma_start3A_523 = arith.constant 2 : i32
        %dma_start3A_524 = arith.constant 0 : i32
        %dma_start3A_525 = tpu.memref_slice %arg12[%dma_start3A_523, %dma_start3A_524] : memref<8x128xi32, #tpu.memory_space<vmem>> -> memref<1x128xi32, #tpu.memory_space<vmem>>
        %dma_start3A_526 = tpu.memref_squeeze %dma_start3A_525 : memref<1x128xi32, #tpu.memory_space<vmem>> -> memref<128xi32, #tpu.memory_space<vmem>>
        %dma_start3A_527 = arith.constant 0 : i32
        %dma_start3A_528 = tpu.memref_slice %arg20[%dma_start3A_527] : memref<10240xf32, #tpu.memory_space<vmem_shared>> -> memref<10240xf32, #tpu.memory_space<vmem_shared>>
        tpu.enqueue_indirect_dma source(%arg16 : memref<128xf32, #tpu.memory_space<vmem>>) target(%dma_start3A_528 : memref<10240xf32, #tpu.memory_space<vmem_shared>>) offsets(%dma_start3A_526 : memref<128xi32, #tpu.memory_space<vmem>>) semaphore(%arg35 : memref<!tpu.dma_semaphore, #tpu.memory_space<semaphore_mem>>) {add = true}
      } else {
      }
      %add3A_300 = arith.constant 1 : i32
      %add3A_301 = arith.addi %add3A_276, %add3A_300 : i32
      %lt3A_302 = arith.constant 160 : i32
      %lt3A_303 = arith.cmpi slt, %add3A_301, %lt3A_302 : i32
      %convert_element_type3A_304 = arith.extui %lt3A_303 : i1 to i32
      %cond3A_305 = arith.constant 0 : i32
      %cond3A_306 = arith.cmpi ne, %convert_element_type3A_304, %cond3A_305 : i32
      scf.if %cond3A_306 {
        %dma_wait3A_519 = arith.constant 0 : i32
        %dma_wait3A_520 = arith.constant 3 : i32
        %dma_wait3A_521 = arith.constant 0 : i32
        %dma_wait3A_522 = tpu.memref_slice %arg12[%dma_wait3A_520, %dma_wait3A_521] : memref<8x128xi32, #tpu.memory_space<vmem>> -> memref<1x128xi32, #tpu.memory_space<vmem>>
        %dma_wait3A_523 = tpu.memref_squeeze %dma_wait3A_522 : memref<1x128xi32, #tpu.memory_space<vmem>> -> memref<128xi32, #tpu.memory_space<vmem>>
        %dma_wait3A_524 = arith.constant 0 : i32
        %dma_wait3A_525 = tpu.memref_slice %arg4[%arg1, %dma_wait3A_519, %dma_wait3A_524] : memref<16x160x128xi32, #tpu.memory_space<hbm>> -> memref<1x1x128xi32, #tpu.memory_space<hbm>>
        %dma_wait3A_526 = tpu.memref_squeeze %dma_wait3A_525 : memref<1x1x128xi32, #tpu.memory_space<hbm>> -> memref<128xi32, #tpu.memory_space<hbm>>
        %dma_wait3A_527 = arith.constant 0 : i32
        %dma_wait3A_528 = tpu.memref_slice %arg12[%dma_wait3A_520, %dma_wait3A_527] : memref<8x128xi32, #tpu.memory_space<vmem>> -> memref<1x128xi32, #tpu.memory_space<vmem>>
        %dma_wait3A_529 = tpu.memref_squeeze %dma_wait3A_528 : memref<1x128xi32, #tpu.memory_space<vmem>> -> memref<128xi32, #tpu.memory_space<vmem>>
        %dma_wait3A_530 = arith.constant 0 : i32
        %dma_wait3A_531 = tpu.memref_slice %arg4[%arg1, %dma_wait3A_519, %dma_wait3A_530] : memref<16x160x128xi32, #tpu.memory_space<hbm>> -> memref<1x1x128xi32, #tpu.memory_space<hbm>>
        %dma_wait3A_532 = tpu.memref_squeeze %dma_wait3A_531 : memref<1x1x128xi32, #tpu.memory_space<hbm>> -> memref<128xi32, #tpu.memory_space<hbm>>
        tpu.wait_dma2 semaphore(%arg24 : memref<!tpu.dma_semaphore, #tpu.memory_space<semaphore_mem>>) src(%dma_wait3A_532 : memref<128xi32, #tpu.memory_space<hbm>>) dst(%dma_wait3A_529 : memref<128xi32, #tpu.memory_space<vmem>>)
        %dma_wait3A_533 = arith.constant 0 : i32
        %dma_wait3A_534 = arith.constant 3 : i32
        %dma_wait3A_535 = arith.constant 0 : i32
        %dma_wait3A_536 = tpu.memref_slice %arg13[%dma_wait3A_534, %dma_wait3A_535] : memref<8x128xi32, #tpu.memory_space<vmem>> -> memref<1x128xi32, #tpu.memory_space<vmem>>
        %dma_wait3A_537 = tpu.memref_squeeze %dma_wait3A_536 : memref<1x128xi32, #tpu.memory_space<vmem>> -> memref<128xi32, #tpu.memory_space<vmem>>
        %dma_wait3A_538 = arith.constant 0 : i32
        %dma_wait3A_539 = tpu.memref_slice %arg4[%arg1, %dma_wait3A_533, %dma_wait3A_538] : memref<16x160x128xi32, #tpu.memory_space<hbm>> -> memref<1x1x128xi32, #tpu.memory_space<hbm>>
        %dma_wait3A_540 = tpu.memref_squeeze %dma_wait3A_539 : memref<1x1x128xi32, #tpu.memory_space<hbm>> -> memref<128xi32, #tpu.memory_space<hbm>>
        %dma_wait3A_541 = arith.constant 0 : i32
        %dma_wait3A_542 = tpu.memref_slice %arg13[%dma_wait3A_534, %dma_wait3A_541] : memref<8x128xi32, #tpu.memory_space<vmem>> -> memref<1x128xi32, #tpu.memory_space<vmem>>
        %dma_wait3A_543 = tpu.memref_squeeze %dma_wait3A_542 : memref<1x128xi32, #tpu.memory_space<vmem>> -> memref<128xi32, #tpu.memory_space<vmem>>
        %dma_wait3A_544 = arith.constant 0 : i32
        %dma_wait3A_545 = tpu.memref_slice %arg4[%arg1, %dma_wait3A_533, %dma_wait3A_544] : memref<16x160x128xi32, #tpu.memory_space<hbm>> -> memref<1x1x128xi32, #tpu.memory_space<hbm>>
        %dma_wait3A_546 = tpu.memref_squeeze %dma_wait3A_545 : memref<1x1x128xi32, #tpu.memory_space<hbm>> -> memref<128xi32, #tpu.memory_space<hbm>>
        tpu.wait_dma2 semaphore(%arg24 : memref<!tpu.dma_semaphore, #tpu.memory_space<semaphore_mem>>) src(%dma_wait3A_546 : memref<128xi32, #tpu.memory_space<hbm>>) dst(%dma_wait3A_543 : memref<128xi32, #tpu.memory_space<vmem>>)
        %add3A_547 = arith.constant 1 : i32
        %add3A_548 = arith.addi %add3A_276, %add3A_547 : i32
        %eq3A_549 = arith.constant 0 : i32
        %eq3A_550 = arith.cmpi eq, %arg0, %eq3A_549 : i32
        %lt3A_551 = arith.constant 80 : i32
        %lt3A_552 = arith.cmpi slt, %add3A_548, %lt3A_551 : i32
        %ge3A_553 = arith.constant 80 : i32
        %ge3A_554 = arith.cmpi sge, %add3A_548, %ge3A_553 : i32
        %select_n3A_555 = arith.select %eq3A_550, %lt3A_552, %ge3A_554 : i1
        %convert_element_type3A_556 = arith.extui %select_n3A_555 : i1 to i32
        %cond3A_557 = arith.constant 0 : i32
        %cond3A_558 = arith.cmpi ne, %convert_element_type3A_556, %cond3A_557 : i32
        scf.if %cond3A_558 {
          %eq3A_574 = arith.constant 0 : i32
          %eq3A_575 = arith.cmpi eq, %arg0, %eq3A_574 : i32
          %ge3A_576 = arith.constant 1 : i32
          %ge3A_577 = arith.cmpi sge, %add3A_276, %ge3A_576 : i32
          %ge3A_578 = arith.constant 81 : i32
          %ge3A_579 = arith.cmpi sge, %add3A_276, %ge3A_578 : i32
          %select_n3A_580 = arith.select %eq3A_575, %ge3A_577, %ge3A_579 : i1
          %convert_element_type3A_581 = arith.extui %select_n3A_580 : i1 to i32
          %cond3A_582 = arith.constant 0 : i32
          %cond3A_583 = arith.cmpi ne, %convert_element_type3A_581, %cond3A_582 : i32
          scf.if %cond3A_583 {
            %dma_wait3A_590 = arith.constant 0 : i32
            %dma_wait3A_591 = tpu.memref_slice %arg7[%dma_wait3A_590] : memref<640xf32, #tpu.memory_space<hbm>> -> memref<128xf32, #tpu.memory_space<hbm>>
            %dma_wait3A_592 = arith.constant 0 : i32
            %dma_wait3A_593 = tpu.memref_slice %arg7[%dma_wait3A_592] : memref<640xf32, #tpu.memory_space<hbm>> -> memref<128xf32, #tpu.memory_space<hbm>>
            tpu.wait_dma2 semaphore(%arg36 : memref<!tpu.dma_semaphore, #tpu.memory_space<semaphore_mem>>) src(%dma_wait3A_593 : memref<128xf32, #tpu.memory_space<hbm>>) dst(%arg17 : memref<128xf32, #tpu.memory_space<vmem>>)
          } else {
          }
          %dma_start3A_584 = arith.constant 3 : i32
          %dma_start3A_585 = arith.constant 0 : i32
          %dma_start3A_586 = tpu.memref_slice %arg13[%dma_start3A_584, %dma_start3A_585] : memref<8x128xi32, #tpu.memory_space<vmem>> -> memref<1x128xi32, #tpu.memory_space<vmem>>
          %dma_start3A_587 = tpu.memref_squeeze %dma_start3A_586 : memref<1x128xi32, #tpu.memory_space<vmem>> -> memref<128xi32, #tpu.memory_space<vmem>>
          %dma_start3A_588 = arith.constant 0 : i32
          %dma_start3A_589 = tpu.memref_slice %arg6[%dma_start3A_588] : memref<10240xf32, #tpu.memory_space<hbm>> -> memref<10240xf32, #tpu.memory_space<hbm>>
          tpu.enqueue_indirect_dma source(%dma_start3A_589 : memref<10240xf32, #tpu.memory_space<hbm>>) target(%arg17 : memref<128xf32, #tpu.memory_space<vmem>>) offsets(%dma_start3A_587 : memref<128xi32, #tpu.memory_space<vmem>>) semaphore(%arg34 : memref<!tpu.dma_semaphore, #tpu.memory_space<semaphore_mem>>)
        } else {
        }
        %ge3A_559 = arith.constant 1 : i32
        %ge3A_560 = arith.cmpi sge, %add3A_276, %ge3A_559 : i32
        %convert_element_type3A_561 = arith.extui %ge3A_560 : i1 to i32
        %cond3A_562 = arith.constant 0 : i32
        %cond3A_563 = arith.cmpi ne, %convert_element_type3A_561, %cond3A_562 : i32
        scf.if %cond3A_563 {
          %dma_wait3A_574 = arith.constant 0 : i32
          %dma_wait3A_575 = arith.constant 0 : i32
          %dma_wait3A_576 = tpu.memref_slice %arg2[%dma_wait3A_574, %dma_wait3A_575] : memref<10240x128xf32, #tpu.memory_space<hbm>> -> memref<128x128xf32, #tpu.memory_space<hbm>>
          %dma_wait3A_577 = arith.constant 0 : i32
          %dma_wait3A_578 = arith.constant 0 : i32
          %dma_wait3A_579 = tpu.memref_slice %arg2[%dma_wait3A_577, %dma_wait3A_578] : memref<10240x128xf32, #tpu.memory_space<hbm>> -> memref<128x128xf32, #tpu.memory_space<hbm>>
          tpu.wait_dma2 semaphore(%arg32 : memref<!tpu.dma_semaphore, #tpu.memory_space<semaphore_mem>>) src(%dma_wait3A_579 : memref<128x128xf32, #tpu.memory_space<hbm>>) dst(%arg14 : memref<128x128xf32, #tpu.memory_space<vmem>>)
        } else {
        }
        %eq3A_564 = arith.constant 0 : i32
        %eq3A_565 = arith.cmpi eq, %arg0, %eq3A_564 : i32
        %convert_element_type3A_566 = arith.extui %eq3A_565 : i1 to i32
        %cond3A_567 = arith.constant 0 : i32
        %cond3A_568 = arith.cmpi ne, %convert_element_type3A_566, %cond3A_567 : i32
        scf.if %cond3A_568 {
          %dma_start3A_574 = arith.constant 3 : i32
          %dma_start3A_575 = arith.constant 0 : i32
          %dma_start3A_576 = tpu.memref_slice %arg12[%dma_start3A_574, %dma_start3A_575] : memref<8x128xi32, #tpu.memory_space<vmem>> -> memref<1x128xi32, #tpu.memory_space<vmem>>
          %dma_start3A_577 = tpu.memref_squeeze %dma_start3A_576 : memref<1x128xi32, #tpu.memory_space<vmem>> -> memref<128xi32, #tpu.memory_space<vmem>>
          %dma_start3A_578 = arith.constant 0 : i32
          %dma_start3A_579 = arith.constant 0 : i32
          %dma_start3A_580 = tpu.memref_slice %arg2[%dma_start3A_578, %dma_start3A_579] : memref<10240x128xf32, #tpu.memory_space<hbm>> -> memref<10240x128xf32, #tpu.memory_space<hbm>>
          tpu.enqueue_indirect_dma source(%dma_start3A_580 : memref<10240x128xf32, #tpu.memory_space<hbm>>) target(%arg15 : memref<128x128xf32, #tpu.memory_space<vmem>>) offsets(%dma_start3A_577 : memref<128xi32, #tpu.memory_space<vmem>>) semaphore(%arg30 : memref<!tpu.dma_semaphore, #tpu.memory_space<semaphore_mem>>)
        } else {
        }
        %eq3A_569 = arith.constant 1 : i32
        %eq3A_570 = arith.cmpi eq, %arg0, %eq3A_569 : i32
        %convert_element_type3A_571 = arith.extui %eq3A_570 : i1 to i32
        %cond3A_572 = arith.constant 0 : i32
        %cond3A_573 = arith.cmpi ne, %convert_element_type3A_571, %cond3A_572 : i32
        scf.if %cond3A_573 {
          %dma_start3A_574 = arith.constant 3 : i32
          %dma_start3A_575 = arith.constant 0 : i32
          %dma_start3A_576 = tpu.memref_slice %arg12[%dma_start3A_574, %dma_start3A_575] : memref<8x128xi32, #tpu.memory_space<vmem>> -> memref<1x128xi32, #tpu.memory_space<vmem>>
          %dma_start3A_577 = tpu.memref_squeeze %dma_start3A_576 : memref<1x128xi32, #tpu.memory_space<vmem>> -> memref<128xi32, #tpu.memory_space<vmem>>
          %dma_start3A_578 = arith.constant 0 : i32
          %dma_start3A_579 = arith.constant 0 : i32
          %dma_start3A_580 = tpu.memref_slice %arg3[%dma_start3A_578, %dma_start3A_579] : memref<10240x128xf32, #tpu.memory_space<hbm>> -> memref<10240x128xf32, #tpu.memory_space<hbm>>
          tpu.enqueue_indirect_dma source(%dma_start3A_580 : memref<10240x128xf32, #tpu.memory_space<hbm>>) target(%arg15 : memref<128x128xf32, #tpu.memory_space<vmem>>) offsets(%dma_start3A_577 : memref<128xi32, #tpu.memory_space<vmem>>) semaphore(%arg30 : memref<!tpu.dma_semaphore, #tpu.memory_space<semaphore_mem>>)
        } else {
        }
      } else {
      }
      %add3A_307 = arith.constant 2 : i32
      %add3A_308 = arith.addi %add3A_276, %add3A_307 : i32
      %lt3A_309 = arith.constant 160 : i32
      %lt3A_310 = arith.cmpi slt, %add3A_308, %lt3A_309 : i32
      %convert_element_type3A_311 = arith.extui %lt3A_310 : i1 to i32
      %cond3A_312 = arith.constant 0 : i32
      %cond3A_313 = arith.cmpi ne, %convert_element_type3A_311, %cond3A_312 : i32
      scf.if %cond3A_313 {
        %add3A_519 = arith.constant 2 : i32
        %add3A_520 = arith.addi %add3A_276, %add3A_519 : i32
        %dma_start3A_521 = arith.constant 4 : i32
        %dma_start3A_522 = arith.constant 0 : i32
        %dma_start3A_523 = tpu.memref_slice %arg12[%dma_start3A_521, %dma_start3A_522] : memref<8x128xi32, #tpu.memory_space<vmem>> -> memref<1x128xi32, #tpu.memory_space<vmem>>
        %dma_start3A_524 = tpu.memref_squeeze %dma_start3A_523 : memref<1x128xi32, #tpu.memory_space<vmem>> -> memref<128xi32, #tpu.memory_space<vmem>>
        %dma_start3A_525 = arith.constant 0 : i32
        %dma_start3A_526 = tpu.memref_slice %arg4[%arg1, %add3A_520, %dma_start3A_525] : memref<16x160x128xi32, #tpu.memory_space<hbm>> -> memref<1x1x128xi32, #tpu.memory_space<hbm>>
        %dma_start3A_527 = tpu.memref_squeeze %dma_start3A_526 : memref<1x1x128xi32, #tpu.memory_space<hbm>> -> memref<128xi32, #tpu.memory_space<hbm>>
        %dma_start3A_528 = arith.constant 0 : i32
        %dma_start3A_529 = tpu.memref_slice %arg12[%dma_start3A_521, %dma_start3A_528] : memref<8x128xi32, #tpu.memory_space<vmem>> -> memref<1x128xi32, #tpu.memory_space<vmem>>
        %dma_start3A_530 = tpu.memref_squeeze %dma_start3A_529 : memref<1x128xi32, #tpu.memory_space<vmem>> -> memref<128xi32, #tpu.memory_space<vmem>>
        %dma_start3A_531 = arith.constant 0 : i32
        %dma_start3A_532 = tpu.memref_slice %arg4[%arg1, %add3A_520, %dma_start3A_531] : memref<16x160x128xi32, #tpu.memory_space<hbm>> -> memref<1x1x128xi32, #tpu.memory_space<hbm>>
        %dma_start3A_533 = tpu.memref_squeeze %dma_start3A_532 : memref<1x1x128xi32, #tpu.memory_space<hbm>> -> memref<128xi32, #tpu.memory_space<hbm>>
        tpu.enqueue_dma source(%dma_start3A_533 : memref<128xi32, #tpu.memory_space<hbm>>) target(%dma_start3A_530 : memref<128xi32, #tpu.memory_space<vmem>>) target_semaphore(%arg25 : memref<!tpu.dma_semaphore, #tpu.memory_space<semaphore_mem>>)
        %dma_start3A_534 = arith.constant 4 : i32
        %dma_start3A_535 = arith.constant 0 : i32
        %dma_start3A_536 = tpu.memref_slice %arg13[%dma_start3A_534, %dma_start3A_535] : memref<8x128xi32, #tpu.memory_space<vmem>> -> memref<1x128xi32, #tpu.memory_space<vmem>>
        %dma_start3A_537 = tpu.memref_squeeze %dma_start3A_536 : memref<1x128xi32, #tpu.memory_space<vmem>> -> memref<128xi32, #tpu.memory_space<vmem>>
        %dma_start3A_538 = arith.constant 0 : i32
        %dma_start3A_539 = tpu.memref_slice %arg5[%arg1, %add3A_520, %dma_start3A_538] : memref<16x160x128xi32, #tpu.memory_space<hbm>> -> memref<1x1x128xi32, #tpu.memory_space<hbm>>
        %dma_start3A_540 = tpu.memref_squeeze %dma_start3A_539 : memref<1x1x128xi32, #tpu.memory_space<hbm>> -> memref<128xi32, #tpu.memory_space<hbm>>
        %dma_start3A_541 = arith.constant 0 : i32
        %dma_start3A_542 = tpu.memref_slice %arg13[%dma_start3A_534, %dma_start3A_541] : memref<8x128xi32, #tpu.memory_space<vmem>> -> memref<1x128xi32, #tpu.memory_space<vmem>>
        %dma_start3A_543 = tpu.memref_squeeze %dma_start3A_542 : memref<1x128xi32, #tpu.memory_space<vmem>> -> memref<128xi32, #tpu.memory_space<vmem>>
        %dma_start3A_544 = arith.constant 0 : i32
        %dma_start3A_545 = tpu.memref_slice %arg5[%arg1, %add3A_520, %dma_start3A_544] : memref<16x160x128xi32, #tpu.memory_space<hbm>> -> memref<1x1x128xi32, #tpu.memory_space<hbm>>
        %dma_start3A_546 = tpu.memref_squeeze %dma_start3A_545 : memref<1x1x128xi32, #tpu.memory_space<hbm>> -> memref<128xi32, #tpu.memory_space<hbm>>
        tpu.enqueue_dma source(%dma_start3A_546 : memref<128xi32, #tpu.memory_space<hbm>>) target(%dma_start3A_543 : memref<128xi32, #tpu.memory_space<vmem>>) target_semaphore(%arg25 : memref<!tpu.dma_semaphore, #tpu.memory_space<semaphore_mem>>)
      } else {
      }
      %mul3A_314 = arith.constant 8 : i32
      %mul3A_315 = arith.muli %add3A_193, %mul3A_314 : i32
      %add3A_316 = arith.constant 3 : i32
      %add3A_317 = arith.addi %mul3A_315, %add3A_316 : i32
      %dma_wait3A_318 = arith.constant 0 : i32
      %dma_wait3A_319 = arith.constant 0 : i32
      %dma_wait3A_320 = tpu.memref_slice %arg2[%dma_wait3A_318, %dma_wait3A_319] : memref<10240x128xf32, #tpu.memory_space<hbm>> -> memref<128x128xf32, #tpu.memory_space<hbm>>
      %dma_wait3A_321 = arith.constant 0 : i32
      %dma_wait3A_322 = arith.constant 0 : i32
      %dma_wait3A_323 = tpu.memref_slice %arg2[%dma_wait3A_321, %dma_wait3A_322] : memref<10240x128xf32, #tpu.memory_space<hbm>> -> memref<128x128xf32, #tpu.memory_space<hbm>>
      tpu.wait_dma2 semaphore(%arg30 : memref<!tpu.dma_semaphore, #tpu.memory_space<semaphore_mem>>) src(%dma_wait3A_323 : memref<128x128xf32, #tpu.memory_space<hbm>>) dst(%arg14 : memref<128x128xf32, #tpu.memory_space<vmem>>)
      %dma_start3A_324 = arith.constant 3 : i32
      %dma_start3A_325 = arith.constant 0 : i32
      %dma_start3A_326 = tpu.memref_slice %arg13[%dma_start3A_324, %dma_start3A_325] : memref<8x128xi32, #tpu.memory_space<vmem>> -> memref<1x128xi32, #tpu.memory_space<vmem>>
      %dma_start3A_327 = tpu.memref_squeeze %dma_start3A_326 : memref<1x128xi32, #tpu.memory_space<vmem>> -> memref<128xi32, #tpu.memory_space<vmem>>
      %dma_start3A_328 = arith.constant 0 : i32
      %dma_start3A_329 = arith.constant 0 : i32
      %dma_start3A_330 = tpu.memref_slice %arg19[%dma_start3A_328, %dma_start3A_329] : memref<10240x128xf32, #tpu.memory_space<vmem_shared>> -> memref<10240x128xf32, #tpu.memory_space<vmem_shared>>
      tpu.enqueue_indirect_dma source(%arg15 : memref<128x128xf32, #tpu.memory_space<vmem>>) target(%dma_start3A_330 : memref<10240x128xf32, #tpu.memory_space<vmem_shared>>) offsets(%dma_start3A_327 : memref<128xi32, #tpu.memory_space<vmem>>) semaphore(%arg32 : memref<!tpu.dma_semaphore, #tpu.memory_space<semaphore_mem>>) {add = true}
      %eq3A_331 = arith.constant 0 : i32
      %eq3A_332 = arith.cmpi eq, %arg0, %eq3A_331 : i32
      %lt3A_333 = arith.constant 80 : i32
      %lt3A_334 = arith.cmpi slt, %add3A_317, %lt3A_333 : i32
      %ge3A_335 = arith.constant 80 : i32
      %ge3A_336 = arith.cmpi sge, %add3A_317, %ge3A_335 : i32
      %select_n3A_337 = arith.select %eq3A_332, %lt3A_334, %ge3A_336 : i1
      %convert_element_type3A_338 = arith.extui %select_n3A_337 : i1 to i32
      %cond3A_339 = arith.constant 0 : i32
      %cond3A_340 = arith.cmpi ne, %convert_element_type3A_338, %cond3A_339 : i32
      scf.if %cond3A_340 {
        %dma_wait3A_519 = arith.constant 0 : i32
        %dma_wait3A_520 = tpu.memref_slice %arg7[%dma_wait3A_519] : memref<640xf32, #tpu.memory_space<hbm>> -> memref<128xf32, #tpu.memory_space<hbm>>
        %dma_wait3A_521 = arith.constant 0 : i32
        %dma_wait3A_522 = tpu.memref_slice %arg7[%dma_wait3A_521] : memref<640xf32, #tpu.memory_space<hbm>> -> memref<128xf32, #tpu.memory_space<hbm>>
        tpu.wait_dma2 semaphore(%arg34 : memref<!tpu.dma_semaphore, #tpu.memory_space<semaphore_mem>>) src(%dma_wait3A_522 : memref<128xf32, #tpu.memory_space<hbm>>) dst(%arg17 : memref<128xf32, #tpu.memory_space<vmem>>)
        %dma_start3A_523 = arith.constant 3 : i32
        %dma_start3A_524 = arith.constant 0 : i32
        %dma_start3A_525 = tpu.memref_slice %arg12[%dma_start3A_523, %dma_start3A_524] : memref<8x128xi32, #tpu.memory_space<vmem>> -> memref<1x128xi32, #tpu.memory_space<vmem>>
        %dma_start3A_526 = tpu.memref_squeeze %dma_start3A_525 : memref<1x128xi32, #tpu.memory_space<vmem>> -> memref<128xi32, #tpu.memory_space<vmem>>
        %dma_start3A_527 = arith.constant 0 : i32
        %dma_start3A_528 = tpu.memref_slice %arg20[%dma_start3A_527] : memref<10240xf32, #tpu.memory_space<vmem_shared>> -> memref<10240xf32, #tpu.memory_space<vmem_shared>>
        tpu.enqueue_indirect_dma source(%arg17 : memref<128xf32, #tpu.memory_space<vmem>>) target(%dma_start3A_528 : memref<10240xf32, #tpu.memory_space<vmem_shared>>) offsets(%dma_start3A_526 : memref<128xi32, #tpu.memory_space<vmem>>) semaphore(%arg36 : memref<!tpu.dma_semaphore, #tpu.memory_space<semaphore_mem>>) {add = true}
      } else {
      }
      %add3A_341 = arith.constant 1 : i32
      %add3A_342 = arith.addi %add3A_317, %add3A_341 : i32
      %lt3A_343 = arith.constant 160 : i32
      %lt3A_344 = arith.cmpi slt, %add3A_342, %lt3A_343 : i32
      %convert_element_type3A_345 = arith.extui %lt3A_344 : i1 to i32
      %cond3A_346 = arith.constant 0 : i32
      %cond3A_347 = arith.cmpi ne, %convert_element_type3A_345, %cond3A_346 : i32
      scf.if %cond3A_347 {
        %dma_wait3A_519 = arith.constant 0 : i32
        %dma_wait3A_520 = arith.constant 4 : i32
        %dma_wait3A_521 = arith.constant 0 : i32
        %dma_wait3A_522 = tpu.memref_slice %arg12[%dma_wait3A_520, %dma_wait3A_521] : memref<8x128xi32, #tpu.memory_space<vmem>> -> memref<1x128xi32, #tpu.memory_space<vmem>>
        %dma_wait3A_523 = tpu.memref_squeeze %dma_wait3A_522 : memref<1x128xi32, #tpu.memory_space<vmem>> -> memref<128xi32, #tpu.memory_space<vmem>>
        %dma_wait3A_524 = arith.constant 0 : i32
        %dma_wait3A_525 = tpu.memref_slice %arg4[%arg1, %dma_wait3A_519, %dma_wait3A_524] : memref<16x160x128xi32, #tpu.memory_space<hbm>> -> memref<1x1x128xi32, #tpu.memory_space<hbm>>
        %dma_wait3A_526 = tpu.memref_squeeze %dma_wait3A_525 : memref<1x1x128xi32, #tpu.memory_space<hbm>> -> memref<128xi32, #tpu.memory_space<hbm>>
        %dma_wait3A_527 = arith.constant 0 : i32
        %dma_wait3A_528 = tpu.memref_slice %arg12[%dma_wait3A_520, %dma_wait3A_527] : memref<8x128xi32, #tpu.memory_space<vmem>> -> memref<1x128xi32, #tpu.memory_space<vmem>>
        %dma_wait3A_529 = tpu.memref_squeeze %dma_wait3A_528 : memref<1x128xi32, #tpu.memory_space<vmem>> -> memref<128xi32, #tpu.memory_space<vmem>>
        %dma_wait3A_530 = arith.constant 0 : i32
        %dma_wait3A_531 = tpu.memref_slice %arg4[%arg1, %dma_wait3A_519, %dma_wait3A_530] : memref<16x160x128xi32, #tpu.memory_space<hbm>> -> memref<1x1x128xi32, #tpu.memory_space<hbm>>
        %dma_wait3A_532 = tpu.memref_squeeze %dma_wait3A_531 : memref<1x1x128xi32, #tpu.memory_space<hbm>> -> memref<128xi32, #tpu.memory_space<hbm>>
        tpu.wait_dma2 semaphore(%arg25 : memref<!tpu.dma_semaphore, #tpu.memory_space<semaphore_mem>>) src(%dma_wait3A_532 : memref<128xi32, #tpu.memory_space<hbm>>) dst(%dma_wait3A_529 : memref<128xi32, #tpu.memory_space<vmem>>)
        %dma_wait3A_533 = arith.constant 0 : i32
        %dma_wait3A_534 = arith.constant 4 : i32
        %dma_wait3A_535 = arith.constant 0 : i32
        %dma_wait3A_536 = tpu.memref_slice %arg13[%dma_wait3A_534, %dma_wait3A_535] : memref<8x128xi32, #tpu.memory_space<vmem>> -> memref<1x128xi32, #tpu.memory_space<vmem>>
        %dma_wait3A_537 = tpu.memref_squeeze %dma_wait3A_536 : memref<1x128xi32, #tpu.memory_space<vmem>> -> memref<128xi32, #tpu.memory_space<vmem>>
        %dma_wait3A_538 = arith.constant 0 : i32
        %dma_wait3A_539 = tpu.memref_slice %arg4[%arg1, %dma_wait3A_533, %dma_wait3A_538] : memref<16x160x128xi32, #tpu.memory_space<hbm>> -> memref<1x1x128xi32, #tpu.memory_space<hbm>>
        %dma_wait3A_540 = tpu.memref_squeeze %dma_wait3A_539 : memref<1x1x128xi32, #tpu.memory_space<hbm>> -> memref<128xi32, #tpu.memory_space<hbm>>
        %dma_wait3A_541 = arith.constant 0 : i32
        %dma_wait3A_542 = tpu.memref_slice %arg13[%dma_wait3A_534, %dma_wait3A_541] : memref<8x128xi32, #tpu.memory_space<vmem>> -> memref<1x128xi32, #tpu.memory_space<vmem>>
        %dma_wait3A_543 = tpu.memref_squeeze %dma_wait3A_542 : memref<1x128xi32, #tpu.memory_space<vmem>> -> memref<128xi32, #tpu.memory_space<vmem>>
        %dma_wait3A_544 = arith.constant 0 : i32
        %dma_wait3A_545 = tpu.memref_slice %arg4[%arg1, %dma_wait3A_533, %dma_wait3A_544] : memref<16x160x128xi32, #tpu.memory_space<hbm>> -> memref<1x1x128xi32, #tpu.memory_space<hbm>>
        %dma_wait3A_546 = tpu.memref_squeeze %dma_wait3A_545 : memref<1x1x128xi32, #tpu.memory_space<hbm>> -> memref<128xi32, #tpu.memory_space<hbm>>
        tpu.wait_dma2 semaphore(%arg25 : memref<!tpu.dma_semaphore, #tpu.memory_space<semaphore_mem>>) src(%dma_wait3A_546 : memref<128xi32, #tpu.memory_space<hbm>>) dst(%dma_wait3A_543 : memref<128xi32, #tpu.memory_space<vmem>>)
        %add3A_547 = arith.constant 1 : i32
        %add3A_548 = arith.addi %add3A_317, %add3A_547 : i32
        %eq3A_549 = arith.constant 0 : i32
        %eq3A_550 = arith.cmpi eq, %arg0, %eq3A_549 : i32
        %lt3A_551 = arith.constant 80 : i32
        %lt3A_552 = arith.cmpi slt, %add3A_548, %lt3A_551 : i32
        %ge3A_553 = arith.constant 80 : i32
        %ge3A_554 = arith.cmpi sge, %add3A_548, %ge3A_553 : i32
        %select_n3A_555 = arith.select %eq3A_550, %lt3A_552, %ge3A_554 : i1
        %convert_element_type3A_556 = arith.extui %select_n3A_555 : i1 to i32
        %cond3A_557 = arith.constant 0 : i32
        %cond3A_558 = arith.cmpi ne, %convert_element_type3A_556, %cond3A_557 : i32
        scf.if %cond3A_558 {
          %eq3A_574 = arith.constant 0 : i32
          %eq3A_575 = arith.cmpi eq, %arg0, %eq3A_574 : i32
          %ge3A_576 = arith.constant 1 : i32
          %ge3A_577 = arith.cmpi sge, %add3A_317, %ge3A_576 : i32
          %ge3A_578 = arith.constant 81 : i32
          %ge3A_579 = arith.cmpi sge, %add3A_317, %ge3A_578 : i32
          %select_n3A_580 = arith.select %eq3A_575, %ge3A_577, %ge3A_579 : i1
          %convert_element_type3A_581 = arith.extui %select_n3A_580 : i1 to i32
          %cond3A_582 = arith.constant 0 : i32
          %cond3A_583 = arith.cmpi ne, %convert_element_type3A_581, %cond3A_582 : i32
          scf.if %cond3A_583 {
            %dma_wait3A_590 = arith.constant 0 : i32
            %dma_wait3A_591 = tpu.memref_slice %arg7[%dma_wait3A_590] : memref<640xf32, #tpu.memory_space<hbm>> -> memref<128xf32, #tpu.memory_space<hbm>>
            %dma_wait3A_592 = arith.constant 0 : i32
            %dma_wait3A_593 = tpu.memref_slice %arg7[%dma_wait3A_592] : memref<640xf32, #tpu.memory_space<hbm>> -> memref<128xf32, #tpu.memory_space<hbm>>
            tpu.wait_dma2 semaphore(%arg35 : memref<!tpu.dma_semaphore, #tpu.memory_space<semaphore_mem>>) src(%dma_wait3A_593 : memref<128xf32, #tpu.memory_space<hbm>>) dst(%arg16 : memref<128xf32, #tpu.memory_space<vmem>>)
          } else {
          }
          %dma_start3A_584 = arith.constant 4 : i32
          %dma_start3A_585 = arith.constant 0 : i32
          %dma_start3A_586 = tpu.memref_slice %arg13[%dma_start3A_584, %dma_start3A_585] : memref<8x128xi32, #tpu.memory_space<vmem>> -> memref<1x128xi32, #tpu.memory_space<vmem>>
          %dma_start3A_587 = tpu.memref_squeeze %dma_start3A_586 : memref<1x128xi32, #tpu.memory_space<vmem>> -> memref<128xi32, #tpu.memory_space<vmem>>
          %dma_start3A_588 = arith.constant 0 : i32
          %dma_start3A_589 = tpu.memref_slice %arg6[%dma_start3A_588] : memref<10240xf32, #tpu.memory_space<hbm>> -> memref<10240xf32, #tpu.memory_space<hbm>>
          tpu.enqueue_indirect_dma source(%dma_start3A_589 : memref<10240xf32, #tpu.memory_space<hbm>>) target(%arg16 : memref<128xf32, #tpu.memory_space<vmem>>) offsets(%dma_start3A_587 : memref<128xi32, #tpu.memory_space<vmem>>) semaphore(%arg33 : memref<!tpu.dma_semaphore, #tpu.memory_space<semaphore_mem>>)
        } else {
        }
        %ge3A_559 = arith.constant 1 : i32
        %ge3A_560 = arith.cmpi sge, %add3A_317, %ge3A_559 : i32
        %convert_element_type3A_561 = arith.extui %ge3A_560 : i1 to i32
        %cond3A_562 = arith.constant 0 : i32
        %cond3A_563 = arith.cmpi ne, %convert_element_type3A_561, %cond3A_562 : i32
        scf.if %cond3A_563 {
          %dma_wait3A_574 = arith.constant 0 : i32
          %dma_wait3A_575 = arith.constant 0 : i32
          %dma_wait3A_576 = tpu.memref_slice %arg2[%dma_wait3A_574, %dma_wait3A_575] : memref<10240x128xf32, #tpu.memory_space<hbm>> -> memref<128x128xf32, #tpu.memory_space<hbm>>
          %dma_wait3A_577 = arith.constant 0 : i32
          %dma_wait3A_578 = arith.constant 0 : i32
          %dma_wait3A_579 = tpu.memref_slice %arg2[%dma_wait3A_577, %dma_wait3A_578] : memref<10240x128xf32, #tpu.memory_space<hbm>> -> memref<128x128xf32, #tpu.memory_space<hbm>>
          tpu.wait_dma2 semaphore(%arg31 : memref<!tpu.dma_semaphore, #tpu.memory_space<semaphore_mem>>) src(%dma_wait3A_579 : memref<128x128xf32, #tpu.memory_space<hbm>>) dst(%arg14 : memref<128x128xf32, #tpu.memory_space<vmem>>)
        } else {
        }
        %eq3A_564 = arith.constant 0 : i32
        %eq3A_565 = arith.cmpi eq, %arg0, %eq3A_564 : i32
        %convert_element_type3A_566 = arith.extui %eq3A_565 : i1 to i32
        %cond3A_567 = arith.constant 0 : i32
        %cond3A_568 = arith.cmpi ne, %convert_element_type3A_566, %cond3A_567 : i32
        scf.if %cond3A_568 {
          %dma_start3A_574 = arith.constant 4 : i32
          %dma_start3A_575 = arith.constant 0 : i32
          %dma_start3A_576 = tpu.memref_slice %arg12[%dma_start3A_574, %dma_start3A_575] : memref<8x128xi32, #tpu.memory_space<vmem>> -> memref<1x128xi32, #tpu.memory_space<vmem>>
          %dma_start3A_577 = tpu.memref_squeeze %dma_start3A_576 : memref<1x128xi32, #tpu.memory_space<vmem>> -> memref<128xi32, #tpu.memory_space<vmem>>
          %dma_start3A_578 = arith.constant 0 : i32
          %dma_start3A_579 = arith.constant 0 : i32
          %dma_start3A_580 = tpu.memref_slice %arg2[%dma_start3A_578, %dma_start3A_579] : memref<10240x128xf32, #tpu.memory_space<hbm>> -> memref<10240x128xf32, #tpu.memory_space<hbm>>
          tpu.enqueue_indirect_dma source(%dma_start3A_580 : memref<10240x128xf32, #tpu.memory_space<hbm>>) target(%arg14 : memref<128x128xf32, #tpu.memory_space<vmem>>) offsets(%dma_start3A_577 : memref<128xi32, #tpu.memory_space<vmem>>) semaphore(%arg29 : memref<!tpu.dma_semaphore, #tpu.memory_space<semaphore_mem>>)
        } else {
        }
        %eq3A_569 = arith.constant 1 : i32
        %eq3A_570 = arith.cmpi eq, %arg0, %eq3A_569 : i32
        %convert_element_type3A_571 = arith.extui %eq3A_570 : i1 to i32
        %cond3A_572 = arith.constant 0 : i32
        %cond3A_573 = arith.cmpi ne, %convert_element_type3A_571, %cond3A_572 : i32
        scf.if %cond3A_573 {
          %dma_start3A_574 = arith.constant 4 : i32
          %dma_start3A_575 = arith.constant 0 : i32
          %dma_start3A_576 = tpu.memref_slice %arg12[%dma_start3A_574, %dma_start3A_575] : memref<8x128xi32, #tpu.memory_space<vmem>> -> memref<1x128xi32, #tpu.memory_space<vmem>>
          %dma_start3A_577 = tpu.memref_squeeze %dma_start3A_576 : memref<1x128xi32, #tpu.memory_space<vmem>> -> memref<128xi32, #tpu.memory_space<vmem>>
          %dma_start3A_578 = arith.constant 0 : i32
          %dma_start3A_579 = arith.constant 0 : i32
          %dma_start3A_580 = tpu.memref_slice %arg3[%dma_start3A_578, %dma_start3A_579] : memref<10240x128xf32, #tpu.memory_space<hbm>> -> memref<10240x128xf32, #tpu.memory_space<hbm>>
          tpu.enqueue_indirect_dma source(%dma_start3A_580 : memref<10240x128xf32, #tpu.memory_space<hbm>>) target(%arg14 : memref<128x128xf32, #tpu.memory_space<vmem>>) offsets(%dma_start3A_577 : memref<128xi32, #tpu.memory_space<vmem>>) semaphore(%arg29 : memref<!tpu.dma_semaphore, #tpu.memory_space<semaphore_mem>>)
        } else {
        }
      } else {
      }
      %add3A_348 = arith.constant 2 : i32
      %add3A_349 = arith.addi %add3A_317, %add3A_348 : i32
      %lt3A_350 = arith.constant 160 : i32
      %lt3A_351 = arith.cmpi slt, %add3A_349, %lt3A_350 : i32
      %convert_element_type3A_352 = arith.extui %lt3A_351 : i1 to i32
      %cond3A_353 = arith.constant 0 : i32
      %cond3A_354 = arith.cmpi ne, %convert_element_type3A_352, %cond3A_353 : i32
      scf.if %cond3A_354 {
        %add3A_519 = arith.constant 2 : i32
        %add3A_520 = arith.addi %add3A_317, %add3A_519 : i32
        %dma_start3A_521 = arith.constant 5 : i32
        %dma_start3A_522 = arith.constant 0 : i32
        %dma_start3A_523 = tpu.memref_slice %arg12[%dma_start3A_521, %dma_start3A_522] : memref<8x128xi32, #tpu.memory_space<vmem>> -> memref<1x128xi32, #tpu.memory_space<vmem>>
        %dma_start3A_524 = tpu.memref_squeeze %dma_start3A_523 : memref<1x128xi32, #tpu.memory_space<vmem>> -> memref<128xi32, #tpu.memory_space<vmem>>
        %dma_start3A_525 = arith.constant 0 : i32
        %dma_start3A_526 = tpu.memref_slice %arg4[%arg1, %add3A_520, %dma_start3A_525] : memref<16x160x128xi32, #tpu.memory_space<hbm>> -> memref<1x1x128xi32, #tpu.memory_space<hbm>>
        %dma_start3A_527 = tpu.memref_squeeze %dma_start3A_526 : memref<1x1x128xi32, #tpu.memory_space<hbm>> -> memref<128xi32, #tpu.memory_space<hbm>>
        %dma_start3A_528 = arith.constant 0 : i32
        %dma_start3A_529 = tpu.memref_slice %arg12[%dma_start3A_521, %dma_start3A_528] : memref<8x128xi32, #tpu.memory_space<vmem>> -> memref<1x128xi32, #tpu.memory_space<vmem>>
        %dma_start3A_530 = tpu.memref_squeeze %dma_start3A_529 : memref<1x128xi32, #tpu.memory_space<vmem>> -> memref<128xi32, #tpu.memory_space<vmem>>
        %dma_start3A_531 = arith.constant 0 : i32
        %dma_start3A_532 = tpu.memref_slice %arg4[%arg1, %add3A_520, %dma_start3A_531] : memref<16x160x128xi32, #tpu.memory_space<hbm>> -> memref<1x1x128xi32, #tpu.memory_space<hbm>>
        %dma_start3A_533 = tpu.memref_squeeze %dma_start3A_532 : memref<1x1x128xi32, #tpu.memory_space<hbm>> -> memref<128xi32, #tpu.memory_space<hbm>>
        tpu.enqueue_dma source(%dma_start3A_533 : memref<128xi32, #tpu.memory_space<hbm>>) target(%dma_start3A_530 : memref<128xi32, #tpu.memory_space<vmem>>) target_semaphore(%arg26 : memref<!tpu.dma_semaphore, #tpu.memory_space<semaphore_mem>>)
        %dma_start3A_534 = arith.constant 5 : i32
        %dma_start3A_535 = arith.constant 0 : i32
        %dma_start3A_536 = tpu.memref_slice %arg13[%dma_start3A_534, %dma_start3A_535] : memref<8x128xi32, #tpu.memory_space<vmem>> -> memref<1x128xi32, #tpu.memory_space<vmem>>
        %dma_start3A_537 = tpu.memref_squeeze %dma_start3A_536 : memref<1x128xi32, #tpu.memory_space<vmem>> -> memref<128xi32, #tpu.memory_space<vmem>>
        %dma_start3A_538 = arith.constant 0 : i32
        %dma_start3A_539 = tpu.memref_slice %arg5[%arg1, %add3A_520, %dma_start3A_538] : memref<16x160x128xi32, #tpu.memory_space<hbm>> -> memref<1x1x128xi32, #tpu.memory_space<hbm>>
        %dma_start3A_540 = tpu.memref_squeeze %dma_start3A_539 : memref<1x1x128xi32, #tpu.memory_space<hbm>> -> memref<128xi32, #tpu.memory_space<hbm>>
        %dma_start3A_541 = arith.constant 0 : i32
        %dma_start3A_542 = tpu.memref_slice %arg13[%dma_start3A_534, %dma_start3A_541] : memref<8x128xi32, #tpu.memory_space<vmem>> -> memref<1x128xi32, #tpu.memory_space<vmem>>
        %dma_start3A_543 = tpu.memref_squeeze %dma_start3A_542 : memref<1x128xi32, #tpu.memory_space<vmem>> -> memref<128xi32, #tpu.memory_space<vmem>>
        %dma_start3A_544 = arith.constant 0 : i32
        %dma_start3A_545 = tpu.memref_slice %arg5[%arg1, %add3A_520, %dma_start3A_544] : memref<16x160x128xi32, #tpu.memory_space<hbm>> -> memref<1x1x128xi32, #tpu.memory_space<hbm>>
        %dma_start3A_546 = tpu.memref_squeeze %dma_start3A_545 : memref<1x1x128xi32, #tpu.memory_space<hbm>> -> memref<128xi32, #tpu.memory_space<hbm>>
        tpu.enqueue_dma source(%dma_start3A_546 : memref<128xi32, #tpu.memory_space<hbm>>) target(%dma_start3A_543 : memref<128xi32, #tpu.memory_space<vmem>>) target_semaphore(%arg26 : memref<!tpu.dma_semaphore, #tpu.memory_space<semaphore_mem>>)
      } else {
      }
      %mul3A_355 = arith.constant 8 : i32
      %mul3A_356 = arith.muli %add3A_193, %mul3A_355 : i32
      %add3A_357 = arith.constant 4 : i32
      %add3A_358 = arith.addi %mul3A_356, %add3A_357 : i32
      %dma_wait3A_359 = arith.constant 0 : i32
      %dma_wait3A_360 = arith.constant 0 : i32
      %dma_wait3A_361 = tpu.memref_slice %arg2[%dma_wait3A_359, %dma_wait3A_360] : memref<10240x128xf32, #tpu.memory_space<hbm>> -> memref<128x128xf32, #tpu.memory_space<hbm>>
      %dma_wait3A_362 = arith.constant 0 : i32
      %dma_wait3A_363 = arith.constant 0 : i32
      %dma_wait3A_364 = tpu.memref_slice %arg2[%dma_wait3A_362, %dma_wait3A_363] : memref<10240x128xf32, #tpu.memory_space<hbm>> -> memref<128x128xf32, #tpu.memory_space<hbm>>
      tpu.wait_dma2 semaphore(%arg29 : memref<!tpu.dma_semaphore, #tpu.memory_space<semaphore_mem>>) src(%dma_wait3A_364 : memref<128x128xf32, #tpu.memory_space<hbm>>) dst(%arg14 : memref<128x128xf32, #tpu.memory_space<vmem>>)
      %dma_start3A_365 = arith.constant 4 : i32
      %dma_start3A_366 = arith.constant 0 : i32
      %dma_start3A_367 = tpu.memref_slice %arg13[%dma_start3A_365, %dma_start3A_366] : memref<8x128xi32, #tpu.memory_space<vmem>> -> memref<1x128xi32, #tpu.memory_space<vmem>>
      %dma_start3A_368 = tpu.memref_squeeze %dma_start3A_367 : memref<1x128xi32, #tpu.memory_space<vmem>> -> memref<128xi32, #tpu.memory_space<vmem>>
      %dma_start3A_369 = arith.constant 0 : i32
      %dma_start3A_370 = arith.constant 0 : i32
      %dma_start3A_371 = tpu.memref_slice %arg19[%dma_start3A_369, %dma_start3A_370] : memref<10240x128xf32, #tpu.memory_space<vmem_shared>> -> memref<10240x128xf32, #tpu.memory_space<vmem_shared>>
      tpu.enqueue_indirect_dma source(%arg14 : memref<128x128xf32, #tpu.memory_space<vmem>>) target(%dma_start3A_371 : memref<10240x128xf32, #tpu.memory_space<vmem_shared>>) offsets(%dma_start3A_368 : memref<128xi32, #tpu.memory_space<vmem>>) semaphore(%arg31 : memref<!tpu.dma_semaphore, #tpu.memory_space<semaphore_mem>>) {add = true}
      %eq3A_372 = arith.constant 0 : i32
      %eq3A_373 = arith.cmpi eq, %arg0, %eq3A_372 : i32
      %lt3A_374 = arith.constant 80 : i32
      %lt3A_375 = arith.cmpi slt, %add3A_358, %lt3A_374 : i32
      %ge3A_376 = arith.constant 80 : i32
      %ge3A_377 = arith.cmpi sge, %add3A_358, %ge3A_376 : i32
      %select_n3A_378 = arith.select %eq3A_373, %lt3A_375, %ge3A_377 : i1
      %convert_element_type3A_379 = arith.extui %select_n3A_378 : i1 to i32
      %cond3A_380 = arith.constant 0 : i32
      %cond3A_381 = arith.cmpi ne, %convert_element_type3A_379, %cond3A_380 : i32
      scf.if %cond3A_381 {
        %dma_wait3A_519 = arith.constant 0 : i32
        %dma_wait3A_520 = tpu.memref_slice %arg7[%dma_wait3A_519] : memref<640xf32, #tpu.memory_space<hbm>> -> memref<128xf32, #tpu.memory_space<hbm>>
        %dma_wait3A_521 = arith.constant 0 : i32
        %dma_wait3A_522 = tpu.memref_slice %arg7[%dma_wait3A_521] : memref<640xf32, #tpu.memory_space<hbm>> -> memref<128xf32, #tpu.memory_space<hbm>>
        tpu.wait_dma2 semaphore(%arg33 : memref<!tpu.dma_semaphore, #tpu.memory_space<semaphore_mem>>) src(%dma_wait3A_522 : memref<128xf32, #tpu.memory_space<hbm>>) dst(%arg16 : memref<128xf32, #tpu.memory_space<vmem>>)
        %dma_start3A_523 = arith.constant 4 : i32
        %dma_start3A_524 = arith.constant 0 : i32
        %dma_start3A_525 = tpu.memref_slice %arg12[%dma_start3A_523, %dma_start3A_524] : memref<8x128xi32, #tpu.memory_space<vmem>> -> memref<1x128xi32, #tpu.memory_space<vmem>>
        %dma_start3A_526 = tpu.memref_squeeze %dma_start3A_525 : memref<1x128xi32, #tpu.memory_space<vmem>> -> memref<128xi32, #tpu.memory_space<vmem>>
        %dma_start3A_527 = arith.constant 0 : i32
        %dma_start3A_528 = tpu.memref_slice %arg20[%dma_start3A_527] : memref<10240xf32, #tpu.memory_space<vmem_shared>> -> memref<10240xf32, #tpu.memory_space<vmem_shared>>
        tpu.enqueue_indirect_dma source(%arg16 : memref<128xf32, #tpu.memory_space<vmem>>) target(%dma_start3A_528 : memref<10240xf32, #tpu.memory_space<vmem_shared>>) offsets(%dma_start3A_526 : memref<128xi32, #tpu.memory_space<vmem>>) semaphore(%arg35 : memref<!tpu.dma_semaphore, #tpu.memory_space<semaphore_mem>>) {add = true}
      } else {
      }
      %add3A_382 = arith.constant 1 : i32
      %add3A_383 = arith.addi %add3A_358, %add3A_382 : i32
      %lt3A_384 = arith.constant 160 : i32
      %lt3A_385 = arith.cmpi slt, %add3A_383, %lt3A_384 : i32
      %convert_element_type3A_386 = arith.extui %lt3A_385 : i1 to i32
      %cond3A_387 = arith.constant 0 : i32
      %cond3A_388 = arith.cmpi ne, %convert_element_type3A_386, %cond3A_387 : i32
      scf.if %cond3A_388 {
        %dma_wait3A_519 = arith.constant 0 : i32
        %dma_wait3A_520 = arith.constant 5 : i32
        %dma_wait3A_521 = arith.constant 0 : i32
        %dma_wait3A_522 = tpu.memref_slice %arg12[%dma_wait3A_520, %dma_wait3A_521] : memref<8x128xi32, #tpu.memory_space<vmem>> -> memref<1x128xi32, #tpu.memory_space<vmem>>
        %dma_wait3A_523 = tpu.memref_squeeze %dma_wait3A_522 : memref<1x128xi32, #tpu.memory_space<vmem>> -> memref<128xi32, #tpu.memory_space<vmem>>
        %dma_wait3A_524 = arith.constant 0 : i32
        %dma_wait3A_525 = tpu.memref_slice %arg4[%arg1, %dma_wait3A_519, %dma_wait3A_524] : memref<16x160x128xi32, #tpu.memory_space<hbm>> -> memref<1x1x128xi32, #tpu.memory_space<hbm>>
        %dma_wait3A_526 = tpu.memref_squeeze %dma_wait3A_525 : memref<1x1x128xi32, #tpu.memory_space<hbm>> -> memref<128xi32, #tpu.memory_space<hbm>>
        %dma_wait3A_527 = arith.constant 0 : i32
        %dma_wait3A_528 = tpu.memref_slice %arg12[%dma_wait3A_520, %dma_wait3A_527] : memref<8x128xi32, #tpu.memory_space<vmem>> -> memref<1x128xi32, #tpu.memory_space<vmem>>
        %dma_wait3A_529 = tpu.memref_squeeze %dma_wait3A_528 : memref<1x128xi32, #tpu.memory_space<vmem>> -> memref<128xi32, #tpu.memory_space<vmem>>
        %dma_wait3A_530 = arith.constant 0 : i32
        %dma_wait3A_531 = tpu.memref_slice %arg4[%arg1, %dma_wait3A_519, %dma_wait3A_530] : memref<16x160x128xi32, #tpu.memory_space<hbm>> -> memref<1x1x128xi32, #tpu.memory_space<hbm>>
        %dma_wait3A_532 = tpu.memref_squeeze %dma_wait3A_531 : memref<1x1x128xi32, #tpu.memory_space<hbm>> -> memref<128xi32, #tpu.memory_space<hbm>>
        tpu.wait_dma2 semaphore(%arg26 : memref<!tpu.dma_semaphore, #tpu.memory_space<semaphore_mem>>) src(%dma_wait3A_532 : memref<128xi32, #tpu.memory_space<hbm>>) dst(%dma_wait3A_529 : memref<128xi32, #tpu.memory_space<vmem>>)
        %dma_wait3A_533 = arith.constant 0 : i32
        %dma_wait3A_534 = arith.constant 5 : i32
        %dma_wait3A_535 = arith.constant 0 : i32
        %dma_wait3A_536 = tpu.memref_slice %arg13[%dma_wait3A_534, %dma_wait3A_535] : memref<8x128xi32, #tpu.memory_space<vmem>> -> memref<1x128xi32, #tpu.memory_space<vmem>>
        %dma_wait3A_537 = tpu.memref_squeeze %dma_wait3A_536 : memref<1x128xi32, #tpu.memory_space<vmem>> -> memref<128xi32, #tpu.memory_space<vmem>>
        %dma_wait3A_538 = arith.constant 0 : i32
        %dma_wait3A_539 = tpu.memref_slice %arg4[%arg1, %dma_wait3A_533, %dma_wait3A_538] : memref<16x160x128xi32, #tpu.memory_space<hbm>> -> memref<1x1x128xi32, #tpu.memory_space<hbm>>
        %dma_wait3A_540 = tpu.memref_squeeze %dma_wait3A_539 : memref<1x1x128xi32, #tpu.memory_space<hbm>> -> memref<128xi32, #tpu.memory_space<hbm>>
        %dma_wait3A_541 = arith.constant 0 : i32
        %dma_wait3A_542 = tpu.memref_slice %arg13[%dma_wait3A_534, %dma_wait3A_541] : memref<8x128xi32, #tpu.memory_space<vmem>> -> memref<1x128xi32, #tpu.memory_space<vmem>>
        %dma_wait3A_543 = tpu.memref_squeeze %dma_wait3A_542 : memref<1x128xi32, #tpu.memory_space<vmem>> -> memref<128xi32, #tpu.memory_space<vmem>>
        %dma_wait3A_544 = arith.constant 0 : i32
        %dma_wait3A_545 = tpu.memref_slice %arg4[%arg1, %dma_wait3A_533, %dma_wait3A_544] : memref<16x160x128xi32, #tpu.memory_space<hbm>> -> memref<1x1x128xi32, #tpu.memory_space<hbm>>
        %dma_wait3A_546 = tpu.memref_squeeze %dma_wait3A_545 : memref<1x1x128xi32, #tpu.memory_space<hbm>> -> memref<128xi32, #tpu.memory_space<hbm>>
        tpu.wait_dma2 semaphore(%arg26 : memref<!tpu.dma_semaphore, #tpu.memory_space<semaphore_mem>>) src(%dma_wait3A_546 : memref<128xi32, #tpu.memory_space<hbm>>) dst(%dma_wait3A_543 : memref<128xi32, #tpu.memory_space<vmem>>)
        %add3A_547 = arith.constant 1 : i32
        %add3A_548 = arith.addi %add3A_358, %add3A_547 : i32
        %eq3A_549 = arith.constant 0 : i32
        %eq3A_550 = arith.cmpi eq, %arg0, %eq3A_549 : i32
        %lt3A_551 = arith.constant 80 : i32
        %lt3A_552 = arith.cmpi slt, %add3A_548, %lt3A_551 : i32
        %ge3A_553 = arith.constant 80 : i32
        %ge3A_554 = arith.cmpi sge, %add3A_548, %ge3A_553 : i32
        %select_n3A_555 = arith.select %eq3A_550, %lt3A_552, %ge3A_554 : i1
        %convert_element_type3A_556 = arith.extui %select_n3A_555 : i1 to i32
        %cond3A_557 = arith.constant 0 : i32
        %cond3A_558 = arith.cmpi ne, %convert_element_type3A_556, %cond3A_557 : i32
        scf.if %cond3A_558 {
          %eq3A_574 = arith.constant 0 : i32
          %eq3A_575 = arith.cmpi eq, %arg0, %eq3A_574 : i32
          %ge3A_576 = arith.constant 1 : i32
          %ge3A_577 = arith.cmpi sge, %add3A_358, %ge3A_576 : i32
          %ge3A_578 = arith.constant 81 : i32
          %ge3A_579 = arith.cmpi sge, %add3A_358, %ge3A_578 : i32
          %select_n3A_580 = arith.select %eq3A_575, %ge3A_577, %ge3A_579 : i1
          %convert_element_type3A_581 = arith.extui %select_n3A_580 : i1 to i32
          %cond3A_582 = arith.constant 0 : i32
          %cond3A_583 = arith.cmpi ne, %convert_element_type3A_581, %cond3A_582 : i32
          scf.if %cond3A_583 {
            %dma_wait3A_590 = arith.constant 0 : i32
            %dma_wait3A_591 = tpu.memref_slice %arg7[%dma_wait3A_590] : memref<640xf32, #tpu.memory_space<hbm>> -> memref<128xf32, #tpu.memory_space<hbm>>
            %dma_wait3A_592 = arith.constant 0 : i32
            %dma_wait3A_593 = tpu.memref_slice %arg7[%dma_wait3A_592] : memref<640xf32, #tpu.memory_space<hbm>> -> memref<128xf32, #tpu.memory_space<hbm>>
            tpu.wait_dma2 semaphore(%arg36 : memref<!tpu.dma_semaphore, #tpu.memory_space<semaphore_mem>>) src(%dma_wait3A_593 : memref<128xf32, #tpu.memory_space<hbm>>) dst(%arg17 : memref<128xf32, #tpu.memory_space<vmem>>)
          } else {
          }
          %dma_start3A_584 = arith.constant 5 : i32
          %dma_start3A_585 = arith.constant 0 : i32
          %dma_start3A_586 = tpu.memref_slice %arg13[%dma_start3A_584, %dma_start3A_585] : memref<8x128xi32, #tpu.memory_space<vmem>> -> memref<1x128xi32, #tpu.memory_space<vmem>>
          %dma_start3A_587 = tpu.memref_squeeze %dma_start3A_586 : memref<1x128xi32, #tpu.memory_space<vmem>> -> memref<128xi32, #tpu.memory_space<vmem>>
          %dma_start3A_588 = arith.constant 0 : i32
          %dma_start3A_589 = tpu.memref_slice %arg6[%dma_start3A_588] : memref<10240xf32, #tpu.memory_space<hbm>> -> memref<10240xf32, #tpu.memory_space<hbm>>
          tpu.enqueue_indirect_dma source(%dma_start3A_589 : memref<10240xf32, #tpu.memory_space<hbm>>) target(%arg17 : memref<128xf32, #tpu.memory_space<vmem>>) offsets(%dma_start3A_587 : memref<128xi32, #tpu.memory_space<vmem>>) semaphore(%arg34 : memref<!tpu.dma_semaphore, #tpu.memory_space<semaphore_mem>>)
        } else {
        }
        %ge3A_559 = arith.constant 1 : i32
        %ge3A_560 = arith.cmpi sge, %add3A_358, %ge3A_559 : i32
        %convert_element_type3A_561 = arith.extui %ge3A_560 : i1 to i32
        %cond3A_562 = arith.constant 0 : i32
        %cond3A_563 = arith.cmpi ne, %convert_element_type3A_561, %cond3A_562 : i32
        scf.if %cond3A_563 {
          %dma_wait3A_574 = arith.constant 0 : i32
          %dma_wait3A_575 = arith.constant 0 : i32
          %dma_wait3A_576 = tpu.memref_slice %arg2[%dma_wait3A_574, %dma_wait3A_575] : memref<10240x128xf32, #tpu.memory_space<hbm>> -> memref<128x128xf32, #tpu.memory_space<hbm>>
          %dma_wait3A_577 = arith.constant 0 : i32
          %dma_wait3A_578 = arith.constant 0 : i32
          %dma_wait3A_579 = tpu.memref_slice %arg2[%dma_wait3A_577, %dma_wait3A_578] : memref<10240x128xf32, #tpu.memory_space<hbm>> -> memref<128x128xf32, #tpu.memory_space<hbm>>
          tpu.wait_dma2 semaphore(%arg32 : memref<!tpu.dma_semaphore, #tpu.memory_space<semaphore_mem>>) src(%dma_wait3A_579 : memref<128x128xf32, #tpu.memory_space<hbm>>) dst(%arg14 : memref<128x128xf32, #tpu.memory_space<vmem>>)
        } else {
        }
        %eq3A_564 = arith.constant 0 : i32
        %eq3A_565 = arith.cmpi eq, %arg0, %eq3A_564 : i32
        %convert_element_type3A_566 = arith.extui %eq3A_565 : i1 to i32
        %cond3A_567 = arith.constant 0 : i32
        %cond3A_568 = arith.cmpi ne, %convert_element_type3A_566, %cond3A_567 : i32
        scf.if %cond3A_568 {
          %dma_start3A_574 = arith.constant 5 : i32
          %dma_start3A_575 = arith.constant 0 : i32
          %dma_start3A_576 = tpu.memref_slice %arg12[%dma_start3A_574, %dma_start3A_575] : memref<8x128xi32, #tpu.memory_space<vmem>> -> memref<1x128xi32, #tpu.memory_space<vmem>>
          %dma_start3A_577 = tpu.memref_squeeze %dma_start3A_576 : memref<1x128xi32, #tpu.memory_space<vmem>> -> memref<128xi32, #tpu.memory_space<vmem>>
          %dma_start3A_578 = arith.constant 0 : i32
          %dma_start3A_579 = arith.constant 0 : i32
          %dma_start3A_580 = tpu.memref_slice %arg2[%dma_start3A_578, %dma_start3A_579] : memref<10240x128xf32, #tpu.memory_space<hbm>> -> memref<10240x128xf32, #tpu.memory_space<hbm>>
          tpu.enqueue_indirect_dma source(%dma_start3A_580 : memref<10240x128xf32, #tpu.memory_space<hbm>>) target(%arg15 : memref<128x128xf32, #tpu.memory_space<vmem>>) offsets(%dma_start3A_577 : memref<128xi32, #tpu.memory_space<vmem>>) semaphore(%arg30 : memref<!tpu.dma_semaphore, #tpu.memory_space<semaphore_mem>>)
        } else {
        }
        %eq3A_569 = arith.constant 1 : i32
        %eq3A_570 = arith.cmpi eq, %arg0, %eq3A_569 : i32
        %convert_element_type3A_571 = arith.extui %eq3A_570 : i1 to i32
        %cond3A_572 = arith.constant 0 : i32
        %cond3A_573 = arith.cmpi ne, %convert_element_type3A_571, %cond3A_572 : i32
        scf.if %cond3A_573 {
          %dma_start3A_574 = arith.constant 5 : i32
          %dma_start3A_575 = arith.constant 0 : i32
          %dma_start3A_576 = tpu.memref_slice %arg12[%dma_start3A_574, %dma_start3A_575] : memref<8x128xi32, #tpu.memory_space<vmem>> -> memref<1x128xi32, #tpu.memory_space<vmem>>
          %dma_start3A_577 = tpu.memref_squeeze %dma_start3A_576 : memref<1x128xi32, #tpu.memory_space<vmem>> -> memref<128xi32, #tpu.memory_space<vmem>>
          %dma_start3A_578 = arith.constant 0 : i32
          %dma_start3A_579 = arith.constant 0 : i32
          %dma_start3A_580 = tpu.memref_slice %arg3[%dma_start3A_578, %dma_start3A_579] : memref<10240x128xf32, #tpu.memory_space<hbm>> -> memref<10240x128xf32, #tpu.memory_space<hbm>>
          tpu.enqueue_indirect_dma source(%dma_start3A_580 : memref<10240x128xf32, #tpu.memory_space<hbm>>) target(%arg15 : memref<128x128xf32, #tpu.memory_space<vmem>>) offsets(%dma_start3A_577 : memref<128xi32, #tpu.memory_space<vmem>>) semaphore(%arg30 : memref<!tpu.dma_semaphore, #tpu.memory_space<semaphore_mem>>)
        } else {
        }
      } else {
      }
      %add3A_389 = arith.constant 2 : i32
      %add3A_390 = arith.addi %add3A_358, %add3A_389 : i32
      %lt3A_391 = arith.constant 160 : i32
      %lt3A_392 = arith.cmpi slt, %add3A_390, %lt3A_391 : i32
      %convert_element_type3A_393 = arith.extui %lt3A_392 : i1 to i32
      %cond3A_394 = arith.constant 0 : i32
      %cond3A_395 = arith.cmpi ne, %convert_element_type3A_393, %cond3A_394 : i32
      scf.if %cond3A_395 {
        %add3A_519 = arith.constant 2 : i32
        %add3A_520 = arith.addi %add3A_358, %add3A_519 : i32
        %dma_start3A_521 = arith.constant 6 : i32
        %dma_start3A_522 = arith.constant 0 : i32
        %dma_start3A_523 = tpu.memref_slice %arg12[%dma_start3A_521, %dma_start3A_522] : memref<8x128xi32, #tpu.memory_space<vmem>> -> memref<1x128xi32, #tpu.memory_space<vmem>>
        %dma_start3A_524 = tpu.memref_squeeze %dma_start3A_523 : memref<1x128xi32, #tpu.memory_space<vmem>> -> memref<128xi32, #tpu.memory_space<vmem>>
        %dma_start3A_525 = arith.constant 0 : i32
        %dma_start3A_526 = tpu.memref_slice %arg4[%arg1, %add3A_520, %dma_start3A_525] : memref<16x160x128xi32, #tpu.memory_space<hbm>> -> memref<1x1x128xi32, #tpu.memory_space<hbm>>
        %dma_start3A_527 = tpu.memref_squeeze %dma_start3A_526 : memref<1x1x128xi32, #tpu.memory_space<hbm>> -> memref<128xi32, #tpu.memory_space<hbm>>
        %dma_start3A_528 = arith.constant 0 : i32
        %dma_start3A_529 = tpu.memref_slice %arg12[%dma_start3A_521, %dma_start3A_528] : memref<8x128xi32, #tpu.memory_space<vmem>> -> memref<1x128xi32, #tpu.memory_space<vmem>>
        %dma_start3A_530 = tpu.memref_squeeze %dma_start3A_529 : memref<1x128xi32, #tpu.memory_space<vmem>> -> memref<128xi32, #tpu.memory_space<vmem>>
        %dma_start3A_531 = arith.constant 0 : i32
        %dma_start3A_532 = tpu.memref_slice %arg4[%arg1, %add3A_520, %dma_start3A_531] : memref<16x160x128xi32, #tpu.memory_space<hbm>> -> memref<1x1x128xi32, #tpu.memory_space<hbm>>
        %dma_start3A_533 = tpu.memref_squeeze %dma_start3A_532 : memref<1x1x128xi32, #tpu.memory_space<hbm>> -> memref<128xi32, #tpu.memory_space<hbm>>
        tpu.enqueue_dma source(%dma_start3A_533 : memref<128xi32, #tpu.memory_space<hbm>>) target(%dma_start3A_530 : memref<128xi32, #tpu.memory_space<vmem>>) target_semaphore(%arg27 : memref<!tpu.dma_semaphore, #tpu.memory_space<semaphore_mem>>)
        %dma_start3A_534 = arith.constant 6 : i32
        %dma_start3A_535 = arith.constant 0 : i32
        %dma_start3A_536 = tpu.memref_slice %arg13[%dma_start3A_534, %dma_start3A_535] : memref<8x128xi32, #tpu.memory_space<vmem>> -> memref<1x128xi32, #tpu.memory_space<vmem>>
        %dma_start3A_537 = tpu.memref_squeeze %dma_start3A_536 : memref<1x128xi32, #tpu.memory_space<vmem>> -> memref<128xi32, #tpu.memory_space<vmem>>
        %dma_start3A_538 = arith.constant 0 : i32
        %dma_start3A_539 = tpu.memref_slice %arg5[%arg1, %add3A_520, %dma_start3A_538] : memref<16x160x128xi32, #tpu.memory_space<hbm>> -> memref<1x1x128xi32, #tpu.memory_space<hbm>>
        %dma_start3A_540 = tpu.memref_squeeze %dma_start3A_539 : memref<1x1x128xi32, #tpu.memory_space<hbm>> -> memref<128xi32, #tpu.memory_space<hbm>>
        %dma_start3A_541 = arith.constant 0 : i32
        %dma_start3A_542 = tpu.memref_slice %arg13[%dma_start3A_534, %dma_start3A_541] : memref<8x128xi32, #tpu.memory_space<vmem>> -> memref<1x128xi32, #tpu.memory_space<vmem>>
        %dma_start3A_543 = tpu.memref_squeeze %dma_start3A_542 : memref<1x128xi32, #tpu.memory_space<vmem>> -> memref<128xi32, #tpu.memory_space<vmem>>
        %dma_start3A_544 = arith.constant 0 : i32
        %dma_start3A_545 = tpu.memref_slice %arg5[%arg1, %add3A_520, %dma_start3A_544] : memref<16x160x128xi32, #tpu.memory_space<hbm>> -> memref<1x1x128xi32, #tpu.memory_space<hbm>>
        %dma_start3A_546 = tpu.memref_squeeze %dma_start3A_545 : memref<1x1x128xi32, #tpu.memory_space<hbm>> -> memref<128xi32, #tpu.memory_space<hbm>>
        tpu.enqueue_dma source(%dma_start3A_546 : memref<128xi32, #tpu.memory_space<hbm>>) target(%dma_start3A_543 : memref<128xi32, #tpu.memory_space<vmem>>) target_semaphore(%arg27 : memref<!tpu.dma_semaphore, #tpu.memory_space<semaphore_mem>>)
      } else {
      }
      %mul3A_396 = arith.constant 8 : i32
      %mul3A_397 = arith.muli %add3A_193, %mul3A_396 : i32
      %add3A_398 = arith.constant 5 : i32
      %add3A_399 = arith.addi %mul3A_397, %add3A_398 : i32
      %dma_wait3A_400 = arith.constant 0 : i32
      %dma_wait3A_401 = arith.constant 0 : i32
      %dma_wait3A_402 = tpu.memref_slice %arg2[%dma_wait3A_400, %dma_wait3A_401] : memref<10240x128xf32, #tpu.memory_space<hbm>> -> memref<128x128xf32, #tpu.memory_space<hbm>>
      %dma_wait3A_403 = arith.constant 0 : i32
      %dma_wait3A_404 = arith.constant 0 : i32
      %dma_wait3A_405 = tpu.memref_slice %arg2[%dma_wait3A_403, %dma_wait3A_404] : memref<10240x128xf32, #tpu.memory_space<hbm>> -> memref<128x128xf32, #tpu.memory_space<hbm>>
      tpu.wait_dma2 semaphore(%arg30 : memref<!tpu.dma_semaphore, #tpu.memory_space<semaphore_mem>>) src(%dma_wait3A_405 : memref<128x128xf32, #tpu.memory_space<hbm>>) dst(%arg14 : memref<128x128xf32, #tpu.memory_space<vmem>>)
      %dma_start3A_406 = arith.constant 5 : i32
      %dma_start3A_407 = arith.constant 0 : i32
      %dma_start3A_408 = tpu.memref_slice %arg13[%dma_start3A_406, %dma_start3A_407] : memref<8x128xi32, #tpu.memory_space<vmem>> -> memref<1x128xi32, #tpu.memory_space<vmem>>
      %dma_start3A_409 = tpu.memref_squeeze %dma_start3A_408 : memref<1x128xi32, #tpu.memory_space<vmem>> -> memref<128xi32, #tpu.memory_space<vmem>>
      %dma_start3A_410 = arith.constant 0 : i32
      %dma_start3A_411 = arith.constant 0 : i32
      %dma_start3A_412 = tpu.memref_slice %arg19[%dma_start3A_410, %dma_start3A_411] : memref<10240x128xf32, #tpu.memory_space<vmem_shared>> -> memref<10240x128xf32, #tpu.memory_space<vmem_shared>>
      tpu.enqueue_indirect_dma source(%arg15 : memref<128x128xf32, #tpu.memory_space<vmem>>) target(%dma_start3A_412 : memref<10240x128xf32, #tpu.memory_space<vmem_shared>>) offsets(%dma_start3A_409 : memref<128xi32, #tpu.memory_space<vmem>>) semaphore(%arg32 : memref<!tpu.dma_semaphore, #tpu.memory_space<semaphore_mem>>) {add = true}
      %eq3A_413 = arith.constant 0 : i32
      %eq3A_414 = arith.cmpi eq, %arg0, %eq3A_413 : i32
      %lt3A_415 = arith.constant 80 : i32
      %lt3A_416 = arith.cmpi slt, %add3A_399, %lt3A_415 : i32
      %ge3A_417 = arith.constant 80 : i32
      %ge3A_418 = arith.cmpi sge, %add3A_399, %ge3A_417 : i32
      %select_n3A_419 = arith.select %eq3A_414, %lt3A_416, %ge3A_418 : i1
      %convert_element_type3A_420 = arith.extui %select_n3A_419 : i1 to i32
      %cond3A_421 = arith.constant 0 : i32
      %cond3A_422 = arith.cmpi ne, %convert_element_type3A_420, %cond3A_421 : i32
      scf.if %cond3A_422 {
        %dma_wait3A_519 = arith.constant 0 : i32
        %dma_wait3A_520 = tpu.memref_slice %arg7[%dma_wait3A_519] : memref<640xf32, #tpu.memory_space<hbm>> -> memref<128xf32, #tpu.memory_space<hbm>>
        %dma_wait3A_521 = arith.constant 0 : i32
        %dma_wait3A_522 = tpu.memref_slice %arg7[%dma_wait3A_521] : memref<640xf32, #tpu.memory_space<hbm>> -> memref<128xf32, #tpu.memory_space<hbm>>
        tpu.wait_dma2 semaphore(%arg34 : memref<!tpu.dma_semaphore, #tpu.memory_space<semaphore_mem>>) src(%dma_wait3A_522 : memref<128xf32, #tpu.memory_space<hbm>>) dst(%arg17 : memref<128xf32, #tpu.memory_space<vmem>>)
        %dma_start3A_523 = arith.constant 5 : i32
        %dma_start3A_524 = arith.constant 0 : i32
        %dma_start3A_525 = tpu.memref_slice %arg12[%dma_start3A_523, %dma_start3A_524] : memref<8x128xi32, #tpu.memory_space<vmem>> -> memref<1x128xi32, #tpu.memory_space<vmem>>
        %dma_start3A_526 = tpu.memref_squeeze %dma_start3A_525 : memref<1x128xi32, #tpu.memory_space<vmem>> -> memref<128xi32, #tpu.memory_space<vmem>>
        %dma_start3A_527 = arith.constant 0 : i32
        %dma_start3A_528 = tpu.memref_slice %arg20[%dma_start3A_527] : memref<10240xf32, #tpu.memory_space<vmem_shared>> -> memref<10240xf32, #tpu.memory_space<vmem_shared>>
        tpu.enqueue_indirect_dma source(%arg17 : memref<128xf32, #tpu.memory_space<vmem>>) target(%dma_start3A_528 : memref<10240xf32, #tpu.memory_space<vmem_shared>>) offsets(%dma_start3A_526 : memref<128xi32, #tpu.memory_space<vmem>>) semaphore(%arg36 : memref<!tpu.dma_semaphore, #tpu.memory_space<semaphore_mem>>) {add = true}
      } else {
      }
      %add3A_423 = arith.constant 1 : i32
      %add3A_424 = arith.addi %add3A_399, %add3A_423 : i32
      %lt3A_425 = arith.constant 160 : i32
      %lt3A_426 = arith.cmpi slt, %add3A_424, %lt3A_425 : i32
      %convert_element_type3A_427 = arith.extui %lt3A_426 : i1 to i32
      %cond3A_428 = arith.constant 0 : i32
      %cond3A_429 = arith.cmpi ne, %convert_element_type3A_427, %cond3A_428 : i32
      scf.if %cond3A_429 {
        %dma_wait3A_519 = arith.constant 0 : i32
        %dma_wait3A_520 = arith.constant 6 : i32
        %dma_wait3A_521 = arith.constant 0 : i32
        %dma_wait3A_522 = tpu.memref_slice %arg12[%dma_wait3A_520, %dma_wait3A_521] : memref<8x128xi32, #tpu.memory_space<vmem>> -> memref<1x128xi32, #tpu.memory_space<vmem>>
        %dma_wait3A_523 = tpu.memref_squeeze %dma_wait3A_522 : memref<1x128xi32, #tpu.memory_space<vmem>> -> memref<128xi32, #tpu.memory_space<vmem>>
        %dma_wait3A_524 = arith.constant 0 : i32
        %dma_wait3A_525 = tpu.memref_slice %arg4[%arg1, %dma_wait3A_519, %dma_wait3A_524] : memref<16x160x128xi32, #tpu.memory_space<hbm>> -> memref<1x1x128xi32, #tpu.memory_space<hbm>>
        %dma_wait3A_526 = tpu.memref_squeeze %dma_wait3A_525 : memref<1x1x128xi32, #tpu.memory_space<hbm>> -> memref<128xi32, #tpu.memory_space<hbm>>
        %dma_wait3A_527 = arith.constant 0 : i32
        %dma_wait3A_528 = tpu.memref_slice %arg12[%dma_wait3A_520, %dma_wait3A_527] : memref<8x128xi32, #tpu.memory_space<vmem>> -> memref<1x128xi32, #tpu.memory_space<vmem>>
        %dma_wait3A_529 = tpu.memref_squeeze %dma_wait3A_528 : memref<1x128xi32, #tpu.memory_space<vmem>> -> memref<128xi32, #tpu.memory_space<vmem>>
        %dma_wait3A_530 = arith.constant 0 : i32
        %dma_wait3A_531 = tpu.memref_slice %arg4[%arg1, %dma_wait3A_519, %dma_wait3A_530] : memref<16x160x128xi32, #tpu.memory_space<hbm>> -> memref<1x1x128xi32, #tpu.memory_space<hbm>>
        %dma_wait3A_532 = tpu.memref_squeeze %dma_wait3A_531 : memref<1x1x128xi32, #tpu.memory_space<hbm>> -> memref<128xi32, #tpu.memory_space<hbm>>
        tpu.wait_dma2 semaphore(%arg27 : memref<!tpu.dma_semaphore, #tpu.memory_space<semaphore_mem>>) src(%dma_wait3A_532 : memref<128xi32, #tpu.memory_space<hbm>>) dst(%dma_wait3A_529 : memref<128xi32, #tpu.memory_space<vmem>>)
        %dma_wait3A_533 = arith.constant 0 : i32
        %dma_wait3A_534 = arith.constant 6 : i32
        %dma_wait3A_535 = arith.constant 0 : i32
        %dma_wait3A_536 = tpu.memref_slice %arg13[%dma_wait3A_534, %dma_wait3A_535] : memref<8x128xi32, #tpu.memory_space<vmem>> -> memref<1x128xi32, #tpu.memory_space<vmem>>
        %dma_wait3A_537 = tpu.memref_squeeze %dma_wait3A_536 : memref<1x128xi32, #tpu.memory_space<vmem>> -> memref<128xi32, #tpu.memory_space<vmem>>
        %dma_wait3A_538 = arith.constant 0 : i32
        %dma_wait3A_539 = tpu.memref_slice %arg4[%arg1, %dma_wait3A_533, %dma_wait3A_538] : memref<16x160x128xi32, #tpu.memory_space<hbm>> -> memref<1x1x128xi32, #tpu.memory_space<hbm>>
        %dma_wait3A_540 = tpu.memref_squeeze %dma_wait3A_539 : memref<1x1x128xi32, #tpu.memory_space<hbm>> -> memref<128xi32, #tpu.memory_space<hbm>>
        %dma_wait3A_541 = arith.constant 0 : i32
        %dma_wait3A_542 = tpu.memref_slice %arg13[%dma_wait3A_534, %dma_wait3A_541] : memref<8x128xi32, #tpu.memory_space<vmem>> -> memref<1x128xi32, #tpu.memory_space<vmem>>
        %dma_wait3A_543 = tpu.memref_squeeze %dma_wait3A_542 : memref<1x128xi32, #tpu.memory_space<vmem>> -> memref<128xi32, #tpu.memory_space<vmem>>
        %dma_wait3A_544 = arith.constant 0 : i32
        %dma_wait3A_545 = tpu.memref_slice %arg4[%arg1, %dma_wait3A_533, %dma_wait3A_544] : memref<16x160x128xi32, #tpu.memory_space<hbm>> -> memref<1x1x128xi32, #tpu.memory_space<hbm>>
        %dma_wait3A_546 = tpu.memref_squeeze %dma_wait3A_545 : memref<1x1x128xi32, #tpu.memory_space<hbm>> -> memref<128xi32, #tpu.memory_space<hbm>>
        tpu.wait_dma2 semaphore(%arg27 : memref<!tpu.dma_semaphore, #tpu.memory_space<semaphore_mem>>) src(%dma_wait3A_546 : memref<128xi32, #tpu.memory_space<hbm>>) dst(%dma_wait3A_543 : memref<128xi32, #tpu.memory_space<vmem>>)
        %add3A_547 = arith.constant 1 : i32
        %add3A_548 = arith.addi %add3A_399, %add3A_547 : i32
        %eq3A_549 = arith.constant 0 : i32
        %eq3A_550 = arith.cmpi eq, %arg0, %eq3A_549 : i32
        %lt3A_551 = arith.constant 80 : i32
        %lt3A_552 = arith.cmpi slt, %add3A_548, %lt3A_551 : i32
        %ge3A_553 = arith.constant 80 : i32
        %ge3A_554 = arith.cmpi sge, %add3A_548, %ge3A_553 : i32
        %select_n3A_555 = arith.select %eq3A_550, %lt3A_552, %ge3A_554 : i1
        %convert_element_type3A_556 = arith.extui %select_n3A_555 : i1 to i32
        %cond3A_557 = arith.constant 0 : i32
        %cond3A_558 = arith.cmpi ne, %convert_element_type3A_556, %cond3A_557 : i32
        scf.if %cond3A_558 {
          %eq3A_574 = arith.constant 0 : i32
          %eq3A_575 = arith.cmpi eq, %arg0, %eq3A_574 : i32
          %ge3A_576 = arith.constant 1 : i32
          %ge3A_577 = arith.cmpi sge, %add3A_399, %ge3A_576 : i32
          %ge3A_578 = arith.constant 81 : i32
          %ge3A_579 = arith.cmpi sge, %add3A_399, %ge3A_578 : i32
          %select_n3A_580 = arith.select %eq3A_575, %ge3A_577, %ge3A_579 : i1
          %convert_element_type3A_581 = arith.extui %select_n3A_580 : i1 to i32
          %cond3A_582 = arith.constant 0 : i32
          %cond3A_583 = arith.cmpi ne, %convert_element_type3A_581, %cond3A_582 : i32
          scf.if %cond3A_583 {
            %dma_wait3A_590 = arith.constant 0 : i32
            %dma_wait3A_591 = tpu.memref_slice %arg7[%dma_wait3A_590] : memref<640xf32, #tpu.memory_space<hbm>> -> memref<128xf32, #tpu.memory_space<hbm>>
            %dma_wait3A_592 = arith.constant 0 : i32
            %dma_wait3A_593 = tpu.memref_slice %arg7[%dma_wait3A_592] : memref<640xf32, #tpu.memory_space<hbm>> -> memref<128xf32, #tpu.memory_space<hbm>>
            tpu.wait_dma2 semaphore(%arg35 : memref<!tpu.dma_semaphore, #tpu.memory_space<semaphore_mem>>) src(%dma_wait3A_593 : memref<128xf32, #tpu.memory_space<hbm>>) dst(%arg16 : memref<128xf32, #tpu.memory_space<vmem>>)
          } else {
          }
          %dma_start3A_584 = arith.constant 6 : i32
          %dma_start3A_585 = arith.constant 0 : i32
          %dma_start3A_586 = tpu.memref_slice %arg13[%dma_start3A_584, %dma_start3A_585] : memref<8x128xi32, #tpu.memory_space<vmem>> -> memref<1x128xi32, #tpu.memory_space<vmem>>
          %dma_start3A_587 = tpu.memref_squeeze %dma_start3A_586 : memref<1x128xi32, #tpu.memory_space<vmem>> -> memref<128xi32, #tpu.memory_space<vmem>>
          %dma_start3A_588 = arith.constant 0 : i32
          %dma_start3A_589 = tpu.memref_slice %arg6[%dma_start3A_588] : memref<10240xf32, #tpu.memory_space<hbm>> -> memref<10240xf32, #tpu.memory_space<hbm>>
          tpu.enqueue_indirect_dma source(%dma_start3A_589 : memref<10240xf32, #tpu.memory_space<hbm>>) target(%arg16 : memref<128xf32, #tpu.memory_space<vmem>>) offsets(%dma_start3A_587 : memref<128xi32, #tpu.memory_space<vmem>>) semaphore(%arg33 : memref<!tpu.dma_semaphore, #tpu.memory_space<semaphore_mem>>)
        } else {
        }
        %ge3A_559 = arith.constant 1 : i32
        %ge3A_560 = arith.cmpi sge, %add3A_399, %ge3A_559 : i32
        %convert_element_type3A_561 = arith.extui %ge3A_560 : i1 to i32
        %cond3A_562 = arith.constant 0 : i32
        %cond3A_563 = arith.cmpi ne, %convert_element_type3A_561, %cond3A_562 : i32
        scf.if %cond3A_563 {
          %dma_wait3A_574 = arith.constant 0 : i32
          %dma_wait3A_575 = arith.constant 0 : i32
          %dma_wait3A_576 = tpu.memref_slice %arg2[%dma_wait3A_574, %dma_wait3A_575] : memref<10240x128xf32, #tpu.memory_space<hbm>> -> memref<128x128xf32, #tpu.memory_space<hbm>>
          %dma_wait3A_577 = arith.constant 0 : i32
          %dma_wait3A_578 = arith.constant 0 : i32
          %dma_wait3A_579 = tpu.memref_slice %arg2[%dma_wait3A_577, %dma_wait3A_578] : memref<10240x128xf32, #tpu.memory_space<hbm>> -> memref<128x128xf32, #tpu.memory_space<hbm>>
          tpu.wait_dma2 semaphore(%arg31 : memref<!tpu.dma_semaphore, #tpu.memory_space<semaphore_mem>>) src(%dma_wait3A_579 : memref<128x128xf32, #tpu.memory_space<hbm>>) dst(%arg14 : memref<128x128xf32, #tpu.memory_space<vmem>>)
        } else {
        }
        %eq3A_564 = arith.constant 0 : i32
        %eq3A_565 = arith.cmpi eq, %arg0, %eq3A_564 : i32
        %convert_element_type3A_566 = arith.extui %eq3A_565 : i1 to i32
        %cond3A_567 = arith.constant 0 : i32
        %cond3A_568 = arith.cmpi ne, %convert_element_type3A_566, %cond3A_567 : i32
        scf.if %cond3A_568 {
          %dma_start3A_574 = arith.constant 6 : i32
          %dma_start3A_575 = arith.constant 0 : i32
          %dma_start3A_576 = tpu.memref_slice %arg12[%dma_start3A_574, %dma_start3A_575] : memref<8x128xi32, #tpu.memory_space<vmem>> -> memref<1x128xi32, #tpu.memory_space<vmem>>
          %dma_start3A_577 = tpu.memref_squeeze %dma_start3A_576 : memref<1x128xi32, #tpu.memory_space<vmem>> -> memref<128xi32, #tpu.memory_space<vmem>>
          %dma_start3A_578 = arith.constant 0 : i32
          %dma_start3A_579 = arith.constant 0 : i32
          %dma_start3A_580 = tpu.memref_slice %arg2[%dma_start3A_578, %dma_start3A_579] : memref<10240x128xf32, #tpu.memory_space<hbm>> -> memref<10240x128xf32, #tpu.memory_space<hbm>>
          tpu.enqueue_indirect_dma source(%dma_start3A_580 : memref<10240x128xf32, #tpu.memory_space<hbm>>) target(%arg14 : memref<128x128xf32, #tpu.memory_space<vmem>>) offsets(%dma_start3A_577 : memref<128xi32, #tpu.memory_space<vmem>>) semaphore(%arg29 : memref<!tpu.dma_semaphore, #tpu.memory_space<semaphore_mem>>)
        } else {
        }
        %eq3A_569 = arith.constant 1 : i32
        %eq3A_570 = arith.cmpi eq, %arg0, %eq3A_569 : i32
        %convert_element_type3A_571 = arith.extui %eq3A_570 : i1 to i32
        %cond3A_572 = arith.constant 0 : i32
        %cond3A_573 = arith.cmpi ne, %convert_element_type3A_571, %cond3A_572 : i32
        scf.if %cond3A_573 {
          %dma_start3A_574 = arith.constant 6 : i32
          %dma_start3A_575 = arith.constant 0 : i32
          %dma_start3A_576 = tpu.memref_slice %arg12[%dma_start3A_574, %dma_start3A_575] : memref<8x128xi32, #tpu.memory_space<vmem>> -> memref<1x128xi32, #tpu.memory_space<vmem>>
          %dma_start3A_577 = tpu.memref_squeeze %dma_start3A_576 : memref<1x128xi32, #tpu.memory_space<vmem>> -> memref<128xi32, #tpu.memory_space<vmem>>
          %dma_start3A_578 = arith.constant 0 : i32
          %dma_start3A_579 = arith.constant 0 : i32
          %dma_start3A_580 = tpu.memref_slice %arg3[%dma_start3A_578, %dma_start3A_579] : memref<10240x128xf32, #tpu.memory_space<hbm>> -> memref<10240x128xf32, #tpu.memory_space<hbm>>
          tpu.enqueue_indirect_dma source(%dma_start3A_580 : memref<10240x128xf32, #tpu.memory_space<hbm>>) target(%arg14 : memref<128x128xf32, #tpu.memory_space<vmem>>) offsets(%dma_start3A_577 : memref<128xi32, #tpu.memory_space<vmem>>) semaphore(%arg29 : memref<!tpu.dma_semaphore, #tpu.memory_space<semaphore_mem>>)
        } else {
        }
      } else {
      }
      %add3A_430 = arith.constant 2 : i32
      %add3A_431 = arith.addi %add3A_399, %add3A_430 : i32
      %lt3A_432 = arith.constant 160 : i32
      %lt3A_433 = arith.cmpi slt, %add3A_431, %lt3A_432 : i32
      %convert_element_type3A_434 = arith.extui %lt3A_433 : i1 to i32
      %cond3A_435 = arith.constant 0 : i32
      %cond3A_436 = arith.cmpi ne, %convert_element_type3A_434, %cond3A_435 : i32
      scf.if %cond3A_436 {
        %add3A_519 = arith.constant 2 : i32
        %add3A_520 = arith.addi %add3A_399, %add3A_519 : i32
        %dma_start3A_521 = arith.constant 7 : i32
        %dma_start3A_522 = arith.constant 0 : i32
        %dma_start3A_523 = tpu.memref_slice %arg12[%dma_start3A_521, %dma_start3A_522] : memref<8x128xi32, #tpu.memory_space<vmem>> -> memref<1x128xi32, #tpu.memory_space<vmem>>
        %dma_start3A_524 = tpu.memref_squeeze %dma_start3A_523 : memref<1x128xi32, #tpu.memory_space<vmem>> -> memref<128xi32, #tpu.memory_space<vmem>>
        %dma_start3A_525 = arith.constant 0 : i32
        %dma_start3A_526 = tpu.memref_slice %arg4[%arg1, %add3A_520, %dma_start3A_525] : memref<16x160x128xi32, #tpu.memory_space<hbm>> -> memref<1x1x128xi32, #tpu.memory_space<hbm>>
        %dma_start3A_527 = tpu.memref_squeeze %dma_start3A_526 : memref<1x1x128xi32, #tpu.memory_space<hbm>> -> memref<128xi32, #tpu.memory_space<hbm>>
        %dma_start3A_528 = arith.constant 0 : i32
        %dma_start3A_529 = tpu.memref_slice %arg12[%dma_start3A_521, %dma_start3A_528] : memref<8x128xi32, #tpu.memory_space<vmem>> -> memref<1x128xi32, #tpu.memory_space<vmem>>
        %dma_start3A_530 = tpu.memref_squeeze %dma_start3A_529 : memref<1x128xi32, #tpu.memory_space<vmem>> -> memref<128xi32, #tpu.memory_space<vmem>>
        %dma_start3A_531 = arith.constant 0 : i32
        %dma_start3A_532 = tpu.memref_slice %arg4[%arg1, %add3A_520, %dma_start3A_531] : memref<16x160x128xi32, #tpu.memory_space<hbm>> -> memref<1x1x128xi32, #tpu.memory_space<hbm>>
        %dma_start3A_533 = tpu.memref_squeeze %dma_start3A_532 : memref<1x1x128xi32, #tpu.memory_space<hbm>> -> memref<128xi32, #tpu.memory_space<hbm>>
        tpu.enqueue_dma source(%dma_start3A_533 : memref<128xi32, #tpu.memory_space<hbm>>) target(%dma_start3A_530 : memref<128xi32, #tpu.memory_space<vmem>>) target_semaphore(%arg28 : memref<!tpu.dma_semaphore, #tpu.memory_space<semaphore_mem>>)
        %dma_start3A_534 = arith.constant 7 : i32
        %dma_start3A_535 = arith.constant 0 : i32
        %dma_start3A_536 = tpu.memref_slice %arg13[%dma_start3A_534, %dma_start3A_535] : memref<8x128xi32, #tpu.memory_space<vmem>> -> memref<1x128xi32, #tpu.memory_space<vmem>>
        %dma_start3A_537 = tpu.memref_squeeze %dma_start3A_536 : memref<1x128xi32, #tpu.memory_space<vmem>> -> memref<128xi32, #tpu.memory_space<vmem>>
        %dma_start3A_538 = arith.constant 0 : i32
        %dma_start3A_539 = tpu.memref_slice %arg5[%arg1, %add3A_520, %dma_start3A_538] : memref<16x160x128xi32, #tpu.memory_space<hbm>> -> memref<1x1x128xi32, #tpu.memory_space<hbm>>
        %dma_start3A_540 = tpu.memref_squeeze %dma_start3A_539 : memref<1x1x128xi32, #tpu.memory_space<hbm>> -> memref<128xi32, #tpu.memory_space<hbm>>
        %dma_start3A_541 = arith.constant 0 : i32
        %dma_start3A_542 = tpu.memref_slice %arg13[%dma_start3A_534, %dma_start3A_541] : memref<8x128xi32, #tpu.memory_space<vmem>> -> memref<1x128xi32, #tpu.memory_space<vmem>>
        %dma_start3A_543 = tpu.memref_squeeze %dma_start3A_542 : memref<1x128xi32, #tpu.memory_space<vmem>> -> memref<128xi32, #tpu.memory_space<vmem>>
        %dma_start3A_544 = arith.constant 0 : i32
        %dma_start3A_545 = tpu.memref_slice %arg5[%arg1, %add3A_520, %dma_start3A_544] : memref<16x160x128xi32, #tpu.memory_space<hbm>> -> memref<1x1x128xi32, #tpu.memory_space<hbm>>
        %dma_start3A_546 = tpu.memref_squeeze %dma_start3A_545 : memref<1x1x128xi32, #tpu.memory_space<hbm>> -> memref<128xi32, #tpu.memory_space<hbm>>
        tpu.enqueue_dma source(%dma_start3A_546 : memref<128xi32, #tpu.memory_space<hbm>>) target(%dma_start3A_543 : memref<128xi32, #tpu.memory_space<vmem>>) target_semaphore(%arg28 : memref<!tpu.dma_semaphore, #tpu.memory_space<semaphore_mem>>)
      } else {
      }
      %mul3A_437 = arith.constant 8 : i32
      %mul3A_438 = arith.muli %add3A_193, %mul3A_437 : i32
      %add3A_439 = arith.constant 6 : i32
      %add3A_440 = arith.addi %mul3A_438, %add3A_439 : i32
      %dma_wait3A_441 = arith.constant 0 : i32
      %dma_wait3A_442 = arith.constant 0 : i32
      %dma_wait3A_443 = tpu.memref_slice %arg2[%dma_wait3A_441, %dma_wait3A_442] : memref<10240x128xf32, #tpu.memory_space<hbm>> -> memref<128x128xf32, #tpu.memory_space<hbm>>
      %dma_wait3A_444 = arith.constant 0 : i32
      %dma_wait3A_445 = arith.constant 0 : i32
      %dma_wait3A_446 = tpu.memref_slice %arg2[%dma_wait3A_444, %dma_wait3A_445] : memref<10240x128xf32, #tpu.memory_space<hbm>> -> memref<128x128xf32, #tpu.memory_space<hbm>>
      tpu.wait_dma2 semaphore(%arg29 : memref<!tpu.dma_semaphore, #tpu.memory_space<semaphore_mem>>) src(%dma_wait3A_446 : memref<128x128xf32, #tpu.memory_space<hbm>>) dst(%arg14 : memref<128x128xf32, #tpu.memory_space<vmem>>)
      %dma_start3A_447 = arith.constant 6 : i32
      %dma_start3A_448 = arith.constant 0 : i32
      %dma_start3A_449 = tpu.memref_slice %arg13[%dma_start3A_447, %dma_start3A_448] : memref<8x128xi32, #tpu.memory_space<vmem>> -> memref<1x128xi32, #tpu.memory_space<vmem>>
      %dma_start3A_450 = tpu.memref_squeeze %dma_start3A_449 : memref<1x128xi32, #tpu.memory_space<vmem>> -> memref<128xi32, #tpu.memory_space<vmem>>
      %dma_start3A_451 = arith.constant 0 : i32
      %dma_start3A_452 = arith.constant 0 : i32
      %dma_start3A_453 = tpu.memref_slice %arg19[%dma_start3A_451, %dma_start3A_452] : memref<10240x128xf32, #tpu.memory_space<vmem_shared>> -> memref<10240x128xf32, #tpu.memory_space<vmem_shared>>
      tpu.enqueue_indirect_dma source(%arg14 : memref<128x128xf32, #tpu.memory_space<vmem>>) target(%dma_start3A_453 : memref<10240x128xf32, #tpu.memory_space<vmem_shared>>) offsets(%dma_start3A_450 : memref<128xi32, #tpu.memory_space<vmem>>) semaphore(%arg31 : memref<!tpu.dma_semaphore, #tpu.memory_space<semaphore_mem>>) {add = true}
      %eq3A_454 = arith.constant 0 : i32
      %eq3A_455 = arith.cmpi eq, %arg0, %eq3A_454 : i32
      %lt3A_456 = arith.constant 80 : i32
      %lt3A_457 = arith.cmpi slt, %add3A_440, %lt3A_456 : i32
      %ge3A_458 = arith.constant 80 : i32
      %ge3A_459 = arith.cmpi sge, %add3A_440, %ge3A_458 : i32
      %select_n3A_460 = arith.select %eq3A_455, %lt3A_457, %ge3A_459 : i1
      %convert_element_type3A_461 = arith.extui %select_n3A_460 : i1 to i32
      %cond3A_462 = arith.constant 0 : i32
      %cond3A_463 = arith.cmpi ne, %convert_element_type3A_461, %cond3A_462 : i32
      scf.if %cond3A_463 {
        %dma_wait3A_519 = arith.constant 0 : i32
        %dma_wait3A_520 = tpu.memref_slice %arg7[%dma_wait3A_519] : memref<640xf32, #tpu.memory_space<hbm>> -> memref<128xf32, #tpu.memory_space<hbm>>
        %dma_wait3A_521 = arith.constant 0 : i32
        %dma_wait3A_522 = tpu.memref_slice %arg7[%dma_wait3A_521] : memref<640xf32, #tpu.memory_space<hbm>> -> memref<128xf32, #tpu.memory_space<hbm>>
        tpu.wait_dma2 semaphore(%arg33 : memref<!tpu.dma_semaphore, #tpu.memory_space<semaphore_mem>>) src(%dma_wait3A_522 : memref<128xf32, #tpu.memory_space<hbm>>) dst(%arg16 : memref<128xf32, #tpu.memory_space<vmem>>)
        %dma_start3A_523 = arith.constant 6 : i32
        %dma_start3A_524 = arith.constant 0 : i32
        %dma_start3A_525 = tpu.memref_slice %arg12[%dma_start3A_523, %dma_start3A_524] : memref<8x128xi32, #tpu.memory_space<vmem>> -> memref<1x128xi32, #tpu.memory_space<vmem>>
        %dma_start3A_526 = tpu.memref_squeeze %dma_start3A_525 : memref<1x128xi32, #tpu.memory_space<vmem>> -> memref<128xi32, #tpu.memory_space<vmem>>
        %dma_start3A_527 = arith.constant 0 : i32
        %dma_start3A_528 = tpu.memref_slice %arg20[%dma_start3A_527] : memref<10240xf32, #tpu.memory_space<vmem_shared>> -> memref<10240xf32, #tpu.memory_space<vmem_shared>>
        tpu.enqueue_indirect_dma source(%arg16 : memref<128xf32, #tpu.memory_space<vmem>>) target(%dma_start3A_528 : memref<10240xf32, #tpu.memory_space<vmem_shared>>) offsets(%dma_start3A_526 : memref<128xi32, #tpu.memory_space<vmem>>) semaphore(%arg35 : memref<!tpu.dma_semaphore, #tpu.memory_space<semaphore_mem>>) {add = true}
      } else {
      }
      %add3A_464 = arith.constant 1 : i32
      %add3A_465 = arith.addi %add3A_440, %add3A_464 : i32
      %lt3A_466 = arith.constant 160 : i32
      %lt3A_467 = arith.cmpi slt, %add3A_465, %lt3A_466 : i32
      %convert_element_type3A_468 = arith.extui %lt3A_467 : i1 to i32
      %cond3A_469 = arith.constant 0 : i32
      %cond3A_470 = arith.cmpi ne, %convert_element_type3A_468, %cond3A_469 : i32
      scf.if %cond3A_470 {
        %dma_wait3A_519 = arith.constant 0 : i32
        %dma_wait3A_520 = arith.constant 7 : i32
        %dma_wait3A_521 = arith.constant 0 : i32
        %dma_wait3A_522 = tpu.memref_slice %arg12[%dma_wait3A_520, %dma_wait3A_521] : memref<8x128xi32, #tpu.memory_space<vmem>> -> memref<1x128xi32, #tpu.memory_space<vmem>>
        %dma_wait3A_523 = tpu.memref_squeeze %dma_wait3A_522 : memref<1x128xi32, #tpu.memory_space<vmem>> -> memref<128xi32, #tpu.memory_space<vmem>>
        %dma_wait3A_524 = arith.constant 0 : i32
        %dma_wait3A_525 = tpu.memref_slice %arg4[%arg1, %dma_wait3A_519, %dma_wait3A_524] : memref<16x160x128xi32, #tpu.memory_space<hbm>> -> memref<1x1x128xi32, #tpu.memory_space<hbm>>
        %dma_wait3A_526 = tpu.memref_squeeze %dma_wait3A_525 : memref<1x1x128xi32, #tpu.memory_space<hbm>> -> memref<128xi32, #tpu.memory_space<hbm>>
        %dma_wait3A_527 = arith.constant 0 : i32
        %dma_wait3A_528 = tpu.memref_slice %arg12[%dma_wait3A_520, %dma_wait3A_527] : memref<8x128xi32, #tpu.memory_space<vmem>> -> memref<1x128xi32, #tpu.memory_space<vmem>>
        %dma_wait3A_529 = tpu.memref_squeeze %dma_wait3A_528 : memref<1x128xi32, #tpu.memory_space<vmem>> -> memref<128xi32, #tpu.memory_space<vmem>>
        %dma_wait3A_530 = arith.constant 0 : i32
        %dma_wait3A_531 = tpu.memref_slice %arg4[%arg1, %dma_wait3A_519, %dma_wait3A_530] : memref<16x160x128xi32, #tpu.memory_space<hbm>> -> memref<1x1x128xi32, #tpu.memory_space<hbm>>
        %dma_wait3A_532 = tpu.memref_squeeze %dma_wait3A_531 : memref<1x1x128xi32, #tpu.memory_space<hbm>> -> memref<128xi32, #tpu.memory_space<hbm>>
        tpu.wait_dma2 semaphore(%arg28 : memref<!tpu.dma_semaphore, #tpu.memory_space<semaphore_mem>>) src(%dma_wait3A_532 : memref<128xi32, #tpu.memory_space<hbm>>) dst(%dma_wait3A_529 : memref<128xi32, #tpu.memory_space<vmem>>)
        %dma_wait3A_533 = arith.constant 0 : i32
        %dma_wait3A_534 = arith.constant 7 : i32
        %dma_wait3A_535 = arith.constant 0 : i32
        %dma_wait3A_536 = tpu.memref_slice %arg13[%dma_wait3A_534, %dma_wait3A_535] : memref<8x128xi32, #tpu.memory_space<vmem>> -> memref<1x128xi32, #tpu.memory_space<vmem>>
        %dma_wait3A_537 = tpu.memref_squeeze %dma_wait3A_536 : memref<1x128xi32, #tpu.memory_space<vmem>> -> memref<128xi32, #tpu.memory_space<vmem>>
        %dma_wait3A_538 = arith.constant 0 : i32
        %dma_wait3A_539 = tpu.memref_slice %arg4[%arg1, %dma_wait3A_533, %dma_wait3A_538] : memref<16x160x128xi32, #tpu.memory_space<hbm>> -> memref<1x1x128xi32, #tpu.memory_space<hbm>>
        %dma_wait3A_540 = tpu.memref_squeeze %dma_wait3A_539 : memref<1x1x128xi32, #tpu.memory_space<hbm>> -> memref<128xi32, #tpu.memory_space<hbm>>
        %dma_wait3A_541 = arith.constant 0 : i32
        %dma_wait3A_542 = tpu.memref_slice %arg13[%dma_wait3A_534, %dma_wait3A_541] : memref<8x128xi32, #tpu.memory_space<vmem>> -> memref<1x128xi32, #tpu.memory_space<vmem>>
        %dma_wait3A_543 = tpu.memref_squeeze %dma_wait3A_542 : memref<1x128xi32, #tpu.memory_space<vmem>> -> memref<128xi32, #tpu.memory_space<vmem>>
        %dma_wait3A_544 = arith.constant 0 : i32
        %dma_wait3A_545 = tpu.memref_slice %arg4[%arg1, %dma_wait3A_533, %dma_wait3A_544] : memref<16x160x128xi32, #tpu.memory_space<hbm>> -> memref<1x1x128xi32, #tpu.memory_space<hbm>>
        %dma_wait3A_546 = tpu.memref_squeeze %dma_wait3A_545 : memref<1x1x128xi32, #tpu.memory_space<hbm>> -> memref<128xi32, #tpu.memory_space<hbm>>
        tpu.wait_dma2 semaphore(%arg28 : memref<!tpu.dma_semaphore, #tpu.memory_space<semaphore_mem>>) src(%dma_wait3A_546 : memref<128xi32, #tpu.memory_space<hbm>>) dst(%dma_wait3A_543 : memref<128xi32, #tpu.memory_space<vmem>>)
        %add3A_547 = arith.constant 1 : i32
        %add3A_548 = arith.addi %add3A_440, %add3A_547 : i32
        %eq3A_549 = arith.constant 0 : i32
        %eq3A_550 = arith.cmpi eq, %arg0, %eq3A_549 : i32
        %lt3A_551 = arith.constant 80 : i32
        %lt3A_552 = arith.cmpi slt, %add3A_548, %lt3A_551 : i32
        %ge3A_553 = arith.constant 80 : i32
        %ge3A_554 = arith.cmpi sge, %add3A_548, %ge3A_553 : i32
        %select_n3A_555 = arith.select %eq3A_550, %lt3A_552, %ge3A_554 : i1
        %convert_element_type3A_556 = arith.extui %select_n3A_555 : i1 to i32
        %cond3A_557 = arith.constant 0 : i32
        %cond3A_558 = arith.cmpi ne, %convert_element_type3A_556, %cond3A_557 : i32
        scf.if %cond3A_558 {
          %eq3A_574 = arith.constant 0 : i32
          %eq3A_575 = arith.cmpi eq, %arg0, %eq3A_574 : i32
          %ge3A_576 = arith.constant 1 : i32
          %ge3A_577 = arith.cmpi sge, %add3A_440, %ge3A_576 : i32
          %ge3A_578 = arith.constant 81 : i32
          %ge3A_579 = arith.cmpi sge, %add3A_440, %ge3A_578 : i32
          %select_n3A_580 = arith.select %eq3A_575, %ge3A_577, %ge3A_579 : i1
          %convert_element_type3A_581 = arith.extui %select_n3A_580 : i1 to i32
          %cond3A_582 = arith.constant 0 : i32
          %cond3A_583 = arith.cmpi ne, %convert_element_type3A_581, %cond3A_582 : i32
          scf.if %cond3A_583 {
            %dma_wait3A_590 = arith.constant 0 : i32
            %dma_wait3A_591 = tpu.memref_slice %arg7[%dma_wait3A_590] : memref<640xf32, #tpu.memory_space<hbm>> -> memref<128xf32, #tpu.memory_space<hbm>>
            %dma_wait3A_592 = arith.constant 0 : i32
            %dma_wait3A_593 = tpu.memref_slice %arg7[%dma_wait3A_592] : memref<640xf32, #tpu.memory_space<hbm>> -> memref<128xf32, #tpu.memory_space<hbm>>
            tpu.wait_dma2 semaphore(%arg36 : memref<!tpu.dma_semaphore, #tpu.memory_space<semaphore_mem>>) src(%dma_wait3A_593 : memref<128xf32, #tpu.memory_space<hbm>>) dst(%arg17 : memref<128xf32, #tpu.memory_space<vmem>>)
          } else {
          }
          %dma_start3A_584 = arith.constant 7 : i32
          %dma_start3A_585 = arith.constant 0 : i32
          %dma_start3A_586 = tpu.memref_slice %arg13[%dma_start3A_584, %dma_start3A_585] : memref<8x128xi32, #tpu.memory_space<vmem>> -> memref<1x128xi32, #tpu.memory_space<vmem>>
          %dma_start3A_587 = tpu.memref_squeeze %dma_start3A_586 : memref<1x128xi32, #tpu.memory_space<vmem>> -> memref<128xi32, #tpu.memory_space<vmem>>
          %dma_start3A_588 = arith.constant 0 : i32
          %dma_start3A_589 = tpu.memref_slice %arg6[%dma_start3A_588] : memref<10240xf32, #tpu.memory_space<hbm>> -> memref<10240xf32, #tpu.memory_space<hbm>>
          tpu.enqueue_indirect_dma source(%dma_start3A_589 : memref<10240xf32, #tpu.memory_space<hbm>>) target(%arg17 : memref<128xf32, #tpu.memory_space<vmem>>) offsets(%dma_start3A_587 : memref<128xi32, #tpu.memory_space<vmem>>) semaphore(%arg34 : memref<!tpu.dma_semaphore, #tpu.memory_space<semaphore_mem>>)
        } else {
        }
        %ge3A_559 = arith.constant 1 : i32
        %ge3A_560 = arith.cmpi sge, %add3A_440, %ge3A_559 : i32
        %convert_element_type3A_561 = arith.extui %ge3A_560 : i1 to i32
        %cond3A_562 = arith.constant 0 : i32
        %cond3A_563 = arith.cmpi ne, %convert_element_type3A_561, %cond3A_562 : i32
        scf.if %cond3A_563 {
          %dma_wait3A_574 = arith.constant 0 : i32
          %dma_wait3A_575 = arith.constant 0 : i32
          %dma_wait3A_576 = tpu.memref_slice %arg2[%dma_wait3A_574, %dma_wait3A_575] : memref<10240x128xf32, #tpu.memory_space<hbm>> -> memref<128x128xf32, #tpu.memory_space<hbm>>
          %dma_wait3A_577 = arith.constant 0 : i32
          %dma_wait3A_578 = arith.constant 0 : i32
          %dma_wait3A_579 = tpu.memref_slice %arg2[%dma_wait3A_577, %dma_wait3A_578] : memref<10240x128xf32, #tpu.memory_space<hbm>> -> memref<128x128xf32, #tpu.memory_space<hbm>>
          tpu.wait_dma2 semaphore(%arg32 : memref<!tpu.dma_semaphore, #tpu.memory_space<semaphore_mem>>) src(%dma_wait3A_579 : memref<128x128xf32, #tpu.memory_space<hbm>>) dst(%arg14 : memref<128x128xf32, #tpu.memory_space<vmem>>)
        } else {
        }
        %eq3A_564 = arith.constant 0 : i32
        %eq3A_565 = arith.cmpi eq, %arg0, %eq3A_564 : i32
        %convert_element_type3A_566 = arith.extui %eq3A_565 : i1 to i32
        %cond3A_567 = arith.constant 0 : i32
        %cond3A_568 = arith.cmpi ne, %convert_element_type3A_566, %cond3A_567 : i32
        scf.if %cond3A_568 {
          %dma_start3A_574 = arith.constant 7 : i32
          %dma_start3A_575 = arith.constant 0 : i32
          %dma_start3A_576 = tpu.memref_slice %arg12[%dma_start3A_574, %dma_start3A_575] : memref<8x128xi32, #tpu.memory_space<vmem>> -> memref<1x128xi32, #tpu.memory_space<vmem>>
          %dma_start3A_577 = tpu.memref_squeeze %dma_start3A_576 : memref<1x128xi32, #tpu.memory_space<vmem>> -> memref<128xi32, #tpu.memory_space<vmem>>
          %dma_start3A_578 = arith.constant 0 : i32
          %dma_start3A_579 = arith.constant 0 : i32
          %dma_start3A_580 = tpu.memref_slice %arg2[%dma_start3A_578, %dma_start3A_579] : memref<10240x128xf32, #tpu.memory_space<hbm>> -> memref<10240x128xf32, #tpu.memory_space<hbm>>
          tpu.enqueue_indirect_dma source(%dma_start3A_580 : memref<10240x128xf32, #tpu.memory_space<hbm>>) target(%arg15 : memref<128x128xf32, #tpu.memory_space<vmem>>) offsets(%dma_start3A_577 : memref<128xi32, #tpu.memory_space<vmem>>) semaphore(%arg30 : memref<!tpu.dma_semaphore, #tpu.memory_space<semaphore_mem>>)
        } else {
        }
        %eq3A_569 = arith.constant 1 : i32
        %eq3A_570 = arith.cmpi eq, %arg0, %eq3A_569 : i32
        %convert_element_type3A_571 = arith.extui %eq3A_570 : i1 to i32
        %cond3A_572 = arith.constant 0 : i32
        %cond3A_573 = arith.cmpi ne, %convert_element_type3A_571, %cond3A_572 : i32
        scf.if %cond3A_573 {
          %dma_start3A_574 = arith.constant 7 : i32
          %dma_start3A_575 = arith.constant 0 : i32
          %dma_start3A_576 = tpu.memref_slice %arg12[%dma_start3A_574, %dma_start3A_575] : memref<8x128xi32, #tpu.memory_space<vmem>> -> memref<1x128xi32, #tpu.memory_space<vmem>>
          %dma_start3A_577 = tpu.memref_squeeze %dma_start3A_576 : memref<1x128xi32, #tpu.memory_space<vmem>> -> memref<128xi32, #tpu.memory_space<vmem>>
          %dma_start3A_578 = arith.constant 0 : i32
          %dma_start3A_579 = arith.constant 0 : i32
          %dma_start3A_580 = tpu.memref_slice %arg3[%dma_start3A_578, %dma_start3A_579] : memref<10240x128xf32, #tpu.memory_space<hbm>> -> memref<10240x128xf32, #tpu.memory_space<hbm>>
          tpu.enqueue_indirect_dma source(%dma_start3A_580 : memref<10240x128xf32, #tpu.memory_space<hbm>>) target(%arg15 : memref<128x128xf32, #tpu.memory_space<vmem>>) offsets(%dma_start3A_577 : memref<128xi32, #tpu.memory_space<vmem>>) semaphore(%arg30 : memref<!tpu.dma_semaphore, #tpu.memory_space<semaphore_mem>>)
        } else {
        }
      } else {
      }
      %add3A_471 = arith.constant 2 : i32
      %add3A_472 = arith.addi %add3A_440, %add3A_471 : i32
      %lt3A_473 = arith.constant 160 : i32
      %lt3A_474 = arith.cmpi slt, %add3A_472, %lt3A_473 : i32
      %convert_element_type3A_475 = arith.extui %lt3A_474 : i1 to i32
      %cond3A_476 = arith.constant 0 : i32
      %cond3A_477 = arith.cmpi ne, %convert_element_type3A_475, %cond3A_476 : i32
      scf.if %cond3A_477 {
        %add3A_519 = arith.constant 2 : i32
        %add3A_520 = arith.addi %add3A_440, %add3A_519 : i32
        %dma_start3A_521 = arith.constant 0 : i32
        %dma_start3A_522 = arith.constant 0 : i32
        %dma_start3A_523 = tpu.memref_slice %arg12[%dma_start3A_521, %dma_start3A_522] : memref<8x128xi32, #tpu.memory_space<vmem>> -> memref<1x128xi32, #tpu.memory_space<vmem>>
        %dma_start3A_524 = tpu.memref_squeeze %dma_start3A_523 : memref<1x128xi32, #tpu.memory_space<vmem>> -> memref<128xi32, #tpu.memory_space<vmem>>
        %dma_start3A_525 = arith.constant 0 : i32
        %dma_start3A_526 = tpu.memref_slice %arg4[%arg1, %add3A_520, %dma_start3A_525] : memref<16x160x128xi32, #tpu.memory_space<hbm>> -> memref<1x1x128xi32, #tpu.memory_space<hbm>>
        %dma_start3A_527 = tpu.memref_squeeze %dma_start3A_526 : memref<1x1x128xi32, #tpu.memory_space<hbm>> -> memref<128xi32, #tpu.memory_space<hbm>>
        %dma_start3A_528 = arith.constant 0 : i32
        %dma_start3A_529 = tpu.memref_slice %arg12[%dma_start3A_521, %dma_start3A_528] : memref<8x128xi32, #tpu.memory_space<vmem>> -> memref<1x128xi32, #tpu.memory_space<vmem>>
        %dma_start3A_530 = tpu.memref_squeeze %dma_start3A_529 : memref<1x128xi32, #tpu.memory_space<vmem>> -> memref<128xi32, #tpu.memory_space<vmem>>
        %dma_start3A_531 = arith.constant 0 : i32
        %dma_start3A_532 = tpu.memref_slice %arg4[%arg1, %add3A_520, %dma_start3A_531] : memref<16x160x128xi32, #tpu.memory_space<hbm>> -> memref<1x1x128xi32, #tpu.memory_space<hbm>>
        %dma_start3A_533 = tpu.memref_squeeze %dma_start3A_532 : memref<1x1x128xi32, #tpu.memory_space<hbm>> -> memref<128xi32, #tpu.memory_space<hbm>>
        tpu.enqueue_dma source(%dma_start3A_533 : memref<128xi32, #tpu.memory_space<hbm>>) target(%dma_start3A_530 : memref<128xi32, #tpu.memory_space<vmem>>) target_semaphore(%arg21 : memref<!tpu.dma_semaphore, #tpu.memory_space<semaphore_mem>>)
        %dma_start3A_534 = arith.constant 0 : i32
        %dma_start3A_535 = arith.constant 0 : i32
        %dma_start3A_536 = tpu.memref_slice %arg13[%dma_start3A_534, %dma_start3A_535] : memref<8x128xi32, #tpu.memory_space<vmem>> -> memref<1x128xi32, #tpu.memory_space<vmem>>
        %dma_start3A_537 = tpu.memref_squeeze %dma_start3A_536 : memref<1x128xi32, #tpu.memory_space<vmem>> -> memref<128xi32, #tpu.memory_space<vmem>>
        %dma_start3A_538 = arith.constant 0 : i32
        %dma_start3A_539 = tpu.memref_slice %arg5[%arg1, %add3A_520, %dma_start3A_538] : memref<16x160x128xi32, #tpu.memory_space<hbm>> -> memref<1x1x128xi32, #tpu.memory_space<hbm>>
        %dma_start3A_540 = tpu.memref_squeeze %dma_start3A_539 : memref<1x1x128xi32, #tpu.memory_space<hbm>> -> memref<128xi32, #tpu.memory_space<hbm>>
        %dma_start3A_541 = arith.constant 0 : i32
        %dma_start3A_542 = tpu.memref_slice %arg13[%dma_start3A_534, %dma_start3A_541] : memref<8x128xi32, #tpu.memory_space<vmem>> -> memref<1x128xi32, #tpu.memory_space<vmem>>
        %dma_start3A_543 = tpu.memref_squeeze %dma_start3A_542 : memref<1x128xi32, #tpu.memory_space<vmem>> -> memref<128xi32, #tpu.memory_space<vmem>>
        %dma_start3A_544 = arith.constant 0 : i32
        %dma_start3A_545 = tpu.memref_slice %arg5[%arg1, %add3A_520, %dma_start3A_544] : memref<16x160x128xi32, #tpu.memory_space<hbm>> -> memref<1x1x128xi32, #tpu.memory_space<hbm>>
        %dma_start3A_546 = tpu.memref_squeeze %dma_start3A_545 : memref<1x1x128xi32, #tpu.memory_space<hbm>> -> memref<128xi32, #tpu.memory_space<hbm>>
        tpu.enqueue_dma source(%dma_start3A_546 : memref<128xi32, #tpu.memory_space<hbm>>) target(%dma_start3A_543 : memref<128xi32, #tpu.memory_space<vmem>>) target_semaphore(%arg21 : memref<!tpu.dma_semaphore, #tpu.memory_space<semaphore_mem>>)
      } else {
      }
      %mul3A_478 = arith.constant 8 : i32
      %mul3A_479 = arith.muli %add3A_193, %mul3A_478 : i32
      %add3A_480 = arith.constant 7 : i32
      %add3A_481 = arith.addi %mul3A_479, %add3A_480 : i32
      %dma_wait3A_482 = arith.constant 0 : i32
      %dma_wait3A_483 = arith.constant 0 : i32
      %dma_wait3A_484 = tpu.memref_slice %arg2[%dma_wait3A_482, %dma_wait3A_483] : memref<10240x128xf32, #tpu.memory_space<hbm>> -> memref<128x128xf32, #tpu.memory_space<hbm>>
      %dma_wait3A_485 = arith.constant 0 : i32
      %dma_wait3A_486 = arith.constant 0 : i32
      %dma_wait3A_487 = tpu.memref_slice %arg2[%dma_wait3A_485, %dma_wait3A_486] : memref<10240x128xf32, #tpu.memory_space<hbm>> -> memref<128x128xf32, #tpu.memory_space<hbm>>
      tpu.wait_dma2 semaphore(%arg30 : memref<!tpu.dma_semaphore, #tpu.memory_space<semaphore_mem>>) src(%dma_wait3A_487 : memref<128x128xf32, #tpu.memory_space<hbm>>) dst(%arg14 : memref<128x128xf32, #tpu.memory_space<vmem>>)
      %dma_start3A_488 = arith.constant 7 : i32
      %dma_start3A_489 = arith.constant 0 : i32
      %dma_start3A_490 = tpu.memref_slice %arg13[%dma_start3A_488, %dma_start3A_489] : memref<8x128xi32, #tpu.memory_space<vmem>> -> memref<1x128xi32, #tpu.memory_space<vmem>>
      %dma_start3A_491 = tpu.memref_squeeze %dma_start3A_490 : memref<1x128xi32, #tpu.memory_space<vmem>> -> memref<128xi32, #tpu.memory_space<vmem>>
      %dma_start3A_492 = arith.constant 0 : i32
      %dma_start3A_493 = arith.constant 0 : i32
      %dma_start3A_494 = tpu.memref_slice %arg19[%dma_start3A_492, %dma_start3A_493] : memref<10240x128xf32, #tpu.memory_space<vmem_shared>> -> memref<10240x128xf32, #tpu.memory_space<vmem_shared>>
      tpu.enqueue_indirect_dma source(%arg15 : memref<128x128xf32, #tpu.memory_space<vmem>>) target(%dma_start3A_494 : memref<10240x128xf32, #tpu.memory_space<vmem_shared>>) offsets(%dma_start3A_491 : memref<128xi32, #tpu.memory_space<vmem>>) semaphore(%arg32 : memref<!tpu.dma_semaphore, #tpu.memory_space<semaphore_mem>>) {add = true}
      %eq3A_495 = arith.constant 0 : i32
      %eq3A_496 = arith.cmpi eq, %arg0, %eq3A_495 : i32
      %lt3A_497 = arith.constant 80 : i32
      %lt3A_498 = arith.cmpi slt, %add3A_481, %lt3A_497 : i32
      %ge3A_499 = arith.constant 80 : i32
      %ge3A_500 = arith.cmpi sge, %add3A_481, %ge3A_499 : i32
      %select_n3A_501 = arith.select %eq3A_496, %lt3A_498, %ge3A_500 : i1
      %convert_element_type3A_502 = arith.extui %select_n3A_501 : i1 to i32
      %cond3A_503 = arith.constant 0 : i32
      %cond3A_504 = arith.cmpi ne, %convert_element_type3A_502, %cond3A_503 : i32
      scf.if %cond3A_504 {
        %dma_wait3A_519 = arith.constant 0 : i32
        %dma_wait3A_520 = tpu.memref_slice %arg7[%dma_wait3A_519] : memref<640xf32, #tpu.memory_space<hbm>> -> memref<128xf32, #tpu.memory_space<hbm>>
        %dma_wait3A_521 = arith.constant 0 : i32
        %dma_wait3A_522 = tpu.memref_slice %arg7[%dma_wait3A_521] : memref<640xf32, #tpu.memory_space<hbm>> -> memref<128xf32, #tpu.memory_space<hbm>>
        tpu.wait_dma2 semaphore(%arg34 : memref<!tpu.dma_semaphore, #tpu.memory_space<semaphore_mem>>) src(%dma_wait3A_522 : memref<128xf32, #tpu.memory_space<hbm>>) dst(%arg17 : memref<128xf32, #tpu.memory_space<vmem>>)
        %dma_start3A_523 = arith.constant 7 : i32
        %dma_start3A_524 = arith.constant 0 : i32
        %dma_start3A_525 = tpu.memref_slice %arg12[%dma_start3A_523, %dma_start3A_524] : memref<8x128xi32, #tpu.memory_space<vmem>> -> memref<1x128xi32, #tpu.memory_space<vmem>>
        %dma_start3A_526 = tpu.memref_squeeze %dma_start3A_525 : memref<1x128xi32, #tpu.memory_space<vmem>> -> memref<128xi32, #tpu.memory_space<vmem>>
        %dma_start3A_527 = arith.constant 0 : i32
        %dma_start3A_528 = tpu.memref_slice %arg20[%dma_start3A_527] : memref<10240xf32, #tpu.memory_space<vmem_shared>> -> memref<10240xf32, #tpu.memory_space<vmem_shared>>
        tpu.enqueue_indirect_dma source(%arg17 : memref<128xf32, #tpu.memory_space<vmem>>) target(%dma_start3A_528 : memref<10240xf32, #tpu.memory_space<vmem_shared>>) offsets(%dma_start3A_526 : memref<128xi32, #tpu.memory_space<vmem>>) semaphore(%arg36 : memref<!tpu.dma_semaphore, #tpu.memory_space<semaphore_mem>>) {add = true}
      } else {
      }
      %add3A_505 = arith.constant 1 : i32
      %add3A_506 = arith.addi %add3A_481, %add3A_505 : i32
      %lt3A_507 = arith.constant 160 : i32
      %lt3A_508 = arith.cmpi slt, %add3A_506, %lt3A_507 : i32
      %convert_element_type3A_509 = arith.extui %lt3A_508 : i1 to i32
      %cond3A_510 = arith.constant 0 : i32
      %cond3A_511 = arith.cmpi ne, %convert_element_type3A_509, %cond3A_510 : i32
      scf.if %cond3A_511 {
        %dma_wait3A_519 = arith.constant 0 : i32
        %dma_wait3A_520 = arith.constant 0 : i32
        %dma_wait3A_521 = arith.constant 0 : i32
        %dma_wait3A_522 = tpu.memref_slice %arg12[%dma_wait3A_520, %dma_wait3A_521] : memref<8x128xi32, #tpu.memory_space<vmem>> -> memref<1x128xi32, #tpu.memory_space<vmem>>
        %dma_wait3A_523 = tpu.memref_squeeze %dma_wait3A_522 : memref<1x128xi32, #tpu.memory_space<vmem>> -> memref<128xi32, #tpu.memory_space<vmem>>
        %dma_wait3A_524 = arith.constant 0 : i32
        %dma_wait3A_525 = tpu.memref_slice %arg4[%arg1, %dma_wait3A_519, %dma_wait3A_524] : memref<16x160x128xi32, #tpu.memory_space<hbm>> -> memref<1x1x128xi32, #tpu.memory_space<hbm>>
        %dma_wait3A_526 = tpu.memref_squeeze %dma_wait3A_525 : memref<1x1x128xi32, #tpu.memory_space<hbm>> -> memref<128xi32, #tpu.memory_space<hbm>>
        %dma_wait3A_527 = arith.constant 0 : i32
        %dma_wait3A_528 = tpu.memref_slice %arg12[%dma_wait3A_520, %dma_wait3A_527] : memref<8x128xi32, #tpu.memory_space<vmem>> -> memref<1x128xi32, #tpu.memory_space<vmem>>
        %dma_wait3A_529 = tpu.memref_squeeze %dma_wait3A_528 : memref<1x128xi32, #tpu.memory_space<vmem>> -> memref<128xi32, #tpu.memory_space<vmem>>
        %dma_wait3A_530 = arith.constant 0 : i32
        %dma_wait3A_531 = tpu.memref_slice %arg4[%arg1, %dma_wait3A_519, %dma_wait3A_530] : memref<16x160x128xi32, #tpu.memory_space<hbm>> -> memref<1x1x128xi32, #tpu.memory_space<hbm>>
        %dma_wait3A_532 = tpu.memref_squeeze %dma_wait3A_531 : memref<1x1x128xi32, #tpu.memory_space<hbm>> -> memref<128xi32, #tpu.memory_space<hbm>>
        tpu.wait_dma2 semaphore(%arg21 : memref<!tpu.dma_semaphore, #tpu.memory_space<semaphore_mem>>) src(%dma_wait3A_532 : memref<128xi32, #tpu.memory_space<hbm>>) dst(%dma_wait3A_529 : memref<128xi32, #tpu.memory_space<vmem>>)
        %dma_wait3A_533 = arith.constant 0 : i32
        %dma_wait3A_534 = arith.constant 0 : i32
        %dma_wait3A_535 = arith.constant 0 : i32
        %dma_wait3A_536 = tpu.memref_slice %arg13[%dma_wait3A_534, %dma_wait3A_535] : memref<8x128xi32, #tpu.memory_space<vmem>> -> memref<1x128xi32, #tpu.memory_space<vmem>>
        %dma_wait3A_537 = tpu.memref_squeeze %dma_wait3A_536 : memref<1x128xi32, #tpu.memory_space<vmem>> -> memref<128xi32, #tpu.memory_space<vmem>>
        %dma_wait3A_538 = arith.constant 0 : i32
        %dma_wait3A_539 = tpu.memref_slice %arg4[%arg1, %dma_wait3A_533, %dma_wait3A_538] : memref<16x160x128xi32, #tpu.memory_space<hbm>> -> memref<1x1x128xi32, #tpu.memory_space<hbm>>
        %dma_wait3A_540 = tpu.memref_squeeze %dma_wait3A_539 : memref<1x1x128xi32, #tpu.memory_space<hbm>> -> memref<128xi32, #tpu.memory_space<hbm>>
        %dma_wait3A_541 = arith.constant 0 : i32
        %dma_wait3A_542 = tpu.memref_slice %arg13[%dma_wait3A_534, %dma_wait3A_541] : memref<8x128xi32, #tpu.memory_space<vmem>> -> memref<1x128xi32, #tpu.memory_space<vmem>>
        %dma_wait3A_543 = tpu.memref_squeeze %dma_wait3A_542 : memref<1x128xi32, #tpu.memory_space<vmem>> -> memref<128xi32, #tpu.memory_space<vmem>>
        %dma_wait3A_544 = arith.constant 0 : i32
        %dma_wait3A_545 = tpu.memref_slice %arg4[%arg1, %dma_wait3A_533, %dma_wait3A_544] : memref<16x160x128xi32, #tpu.memory_space<hbm>> -> memref<1x1x128xi32, #tpu.memory_space<hbm>>
        %dma_wait3A_546 = tpu.memref_squeeze %dma_wait3A_545 : memref<1x1x128xi32, #tpu.memory_space<hbm>> -> memref<128xi32, #tpu.memory_space<hbm>>
        tpu.wait_dma2 semaphore(%arg21 : memref<!tpu.dma_semaphore, #tpu.memory_space<semaphore_mem>>) src(%dma_wait3A_546 : memref<128xi32, #tpu.memory_space<hbm>>) dst(%dma_wait3A_543 : memref<128xi32, #tpu.memory_space<vmem>>)
        %add3A_547 = arith.constant 1 : i32
        %add3A_548 = arith.addi %add3A_481, %add3A_547 : i32
        %eq3A_549 = arith.constant 0 : i32
        %eq3A_550 = arith.cmpi eq, %arg0, %eq3A_549 : i32
        %lt3A_551 = arith.constant 80 : i32
        %lt3A_552 = arith.cmpi slt, %add3A_548, %lt3A_551 : i32
        %ge3A_553 = arith.constant 80 : i32
        %ge3A_554 = arith.cmpi sge, %add3A_548, %ge3A_553 : i32
        %select_n3A_555 = arith.select %eq3A_550, %lt3A_552, %ge3A_554 : i1
        %convert_element_type3A_556 = arith.extui %select_n3A_555 : i1 to i32
        %cond3A_557 = arith.constant 0 : i32
        %cond3A_558 = arith.cmpi ne, %convert_element_type3A_556, %cond3A_557 : i32
        scf.if %cond3A_558 {
          %eq3A_574 = arith.constant 0 : i32
          %eq3A_575 = arith.cmpi eq, %arg0, %eq3A_574 : i32
          %ge3A_576 = arith.constant 1 : i32
          %ge3A_577 = arith.cmpi sge, %add3A_481, %ge3A_576 : i32
          %ge3A_578 = arith.constant 81 : i32
          %ge3A_579 = arith.cmpi sge, %add3A_481, %ge3A_578 : i32
          %select_n3A_580 = arith.select %eq3A_575, %ge3A_577, %ge3A_579 : i1
          %convert_element_type3A_581 = arith.extui %select_n3A_580 : i1 to i32
          %cond3A_582 = arith.constant 0 : i32
          %cond3A_583 = arith.cmpi ne, %convert_element_type3A_581, %cond3A_582 : i32
          scf.if %cond3A_583 {
            %dma_wait3A_590 = arith.constant 0 : i32
            %dma_wait3A_591 = tpu.memref_slice %arg7[%dma_wait3A_590] : memref<640xf32, #tpu.memory_space<hbm>> -> memref<128xf32, #tpu.memory_space<hbm>>
            %dma_wait3A_592 = arith.constant 0 : i32
            %dma_wait3A_593 = tpu.memref_slice %arg7[%dma_wait3A_592] : memref<640xf32, #tpu.memory_space<hbm>> -> memref<128xf32, #tpu.memory_space<hbm>>
            tpu.wait_dma2 semaphore(%arg35 : memref<!tpu.dma_semaphore, #tpu.memory_space<semaphore_mem>>) src(%dma_wait3A_593 : memref<128xf32, #tpu.memory_space<hbm>>) dst(%arg16 : memref<128xf32, #tpu.memory_space<vmem>>)
          } else {
          }
          %dma_start3A_584 = arith.constant 0 : i32
          %dma_start3A_585 = arith.constant 0 : i32
          %dma_start3A_586 = tpu.memref_slice %arg13[%dma_start3A_584, %dma_start3A_585] : memref<8x128xi32, #tpu.memory_space<vmem>> -> memref<1x128xi32, #tpu.memory_space<vmem>>
          %dma_start3A_587 = tpu.memref_squeeze %dma_start3A_586 : memref<1x128xi32, #tpu.memory_space<vmem>> -> memref<128xi32, #tpu.memory_space<vmem>>
          %dma_start3A_588 = arith.constant 0 : i32
          %dma_start3A_589 = tpu.memref_slice %arg6[%dma_start3A_588] : memref<10240xf32, #tpu.memory_space<hbm>> -> memref<10240xf32, #tpu.memory_space<hbm>>
          tpu.enqueue_indirect_dma source(%dma_start3A_589 : memref<10240xf32, #tpu.memory_space<hbm>>) target(%arg16 : memref<128xf32, #tpu.memory_space<vmem>>) offsets(%dma_start3A_587 : memref<128xi32, #tpu.memory_space<vmem>>) semaphore(%arg33 : memref<!tpu.dma_semaphore, #tpu.memory_space<semaphore_mem>>)
        } else {
        }
        %ge3A_559 = arith.constant 1 : i32
        %ge3A_560 = arith.cmpi sge, %add3A_481, %ge3A_559 : i32
        %convert_element_type3A_561 = arith.extui %ge3A_560 : i1 to i32
        %cond3A_562 = arith.constant 0 : i32
        %cond3A_563 = arith.cmpi ne, %convert_element_type3A_561, %cond3A_562 : i32
        scf.if %cond3A_563 {
          %dma_wait3A_574 = arith.constant 0 : i32
          %dma_wait3A_575 = arith.constant 0 : i32
          %dma_wait3A_576 = tpu.memref_slice %arg2[%dma_wait3A_574, %dma_wait3A_575] : memref<10240x128xf32, #tpu.memory_space<hbm>> -> memref<128x128xf32, #tpu.memory_space<hbm>>
          %dma_wait3A_577 = arith.constant 0 : i32
          %dma_wait3A_578 = arith.constant 0 : i32
          %dma_wait3A_579 = tpu.memref_slice %arg2[%dma_wait3A_577, %dma_wait3A_578] : memref<10240x128xf32, #tpu.memory_space<hbm>> -> memref<128x128xf32, #tpu.memory_space<hbm>>
          tpu.wait_dma2 semaphore(%arg31 : memref<!tpu.dma_semaphore, #tpu.memory_space<semaphore_mem>>) src(%dma_wait3A_579 : memref<128x128xf32, #tpu.memory_space<hbm>>) dst(%arg14 : memref<128x128xf32, #tpu.memory_space<vmem>>)
        } else {
        }
        %eq3A_564 = arith.constant 0 : i32
        %eq3A_565 = arith.cmpi eq, %arg0, %eq3A_564 : i32
        %convert_element_type3A_566 = arith.extui %eq3A_565 : i1 to i32
        %cond3A_567 = arith.constant 0 : i32
        %cond3A_568 = arith.cmpi ne, %convert_element_type3A_566, %cond3A_567 : i32
        scf.if %cond3A_568 {
          %dma_start3A_574 = arith.constant 0 : i32
          %dma_start3A_575 = arith.constant 0 : i32
          %dma_start3A_576 = tpu.memref_slice %arg12[%dma_start3A_574, %dma_start3A_575] : memref<8x128xi32, #tpu.memory_space<vmem>> -> memref<1x128xi32, #tpu.memory_space<vmem>>
          %dma_start3A_577 = tpu.memref_squeeze %dma_start3A_576 : memref<1x128xi32, #tpu.memory_space<vmem>> -> memref<128xi32, #tpu.memory_space<vmem>>
          %dma_start3A_578 = arith.constant 0 : i32
          %dma_start3A_579 = arith.constant 0 : i32
          %dma_start3A_580 = tpu.memref_slice %arg2[%dma_start3A_578, %dma_start3A_579] : memref<10240x128xf32, #tpu.memory_space<hbm>> -> memref<10240x128xf32, #tpu.memory_space<hbm>>
          tpu.enqueue_indirect_dma source(%dma_start3A_580 : memref<10240x128xf32, #tpu.memory_space<hbm>>) target(%arg14 : memref<128x128xf32, #tpu.memory_space<vmem>>) offsets(%dma_start3A_577 : memref<128xi32, #tpu.memory_space<vmem>>) semaphore(%arg29 : memref<!tpu.dma_semaphore, #tpu.memory_space<semaphore_mem>>)
        } else {
        }
        %eq3A_569 = arith.constant 1 : i32
        %eq3A_570 = arith.cmpi eq, %arg0, %eq3A_569 : i32
        %convert_element_type3A_571 = arith.extui %eq3A_570 : i1 to i32
        %cond3A_572 = arith.constant 0 : i32
        %cond3A_573 = arith.cmpi ne, %convert_element_type3A_571, %cond3A_572 : i32
        scf.if %cond3A_573 {
          %dma_start3A_574 = arith.constant 0 : i32
          %dma_start3A_575 = arith.constant 0 : i32
          %dma_start3A_576 = tpu.memref_slice %arg12[%dma_start3A_574, %dma_start3A_575] : memref<8x128xi32, #tpu.memory_space<vmem>> -> memref<1x128xi32, #tpu.memory_space<vmem>>
          %dma_start3A_577 = tpu.memref_squeeze %dma_start3A_576 : memref<1x128xi32, #tpu.memory_space<vmem>> -> memref<128xi32, #tpu.memory_space<vmem>>
          %dma_start3A_578 = arith.constant 0 : i32
          %dma_start3A_579 = arith.constant 0 : i32
          %dma_start3A_580 = tpu.memref_slice %arg3[%dma_start3A_578, %dma_start3A_579] : memref<10240x128xf32, #tpu.memory_space<hbm>> -> memref<10240x128xf32, #tpu.memory_space<hbm>>
          tpu.enqueue_indirect_dma source(%dma_start3A_580 : memref<10240x128xf32, #tpu.memory_space<hbm>>) target(%arg14 : memref<128x128xf32, #tpu.memory_space<vmem>>) offsets(%dma_start3A_577 : memref<128xi32, #tpu.memory_space<vmem>>) semaphore(%arg29 : memref<!tpu.dma_semaphore, #tpu.memory_space<semaphore_mem>>)
        } else {
        }
      } else {
      }
      %add3A_512 = arith.constant 2 : i32
      %add3A_513 = arith.addi %add3A_481, %add3A_512 : i32
      %lt3A_514 = arith.constant 160 : i32
      %lt3A_515 = arith.cmpi slt, %add3A_513, %lt3A_514 : i32
      %convert_element_type3A_516 = arith.extui %lt3A_515 : i1 to i32
      %cond3A_517 = arith.constant 0 : i32
      %cond3A_518 = arith.cmpi ne, %convert_element_type3A_516, %cond3A_517 : i32
      scf.if %cond3A_518 {
        %add3A_519 = arith.constant 2 : i32
        %add3A_520 = arith.addi %add3A_481, %add3A_519 : i32
        %dma_start3A_521 = arith.constant 1 : i32
        %dma_start3A_522 = arith.constant 0 : i32
        %dma_start3A_523 = tpu.memref_slice %arg12[%dma_start3A_521, %dma_start3A_522] : memref<8x128xi32, #tpu.memory_space<vmem>> -> memref<1x128xi32, #tpu.memory_space<vmem>>
        %dma_start3A_524 = tpu.memref_squeeze %dma_start3A_523 : memref<1x128xi32, #tpu.memory_space<vmem>> -> memref<128xi32, #tpu.memory_space<vmem>>
        %dma_start3A_525 = arith.constant 0 : i32
        %dma_start3A_526 = tpu.memref_slice %arg4[%arg1, %add3A_520, %dma_start3A_525] : memref<16x160x128xi32, #tpu.memory_space<hbm>> -> memref<1x1x128xi32, #tpu.memory_space<hbm>>
        %dma_start3A_527 = tpu.memref_squeeze %dma_start3A_526 : memref<1x1x128xi32, #tpu.memory_space<hbm>> -> memref<128xi32, #tpu.memory_space<hbm>>
        %dma_start3A_528 = arith.constant 0 : i32
        %dma_start3A_529 = tpu.memref_slice %arg12[%dma_start3A_521, %dma_start3A_528] : memref<8x128xi32, #tpu.memory_space<vmem>> -> memref<1x128xi32, #tpu.memory_space<vmem>>
        %dma_start3A_530 = tpu.memref_squeeze %dma_start3A_529 : memref<1x128xi32, #tpu.memory_space<vmem>> -> memref<128xi32, #tpu.memory_space<vmem>>
        %dma_start3A_531 = arith.constant 0 : i32
        %dma_start3A_532 = tpu.memref_slice %arg4[%arg1, %add3A_520, %dma_start3A_531] : memref<16x160x128xi32, #tpu.memory_space<hbm>> -> memref<1x1x128xi32, #tpu.memory_space<hbm>>
        %dma_start3A_533 = tpu.memref_squeeze %dma_start3A_532 : memref<1x1x128xi32, #tpu.memory_space<hbm>> -> memref<128xi32, #tpu.memory_space<hbm>>
        tpu.enqueue_dma source(%dma_start3A_533 : memref<128xi32, #tpu.memory_space<hbm>>) target(%dma_start3A_530 : memref<128xi32, #tpu.memory_space<vmem>>) target_semaphore(%arg22 : memref<!tpu.dma_semaphore, #tpu.memory_space<semaphore_mem>>)
        %dma_start3A_534 = arith.constant 1 : i32
        %dma_start3A_535 = arith.constant 0 : i32
        %dma_start3A_536 = tpu.memref_slice %arg13[%dma_start3A_534, %dma_start3A_535] : memref<8x128xi32, #tpu.memory_space<vmem>> -> memref<1x128xi32, #tpu.memory_space<vmem>>
        %dma_start3A_537 = tpu.memref_squeeze %dma_start3A_536 : memref<1x128xi32, #tpu.memory_space<vmem>> -> memref<128xi32, #tpu.memory_space<vmem>>
        %dma_start3A_538 = arith.constant 0 : i32
        %dma_start3A_539 = tpu.memref_slice %arg5[%arg1, %add3A_520, %dma_start3A_538] : memref<16x160x128xi32, #tpu.memory_space<hbm>> -> memref<1x1x128xi32, #tpu.memory_space<hbm>>
        %dma_start3A_540 = tpu.memref_squeeze %dma_start3A_539 : memref<1x1x128xi32, #tpu.memory_space<hbm>> -> memref<128xi32, #tpu.memory_space<hbm>>
        %dma_start3A_541 = arith.constant 0 : i32
        %dma_start3A_542 = tpu.memref_slice %arg13[%dma_start3A_534, %dma_start3A_541] : memref<8x128xi32, #tpu.memory_space<vmem>> -> memref<1x128xi32, #tpu.memory_space<vmem>>
        %dma_start3A_543 = tpu.memref_squeeze %dma_start3A_542 : memref<1x128xi32, #tpu.memory_space<vmem>> -> memref<128xi32, #tpu.memory_space<vmem>>
        %dma_start3A_544 = arith.constant 0 : i32
        %dma_start3A_545 = tpu.memref_slice %arg5[%arg1, %add3A_520, %dma_start3A_544] : memref<16x160x128xi32, #tpu.memory_space<hbm>> -> memref<1x1x128xi32, #tpu.memory_space<hbm>>
        %dma_start3A_546 = tpu.memref_squeeze %dma_start3A_545 : memref<1x1x128xi32, #tpu.memory_space<hbm>> -> memref<128xi32, #tpu.memory_space<hbm>>
        tpu.enqueue_dma source(%dma_start3A_546 : memref<128xi32, #tpu.memory_space<hbm>>) target(%dma_start3A_543 : memref<128xi32, #tpu.memory_space<vmem>>) target_semaphore(%arg22 : memref<!tpu.dma_semaphore, #tpu.memory_space<semaphore_mem>>)
      } else {
      }
    }
    %scan3A_157 = arith.constant 20 : i32
    %dma_wait3A_158 = arith.constant 0 : i32
    %dma_wait3A_159 = arith.constant 0 : i32
    %dma_wait3A_160 = tpu.memref_slice %arg2[%dma_wait3A_158, %dma_wait3A_159] : memref<10240x128xf32, #tpu.memory_space<hbm>> -> memref<128x128xf32, #tpu.memory_space<hbm>>
    %dma_wait3A_161 = arith.constant 0 : i32
    %dma_wait3A_162 = arith.constant 0 : i32
    %dma_wait3A_163 = tpu.memref_slice %arg2[%dma_wait3A_161, %dma_wait3A_162] : memref<10240x128xf32, #tpu.memory_space<hbm>> -> memref<128x128xf32, #tpu.memory_space<hbm>>
    tpu.wait_dma2 semaphore(%arg31 : memref<!tpu.dma_semaphore, #tpu.memory_space<semaphore_mem>>) src(%dma_wait3A_163 : memref<128x128xf32, #tpu.memory_space<hbm>>) dst(%arg14 : memref<128x128xf32, #tpu.memory_space<vmem>>)
    %dma_wait3A_164 = arith.constant 0 : i32
    %dma_wait3A_165 = arith.constant 0 : i32
    %dma_wait3A_166 = tpu.memref_slice %arg2[%dma_wait3A_164, %dma_wait3A_165] : memref<10240x128xf32, #tpu.memory_space<hbm>> -> memref<128x128xf32, #tpu.memory_space<hbm>>
    %dma_wait3A_167 = arith.constant 0 : i32
    %dma_wait3A_168 = arith.constant 0 : i32
    %dma_wait3A_169 = tpu.memref_slice %arg2[%dma_wait3A_167, %dma_wait3A_168] : memref<10240x128xf32, #tpu.memory_space<hbm>> -> memref<128x128xf32, #tpu.memory_space<hbm>>
    tpu.wait_dma2 semaphore(%arg32 : memref<!tpu.dma_semaphore, #tpu.memory_space<semaphore_mem>>) src(%dma_wait3A_169 : memref<128x128xf32, #tpu.memory_space<hbm>>) dst(%arg14 : memref<128x128xf32, #tpu.memory_space<vmem>>)
    %dma_wait3A_170 = arith.constant 0 : i32
    %dma_wait3A_171 = tpu.memref_slice %arg7[%dma_wait3A_170] : memref<640xf32, #tpu.memory_space<hbm>> -> memref<128xf32, #tpu.memory_space<hbm>>
    %dma_wait3A_172 = arith.constant 0 : i32
    %dma_wait3A_173 = tpu.memref_slice %arg7[%dma_wait3A_172] : memref<640xf32, #tpu.memory_space<hbm>> -> memref<128xf32, #tpu.memory_space<hbm>>
    tpu.wait_dma2 semaphore(%arg35 : memref<!tpu.dma_semaphore, #tpu.memory_space<semaphore_mem>>) src(%dma_wait3A_173 : memref<128xf32, #tpu.memory_space<hbm>>) dst(%arg16 : memref<128xf32, #tpu.memory_space<vmem>>)
    %dma_wait3A_174 = arith.constant 0 : i32
    %dma_wait3A_175 = tpu.memref_slice %arg7[%dma_wait3A_174] : memref<640xf32, #tpu.memory_space<hbm>> -> memref<128xf32, #tpu.memory_space<hbm>>
    %dma_wait3A_176 = arith.constant 0 : i32
    %dma_wait3A_177 = tpu.memref_slice %arg7[%dma_wait3A_176] : memref<640xf32, #tpu.memory_space<hbm>> -> memref<128xf32, #tpu.memory_space<hbm>>
    tpu.wait_dma2 semaphore(%arg36 : memref<!tpu.dma_semaphore, #tpu.memory_space<semaphore_mem>>) src(%dma_wait3A_177 : memref<128xf32, #tpu.memory_space<hbm>>) dst(%arg17 : memref<128xf32, #tpu.memory_space<vmem>>)
    %barrier3A_178 = arith.constant 0 : index
    tpu.barrier barrier_id(%barrier3A_178)
    %eq3A_179 = arith.constant 0 : i32
    %eq3A_180 = arith.cmpi eq, %arg0, %eq3A_179 : i32
    %convert_element_type3A_181 = arith.extui %eq3A_180 : i1 to i32
    %cond3A_182 = arith.constant 0 : i32
    %cond3A_183 = arith.cmpi ne, %convert_element_type3A_181, %cond3A_182 : i32
    scf.if %cond3A_183 {
      %add3A_189 = arith.constant 0 : i32
      %add3A_190 = arith.addi %mul3A_0, %add3A_189 : i32
      "tpu.region"() ({
        %run_scoped3A = tpu.sem_alloc : memref<!tpu.dma_semaphore, #tpu.memory_space<semaphore_mem>>
        %dma_start3A_199 = arith.constant 0 : i32
        %dma_start3A_200 = tpu.memref_slice %arg8[%add3A_190, %dma_start3A_199] : memref<10240x128xf32, #tpu.memory_space<hbm>> -> memref<128x128xf32, #tpu.memory_space<hbm>>
        %dma_start3A_201 = arith.constant 0 : i32
        %dma_start3A_202 = tpu.memref_slice %arg19[%add3A_190, %dma_start3A_201] : memref<10240x128xf32, #tpu.memory_space<vmem_shared>> -> memref<128x128xf32, #tpu.memory_space<vmem_shared>>
        tpu.enqueue_dma source(%dma_start3A_202 : memref<128x128xf32, #tpu.memory_space<vmem_shared>>) target(%dma_start3A_200 : memref<128x128xf32, #tpu.memory_space<hbm>>) target_semaphore(%run_scoped3A : memref<!tpu.dma_semaphore, #tpu.memory_space<semaphore_mem>>)
        %dma_wait3A_203 = arith.constant 0 : i32
        %dma_wait3A_204 = tpu.memref_slice %arg8[%add3A_190, %dma_wait3A_203] : memref<10240x128xf32, #tpu.memory_space<hbm>> -> memref<128x128xf32, #tpu.memory_space<hbm>>
        %dma_wait3A_205 = arith.constant 0 : i32
        %dma_wait3A_206 = tpu.memref_slice %arg19[%add3A_190, %dma_wait3A_205] : memref<10240x128xf32, #tpu.memory_space<vmem_shared>> -> memref<128x128xf32, #tpu.memory_space<vmem_shared>>
        tpu.wait_dma2 semaphore(%run_scoped3A : memref<!tpu.dma_semaphore, #tpu.memory_space<semaphore_mem>>) src(%dma_wait3A_206 : memref<128x128xf32, #tpu.memory_space<vmem_shared>>) dst(%dma_wait3A_204 : memref<128x128xf32, #tpu.memory_space<hbm>>)
        tpu.yield
      }) : () -> ()
      %add3A_191 = arith.constant 128 : i32
      %add3A_192 = arith.addi %mul3A_0, %add3A_191 : i32
      "tpu.region"() ({
        %run_scoped3A = tpu.sem_alloc : memref<!tpu.dma_semaphore, #tpu.memory_space<semaphore_mem>>
        %dma_start3A_199 = arith.constant 0 : i32
        %dma_start3A_200 = tpu.memref_slice %arg8[%add3A_192, %dma_start3A_199] : memref<10240x128xf32, #tpu.memory_space<hbm>> -> memref<128x128xf32, #tpu.memory_space<hbm>>
        %dma_start3A_201 = arith.constant 0 : i32
        %dma_start3A_202 = tpu.memref_slice %arg19[%add3A_192, %dma_start3A_201] : memref<10240x128xf32, #tpu.memory_space<vmem_shared>> -> memref<128x128xf32, #tpu.memory_space<vmem_shared>>
        tpu.enqueue_dma source(%dma_start3A_202 : memref<128x128xf32, #tpu.memory_space<vmem_shared>>) target(%dma_start3A_200 : memref<128x128xf32, #tpu.memory_space<hbm>>) target_semaphore(%run_scoped3A : memref<!tpu.dma_semaphore, #tpu.memory_space<semaphore_mem>>)
        %dma_wait3A_203 = arith.constant 0 : i32
        %dma_wait3A_204 = tpu.memref_slice %arg8[%add3A_192, %dma_wait3A_203] : memref<10240x128xf32, #tpu.memory_space<hbm>> -> memref<128x128xf32, #tpu.memory_space<hbm>>
        %dma_wait3A_205 = arith.constant 0 : i32
        %dma_wait3A_206 = tpu.memref_slice %arg19[%add3A_192, %dma_wait3A_205] : memref<10240x128xf32, #tpu.memory_space<vmem_shared>> -> memref<128x128xf32, #tpu.memory_space<vmem_shared>>
        tpu.wait_dma2 semaphore(%run_scoped3A : memref<!tpu.dma_semaphore, #tpu.memory_space<semaphore_mem>>) src(%dma_wait3A_206 : memref<128x128xf32, #tpu.memory_space<vmem_shared>>) dst(%dma_wait3A_204 : memref<128x128xf32, #tpu.memory_space<hbm>>)
        tpu.yield
      }) : () -> ()
      %add3A_193 = arith.constant 256 : i32
      %add3A_194 = arith.addi %mul3A_0, %add3A_193 : i32
      "tpu.region"() ({
        %run_scoped3A = tpu.sem_alloc : memref<!tpu.dma_semaphore, #tpu.memory_space<semaphore_mem>>
        %dma_start3A_199 = arith.constant 0 : i32
        %dma_start3A_200 = tpu.memref_slice %arg8[%add3A_194, %dma_start3A_199] : memref<10240x128xf32, #tpu.memory_space<hbm>> -> memref<128x128xf32, #tpu.memory_space<hbm>>
        %dma_start3A_201 = arith.constant 0 : i32
        %dma_start3A_202 = tpu.memref_slice %arg19[%add3A_194, %dma_start3A_201] : memref<10240x128xf32, #tpu.memory_space<vmem_shared>> -> memref<128x128xf32, #tpu.memory_space<vmem_shared>>
        tpu.enqueue_dma source(%dma_start3A_202 : memref<128x128xf32, #tpu.memory_space<vmem_shared>>) target(%dma_start3A_200 : memref<128x128xf32, #tpu.memory_space<hbm>>) target_semaphore(%run_scoped3A : memref<!tpu.dma_semaphore, #tpu.memory_space<semaphore_mem>>)
        %dma_wait3A_203 = arith.constant 0 : i32
        %dma_wait3A_204 = tpu.memref_slice %arg8[%add3A_194, %dma_wait3A_203] : memref<10240x128xf32, #tpu.memory_space<hbm>> -> memref<128x128xf32, #tpu.memory_space<hbm>>
        %dma_wait3A_205 = arith.constant 0 : i32
        %dma_wait3A_206 = tpu.memref_slice %arg19[%add3A_194, %dma_wait3A_205] : memref<10240x128xf32, #tpu.memory_space<vmem_shared>> -> memref<128x128xf32, #tpu.memory_space<vmem_shared>>
        tpu.wait_dma2 semaphore(%run_scoped3A : memref<!tpu.dma_semaphore, #tpu.memory_space<semaphore_mem>>) src(%dma_wait3A_206 : memref<128x128xf32, #tpu.memory_space<vmem_shared>>) dst(%dma_wait3A_204 : memref<128x128xf32, #tpu.memory_space<hbm>>)
        tpu.yield
      }) : () -> ()
      %add3A_195 = arith.constant 384 : i32
      %add3A_196 = arith.addi %mul3A_0, %add3A_195 : i32
      "tpu.region"() ({
        %run_scoped3A = tpu.sem_alloc : memref<!tpu.dma_semaphore, #tpu.memory_space<semaphore_mem>>
        %dma_start3A_199 = arith.constant 0 : i32
        %dma_start3A_200 = tpu.memref_slice %arg8[%add3A_196, %dma_start3A_199] : memref<10240x128xf32, #tpu.memory_space<hbm>> -> memref<128x128xf32, #tpu.memory_space<hbm>>
        %dma_start3A_201 = arith.constant 0 : i32
        %dma_start3A_202 = tpu.memref_slice %arg19[%add3A_196, %dma_start3A_201] : memref<10240x128xf32, #tpu.memory_space<vmem_shared>> -> memref<128x128xf32, #tpu.memory_space<vmem_shared>>
        tpu.enqueue_dma source(%dma_start3A_202 : memref<128x128xf32, #tpu.memory_space<vmem_shared>>) target(%dma_start3A_200 : memref<128x128xf32, #tpu.memory_space<hbm>>) target_semaphore(%run_scoped3A : memref<!tpu.dma_semaphore, #tpu.memory_space<semaphore_mem>>)
        %dma_wait3A_203 = arith.constant 0 : i32
        %dma_wait3A_204 = tpu.memref_slice %arg8[%add3A_196, %dma_wait3A_203] : memref<10240x128xf32, #tpu.memory_space<hbm>> -> memref<128x128xf32, #tpu.memory_space<hbm>>
        %dma_wait3A_205 = arith.constant 0 : i32
        %dma_wait3A_206 = tpu.memref_slice %arg19[%add3A_196, %dma_wait3A_205] : memref<10240x128xf32, #tpu.memory_space<vmem_shared>> -> memref<128x128xf32, #tpu.memory_space<vmem_shared>>
        tpu.wait_dma2 semaphore(%run_scoped3A : memref<!tpu.dma_semaphore, #tpu.memory_space<semaphore_mem>>) src(%dma_wait3A_206 : memref<128x128xf32, #tpu.memory_space<vmem_shared>>) dst(%dma_wait3A_204 : memref<128x128xf32, #tpu.memory_space<hbm>>)
        tpu.yield
      }) : () -> ()
      %add3A_197 = arith.constant 512 : i32
      %add3A_198 = arith.addi %mul3A_0, %add3A_197 : i32
      "tpu.region"() ({
        %run_scoped3A = tpu.sem_alloc : memref<!tpu.dma_semaphore, #tpu.memory_space<semaphore_mem>>
        %dma_start3A_199 = arith.constant 0 : i32
        %dma_start3A_200 = tpu.memref_slice %arg8[%add3A_198, %dma_start3A_199] : memref<10240x128xf32, #tpu.memory_space<hbm>> -> memref<128x128xf32, #tpu.memory_space<hbm>>
        %dma_start3A_201 = arith.constant 0 : i32
        %dma_start3A_202 = tpu.memref_slice %arg19[%add3A_198, %dma_start3A_201] : memref<10240x128xf32, #tpu.memory_space<vmem_shared>> -> memref<128x128xf32, #tpu.memory_space<vmem_shared>>
        tpu.enqueue_dma source(%dma_start3A_202 : memref<128x128xf32, #tpu.memory_space<vmem_shared>>) target(%dma_start3A_200 : memref<128x128xf32, #tpu.memory_space<hbm>>) target_semaphore(%run_scoped3A : memref<!tpu.dma_semaphore, #tpu.memory_space<semaphore_mem>>)
        %dma_wait3A_203 = arith.constant 0 : i32
        %dma_wait3A_204 = tpu.memref_slice %arg8[%add3A_198, %dma_wait3A_203] : memref<10240x128xf32, #tpu.memory_space<hbm>> -> memref<128x128xf32, #tpu.memory_space<hbm>>
        %dma_wait3A_205 = arith.constant 0 : i32
        %dma_wait3A_206 = tpu.memref_slice %arg19[%add3A_198, %dma_wait3A_205] : memref<10240x128xf32, #tpu.memory_space<vmem_shared>> -> memref<128x128xf32, #tpu.memory_space<vmem_shared>>
        tpu.wait_dma2 semaphore(%run_scoped3A : memref<!tpu.dma_semaphore, #tpu.memory_space<semaphore_mem>>) src(%dma_wait3A_206 : memref<128x128xf32, #tpu.memory_space<vmem_shared>>) dst(%dma_wait3A_204 : memref<128x128xf32, #tpu.memory_space<hbm>>)
        tpu.yield
      }) : () -> ()
      "tpu.region"() ({
        %run_scoped3A = tpu.sem_alloc : memref<!tpu.dma_semaphore, #tpu.memory_space<semaphore_mem>>
        %dma_start3A_199 = tpu.memref_slice %arg10[%mul3A_0] : memref<10240xf32, #tpu.memory_space<hbm>> -> memref<640xf32, #tpu.memory_space<hbm>>
        %dma_start3A_200 = tpu.memref_slice %arg20[%mul3A_0] : memref<10240xf32, #tpu.memory_space<vmem_shared>> -> memref<640xf32, #tpu.memory_space<vmem_shared>>
        tpu.enqueue_dma source(%dma_start3A_200 : memref<640xf32, #tpu.memory_space<vmem_shared>>) target(%dma_start3A_199 : memref<640xf32, #tpu.memory_space<hbm>>) target_semaphore(%run_scoped3A : memref<!tpu.dma_semaphore, #tpu.memory_space<semaphore_mem>>)
        %dma_wait3A_201 = tpu.memref_slice %arg10[%mul3A_0] : memref<10240xf32, #tpu.memory_space<hbm>> -> memref<640xf32, #tpu.memory_space<hbm>>
        %dma_wait3A_202 = tpu.memref_slice %arg20[%mul3A_0] : memref<10240xf32, #tpu.memory_space<vmem_shared>> -> memref<640xf32, #tpu.memory_space<vmem_shared>>
        tpu.wait_dma2 semaphore(%run_scoped3A : memref<!tpu.dma_semaphore, #tpu.memory_space<semaphore_mem>>) src(%dma_wait3A_202 : memref<640xf32, #tpu.memory_space<vmem_shared>>) dst(%dma_wait3A_201 : memref<640xf32, #tpu.memory_space<hbm>>)
        tpu.yield
      }) : () -> ()
    } else {
    }
    %eq3A_184 = arith.constant 1 : i32
    %eq3A_185 = arith.cmpi eq, %arg0, %eq3A_184 : i32
    %convert_element_type3A_186 = arith.extui %eq3A_185 : i1 to i32
    %cond3A_187 = arith.constant 0 : i32
    %cond3A_188 = arith.cmpi ne, %convert_element_type3A_186, %cond3A_187 : i32
    scf.if %cond3A_188 {
      %add3A_189 = arith.constant 0 : i32
      %add3A_190 = arith.addi %mul3A_0, %add3A_189 : i32
      "tpu.region"() ({
        %run_scoped3A = tpu.sem_alloc : memref<!tpu.dma_semaphore, #tpu.memory_space<semaphore_mem>>
        %dma_start3A_199 = arith.constant 0 : i32
        %dma_start3A_200 = tpu.memref_slice %arg9[%add3A_190, %dma_start3A_199] : memref<10240x128xf32, #tpu.memory_space<hbm>> -> memref<128x128xf32, #tpu.memory_space<hbm>>
        %dma_start3A_201 = arith.constant 0 : i32
        %dma_start3A_202 = tpu.memref_slice %arg19[%add3A_190, %dma_start3A_201] : memref<10240x128xf32, #tpu.memory_space<vmem_shared>> -> memref<128x128xf32, #tpu.memory_space<vmem_shared>>
        tpu.enqueue_dma source(%dma_start3A_202 : memref<128x128xf32, #tpu.memory_space<vmem_shared>>) target(%dma_start3A_200 : memref<128x128xf32, #tpu.memory_space<hbm>>) target_semaphore(%run_scoped3A : memref<!tpu.dma_semaphore, #tpu.memory_space<semaphore_mem>>)
        %dma_wait3A_203 = arith.constant 0 : i32
        %dma_wait3A_204 = tpu.memref_slice %arg9[%add3A_190, %dma_wait3A_203] : memref<10240x128xf32, #tpu.memory_space<hbm>> -> memref<128x128xf32, #tpu.memory_space<hbm>>
        %dma_wait3A_205 = arith.constant 0 : i32
        %dma_wait3A_206 = tpu.memref_slice %arg19[%add3A_190, %dma_wait3A_205] : memref<10240x128xf32, #tpu.memory_space<vmem_shared>> -> memref<128x128xf32, #tpu.memory_space<vmem_shared>>
        tpu.wait_dma2 semaphore(%run_scoped3A : memref<!tpu.dma_semaphore, #tpu.memory_space<semaphore_mem>>) src(%dma_wait3A_206 : memref<128x128xf32, #tpu.memory_space<vmem_shared>>) dst(%dma_wait3A_204 : memref<128x128xf32, #tpu.memory_space<hbm>>)
        tpu.yield
      }) : () -> ()
      %add3A_191 = arith.constant 128 : i32
      %add3A_192 = arith.addi %mul3A_0, %add3A_191 : i32
      "tpu.region"() ({
        %run_scoped3A = tpu.sem_alloc : memref<!tpu.dma_semaphore, #tpu.memory_space<semaphore_mem>>
        %dma_start3A_199 = arith.constant 0 : i32
        %dma_start3A_200 = tpu.memref_slice %arg9[%add3A_192, %dma_start3A_199] : memref<10240x128xf32, #tpu.memory_space<hbm>> -> memref<128x128xf32, #tpu.memory_space<hbm>>
        %dma_start3A_201 = arith.constant 0 : i32
        %dma_start3A_202 = tpu.memref_slice %arg19[%add3A_192, %dma_start3A_201] : memref<10240x128xf32, #tpu.memory_space<vmem_shared>> -> memref<128x128xf32, #tpu.memory_space<vmem_shared>>
        tpu.enqueue_dma source(%dma_start3A_202 : memref<128x128xf32, #tpu.memory_space<vmem_shared>>) target(%dma_start3A_200 : memref<128x128xf32, #tpu.memory_space<hbm>>) target_semaphore(%run_scoped3A : memref<!tpu.dma_semaphore, #tpu.memory_space<semaphore_mem>>)
        %dma_wait3A_203 = arith.constant 0 : i32
        %dma_wait3A_204 = tpu.memref_slice %arg9[%add3A_192, %dma_wait3A_203] : memref<10240x128xf32, #tpu.memory_space<hbm>> -> memref<128x128xf32, #tpu.memory_space<hbm>>
        %dma_wait3A_205 = arith.constant 0 : i32
        %dma_wait3A_206 = tpu.memref_slice %arg19[%add3A_192, %dma_wait3A_205] : memref<10240x128xf32, #tpu.memory_space<vmem_shared>> -> memref<128x128xf32, #tpu.memory_space<vmem_shared>>
        tpu.wait_dma2 semaphore(%run_scoped3A : memref<!tpu.dma_semaphore, #tpu.memory_space<semaphore_mem>>) src(%dma_wait3A_206 : memref<128x128xf32, #tpu.memory_space<vmem_shared>>) dst(%dma_wait3A_204 : memref<128x128xf32, #tpu.memory_space<hbm>>)
        tpu.yield
      }) : () -> ()
      %add3A_193 = arith.constant 256 : i32
      %add3A_194 = arith.addi %mul3A_0, %add3A_193 : i32
      "tpu.region"() ({
        %run_scoped3A = tpu.sem_alloc : memref<!tpu.dma_semaphore, #tpu.memory_space<semaphore_mem>>
        %dma_start3A_199 = arith.constant 0 : i32
        %dma_start3A_200 = tpu.memref_slice %arg9[%add3A_194, %dma_start3A_199] : memref<10240x128xf32, #tpu.memory_space<hbm>> -> memref<128x128xf32, #tpu.memory_space<hbm>>
        %dma_start3A_201 = arith.constant 0 : i32
        %dma_start3A_202 = tpu.memref_slice %arg19[%add3A_194, %dma_start3A_201] : memref<10240x128xf32, #tpu.memory_space<vmem_shared>> -> memref<128x128xf32, #tpu.memory_space<vmem_shared>>
        tpu.enqueue_dma source(%dma_start3A_202 : memref<128x128xf32, #tpu.memory_space<vmem_shared>>) target(%dma_start3A_200 : memref<128x128xf32, #tpu.memory_space<hbm>>) target_semaphore(%run_scoped3A : memref<!tpu.dma_semaphore, #tpu.memory_space<semaphore_mem>>)
        %dma_wait3A_203 = arith.constant 0 : i32
        %dma_wait3A_204 = tpu.memref_slice %arg9[%add3A_194, %dma_wait3A_203] : memref<10240x128xf32, #tpu.memory_space<hbm>> -> memref<128x128xf32, #tpu.memory_space<hbm>>
        %dma_wait3A_205 = arith.constant 0 : i32
        %dma_wait3A_206 = tpu.memref_slice %arg19[%add3A_194, %dma_wait3A_205] : memref<10240x128xf32, #tpu.memory_space<vmem_shared>> -> memref<128x128xf32, #tpu.memory_space<vmem_shared>>
        tpu.wait_dma2 semaphore(%run_scoped3A : memref<!tpu.dma_semaphore, #tpu.memory_space<semaphore_mem>>) src(%dma_wait3A_206 : memref<128x128xf32, #tpu.memory_space<vmem_shared>>) dst(%dma_wait3A_204 : memref<128x128xf32, #tpu.memory_space<hbm>>)
        tpu.yield
      }) : () -> ()
      %add3A_195 = arith.constant 384 : i32
      %add3A_196 = arith.addi %mul3A_0, %add3A_195 : i32
      "tpu.region"() ({
        %run_scoped3A = tpu.sem_alloc : memref<!tpu.dma_semaphore, #tpu.memory_space<semaphore_mem>>
        %dma_start3A_199 = arith.constant 0 : i32
        %dma_start3A_200 = tpu.memref_slice %arg9[%add3A_196, %dma_start3A_199] : memref<10240x128xf32, #tpu.memory_space<hbm>> -> memref<128x128xf32, #tpu.memory_space<hbm>>
        %dma_start3A_201 = arith.constant 0 : i32
        %dma_start3A_202 = tpu.memref_slice %arg19[%add3A_196, %dma_start3A_201] : memref<10240x128xf32, #tpu.memory_space<vmem_shared>> -> memref<128x128xf32, #tpu.memory_space<vmem_shared>>
        tpu.enqueue_dma source(%dma_start3A_202 : memref<128x128xf32, #tpu.memory_space<vmem_shared>>) target(%dma_start3A_200 : memref<128x128xf32, #tpu.memory_space<hbm>>) target_semaphore(%run_scoped3A : memref<!tpu.dma_semaphore, #tpu.memory_space<semaphore_mem>>)
        %dma_wait3A_203 = arith.constant 0 : i32
        %dma_wait3A_204 = tpu.memref_slice %arg9[%add3A_196, %dma_wait3A_203] : memref<10240x128xf32, #tpu.memory_space<hbm>> -> memref<128x128xf32, #tpu.memory_space<hbm>>
        %dma_wait3A_205 = arith.constant 0 : i32
        %dma_wait3A_206 = tpu.memref_slice %arg19[%add3A_196, %dma_wait3A_205] : memref<10240x128xf32, #tpu.memory_space<vmem_shared>> -> memref<128x128xf32, #tpu.memory_space<vmem_shared>>
        tpu.wait_dma2 semaphore(%run_scoped3A : memref<!tpu.dma_semaphore, #tpu.memory_space<semaphore_mem>>) src(%dma_wait3A_206 : memref<128x128xf32, #tpu.memory_space<vmem_shared>>) dst(%dma_wait3A_204 : memref<128x128xf32, #tpu.memory_space<hbm>>)
        tpu.yield
      }) : () -> ()
      %add3A_197 = arith.constant 512 : i32
      %add3A_198 = arith.addi %mul3A_0, %add3A_197 : i32
      "tpu.region"() ({
        %run_scoped3A = tpu.sem_alloc : memref<!tpu.dma_semaphore, #tpu.memory_space<semaphore_mem>>
        %dma_start3A_199 = arith.constant 0 : i32
        %dma_start3A_200 = tpu.memref_slice %arg9[%add3A_198, %dma_start3A_199] : memref<10240x128xf32, #tpu.memory_space<hbm>> -> memref<128x128xf32, #tpu.memory_space<hbm>>
        %dma_start3A_201 = arith.constant 0 : i32
        %dma_start3A_202 = tpu.memref_slice %arg19[%add3A_198, %dma_start3A_201] : memref<10240x128xf32, #tpu.memory_space<vmem_shared>> -> memref<128x128xf32, #tpu.memory_space<vmem_shared>>
        tpu.enqueue_dma source(%dma_start3A_202 : memref<128x128xf32, #tpu.memory_space<vmem_shared>>) target(%dma_start3A_200 : memref<128x128xf32, #tpu.memory_space<hbm>>) target_semaphore(%run_scoped3A : memref<!tpu.dma_semaphore, #tpu.memory_space<semaphore_mem>>)
        %dma_wait3A_203 = arith.constant 0 : i32
        %dma_wait3A_204 = tpu.memref_slice %arg9[%add3A_198, %dma_wait3A_203] : memref<10240x128xf32, #tpu.memory_space<hbm>> -> memref<128x128xf32, #tpu.memory_space<hbm>>
        %dma_wait3A_205 = arith.constant 0 : i32
        %dma_wait3A_206 = tpu.memref_slice %arg19[%add3A_198, %dma_wait3A_205] : memref<10240x128xf32, #tpu.memory_space<vmem_shared>> -> memref<128x128xf32, #tpu.memory_space<vmem_shared>>
        tpu.wait_dma2 semaphore(%run_scoped3A : memref<!tpu.dma_semaphore, #tpu.memory_space<semaphore_mem>>) src(%dma_wait3A_206 : memref<128x128xf32, #tpu.memory_space<vmem_shared>>) dst(%dma_wait3A_204 : memref<128x128xf32, #tpu.memory_space<hbm>>)
        tpu.yield
      }) : () -> ()
      "tpu.region"() ({
        %run_scoped3A = tpu.sem_alloc : memref<!tpu.dma_semaphore, #tpu.memory_space<semaphore_mem>>
        %dma_start3A_199 = tpu.memref_slice %arg11[%mul3A_0] : memref<10240xf32, #tpu.memory_space<hbm>> -> memref<640xf32, #tpu.memory_space<hbm>>
        %dma_start3A_200 = tpu.memref_slice %arg20[%mul3A_0] : memref<10240xf32, #tpu.memory_space<vmem_shared>> -> memref<640xf32, #tpu.memory_space<vmem_shared>>
        tpu.enqueue_dma source(%dma_start3A_200 : memref<640xf32, #tpu.memory_space<vmem_shared>>) target(%dma_start3A_199 : memref<640xf32, #tpu.memory_space<hbm>>) target_semaphore(%run_scoped3A : memref<!tpu.dma_semaphore, #tpu.memory_space<semaphore_mem>>)
        %dma_wait3A_201 = tpu.memref_slice %arg11[%mul3A_0] : memref<10240xf32, #tpu.memory_space<hbm>> -> memref<640xf32, #tpu.memory_space<hbm>>
        %dma_wait3A_202 = tpu.memref_slice %arg20[%mul3A_0] : memref<10240xf32, #tpu.memory_space<vmem_shared>> -> memref<640xf32, #tpu.memory_space<vmem_shared>>
        tpu.wait_dma2 semaphore(%run_scoped3A : memref<!tpu.dma_semaphore, #tpu.memory_space<semaphore_mem>>) src(%dma_wait3A_202 : memref<640xf32, #tpu.memory_space<vmem_shared>>) dst(%dma_wait3A_201 : memref<640xf32, #tpu.memory_space<hbm>>)
        tpu.yield
      }) : () -> ()
    } else {
    }
    return
  }
}

#map = affine_map<(d0, d1) -> (0, 0)>
#map1 = affine_map<(d0, d1) -> (0, 0, 0)>
#map2 = affine_map<(d0, d1) -> (0)>
module attributes {stable_mosaic.version = 14 : i64} {
  func.func @_gather_deg_kernel(%arg0: i32, %arg1: i32, %arg2: memref<10000x128xf32, #tpu.memory_space<hbm>>, %arg3: memref<16x5x128xi32, #tpu.memory_space<hbm>>, %arg4: memref<16x160x128xi32, #tpu.memory_space<hbm>>, %arg5: memref<128xf32, #tpu.memory_space<hbm>>, %arg6: memref<640xf32, #tpu.memory_space<hbm>>, %arg7: memref<10240x128xf32, #tpu.memory_space<hbm>>, %arg8: memref<10240xf32, #tpu.memory_space<hbm>>, %arg9: memref<5x128xi32, #tpu.memory_space<vmem>>, %arg10: memref<160x128xi32, #tpu.memory_space<vmem>>, %arg11: memref<128x128xf32, #tpu.memory_space<vmem>>, %arg12: memref<128x128xf32, #tpu.memory_space<vmem>>, %arg13: memref<128x128xf32, #tpu.memory_space<vmem>>, %arg14: memref<128xf32, #tpu.memory_space<vmem>>, %arg15: memref<640xf32, #tpu.memory_space<vmem>>, %arg16: memref<10240xf32, #tpu.memory_space<vmem_shared>>, %arg17: memref<!tpu.dma_semaphore, #tpu.memory_space<semaphore_mem>>, %arg18: memref<!tpu.dma_semaphore, #tpu.memory_space<semaphore_mem>>, %arg19: memref<!tpu.dma_semaphore, #tpu.memory_space<semaphore_mem>>, %arg20: memref<!tpu.dma_semaphore, #tpu.memory_space<semaphore_mem>>, %arg21: memref<!tpu.dma_semaphore, #tpu.memory_space<semaphore_mem>>, %arg22: memref<!tpu.dma_semaphore, #tpu.memory_space<semaphore_mem>>, %arg23: memref<!tpu.dma_semaphore, #tpu.memory_space<semaphore_mem>>) attributes {dimension_semantics = [#tpu.dimension_semantics<core_parallel>, #tpu.dimension_semantics<subcore_parallel>], iteration_bounds = array<i64: 2, 16>, scalar_prefetch = 0 : i64, scratch_operands = 15 : i64, tpu.core_type = #tpu.core_type<sc_vector_subcore>, window_params = [{transform_indices = #map}, {transform_indices = #map1}, {transform_indices = #map1}, {transform_indices = #map2}, {transform_indices = #map2}, {transform_indices = #map}, {transform_indices = #map2}]} {
    %eq3A = arith.constant 1 : i32
    %eq3A_0 = arith.cmpi eq, %arg0, %eq3A : i32
    %convert_element_type3A = arith.extui %eq3A_0 : i1 to i32
    %cond3A = arith.constant 0 : i32
    %cond3A_1 = arith.cmpi ne, %convert_element_type3A, %cond3A : i32
    scf.if %cond3A_1 {
      "tpu.region"() ({
        %run_scoped3A = tpu.sem_alloc : memref<!tpu.dma_semaphore, #tpu.memory_space<semaphore_mem>>
        tpu.enqueue_dma source(%arg6 : memref<640xf32, #tpu.memory_space<hbm>>) target(%arg15 : memref<640xf32, #tpu.memory_space<vmem>>) target_semaphore(%run_scoped3A : memref<!tpu.dma_semaphore, #tpu.memory_space<semaphore_mem>>)
        tpu.wait_dma2 semaphore(%run_scoped3A : memref<!tpu.dma_semaphore, #tpu.memory_space<semaphore_mem>>) src(%arg6 : memref<640xf32, #tpu.memory_space<hbm>>) dst(%arg15 : memref<640xf32, #tpu.memory_space<vmem>>)
        tpu.yield
      }) : () -> ()
      %mul3A = arith.constant 640 : i32
      %mul3A_18 = arith.muli %arg1, %mul3A : i32
      "tpu.region"() ({
        %run_scoped3A = tpu.sem_alloc : memref<!tpu.dma_semaphore, #tpu.memory_space<semaphore_mem>>
        %dma_start3A = tpu.memref_slice %arg16[%mul3A_18] : memref<10240xf32, #tpu.memory_space<vmem_shared>> -> memref<640xf32, #tpu.memory_space<vmem_shared>>
        %dma_start3A_19 = tpu.memref_slice %arg16[%mul3A_18] : memref<10240xf32, #tpu.memory_space<vmem_shared>> -> memref<640xf32, #tpu.memory_space<vmem_shared>>
        tpu.enqueue_dma source(%arg15 : memref<640xf32, #tpu.memory_space<vmem>>) target(%dma_start3A_19 : memref<640xf32, #tpu.memory_space<vmem_shared>>) target_semaphore(%run_scoped3A : memref<!tpu.dma_semaphore, #tpu.memory_space<semaphore_mem>>)
        %dma_wait3A = tpu.memref_slice %arg16[%mul3A_18] : memref<10240xf32, #tpu.memory_space<vmem_shared>> -> memref<640xf32, #tpu.memory_space<vmem_shared>>
        %dma_wait3A_20 = tpu.memref_slice %arg16[%mul3A_18] : memref<10240xf32, #tpu.memory_space<vmem_shared>> -> memref<640xf32, #tpu.memory_space<vmem_shared>>
        tpu.wait_dma2 semaphore(%run_scoped3A : memref<!tpu.dma_semaphore, #tpu.memory_space<semaphore_mem>>) src(%arg15 : memref<640xf32, #tpu.memory_space<vmem>>) dst(%dma_wait3A_20 : memref<640xf32, #tpu.memory_space<vmem_shared>>)
        tpu.yield
      }) : () -> ()
    } else {
    }
    %barrier3A = arith.constant 0 : index
    tpu.barrier barrier_id(%barrier3A)
    %eq3A_2 = arith.constant 0 : i32
    %eq3A_3 = arith.cmpi eq, %arg0, %eq3A_2 : i32
    %convert_element_type3A_4 = arith.extui %eq3A_3 : i1 to i32
    %cond3A_5 = arith.constant 0 : i32
    %cond3A_6 = arith.cmpi ne, %convert_element_type3A_4, %cond3A_5 : i32
    scf.if %cond3A_6 {
      "tpu.region"() ({
        %run_scoped3A = tpu.sem_alloc : memref<!tpu.dma_semaphore, #tpu.memory_space<semaphore_mem>>
        %dma_start3A_149 = arith.constant 0 : i32
        %dma_start3A_150 = arith.constant 0 : i32
        %dma_start3A_151 = tpu.memref_slice %arg3[%arg1, %dma_start3A_149, %dma_start3A_150] : memref<16x5x128xi32, #tpu.memory_space<hbm>> -> memref<1x5x128xi32, #tpu.memory_space<hbm>>
        %dma_start3A_152 = tpu.memref_squeeze %dma_start3A_151 : memref<1x5x128xi32, #tpu.memory_space<hbm>> -> memref<5x128xi32, #tpu.memory_space<hbm>>
        %dma_start3A_153 = arith.constant 0 : i32
        %dma_start3A_154 = arith.constant 0 : i32
        %dma_start3A_155 = tpu.memref_slice %arg3[%arg1, %dma_start3A_153, %dma_start3A_154] : memref<16x5x128xi32, #tpu.memory_space<hbm>> -> memref<1x5x128xi32, #tpu.memory_space<hbm>>
        %dma_start3A_156 = tpu.memref_squeeze %dma_start3A_155 : memref<1x5x128xi32, #tpu.memory_space<hbm>> -> memref<5x128xi32, #tpu.memory_space<hbm>>
        tpu.enqueue_dma source(%dma_start3A_156 : memref<5x128xi32, #tpu.memory_space<hbm>>) target(%arg9 : memref<5x128xi32, #tpu.memory_space<vmem>>) target_semaphore(%run_scoped3A : memref<!tpu.dma_semaphore, #tpu.memory_space<semaphore_mem>>)
        %dma_wait3A_157 = arith.constant 0 : i32
        %dma_wait3A_158 = arith.constant 0 : i32
        %dma_wait3A_159 = tpu.memref_slice %arg3[%arg1, %dma_wait3A_157, %dma_wait3A_158] : memref<16x5x128xi32, #tpu.memory_space<hbm>> -> memref<1x5x128xi32, #tpu.memory_space<hbm>>
        %dma_wait3A_160 = tpu.memref_squeeze %dma_wait3A_159 : memref<1x5x128xi32, #tpu.memory_space<hbm>> -> memref<5x128xi32, #tpu.memory_space<hbm>>
        %dma_wait3A_161 = arith.constant 0 : i32
        %dma_wait3A_162 = arith.constant 0 : i32
        %dma_wait3A_163 = tpu.memref_slice %arg3[%arg1, %dma_wait3A_161, %dma_wait3A_162] : memref<16x5x128xi32, #tpu.memory_space<hbm>> -> memref<1x5x128xi32, #tpu.memory_space<hbm>>
        %dma_wait3A_164 = tpu.memref_squeeze %dma_wait3A_163 : memref<1x5x128xi32, #tpu.memory_space<hbm>> -> memref<5x128xi32, #tpu.memory_space<hbm>>
        tpu.wait_dma2 semaphore(%run_scoped3A : memref<!tpu.dma_semaphore, #tpu.memory_space<semaphore_mem>>) src(%dma_wait3A_164 : memref<5x128xi32, #tpu.memory_space<hbm>>) dst(%arg9 : memref<5x128xi32, #tpu.memory_space<vmem>>)
        tpu.yield
      }) : () -> ()
      %dma_start3A = arith.constant 0 : i32
      %dma_start3A_18 = arith.constant 0 : i32
      %dma_start3A_19 = tpu.memref_slice %arg9[%dma_start3A, %dma_start3A_18] : memref<5x128xi32, #tpu.memory_space<vmem>> -> memref<1x128xi32, #tpu.memory_space<vmem>>
      %dma_start3A_20 = tpu.memref_squeeze %dma_start3A_19 : memref<1x128xi32, #tpu.memory_space<vmem>> -> memref<128xi32, #tpu.memory_space<vmem>>
      %dma_start3A_21 = arith.constant 0 : i32
      %dma_start3A_22 = arith.constant 0 : i32
      %dma_start3A_23 = tpu.memref_slice %arg2[%dma_start3A_21, %dma_start3A_22] : memref<10000x128xf32, #tpu.memory_space<hbm>> -> memref<10000x128xf32, #tpu.memory_space<hbm>>
      tpu.enqueue_indirect_dma source(%dma_start3A_23 : memref<10000x128xf32, #tpu.memory_space<hbm>>) target(%arg11 : memref<128x128xf32, #tpu.memory_space<vmem>>) offsets(%dma_start3A_20 : memref<128xi32, #tpu.memory_space<vmem>>) semaphore(%arg17 : memref<!tpu.dma_semaphore, #tpu.memory_space<semaphore_mem>>)
      %dma_start3A_24 = arith.constant 1 : i32
      %dma_start3A_25 = arith.constant 0 : i32
      %dma_start3A_26 = tpu.memref_slice %arg9[%dma_start3A_24, %dma_start3A_25] : memref<5x128xi32, #tpu.memory_space<vmem>> -> memref<1x128xi32, #tpu.memory_space<vmem>>
      %dma_start3A_27 = tpu.memref_squeeze %dma_start3A_26 : memref<1x128xi32, #tpu.memory_space<vmem>> -> memref<128xi32, #tpu.memory_space<vmem>>
      %dma_start3A_28 = arith.constant 0 : i32
      %dma_start3A_29 = arith.constant 0 : i32
      %dma_start3A_30 = tpu.memref_slice %arg2[%dma_start3A_28, %dma_start3A_29] : memref<10000x128xf32, #tpu.memory_space<hbm>> -> memref<10000x128xf32, #tpu.memory_space<hbm>>
      tpu.enqueue_indirect_dma source(%dma_start3A_30 : memref<10000x128xf32, #tpu.memory_space<hbm>>) target(%arg12 : memref<128x128xf32, #tpu.memory_space<vmem>>) offsets(%dma_start3A_27 : memref<128xi32, #tpu.memory_space<vmem>>) semaphore(%arg18 : memref<!tpu.dma_semaphore, #tpu.memory_space<semaphore_mem>>)
      %dma_wait3A = arith.constant 0 : i32
      %dma_wait3A_31 = arith.constant 0 : i32
      %dma_wait3A_32 = tpu.memref_slice %arg2[%dma_wait3A, %dma_wait3A_31] : memref<10000x128xf32, #tpu.memory_space<hbm>> -> memref<128x128xf32, #tpu.memory_space<hbm>>
      %dma_wait3A_33 = arith.constant 0 : i32
      %dma_wait3A_34 = arith.constant 0 : i32
      %dma_wait3A_35 = tpu.memref_slice %arg2[%dma_wait3A_33, %dma_wait3A_34] : memref<10000x128xf32, #tpu.memory_space<hbm>> -> memref<128x128xf32, #tpu.memory_space<hbm>>
      tpu.wait_dma2 semaphore(%arg17 : memref<!tpu.dma_semaphore, #tpu.memory_space<semaphore_mem>>) src(%dma_wait3A_35 : memref<128x128xf32, #tpu.memory_space<hbm>>) dst(%arg11 : memref<128x128xf32, #tpu.memory_space<vmem>>)
      %mul3A = arith.constant 640 : i32
      %mul3A_36 = arith.muli %arg1, %mul3A : i32
      %add3A = arith.constant 0 : i32
      %add3A_37 = arith.addi %mul3A_36, %add3A : i32
      %dma_start3A_38 = arith.constant 0 : i32
      %dma_start3A_39 = tpu.memref_slice %arg7[%add3A_37, %dma_start3A_38] : memref<10240x128xf32, #tpu.memory_space<hbm>> -> memref<128x128xf32, #tpu.memory_space<hbm>>
      %dma_start3A_40 = arith.constant 0 : i32
      %dma_start3A_41 = tpu.memref_slice %arg7[%add3A_37, %dma_start3A_40] : memref<10240x128xf32, #tpu.memory_space<hbm>> -> memref<128x128xf32, #tpu.memory_space<hbm>>
      tpu.enqueue_dma source(%arg11 : memref<128x128xf32, #tpu.memory_space<vmem>>) target(%dma_start3A_41 : memref<128x128xf32, #tpu.memory_space<hbm>>) target_semaphore(%arg20 : memref<!tpu.dma_semaphore, #tpu.memory_space<semaphore_mem>>)
      %dma_start3A_42 = arith.constant 2 : i32
      %dma_start3A_43 = arith.constant 0 : i32
      %dma_start3A_44 = tpu.memref_slice %arg9[%dma_start3A_42, %dma_start3A_43] : memref<5x128xi32, #tpu.memory_space<vmem>> -> memref<1x128xi32, #tpu.memory_space<vmem>>
      %dma_start3A_45 = tpu.memref_squeeze %dma_start3A_44 : memref<1x128xi32, #tpu.memory_space<vmem>> -> memref<128xi32, #tpu.memory_space<vmem>>
      %dma_start3A_46 = arith.constant 0 : i32
      %dma_start3A_47 = arith.constant 0 : i32
      %dma_start3A_48 = tpu.memref_slice %arg2[%dma_start3A_46, %dma_start3A_47] : memref<10000x128xf32, #tpu.memory_space<hbm>> -> memref<10000x128xf32, #tpu.memory_space<hbm>>
      tpu.enqueue_indirect_dma source(%dma_start3A_48 : memref<10000x128xf32, #tpu.memory_space<hbm>>) target(%arg13 : memref<128x128xf32, #tpu.memory_space<vmem>>) offsets(%dma_start3A_45 : memref<128xi32, #tpu.memory_space<vmem>>) semaphore(%arg19 : memref<!tpu.dma_semaphore, #tpu.memory_space<semaphore_mem>>)
      %dma_wait3A_49 = arith.constant 0 : i32
      %dma_wait3A_50 = arith.constant 0 : i32
      %dma_wait3A_51 = tpu.memref_slice %arg2[%dma_wait3A_49, %dma_wait3A_50] : memref<10000x128xf32, #tpu.memory_space<hbm>> -> memref<128x128xf32, #tpu.memory_space<hbm>>
      %dma_wait3A_52 = arith.constant 0 : i32
      %dma_wait3A_53 = arith.constant 0 : i32
      %dma_wait3A_54 = tpu.memref_slice %arg2[%dma_wait3A_52, %dma_wait3A_53] : memref<10000x128xf32, #tpu.memory_space<hbm>> -> memref<128x128xf32, #tpu.memory_space<hbm>>
      tpu.wait_dma2 semaphore(%arg18 : memref<!tpu.dma_semaphore, #tpu.memory_space<semaphore_mem>>) src(%dma_wait3A_54 : memref<128x128xf32, #tpu.memory_space<hbm>>) dst(%arg12 : memref<128x128xf32, #tpu.memory_space<vmem>>)
      %mul3A_55 = arith.constant 640 : i32
      %mul3A_56 = arith.muli %arg1, %mul3A_55 : i32
      %add3A_57 = arith.constant 128 : i32
      %add3A_58 = arith.addi %mul3A_56, %add3A_57 : i32
      %dma_start3A_59 = arith.constant 0 : i32
      %dma_start3A_60 = tpu.memref_slice %arg7[%add3A_58, %dma_start3A_59] : memref<10240x128xf32, #tpu.memory_space<hbm>> -> memref<128x128xf32, #tpu.memory_space<hbm>>
      %dma_start3A_61 = arith.constant 0 : i32
      %dma_start3A_62 = tpu.memref_slice %arg7[%add3A_58, %dma_start3A_61] : memref<10240x128xf32, #tpu.memory_space<hbm>> -> memref<128x128xf32, #tpu.memory_space<hbm>>
      tpu.enqueue_dma source(%arg12 : memref<128x128xf32, #tpu.memory_space<vmem>>) target(%dma_start3A_62 : memref<128x128xf32, #tpu.memory_space<hbm>>) target_semaphore(%arg21 : memref<!tpu.dma_semaphore, #tpu.memory_space<semaphore_mem>>)
      %dma_wait3A_63 = arith.constant 0 : i32
      %dma_wait3A_64 = arith.constant 0 : i32
      %dma_wait3A_65 = tpu.memref_slice %arg2[%dma_wait3A_63, %dma_wait3A_64] : memref<10000x128xf32, #tpu.memory_space<hbm>> -> memref<128x128xf32, #tpu.memory_space<hbm>>
      %dma_wait3A_66 = arith.constant 0 : i32
      %dma_wait3A_67 = arith.constant 0 : i32
      %dma_wait3A_68 = tpu.memref_slice %arg2[%dma_wait3A_66, %dma_wait3A_67] : memref<10000x128xf32, #tpu.memory_space<hbm>> -> memref<128x128xf32, #tpu.memory_space<hbm>>
      tpu.wait_dma2 semaphore(%arg20 : memref<!tpu.dma_semaphore, #tpu.memory_space<semaphore_mem>>) src(%dma_wait3A_68 : memref<128x128xf32, #tpu.memory_space<hbm>>) dst(%arg11 : memref<128x128xf32, #tpu.memory_space<vmem>>)
      %dma_start3A_69 = arith.constant 3 : i32
      %dma_start3A_70 = arith.constant 0 : i32
      %dma_start3A_71 = tpu.memref_slice %arg9[%dma_start3A_69, %dma_start3A_70] : memref<5x128xi32, #tpu.memory_space<vmem>> -> memref<1x128xi32, #tpu.memory_space<vmem>>
      %dma_start3A_72 = tpu.memref_squeeze %dma_start3A_71 : memref<1x128xi32, #tpu.memory_space<vmem>> -> memref<128xi32, #tpu.memory_space<vmem>>
      %dma_start3A_73 = arith.constant 0 : i32
      %dma_start3A_74 = arith.constant 0 : i32
      %dma_start3A_75 = tpu.memref_slice %arg2[%dma_start3A_73, %dma_start3A_74] : memref<10000x128xf32, #tpu.memory_space<hbm>> -> memref<10000x128xf32, #tpu.memory_space<hbm>>
      tpu.enqueue_indirect_dma source(%dma_start3A_75 : memref<10000x128xf32, #tpu.memory_space<hbm>>) target(%arg11 : memref<128x128xf32, #tpu.memory_space<vmem>>) offsets(%dma_start3A_72 : memref<128xi32, #tpu.memory_space<vmem>>) semaphore(%arg17 : memref<!tpu.dma_semaphore, #tpu.memory_space<semaphore_mem>>)
      %dma_wait3A_76 = arith.constant 0 : i32
      %dma_wait3A_77 = arith.constant 0 : i32
      %dma_wait3A_78 = tpu.memref_slice %arg2[%dma_wait3A_76, %dma_wait3A_77] : memref<10000x128xf32, #tpu.memory_space<hbm>> -> memref<128x128xf32, #tpu.memory_space<hbm>>
      %dma_wait3A_79 = arith.constant 0 : i32
      %dma_wait3A_80 = arith.constant 0 : i32
      %dma_wait3A_81 = tpu.memref_slice %arg2[%dma_wait3A_79, %dma_wait3A_80] : memref<10000x128xf32, #tpu.memory_space<hbm>> -> memref<128x128xf32, #tpu.memory_space<hbm>>
      tpu.wait_dma2 semaphore(%arg19 : memref<!tpu.dma_semaphore, #tpu.memory_space<semaphore_mem>>) src(%dma_wait3A_81 : memref<128x128xf32, #tpu.memory_space<hbm>>) dst(%arg13 : memref<128x128xf32, #tpu.memory_space<vmem>>)
      %mul3A_82 = arith.constant 640 : i32
      %mul3A_83 = arith.muli %arg1, %mul3A_82 : i32
      %add3A_84 = arith.constant 256 : i32
      %add3A_85 = arith.addi %mul3A_83, %add3A_84 : i32
      %dma_start3A_86 = arith.constant 0 : i32
      %dma_start3A_87 = tpu.memref_slice %arg7[%add3A_85, %dma_start3A_86] : memref<10240x128xf32, #tpu.memory_space<hbm>> -> memref<128x128xf32, #tpu.memory_space<hbm>>
      %dma_start3A_88 = arith.constant 0 : i32
      %dma_start3A_89 = tpu.memref_slice %arg7[%add3A_85, %dma_start3A_88] : memref<10240x128xf32, #tpu.memory_space<hbm>> -> memref<128x128xf32, #tpu.memory_space<hbm>>
      tpu.enqueue_dma source(%arg13 : memref<128x128xf32, #tpu.memory_space<vmem>>) target(%dma_start3A_89 : memref<128x128xf32, #tpu.memory_space<hbm>>) target_semaphore(%arg22 : memref<!tpu.dma_semaphore, #tpu.memory_space<semaphore_mem>>)
      %dma_wait3A_90 = arith.constant 0 : i32
      %dma_wait3A_91 = arith.constant 0 : i32
      %dma_wait3A_92 = tpu.memref_slice %arg2[%dma_wait3A_90, %dma_wait3A_91] : memref<10000x128xf32, #tpu.memory_space<hbm>> -> memref<128x128xf32, #tpu.memory_space<hbm>>
      %dma_wait3A_93 = arith.constant 0 : i32
      %dma_wait3A_94 = arith.constant 0 : i32
      %dma_wait3A_95 = tpu.memref_slice %arg2[%dma_wait3A_93, %dma_wait3A_94] : memref<10000x128xf32, #tpu.memory_space<hbm>> -> memref<128x128xf32, #tpu.memory_space<hbm>>
      tpu.wait_dma2 semaphore(%arg21 : memref<!tpu.dma_semaphore, #tpu.memory_space<semaphore_mem>>) src(%dma_wait3A_95 : memref<128x128xf32, #tpu.memory_space<hbm>>) dst(%arg12 : memref<128x128xf32, #tpu.memory_space<vmem>>)
      %dma_start3A_96 = arith.constant 4 : i32
      %dma_start3A_97 = arith.constant 0 : i32
      %dma_start3A_98 = tpu.memref_slice %arg9[%dma_start3A_96, %dma_start3A_97] : memref<5x128xi32, #tpu.memory_space<vmem>> -> memref<1x128xi32, #tpu.memory_space<vmem>>
      %dma_start3A_99 = tpu.memref_squeeze %dma_start3A_98 : memref<1x128xi32, #tpu.memory_space<vmem>> -> memref<128xi32, #tpu.memory_space<vmem>>
      %dma_start3A_100 = arith.constant 0 : i32
      %dma_start3A_101 = arith.constant 0 : i32
      %dma_start3A_102 = tpu.memref_slice %arg2[%dma_start3A_100, %dma_start3A_101] : memref<10000x128xf32, #tpu.memory_space<hbm>> -> memref<10000x128xf32, #tpu.memory_space<hbm>>
      tpu.enqueue_indirect_dma source(%dma_start3A_102 : memref<10000x128xf32, #tpu.memory_space<hbm>>) target(%arg12 : memref<128x128xf32, #tpu.memory_space<vmem>>) offsets(%dma_start3A_99 : memref<128xi32, #tpu.memory_space<vmem>>) semaphore(%arg18 : memref<!tpu.dma_semaphore, #tpu.memory_space<semaphore_mem>>)
      %dma_wait3A_103 = arith.constant 0 : i32
      %dma_wait3A_104 = arith.constant 0 : i32
      %dma_wait3A_105 = tpu.memref_slice %arg2[%dma_wait3A_103, %dma_wait3A_104] : memref<10000x128xf32, #tpu.memory_space<hbm>> -> memref<128x128xf32, #tpu.memory_space<hbm>>
      %dma_wait3A_106 = arith.constant 0 : i32
      %dma_wait3A_107 = arith.constant 0 : i32
      %dma_wait3A_108 = tpu.memref_slice %arg2[%dma_wait3A_106, %dma_wait3A_107] : memref<10000x128xf32, #tpu.memory_space<hbm>> -> memref<128x128xf32, #tpu.memory_space<hbm>>
      tpu.wait_dma2 semaphore(%arg17 : memref<!tpu.dma_semaphore, #tpu.memory_space<semaphore_mem>>) src(%dma_wait3A_108 : memref<128x128xf32, #tpu.memory_space<hbm>>) dst(%arg11 : memref<128x128xf32, #tpu.memory_space<vmem>>)
      %mul3A_109 = arith.constant 640 : i32
      %mul3A_110 = arith.muli %arg1, %mul3A_109 : i32
      %add3A_111 = arith.constant 384 : i32
      %add3A_112 = arith.addi %mul3A_110, %add3A_111 : i32
      %dma_start3A_113 = arith.constant 0 : i32
      %dma_start3A_114 = tpu.memref_slice %arg7[%add3A_112, %dma_start3A_113] : memref<10240x128xf32, #tpu.memory_space<hbm>> -> memref<128x128xf32, #tpu.memory_space<hbm>>
      %dma_start3A_115 = arith.constant 0 : i32
      %dma_start3A_116 = tpu.memref_slice %arg7[%add3A_112, %dma_start3A_115] : memref<10240x128xf32, #tpu.memory_space<hbm>> -> memref<128x128xf32, #tpu.memory_space<hbm>>
      tpu.enqueue_dma source(%arg11 : memref<128x128xf32, #tpu.memory_space<vmem>>) target(%dma_start3A_116 : memref<128x128xf32, #tpu.memory_space<hbm>>) target_semaphore(%arg20 : memref<!tpu.dma_semaphore, #tpu.memory_space<semaphore_mem>>)
      %dma_wait3A_117 = arith.constant 0 : i32
      %dma_wait3A_118 = arith.constant 0 : i32
      %dma_wait3A_119 = tpu.memref_slice %arg2[%dma_wait3A_117, %dma_wait3A_118] : memref<10000x128xf32, #tpu.memory_space<hbm>> -> memref<128x128xf32, #tpu.memory_space<hbm>>
      %dma_wait3A_120 = arith.constant 0 : i32
      %dma_wait3A_121 = arith.constant 0 : i32
      %dma_wait3A_122 = tpu.memref_slice %arg2[%dma_wait3A_120, %dma_wait3A_121] : memref<10000x128xf32, #tpu.memory_space<hbm>> -> memref<128x128xf32, #tpu.memory_space<hbm>>
      tpu.wait_dma2 semaphore(%arg18 : memref<!tpu.dma_semaphore, #tpu.memory_space<semaphore_mem>>) src(%dma_wait3A_122 : memref<128x128xf32, #tpu.memory_space<hbm>>) dst(%arg12 : memref<128x128xf32, #tpu.memory_space<vmem>>)
      %mul3A_123 = arith.constant 640 : i32
      %mul3A_124 = arith.muli %arg1, %mul3A_123 : i32
      %add3A_125 = arith.constant 512 : i32
      %add3A_126 = arith.addi %mul3A_124, %add3A_125 : i32
      %dma_start3A_127 = arith.constant 0 : i32
      %dma_start3A_128 = tpu.memref_slice %arg7[%add3A_126, %dma_start3A_127] : memref<10240x128xf32, #tpu.memory_space<hbm>> -> memref<128x128xf32, #tpu.memory_space<hbm>>
      %dma_start3A_129 = arith.constant 0 : i32
      %dma_start3A_130 = tpu.memref_slice %arg7[%add3A_126, %dma_start3A_129] : memref<10240x128xf32, #tpu.memory_space<hbm>> -> memref<128x128xf32, #tpu.memory_space<hbm>>
      tpu.enqueue_dma source(%arg12 : memref<128x128xf32, #tpu.memory_space<vmem>>) target(%dma_start3A_130 : memref<128x128xf32, #tpu.memory_space<hbm>>) target_semaphore(%arg21 : memref<!tpu.dma_semaphore, #tpu.memory_space<semaphore_mem>>)
      %dma_wait3A_131 = arith.constant 0 : i32
      %dma_wait3A_132 = arith.constant 0 : i32
      %dma_wait3A_133 = tpu.memref_slice %arg2[%dma_wait3A_131, %dma_wait3A_132] : memref<10000x128xf32, #tpu.memory_space<hbm>> -> memref<128x128xf32, #tpu.memory_space<hbm>>
      %dma_wait3A_134 = arith.constant 0 : i32
      %dma_wait3A_135 = arith.constant 0 : i32
      %dma_wait3A_136 = tpu.memref_slice %arg2[%dma_wait3A_134, %dma_wait3A_135] : memref<10000x128xf32, #tpu.memory_space<hbm>> -> memref<128x128xf32, #tpu.memory_space<hbm>>
      tpu.wait_dma2 semaphore(%arg20 : memref<!tpu.dma_semaphore, #tpu.memory_space<semaphore_mem>>) src(%dma_wait3A_136 : memref<128x128xf32, #tpu.memory_space<hbm>>) dst(%arg11 : memref<128x128xf32, #tpu.memory_space<vmem>>)
      %dma_wait3A_137 = arith.constant 0 : i32
      %dma_wait3A_138 = arith.constant 0 : i32
      %dma_wait3A_139 = tpu.memref_slice %arg2[%dma_wait3A_137, %dma_wait3A_138] : memref<10000x128xf32, #tpu.memory_space<hbm>> -> memref<128x128xf32, #tpu.memory_space<hbm>>
      %dma_wait3A_140 = arith.constant 0 : i32
      %dma_wait3A_141 = arith.constant 0 : i32
      %dma_wait3A_142 = tpu.memref_slice %arg2[%dma_wait3A_140, %dma_wait3A_141] : memref<10000x128xf32, #tpu.memory_space<hbm>> -> memref<128x128xf32, #tpu.memory_space<hbm>>
      tpu.wait_dma2 semaphore(%arg21 : memref<!tpu.dma_semaphore, #tpu.memory_space<semaphore_mem>>) src(%dma_wait3A_142 : memref<128x128xf32, #tpu.memory_space<hbm>>) dst(%arg12 : memref<128x128xf32, #tpu.memory_space<vmem>>)
      %dma_wait3A_143 = arith.constant 0 : i32
      %dma_wait3A_144 = arith.constant 0 : i32
      %dma_wait3A_145 = tpu.memref_slice %arg2[%dma_wait3A_143, %dma_wait3A_144] : memref<10000x128xf32, #tpu.memory_space<hbm>> -> memref<128x128xf32, #tpu.memory_space<hbm>>
      %dma_wait3A_146 = arith.constant 0 : i32
      %dma_wait3A_147 = arith.constant 0 : i32
      %dma_wait3A_148 = tpu.memref_slice %arg2[%dma_wait3A_146, %dma_wait3A_147] : memref<10000x128xf32, #tpu.memory_space<hbm>> -> memref<128x128xf32, #tpu.memory_space<hbm>>
      tpu.wait_dma2 semaphore(%arg22 : memref<!tpu.dma_semaphore, #tpu.memory_space<semaphore_mem>>) src(%dma_wait3A_148 : memref<128x128xf32, #tpu.memory_space<hbm>>) dst(%arg13 : memref<128x128xf32, #tpu.memory_space<vmem>>)
    } else {
    }
    %eq3A_7 = arith.constant 1 : i32
    %eq3A_8 = arith.cmpi eq, %arg0, %eq3A_7 : i32
    %convert_element_type3A_9 = arith.extui %eq3A_8 : i1 to i32
    %cond3A_10 = arith.constant 0 : i32
    %cond3A_11 = arith.cmpi ne, %convert_element_type3A_9, %cond3A_10 : i32
    scf.if %cond3A_11 {
      "tpu.region"() ({
        %run_scoped3A = tpu.sem_alloc : memref<!tpu.dma_semaphore, #tpu.memory_space<semaphore_mem>>
        tpu.enqueue_dma source(%arg5 : memref<128xf32, #tpu.memory_space<hbm>>) target(%arg14 : memref<128xf32, #tpu.memory_space<vmem>>) target_semaphore(%run_scoped3A : memref<!tpu.dma_semaphore, #tpu.memory_space<semaphore_mem>>)
        tpu.wait_dma2 semaphore(%run_scoped3A : memref<!tpu.dma_semaphore, #tpu.memory_space<semaphore_mem>>) src(%arg5 : memref<128xf32, #tpu.memory_space<hbm>>) dst(%arg14 : memref<128xf32, #tpu.memory_space<vmem>>)
        tpu.yield
      }) : () -> ()
      "tpu.region"() ({
        %run_scoped3A = tpu.sem_alloc : memref<!tpu.dma_semaphore, #tpu.memory_space<semaphore_mem>>
        %dma_start3A = arith.constant 0 : i32
        %dma_start3A_29 = arith.constant 0 : i32
        %dma_start3A_30 = tpu.memref_slice %arg4[%arg1, %dma_start3A, %dma_start3A_29] : memref<16x160x128xi32, #tpu.memory_space<hbm>> -> memref<1x160x128xi32, #tpu.memory_space<hbm>>
        %dma_start3A_31 = tpu.memref_squeeze %dma_start3A_30 : memref<1x160x128xi32, #tpu.memory_space<hbm>> -> memref<160x128xi32, #tpu.memory_space<hbm>>
        %dma_start3A_32 = arith.constant 0 : i32
        %dma_start3A_33 = arith.constant 0 : i32
        %dma_start3A_34 = tpu.memref_slice %arg4[%arg1, %dma_start3A_32, %dma_start3A_33] : memref<16x160x128xi32, #tpu.memory_space<hbm>> -> memref<1x160x128xi32, #tpu.memory_space<hbm>>
        %dma_start3A_35 = tpu.memref_squeeze %dma_start3A_34 : memref<1x160x128xi32, #tpu.memory_space<hbm>> -> memref<160x128xi32, #tpu.memory_space<hbm>>
        tpu.enqueue_dma source(%dma_start3A_35 : memref<160x128xi32, #tpu.memory_space<hbm>>) target(%arg10 : memref<160x128xi32, #tpu.memory_space<vmem>>) target_semaphore(%run_scoped3A : memref<!tpu.dma_semaphore, #tpu.memory_space<semaphore_mem>>)
        %dma_wait3A_36 = arith.constant 0 : i32
        %dma_wait3A_37 = arith.constant 0 : i32
        %dma_wait3A_38 = tpu.memref_slice %arg4[%arg1, %dma_wait3A_36, %dma_wait3A_37] : memref<16x160x128xi32, #tpu.memory_space<hbm>> -> memref<1x160x128xi32, #tpu.memory_space<hbm>>
        %dma_wait3A_39 = tpu.memref_squeeze %dma_wait3A_38 : memref<1x160x128xi32, #tpu.memory_space<hbm>> -> memref<160x128xi32, #tpu.memory_space<hbm>>
        %dma_wait3A_40 = arith.constant 0 : i32
        %dma_wait3A_41 = arith.constant 0 : i32
        %dma_wait3A_42 = tpu.memref_slice %arg4[%arg1, %dma_wait3A_40, %dma_wait3A_41] : memref<16x160x128xi32, #tpu.memory_space<hbm>> -> memref<1x160x128xi32, #tpu.memory_space<hbm>>
        %dma_wait3A_43 = tpu.memref_squeeze %dma_wait3A_42 : memref<1x160x128xi32, #tpu.memory_space<hbm>> -> memref<160x128xi32, #tpu.memory_space<hbm>>
        tpu.wait_dma2 semaphore(%run_scoped3A : memref<!tpu.dma_semaphore, #tpu.memory_space<semaphore_mem>>) src(%dma_wait3A_43 : memref<160x128xi32, #tpu.memory_space<hbm>>) dst(%arg10 : memref<160x128xi32, #tpu.memory_space<vmem>>)
        tpu.yield
      }) : () -> ()
      %scan3A = arith.constant 0 : i32
      %scan3A_18 = arith.constant 160 : i32
      %scan3A_19 = arith.addi %scan3A, %scan3A_18 : i32
      %scan3A_20 = arith.constant 1 : i32
      scf.for %scan3A_29 = %scan3A to %scan3A_19 step %scan3A_20  : i32 {
        %mul3A = arith.constant 1 : i32
        %mul3A_30 = arith.muli %scan3A_29, %mul3A : i32
        %add3A = arith.constant 0 : i32
        %add3A_31 = arith.addi %add3A, %mul3A_30 : i32
        %dma_start3A = arith.constant 0 : i32
        %dma_start3A_32 = tpu.memref_slice %arg10[%add3A_31, %dma_start3A] : memref<160x128xi32, #tpu.memory_space<vmem>> -> memref<1x128xi32, #tpu.memory_space<vmem>>
        %dma_start3A_33 = tpu.memref_squeeze %dma_start3A_32 : memref<1x128xi32, #tpu.memory_space<vmem>> -> memref<128xi32, #tpu.memory_space<vmem>>
        %dma_start3A_34 = arith.constant 0 : i32
        %dma_start3A_35 = tpu.memref_slice %arg16[%dma_start3A_34] : memref<10240xf32, #tpu.memory_space<vmem_shared>> -> memref<10240xf32, #tpu.memory_space<vmem_shared>>
        tpu.enqueue_indirect_dma source(%arg14 : memref<128xf32, #tpu.memory_space<vmem>>) target(%dma_start3A_35 : memref<10240xf32, #tpu.memory_space<vmem_shared>>) offsets(%dma_start3A_33 : memref<128xi32, #tpu.memory_space<vmem>>) semaphore(%arg23 : memref<!tpu.dma_semaphore, #tpu.memory_space<semaphore_mem>>) {add = true}
      }
      %scan3A_21 = arith.constant 160 : i32
      %dma_wait3A = arith.constant 0 : i32
      %dma_wait3A_22 = arith.constant 0 : i32
      %dma_wait3A_23 = tpu.memref_slice %arg4[%arg1, %dma_wait3A, %dma_wait3A_22] : memref<16x160x128xi32, #tpu.memory_space<hbm>> -> memref<1x160x128xi32, #tpu.memory_space<hbm>>
      %dma_wait3A_24 = tpu.memref_squeeze %dma_wait3A_23 : memref<1x160x128xi32, #tpu.memory_space<hbm>> -> memref<160x128xi32, #tpu.memory_space<hbm>>
      %dma_wait3A_25 = arith.constant 0 : i32
      %dma_wait3A_26 = arith.constant 0 : i32
      %dma_wait3A_27 = tpu.memref_slice %arg4[%arg1, %dma_wait3A_25, %dma_wait3A_26] : memref<16x160x128xi32, #tpu.memory_space<hbm>> -> memref<1x160x128xi32, #tpu.memory_space<hbm>>
      %dma_wait3A_28 = tpu.memref_squeeze %dma_wait3A_27 : memref<1x160x128xi32, #tpu.memory_space<hbm>> -> memref<160x128xi32, #tpu.memory_space<hbm>>
      tpu.wait_dma2 semaphore(%arg23 : memref<!tpu.dma_semaphore, #tpu.memory_space<semaphore_mem>>) src(%dma_wait3A_28 : memref<160x128xi32, #tpu.memory_space<hbm>>) dst(%arg10 : memref<160x128xi32, #tpu.memory_space<vmem>>)
    } else {
    }
    %barrier3A_12 = arith.constant 0 : index
    tpu.barrier barrier_id(%barrier3A_12)
    %eq3A_13 = arith.constant 1 : i32
    %eq3A_14 = arith.cmpi eq, %arg0, %eq3A_13 : i32
    %convert_element_type3A_15 = arith.extui %eq3A_14 : i1 to i32
    %cond3A_16 = arith.constant 0 : i32
    %cond3A_17 = arith.cmpi ne, %convert_element_type3A_15, %cond3A_16 : i32
    scf.if %cond3A_17 {
      %mul3A = arith.constant 640 : i32
      %mul3A_18 = arith.muli %arg1, %mul3A : i32
      "tpu.region"() ({
        %run_scoped3A = tpu.sem_alloc : memref<!tpu.dma_semaphore, #tpu.memory_space<semaphore_mem>>
        %dma_start3A = tpu.memref_slice %arg8[%mul3A_18] : memref<10240xf32, #tpu.memory_space<hbm>> -> memref<640xf32, #tpu.memory_space<hbm>>
        %dma_start3A_19 = tpu.memref_slice %arg16[%mul3A_18] : memref<10240xf32, #tpu.memory_space<vmem_shared>> -> memref<640xf32, #tpu.memory_space<vmem_shared>>
        tpu.enqueue_dma source(%dma_start3A_19 : memref<640xf32, #tpu.memory_space<vmem_shared>>) target(%dma_start3A : memref<640xf32, #tpu.memory_space<hbm>>) target_semaphore(%run_scoped3A : memref<!tpu.dma_semaphore, #tpu.memory_space<semaphore_mem>>)
        %dma_wait3A = tpu.memref_slice %arg8[%mul3A_18] : memref<10240xf32, #tpu.memory_space<hbm>> -> memref<640xf32, #tpu.memory_space<hbm>>
        %dma_wait3A_20 = tpu.memref_slice %arg16[%mul3A_18] : memref<10240xf32, #tpu.memory_space<vmem_shared>> -> memref<640xf32, #tpu.memory_space<vmem_shared>>
        tpu.wait_dma2 semaphore(%run_scoped3A : memref<!tpu.dma_semaphore, #tpu.memory_space<semaphore_mem>>) src(%dma_wait3A_20 : memref<640xf32, #tpu.memory_space<vmem_shared>>) dst(%dma_wait3A : memref<640xf32, #tpu.memory_space<hbm>>)
        tpu.yield
      }) : () -> ()
    } else {
    }
    return
  }
}

module attributes {stable_mosaic.version = 14 : i64} {
  func.func @_layer1_body(%arg0: i32, %arg1: memref<1024x128xf32, #tpu.memory_space<vmem>>, %arg2: memref<128x256xf32, #tpu.memory_space<vmem>>, %arg3: memref<1024x1xf32, #tpu.memory_space<vmem>>, %arg4: memref<1024x128xf32, #tpu.memory_space<vmem>>, %arg5: memref<1024x128xf32, #tpu.memory_space<vmem>>, %arg6: memref<1024x1xf32, #tpu.memory_space<vmem>>) attributes {dimension_semantics = [#tpu.dimension_semantics<arbitrary>], iteration_bounds = array<i64: 10>, scalar_prefetch = 0 : i64, scratch_operands = 0 : i64, tpu.core_type = #tpu.core_type<tc>, window_params = [{transform_indices = @transform_0, window_bounds = array<i64: 1024, 128>}, {pipeline_mode = #tpu.pipeline_mode<synchronous>, transform_indices = @transform_1, window_bounds = array<i64: 128, 256>}, {transform_indices = @transform_2, window_bounds = array<i64: 1024, 1>}, {transform_indices = @transform_3, window_bounds = array<i64: 1024, 128>}, {transform_indices = @transform_4, window_bounds = array<i64: 1024, 128>}, {transform_indices = @transform_5, window_bounds = array<i64: 1024, 1>}]} {
    %iota3A = tpu.iota {dimensions = array<i32: 0>} : vector<1024x1xi32>
    %mul3A = arith.constant 1024 : i32
    %mul3A_0 = arith.muli %arg0, %mul3A : i32
    %add3A = vector.broadcast %mul3A_0 : i32 to vector<1024x1xi32>
    %add3A_1 = arith.addi %iota3A, %add3A : vector<1024x1xi32>
    %lt3A = arith.constant 10000 : i32
    %lt3A_2 = vector.broadcast %lt3A : i32 to vector<1024x1xi32>
    %lt3A_3 = arith.cmpi slt, %add3A_1, %lt3A_2 : vector<1024x1xi32>
    %get3A = arith.constant 0 : index
    %get3A_4 = arith.constant 0 : index
    %get3A_5 = vector.load %arg3[%get3A, %get3A_4] : memref<1024x1xf32, #tpu.memory_space<vmem>>, vector<1024x1xf32>
    %add3A_6 = arith.constant 1.000000e+00 : f32
    %add3A_7 = vector.broadcast %add3A_6 : f32 to vector<1024x1xf32>
    %add3A_8 = arith.addf %get3A_5, %add3A_7 : vector<1024x1xf32>
    %rsqrt3A = math.rsqrt %add3A_8 : vector<1024x1xf32>
    %jit3A = arith.constant 0.000000e+00 : f32
    %broadcast_in_dim3A = vector.broadcast %jit3A : f32 to vector<1024x1xf32>
    %select_n3A = arith.select %lt3A_3, %rsqrt3A, %broadcast_in_dim3A : vector<1024x1xi1>, vector<1024x1xf32>
    %get3A_9 = arith.constant 0 : index
    %get3A_10 = arith.constant 0 : index
    %get3A_11 = vector.load %arg1[%get3A_9, %get3A_10] : memref<1024x128xf32, #tpu.memory_space<vmem>>, vector<1024x128xf32>
    %get3A_12 = arith.constant 0 : index
    %get3A_13 = arith.constant 0 : index
    %get3A_14 = vector.load %arg2[%get3A_12, %get3A_13] : memref<128x256xf32, #tpu.memory_space<vmem>>, vector<128x256xf32>
    %dot_general3A = arith.constant dense<0.000000e+00> : vector<1024x256xf32>
    %dot_general3A_15 = tpu.matmul %get3A_11, %get3A_14, %dot_general3A {dimension_numbers = #tpu.dot_dimension_numbers<[1], [0], [0], [1], [0, 0, 1, 1], [], []>, transpose_lhs_hint = false} : vector<1024x128xf32>, vector<128x256xf32>, vector<1024x256xf32> -> vector<1024x256xf32>
    %mul3A_16 = vector.broadcast %select_n3A : vector<1024x1xf32> to vector<1024x256xf32>
    %mul3A_17 = arith.mulf %dot_general3A_15, %mul3A_16 : vector<1024x256xf32>
    %slice3A = vector.extract_strided_slice %mul3A_17 {offsets = [0, 0], sizes = [1024, 128], strides = [1, 1]} : vector<1024x256xf32> to vector<1024x128xf32>
    %swap3A = arith.constant 0 : index
    %swap3A_18 = arith.constant 0 : index
    %swap3A_19 = vector.load %arg4[%swap3A, %swap3A_18] : memref<1024x128xf32, #tpu.memory_space<vmem>>, vector<1024x128xf32>
    tpu.vector_store %arg4[%swap3A, %swap3A_18], %slice3A {strides = array<i32>} : memref<1024x128xf32, #tpu.memory_space<vmem>>, vector<1024x128xf32>,
    %slice3A_20 = vector.extract_strided_slice %mul3A_17 {offsets = [0, 128], sizes = [1024, 128], strides = [1, 1]} : vector<1024x256xf32> to vector<1024x128xf32>
    %swap3A_21 = arith.constant 0 : index
    %swap3A_22 = arith.constant 0 : index
    %swap3A_23 = vector.load %arg5[%swap3A_21, %swap3A_22] : memref<1024x128xf32, #tpu.memory_space<vmem>>, vector<1024x128xf32>
    tpu.vector_store %arg5[%swap3A_21, %swap3A_22], %slice3A_20 {strides = array<i32>} : memref<1024x128xf32, #tpu.memory_space<vmem>>, vector<1024x128xf32>,
    %swap3A_24 = arith.constant 0 : index
    %swap3A_25 = arith.constant 0 : index
    %swap3A_26 = vector.load %arg6[%swap3A_24, %swap3A_25] : memref<1024x1xf32, #tpu.memory_space<vmem>>, vector<1024x1xf32>
    tpu.vector_store %arg6[%swap3A_24, %swap3A_25], %select_n3A {strides = array<i32>} : memref<1024x1xf32, #tpu.memory_space<vmem>>, vector<1024x1xf32>,
    return
  }
  func.func @transform_0(%arg0: i32) -> (i32, i32) {
    %c0_i32 = arith.constant 0 : i32
    %c0_i32_0 = arith.constant 0 : i32
    return %arg0, %c0_i32 : i32, i32
  }
  func.func @transform_1(%arg0: i32) -> (i32, i32) {
    %c0_i32 = arith.constant 0 : i32
    %c0_i32_0 = arith.constant 0 : i32
    %c0_i32_1 = arith.constant 0 : i32
    return %c0_i32, %c0_i32_0 : i32, i32
  }
  func.func @transform_2(%arg0: i32) -> (i32, i32) {
    %c0_i32 = arith.constant 0 : i32
    %c0_i32_0 = arith.constant 0 : i32
    return %arg0, %c0_i32 : i32, i32
  }
  func.func @transform_3(%arg0: i32) -> (i32, i32) {
    %c0_i32 = arith.constant 0 : i32
    %c0_i32_0 = arith.constant 0 : i32
    return %arg0, %c0_i32 : i32, i32
  }
  func.func @transform_4(%arg0: i32) -> (i32, i32) {
    %c0_i32 = arith.constant 0 : i32
    %c0_i32_0 = arith.constant 0 : i32
    return %arg0, %c0_i32 : i32, i32
  }
  func.func @transform_5(%arg0: i32) -> (i32, i32) {
    %c0_i32 = arith.constant 0 : i32
    %c0_i32_0 = arith.constant 0 : i32
    return %arg0, %c0_i32 : i32, i32
  }
}

module attributes {stable_mosaic.version = 14 : i64} {
  func.func @_final_body(%arg0: i32, %arg1: memref<1024x128xf32, #tpu.memory_space<vmem>>, %arg2: memref<1024x128xf32, #tpu.memory_space<vmem>>, %arg3: memref<1024x1xf32, #tpu.memory_space<vmem>>, %arg4: memref<1024x1xf32, #tpu.memory_space<vmem>>, %arg5: memref<1024x1xf32, #tpu.memory_space<vmem>>, %arg6: memref<1x256xf32, #tpu.memory_space<vmem>>, %arg7: memref<256x128xf32, #tpu.memory_space<vmem>>, %arg8: memref<1x128xf32, #tpu.memory_space<vmem>>, %arg9: memref<1x128xf32, #tpu.memory_space<vmem>>, %arg10: memref<1x256xf32, #tpu.memory_space<vmem>>) attributes {dimension_semantics = [#tpu.dimension_semantics<arbitrary>], iteration_bounds = array<i64: 10>, scalar_prefetch = 0 : i64, scratch_operands = 1 : i64, tpu.core_type = #tpu.core_type<tc>, window_params = [{transform_indices = @transform_0, window_bounds = array<i64: 1024, 128>}, {transform_indices = @transform_1, window_bounds = array<i64: 1024, 128>}, {transform_indices = @transform_2, window_bounds = array<i64: 1024, 1>}, {transform_indices = @transform_3, window_bounds = array<i64: 1024, 1>}, {transform_indices = @transform_4, window_bounds = array<i64: 1024, 1>}, {pipeline_mode = #tpu.pipeline_mode<synchronous>, transform_indices = @transform_5, window_bounds = array<i64: 1, 256>}, {pipeline_mode = #tpu.pipeline_mode<synchronous>, transform_indices = @transform_6, window_bounds = array<i64: 256, 128>}, {pipeline_mode = #tpu.pipeline_mode<synchronous>, transform_indices = @transform_7, window_bounds = array<i64: 1, 128>}, {pipeline_mode = #tpu.pipeline_mode<synchronous>, transform_indices = @transform_8, window_bounds = array<i64: 1, 128>}]} {
    %get3A = arith.constant 0 : index
    %get3A_0 = arith.constant 0 : index
    %get3A_1 = vector.load %arg3[%get3A, %get3A_0] : memref<1024x1xf32, #tpu.memory_space<vmem>>, vector<1024x1xf32>
    %get3A_2 = arith.constant 0 : index
    %get3A_3 = arith.constant 0 : index
    %get3A_4 = vector.load %arg4[%get3A_2, %get3A_3] : memref<1024x1xf32, #tpu.memory_space<vmem>>, vector<1024x1xf32>
    %add3A = arith.addf %get3A_1, %get3A_4 : vector<1024x1xf32>
    %get3A_5 = arith.constant 0 : index
    %get3A_6 = arith.constant 0 : index
    %get3A_7 = vector.load %arg5[%get3A_5, %get3A_6] : memref<1024x1xf32, #tpu.memory_space<vmem>>, vector<1024x1xf32>
    %add3A_8 = arith.addf %add3A, %get3A_7 : vector<1024x1xf32>
    %mul3A = arith.mulf %get3A_1, %add3A_8 : vector<1024x1xf32>
    %get3A_9 = arith.constant 0 : index
    %get3A_10 = arith.constant 0 : index
    %get3A_11 = vector.load %arg1[%get3A_9, %get3A_10] : memref<1024x128xf32, #tpu.memory_space<vmem>>, vector<1024x128xf32>
    %get3A_12 = arith.constant 0 : index
    %get3A_13 = arith.constant 0 : index
    %get3A_14 = vector.load %arg2[%get3A_12, %get3A_13] : memref<1024x128xf32, #tpu.memory_space<vmem>>, vector<1024x128xf32>
    %concatenate3A = tpu.concatenate %get3A_11, %get3A_14 in 1 : vector<1024x128xf32>, vector<1024x128xf32> -> vector<1024x256xf32>
    %mul3A_15 = vector.broadcast %get3A_1 : vector<1024x1xf32> to vector<1024x256xf32>
    %mul3A_16 = arith.mulf %concatenate3A, %mul3A_15 : vector<1024x256xf32>
    %get3A_17 = arith.constant 0 : index
    %get3A_18 = arith.constant 0 : index
    %get3A_19 = vector.load %arg6[%get3A_17, %get3A_18] : memref<1x256xf32, #tpu.memory_space<vmem>>, vector<1x256xf32>
    %add3A_20 = vector.broadcast %get3A_19 : vector<1x256xf32> to vector<1024x256xf32>
    %add3A_21 = arith.addf %mul3A_16, %add3A_20 : vector<1024x256xf32>
    %max3A = arith.constant 0.000000e+00 : f32
    %max3A_22 = vector.broadcast %max3A : f32 to vector<1024x256xf32>
    %max3A_23 = arith.maximumf %add3A_21, %max3A_22 : vector<1024x256xf32>
    %mul3A_24 = vector.broadcast %mul3A : vector<1024x1xf32> to vector<1024x256xf32>
    %mul3A_25 = arith.mulf %max3A_23, %mul3A_24 : vector<1024x256xf32>
    %reduce_sum3A = arith.constant dense<0.000000e+00> : vector<256xf32>
    %reduce_sum3A_26 = vector.multi_reduction <add>, %mul3A_25, %reduce_sum3A [0] : vector<1024x256xf32> to vector<256xf32>
    %broadcast_in_dim3A = vector.shape_cast %reduce_sum3A_26 : vector<256xf32> to vector<1x256xf32>
    %eq3A = arith.constant 0 : i32
    %eq3A_27 = arith.cmpi eq, %arg0, %eq3A : i32
    %convert_element_type3A = arith.extui %eq3A_27 : i1 to i32
    %cond3A = arith.constant 0 : i32
    %cond3A_28 = arith.cmpi ne, %convert_element_type3A, %cond3A : i32
    scf.if %cond3A_28 {
      %swap3A = arith.constant 0 : index
      %swap3A_38 = arith.constant 0 : index
      %swap3A_39 = vector.load %arg10[%swap3A, %swap3A_38] : memref<1x256xf32, #tpu.memory_space<vmem>>, vector<1x256xf32>
      tpu.vector_store %arg10[%swap3A, %swap3A_38], %broadcast_in_dim3A {strides = array<i32>} : memref<1x256xf32, #tpu.memory_space<vmem>>, vector<1x256xf32>,
    } else {
    }
    %gt3A = arith.constant 0 : i32
    %gt3A_29 = arith.cmpi sgt, %arg0, %gt3A : i32
    %convert_element_type3A_30 = arith.extui %gt3A_29 : i1 to i32
    %cond3A_31 = arith.constant 0 : i32
    %cond3A_32 = arith.cmpi ne, %convert_element_type3A_30, %cond3A_31 : i32
    scf.if %cond3A_32 {
      %get3A_38 = arith.constant 0 : index
      %get3A_39 = arith.constant 0 : index
      %get3A_40 = vector.load %arg10[%get3A_38, %get3A_39] : memref<1x256xf32, #tpu.memory_space<vmem>>, vector<1x256xf32>
      %add3A_41 = arith.addf %get3A_40, %broadcast_in_dim3A : vector<1x256xf32>
      %swap3A = arith.constant 0 : index
      %swap3A_42 = arith.constant 0 : index
      %swap3A_43 = vector.load %arg10[%swap3A, %swap3A_42] : memref<1x256xf32, #tpu.memory_space<vmem>>, vector<1x256xf32>
      tpu.vector_store %arg10[%swap3A, %swap3A_42], %add3A_41 {strides = array<i32>} : memref<1x256xf32, #tpu.memory_space<vmem>>, vector<1x256xf32>,
    } else {
    }
    %eq3A_33 = arith.constant 9 : i32
    %eq3A_34 = arith.cmpi eq, %arg0, %eq3A_33 : i32
    %convert_element_type3A_35 = arith.extui %eq3A_34 : i1 to i32
    %cond3A_36 = arith.constant 0 : i32
    %cond3A_37 = arith.cmpi ne, %convert_element_type3A_35, %cond3A_36 : i32
    scf.if %cond3A_37 {
      %get3A_38 = arith.constant 0 : index
      %get3A_39 = arith.constant 0 : index
      %get3A_40 = vector.load %arg10[%get3A_38, %get3A_39] : memref<1x256xf32, #tpu.memory_space<vmem>>, vector<1x256xf32>
      %get3A_41 = arith.constant 0 : index
      %get3A_42 = arith.constant 0 : index
      %get3A_43 = vector.load %arg7[%get3A_41, %get3A_42] : memref<256x128xf32, #tpu.memory_space<vmem>>, vector<256x128xf32>
      %dot_general3A = arith.constant dense<0.000000e+00> : vector<1x128xf32>
      %dot_general3A_44 = tpu.matmul %get3A_40, %get3A_43, %dot_general3A {dimension_numbers = #tpu.dot_dimension_numbers<[1], [0], [0], [1], [0, 0, 1, 1], [], []>, precision = #tpu.contract_precision<fp32>, transpose_lhs_hint = false} : vector<1x256xf32>, vector<256x128xf32>, vector<1x128xf32> -> vector<1x128xf32>
      %mul3A_45 = arith.constant 9.99999974E-5 : f32
      %mul3A_46 = vector.broadcast %mul3A_45 : f32 to vector<1x128xf32>
      %mul3A_47 = arith.mulf %dot_general3A_44, %mul3A_46 : vector<1x128xf32>
      %get3A_48 = arith.constant 0 : index
      %get3A_49 = arith.constant 0 : index
      %get3A_50 = vector.load %arg8[%get3A_48, %get3A_49] : memref<1x128xf32, #tpu.memory_space<vmem>>, vector<1x128xf32>
      %add3A_51 = arith.addf %mul3A_47, %get3A_50 : vector<1x128xf32>
      %swap3A = arith.constant 0 : index
      %swap3A_52 = arith.constant 0 : index
      %swap3A_53 = vector.load %arg9[%swap3A, %swap3A_52] : memref<1x128xf32, #tpu.memory_space<vmem>>, vector<1x128xf32>
      tpu.vector_store %arg9[%swap3A, %swap3A_52], %add3A_51 {strides = array<i32>} : memref<1x128xf32, #tpu.memory_space<vmem>>, vector<1x128xf32>,
    } else {
    }
    return
  }
  func.func @transform_0(%arg0: i32) -> (i32, i32) {
    %c0_i32 = arith.constant 0 : i32
    %c0_i32_0 = arith.constant 0 : i32
    return %arg0, %c0_i32 : i32, i32
  }
  func.func @transform_1(%arg0: i32) -> (i32, i32) {
    %c0_i32 = arith.constant 0 : i32
    %c0_i32_0 = arith.constant 0 : i32
    return %arg0, %c0_i32 : i32, i32
  }
  func.func @transform_2(%arg0: i32) -> (i32, i32) {
    %c0_i32 = arith.constant 0 : i32
    %c0_i32_0 = arith.constant 0 : i32
    return %arg0, %c0_i32 : i32, i32
  }
  func.func @transform_3(%arg0: i32) -> (i32, i32) {
    %c0_i32 = arith.constant 0 : i32
    %c0_i32_0 = arith.constant 0 : i32
    return %arg0, %c0_i32 : i32, i32
  }
  func.func @transform_4(%arg0: i32) -> (i32, i32) {
    %c0_i32 = arith.constant 0 : i32
    %c0_i32_0 = arith.constant 0 : i32
    return %arg0, %c0_i32 : i32, i32
  }
  func.func @transform_5(%arg0: i32) -> (i32, i32) {
    %c0_i32 = arith.constant 0 : i32
    %c0_i32_0 = arith.constant 0 : i32
    %c0_i32_1 = arith.constant 0 : i32
    return %c0_i32, %c0_i32_0 : i32, i32
  }
  func.func @transform_6(%arg0: i32) -> (i32, i32) {
    %c0_i32 = arith.constant 0 : i32
    %c0_i32_0 = arith.constant 0 : i32
    %c0_i32_1 = arith.constant 0 : i32
    return %c0_i32, %c0_i32_0 : i32, i32
  }
  func.func @transform_7(%arg0: i32) -> (i32, i32) {
    %c0_i32 = arith.constant 0 : i32
    %c0_i32_0 = arith.constant 0 : i32
    %c0_i32_1 = arith.constant 0 : i32
    return %c0_i32, %c0_i32_0 : i32, i32
  }
  func.func @transform_8(%arg0: i32) -> (i32, i32) {
    %c0_i32 = arith.constant 0 : i32
    %c0_i32_0 = arith.constant 0 : i32
    %c0_i32_1 = arith.constant 0 : i32
    return %c0_i32, %c0_i32_0 : i32, i32
  }
}

</mosaic_0001>

<sc_bundles>
// kernel: kernel.6.cloned.1.call-start
scs
__scs_entry_jumppad:
0x0: {  	(pc) =	sbr.rel $0x88, $3  }
0x1: {  	(tag) =	ssettag $0x0;
	lr =	simm.s32 $0x1  }
0x2: {  	[smem:$0x3F9A] =	sst lr;
	_ =	strace $0xD0000000  }
0x3: {  	_ = 	snop  }
0x4: {  	_ = 	snop  }
0x5: {  	_ = 	snop  }
0x6: {  	_ = 	snop  }
0x7: {  	_ = 	snop  }
__scs_overlays_trampoline_lowered:
0x8: {  	[smem:$0x3FA9] =	sst s0  }
0x9: {  	[smem:$0x3FAA] =	sst s1  }
0xa: {  	[smem:$0x3FAB] =	sst s2  }
0xb: {  	[smem:$0x3FAC] =	sst s3  }
0xc: {  	[smem:$0x3FAD] =	sst s4  }
0xd: {  	[smem:$0x3FAE] =	sst s5  }
0xe: {  	[smem:$0x3FAF] =	sst s6  }
0xf: {  	[smem:$0x3FB0] =	sst s7  }
0x10: {  	[smem:$0x3FB1] =	sst s8  }
0x11: {  	[smem:$0x3FB2] =	sst s9;
	s0 =	simm.s32 @!p0 $0x0  }
0x12: {  	s1 =	sld [smem:$0x3F98];
	s0 =	simm.s32 @p0 $0x1  }
0x13: {  	[smem:$0x3FB3] =	sst s0;
	s0 =	simm.s32 @!p1 $0x0  }
0x14: {  	s2 =	sld [smem:$0x3F97];
	s0 =	simm.s32 @p1 $0x1  }
0x15: {  	[smem:$0x3FB4] =	sst s0;
	s0 =	simm.s32 @!p2 $0x0  }
0x16: {  	s3 =	sld [smem:$0x3FDB];
	s0 =	simm.s32 @p2 $0x1  }
0x17: {  	s4 =	simm.s32 $0x1BF5;
	[smem:$0x3FB6] =	sst s0  }
0x18: {  	s0 =	sld [smem:$0x3F99];
	_ =	swait.ge [sflag:s4], $0x0  }
0x19: {  	s7 =	sld [smem:$0x3F9A]  }
0x1a: {  	s8 =	sadd.s32 $0xFFFFE003, lr  }
0x1b: {  	s9 =	sadd.s32 $0xFFFFFEF7, lr;
	s5 =	simm.s32 $0xFFFFFFFF;
	p2 =	slt.u32 s8, $0xFFFFF086  }
0x1c: {  	p1 =	slt.u32 s9, $0xF7A;
	s5 =	simm.s32 @!p2 $0x0  }
0x1d: {  	s5 =	simm.s32 @p1 $0x1;
	p0 =	seq.s32 s7, s2  }
0x1e: {  	s7 =	smul.u32 @!p0 $0xF7A, s2;
	p2 =	seq.s32 @!p0 s5, $0x0  }
0x1f: {  	s9 =	smul.u32 $0xF7A, s1;
	s8 =	simm.s32 @!p0 $0x1BF5;
	p2 =	por !p2, p0  }
0x20: {  	[sflag:s8] =	ssyncset.s32 @!p0 $0xFFFFF086;
	s6 =	sadd.s32 @!p0 s3, s7;
	s7 =	simm.s32 @!p0 $0x108  }
0x21: {  	s3 =	sadd.s32 s3, s9;
	s6 =	sadd.s32 @!p0 $0x88, s6;
	s7 =	simm.s32 @p2 $0x1082  }
0x22: {  	[simem:s7], [sflag:s8] =	dma.local @!p0 [hbm:s6], $0xF7A  }
0x23: {  	s9 =	sor.u32 $0xD0000000, s2;
	s6 =	simm.s32 $0x108;
	_ =	swait.ge @!p0 [sflag:s8], $0x0  }
0x24: {  	s3 =	sadd.s32 $0x88, s3;
	s6 =	simm.s32 @!p1 $0x1082;
	[sflag:s4] =	ssyncset.s32 $0xFFFFF086  }
0x25: {  	[simem:s6], [sflag:s4] =	dma.local [hbm:s3], $0xF7A  }
0x26: {  	[smem:$0x3F9A] =	sst s1;
	(tag) =	ssettag s2;
	_ =	strace s9  }
0x27: {  	s1 =	sld [smem:$0x3FAA]  }
0x28: {  	s2 =	sld [smem:$0x3FAB]  }
0x29: {  	s4 =	sld [smem:$0x3FAD]  }
0x2a: {  	p0 =	seq.s32 s5, $0x0;
	s5 =	sld [smem:$0x3FAE]  }
0x2b: {  	s6 =	sld [smem:$0x3FAF]  }
0x2c: {  	s7 =	sld [smem:$0x3FB0]  }
0x2d: {  	s3 =	simm.s32 $0x108;
	s8 =	sld [smem:$0x3FB1]  }
0x2e: {  	s3 =	simm.s32 @!p0 $0x1082;
	s9 =	sld [smem:$0x3FB2]  }
0x2f: {  	lr =	sadd.s32 s0, s3;
	s0 =	sld [smem:$0x3FA9]  }
0x30: {  	s3 =	sld [smem:$0x3FAC]  }
0x31: {  	[smem:$0x3FB5] =	sst s10  }
0x32: {  	s10 =	sld [smem:$0x3FB3];
	_ =	sdelay $0x3  }
0x33: {  	p0 =	seq.s32 s10, $0x1;
	s10 =	sld [smem:$0x3FB5];
	_ =	sdelay $0x3  }
0x34: {  	[smem:$0x3FB5] =	sst s10  }
0x35: {  	s10 =	sld [smem:$0x3FB4];
	_ =	sdelay $0x3  }
0x36: {  	p1 =	seq.s32 s10, $0x1;
	s10 =	sld [smem:$0x3FB5];
	_ =	sdelay $0x3  }
0x37: {  	[smem:$0x3FB5] =	sst s10  }
0x38: {  	s10 =	sld [smem:$0x3FB6]  }
0x39: {  	_ = 	snop;
	(pc) =	sbr.ind lr, $3  }
0x3a: {  	_ = 	snop  }
0x3b: {  	_ = 	snop  }
0x3c: {  	p2 =	seq.s32 s10, $0x1;
	s10 =	sld [smem:$0x3FB5]  }
0x3d: {  	_ =	shalt  }
0x3e: {  	_ =	shalt  }
0x3f: {  	_ =	shalt  }
0x40: {  	_ =	shalt  }
0x41: {  	_ =	shalt  }
0x42: {  	_ =	shalt  }
0x43: {  	_ =	shalt  }
0x44: {  	_ =	shalt  }
0x45: {  	_ =	shalt  }
0x46: {  	_ =	shalt  }
0x47: {  	_ =	shalt  }
0x48: {  	_ =	shalt  }
0x49: {  	_ =	shalt  }
0x4a: {  	_ =	shalt  }
0x4b: {  	_ =	shalt  }
0x4c: {  	_ =	shalt  }
0x4d: {  	_ =	shalt  }
0x4e: {  	_ =	shalt  }
0x4f: {  	_ =	shalt  }
0x50: {  	_ =	shalt  }
0x51: {  	_ =	shalt  }
0x52: {  	_ =	shalt  }
0x53: {  	_ =	shalt  }
0x54: {  	_ =	shalt  }
0x55: {  	_ =	shalt  }
0x56: {  	_ =	shalt  }
0x57: {  	_ =	shalt  }
0x58: {  	_ =	shalt  }
0x59: {  	_ =	shalt  }
0x5a: {  	_ =	shalt  }
0x5b: {  	_ =	shalt  }
0x5c: {  	_ =	shalt  }
0x5d: {  	_ =	shalt  }
0x5e: {  	_ =	shalt  }
0x5f: {  	_ =	shalt  }
0x60: {  	_ =	shalt  }
0x61: {  	_ =	shalt  }
0x62: {  	_ =	shalt  }
0x63: {  	_ =	shalt  }
0x64: {  	_ =	shalt  }
0x65: {  	_ =	shalt  }
0x66: {  	_ =	shalt  }
0x67: {  	_ =	shalt  }
0x68: {  	_ =	shalt  }
0x69: {  	_ =	shalt  }
0x6a: {  	_ =	shalt  }
0x6b: {  	_ =	shalt  }
0x6c: {  	_ =	shalt  }
0x6d: {  	_ =	shalt  }
0x6e: {  	_ =	shalt  }
0x6f: {  	_ =	shalt  }
0x70: {  	_ =	shalt  }
0x71: {  	_ =	shalt  }
0x72: {  	_ =	shalt  }
0x73: {  	_ =	shalt  }
0x74: {  	_ =	shalt  }
0x75: {  	_ =	shalt  }
0x76: {  	_ =	shalt  }
0x77: {  	_ =	shalt  }
0x78: {  	_ =	shalt  }
0x79: {  	_ =	shalt  }
0x7a: {  	_ =	shalt  }
0x7b: {  	_ =	shalt  }
0x7c: {  	_ =	shalt  }
0x7d: {  	_ =	shalt  }
0x7e: {  	_ =	shalt  }
0x7f: {  	_ =	shalt  }
0x80: {  	_ =	shalt  }
0x81: {  	_ =	shalt  }
0x82: {  	_ =	shalt  }
0x83: {  	_ =	shalt  }
0x84: {  	_ =	shalt  }
0x85: {  	_ =	shalt  }
0x86: {  	_ =	shalt  }
0x87: {  	_ =	shalt  }
.Lfunc_end0:
.L_simem_size_0:
called_computation_lowered:
.L_overlay_start_0:
0x88: {  	s2 =	sld [smem:$0x3FD9]  }
0x89: {  	s3 =	sld [smem:$0x3FFE];
	_ =	sdelay $0x1  }
0x8a: {  	s1 =	srdreg.scid  }
0x8b: {  	s0 =	sand.u32 $0x1, s1  }
0x8c: {  	s17 =	sshll.u32 s0, $0xA;
	s2 =	sadd.s32 s3, s2  }
0x8d: {  	s2 =	sadd.s32 s2, s17  }
0x8e: {  	[smem:$0x3FC1] =	sst s2  }
0x8f: {  	_ = 	snop  }
0x90: {  	s2 =	sld [smem:$0x3FC7]  }
0x91: {  	s18 =	sld [smem:$0x3FD0];
	(tm) =	ssettm $0x1  }
0x92: {  	s4 =	sld [smem:$0x3FFB];
	_ =	sdelay $0x3  }
0x93: {  	_ =	strace s4  }
0x94: {  	s4 =	sld [smem:$0x3FFC];
	_ =	sdelay $0x3  }
0x95: {  	_ =	strace s4  }
0x96: {  	s4 =	sld [smem:$0x3FFD];
	_ =	sdelay $0x3  }
0x97: {  	_ =	strace s4  }
0x98: {  	_ =	strace $0x8FFFFFFF  }
0x99: {  	s19 =	sld [smem:$0x3FDB];
	_ =	sdelay $0x1  }
0x9a: {  	s5 =	simm.s32 $_scs_section_size  }
0x9b: {  	s6 =	simm.s32 $_size__tile_overlayer_lowered;
	s7 =	simm.s32 $_tile_overlayer_lowered  }
0x9c: {  	s22 =	simm.s32 $0x1BFF;
	s21 =	sshll.u32 s7, $0x1;
	s4 =	sadd.s32 s5, s19  }
0x9d: {  	s8 =	simm.s32 $0x0;
	s20 =	sshll.u32 s6, $0x1;
	s6 =	sadd.s32 s21, s4  }
0x9e: {  	[timem:s8], [sflag:s22] =	dma.local [hbm:s6], s20  }
0x9f: {  	_ =	swait.ge [sflag:s22], s20  }
0xa0: {  	s5 =	ssub.s32 $0x0, s20;
	[sflag:s22] =	ssyncset.done $0x0  }
0xa1: {  	[sflag:s22] =	ssyncadd.s32 s5;
	_ =	sdelay $0x1  }
0xa2: {  	s23 =	simm.s32 $0x1B8B  }
0xa3: {  	_ =	swait.ge [sflag:s23], $0x1  }
0xa4: {  	[sflag:s23] =	ssyncset.done $0x0  }
0xa5: {  	s25 =	simm.s32 $0x1B8E;
	s24 =	sld [smem:$0x3FFE];
	[sflag:s23] =	ssyncadd.s32 $0xFFFFFFFF  }
0xa6: {  	s26 =	simm.s32 $execute0_lowered;
	[smem:$0x3FD2] =	sst s25  }
0xa7: {  	s6 =	sshll.u32 s26, $0x1;
	_ =	strace $0x80000046;
	[dreg:$0x1] =	wrdreg $0xFFFFFFFF  }
0xa8: {  	s28 =	simm.s32 $_size_execute0_lowered;
	s4 =	sadd.s32 s4, s6;
	[dreg:$0x0] =	wrdreg $0x0  }
0xa9: {  	s6 =	sshll.u32 s28, $0x1;
	[dreg:$0x2] =	wrdreg s4  }
0xaa: {  	[dreg:$0x3] =	wrdreg s6  }
0xab: {  	[dreg:$0x4] =	wrdreg $0xC0  }
0xac: {  	_ =	task [dreg:s8], $0x5FFFF  }
0xad: {  	[dreg:$0x1] =	wrdreg $0xFFFFFFFF  }
0xae: {  	[dreg:$0x0] =	wrdreg $0x60  }
0xaf: {  	[dreg:$0x2] =	wrdreg s2  }
0xb0: {  	[dreg:$0x3] =	wrdreg s24  }
0xb1: {  	[dreg:$0x4] =	wrdreg s18  }
0xb2: {  	[dreg:$0x5] =	wrdreg $0x117000  }
0xb3: {  	[dreg:$0x6] =	wrdreg $0x9  }
0xb4: {  	_ =	task.clear_ibuf [dreg:s8], $0x7FFFF;
	_ =	strace $0x90000046  }
0xb5: {  	s29 =	simm.s32 $0x9;
	_ =	strace $0x80000048  }
0xb6: {  	_ =	swait.ge [sflag:s29], $0x1  }
0xb7: {  	[sflag:s29] =	ssyncadd.s32 $0xFFFFFFFF  }
0xb8: {  	_ =	strace $0x90000048  }
0xb9: {  	_ =	sfence  }
0xba: {  	s30 =	sld [smem:$0x0];
	_ =	sdelay $0x2  }
0xbb: {  	s31 =	sshll.u32 s1, $0xD;
	s1 =	sshrl.u32 s1, $0x2  }
0xbc: {  	s3 =	sand.u32 $0x4000, s31;
	s1 =	sadd.s32 s1, s30  }
0xbd: {  	s0 =	sor.u32 s3, s0;
	s1 =	sshll.u32 s1, $0x11  }
0xbe: {  	s0 =	sor.u32 s1, s0  }
0xbf: {  	s0 =	sadd.s32 $0x8F2B, s0  }
0xc0: {  	[sflag:s0] =	ssyncadd.remote.s32 $0x1  }
0xc1: {  	_ =	sfence.sel $0xFFFF  }
0xc2: {  	[dreg:$0x0] =	wrdreg $0xFFFFFFFF;
	(pc) =	sbr.abs _section_cstart, $3  }
0xc3: {  	[dreg:$0x1] =	wrdreg $0xFFFFFFFF  }
0xc4: {  	_ =	task.clear_ibuf [dreg:s8], $0x2FFFF;
	_ =	strace $0x9FFFFFFF  }
0xc5: {  	(tm) =	ssettm $0x7FFFFFFF  }
tec
execute0_lowered:
.L_overlay_start_1:
0x0: {  	(tag) =	ssettag $0x1  }
0x1: {  	s1 =	rddreg [dreg:$0x0]  }
0x2: {  	s0 =	rddreg [dreg:$0x1]  }
0x3: {  	s4 =	rddreg [dreg:$0x3];
	s5 =	simm.s32 $0x0;
	s12 =	stileid.u32  }
0x4: {  	s7 =	srdreg.scid;
	s18 =	simm.s32 $0x80;
	s19 =	simm.s32 $0x5400  }
0x5: {  	s20 =	simm.s32 $0x9400;
	s21 =	simm.s32 $0x1;
	s23 =	simm.s32 $0xD400  }
0x6: {  	s29 =	simm.s32 $0x3;
	s30 =	simm.s32 $0x5;
	s22 =	simm.s32 $0x11400  }
0x7: {  	s31 =	simm.s32 $0x0;
	[smem:$0x7FF] =	sst s5;
	s2 =	smul.u32 $0xA00, s12  }
0x8: {  	s3 =	sshll.u32 s12, $0x7;
	s6 =	smul.u32 $0x280, s12;
	s9 =	sadd.s32 $0xC000, s0  }
0x9: {  	s17 =	sand.u32 $0x1, s7;
	s11 =	sadd.s32 $0xC800, s0;
	s10 =	smul.u32 $0x14000, s12  }
0xa: {  	s26 =	smul.u32 $0x2800, s12;
	_ =	strace $0x80000047;
	s3 =	sadd.s32 s3, s0  }
0xb: {  	[dreg:$0x5] =	wrdreg s9;
	s7 =	ssub.s32 $0x2, s17;
	p0 =	seq.s32 s17, $0x0  }
0xc: {  	s17 =	simm.s32 $0x8;
	s8 =	sadd.s32 s2, s0;
	s24 =	sshrl.u32 s6, $0x3  }
0xd: {  	s25 =	sshrl.u32 s7, $0x1;
	s2 =	sshrl.u32 s2, $0x2;
	s28 =	sshrl.u32 s10, $0x3  }
0xe: {  	s6 =	sadd.s32 s6, s4;
	s10 =	sadd.s32 $0x1800, s3;
	s3 =	simm.s32 $0x11480  }
0xf: {  	s0 =	sadd.s32 s24, s0;
	s16 =	ssub.s32 s7, s25;
	s7 =	sadd.s32 s2, s4  }
.Ltmp0:
0x10: {  	s8 =	sadd.s32 $0x2000, s8;
	s2 =	sadd.s32 s11, s28;
	(pc) =	sbr.rel .LBB2_1-.Ltmp0, $4  }
0x11: {  	s11 =	sadd.s32 s11, s26;
	s24 =	simm.s32 $0x2;
	s25 =	sshrl.u32 s6, $0x3  }
0x12: {  	s26 =	simm.s32 $0x4;
	s9 =	sadd.s32 $0xC200, s0;
	s12 =	sadd.s32 $0x800, s2  }
0x13: {  	s13 =	sadd.s32 $0x1000, s2;
	s14 =	sadd.s32 $0x1800, s2;
	s15 =	sadd.s32 $0x2000, s2  }
0x14: {  	s16 =	smax.u32 s16, $0x1;
	s0 =	simm.s32 $0x6;
	s2 =	simm.s32 $0x7  }
.LBB2_5:
0x15: {  	[bflag:$0x0] =	sbarrier.arrive $0xFFFF  }
0x16: {  	[tilespmem:s5], [sflag:$0x8] =	stream.linear.gather [hbm4b:s10+s5], $0x280, $0x38;
	[tilespmem:$0x11980] =	vst v63  }
0x17: {  	_ =	swait.ge [sflag:s17], $0x280  }
0x18: {  	[sflag:s17] =	ssyncset.done $0x0  }
0x19: {  	[sflag:s17] =	ssyncadd.s32 $0xFFFFFD80  }
0x1a: {  	[tilespmem:s19], [sflag:$0x1] =	stream.indirect.gather [hbm4b:s1+s18], $0x80, s5, s18, $0xb8;
	[tilespmem:$0x11980] =	vst v63  }
0x1b: {  	_ = 	snop  }
0x1c: {  	[tilespmem:s20], [sflag:$0x2] =	stream.indirect.gather [hbm4b:s1+s18], $0x80, s18, s18, $0xb8;
	[tilespmem:$0x11980] =	vst v63  }
0x1d: {  	_ =	swait.ge [sflag:s21], $0x4000  }
0x1e: {  	[sflag:s21] =	ssyncset.done $0x0  }
0x1f: {  	[sflag:s21] =	ssyncadd.s32 $0xFFFFC000  }
0x20: {  	[hbm4b:s11+s5] =	stream.linear.scatter [tilespmem:s19], [sflag:$0x4], $0x4000, $0x38;
	[tilespmem:$0x11980] =	vst v63  }
0x21: {  	s6 =	simm.s32 $0x100  }
0x22: {  	[tilespmem:s23], [sflag:$0x3] =	stream.indirect.gather [hbm4b:s1+s18], $0x80, s6, s18, $0xb8;
	[tilespmem:$0x11980] =	vst v63  }
0x23: {  	_ =	swait.ge [sflag:s24], $0x4000  }
0x24: {  	[sflag:s24] =	ssyncset.done $0x0  }
0x25: {  	[sflag:s24] =	ssyncadd.s32 $0xFFFFC000  }
0x26: {  	[hbm4b:s12+s5] =	stream.linear.scatter [tilespmem:s20], [sflag:$0x5], $0x4000, $0x38;
	[tilespmem:$0x11980] =	vst v63  }
0x27: {  	_ =	swait.ge [sflag:s26], $0x4000  }
0x28: {  	[sflag:s26] =	ssyncset.done $0x0  }
0x29: {  	s28 =	simm.s32 $0x180;
	[sflag:s26] =	ssyncadd.s32 $0xFFFFC000  }
0x2a: {  	[tilespmem:s19], [sflag:$0x1] =	stream.indirect.gather [hbm4b:s1+s18], $0x80, s28, s18, $0xb8;
	[tilespmem:$0x11980] =	vst v63  }
0x2b: {  	_ =	swait.ge [sflag:s29], $0x4000  }
0x2c: {  	[sflag:s29] =	ssyncset.done $0x0  }
0x2d: {  	[sflag:s29] =	ssyncadd.s32 $0xFFFFC000  }
0x2e: {  	[hbm4b:s13+s5] =	stream.linear.scatter [tilespmem:s23], [sflag:$0x6], $0x4000, $0x38;
	[tilespmem:$0x11980] =	vst v63  }
0x2f: {  	_ =	swait.ge [sflag:s30], $0x4000  }
0x30: {  	[sflag:s30] =	ssyncset.done $0x0  }
0x31: {  	s28 =	simm.s32 $0x200;
	[sflag:s30] =	ssyncadd.s32 $0xFFFFC000  }
0x32: {  	[tilespmem:s20], [sflag:$0x2] =	stream.indirect.gather [hbm4b:s1+s18], $0x80, s28, s18, $0xb8;
	[tilespmem:$0x11980] =	vst v63  }
0x33: {  	_ =	swait.ge [sflag:s21], $0x4000  }
0x34: {  	[sflag:s21] =	ssyncset.done $0x0  }
0x35: {  	[sflag:s21] =	ssyncadd.s32 $0xFFFFC000  }
0x36: {  	[hbm4b:s14+s5] =	stream.linear.scatter [tilespmem:s19], [sflag:$0x4], $0x4000, $0x38;
	[tilespmem:$0x11980] =	vst v63  }
0x37: {  	_ =	swait.ge [sflag:s24], $0x4000  }
0x38: {  	[sflag:s24] =	ssyncset.done $0x0  }
0x39: {  	[sflag:s24] =	ssyncadd.s32 $0xFFFFC000  }
0x3a: {  	[hbm4b:s15+s5] =	stream.linear.scatter [tilespmem:s20], [sflag:$0x5], $0x4000, $0x38;
	[tilespmem:$0x11980] =	vst v63  }
0x3b: {  	_ =	swait.ge [sflag:s26], $0x4000  }
0x3c: {  	[sflag:s26] =	ssyncset.done $0x0  }
0x3d: {  	[sflag:s26] =	ssyncadd.s32 $0xFFFFC000  }
0x3e: {  	_ =	swait.ge [sflag:s30], $0x4000  }
0x3f: {  	[sflag:s30] =	ssyncset.done $0x0  }
0x40: {  	[sflag:s30] =	ssyncadd.s32 $0xFFFFC000  }
0x41: {  	_ =	swait.ge [sflag:s0], $0x4000  }
0x42: {  	[sflag:s0] =	ssyncset.done $0x0  }
0x43: {  	[sflag:s0] =	ssyncadd.s32 $0xFFFFC000  }
0x44: {  	[bflag:$0x0] =	sbarrier.arrive $0xFFFF  }
.LBB2_6:
0x45: {  	s31 =	sadd.s32 $0x1, s31  }
0x46: {  	p1 =	sne.s32 s31, s16  }
.Ltmp1:
0x47: {  	_ = 	snop;
	(pc) =	sbr.rel @!p1 .LBB2_7-.Ltmp1, $1  }
0x48: {  	_ =	sdelay $0x3  }
.LBB2_1:
.Ltmp2:
0x49: {  	(pc) =	sbr.rel @p0 .LBB2_5-.Ltmp2, $1  }
0x4a: {  	_ =	sdelay $0x3  }
0x4b: {  	s6 =	simm.s32 $0x0;
	s28 =	rddreg [dreg:$0x5]  }
0x4c: {  	[tilespmem:s3], [sflag:$0x8] =	stream.linear.gather [hbm4b:s28+s6], $0x280, $0x38;
	[tilespmem:$0x11980] =	vst v63  }
0x4d: {  	_ =	swait.ge [sflag:s17], $0x280  }
0x4e: {  	[sflag:s17] =	ssyncset.done $0x0  }
0x4f: {  	[sflag:s17] =	ssyncadd.s32 $0xFFFFFD80  }
0x50: {  	[spmem:s7] =	stream.linear.scatter [tilespmem:s3], [sflag:$0x8], $0x280, $0x38;
	[tilespmem:$0x11980] =	vst v63  }
0x51: {  	_ =	swait.ge [sflag:s17], $0x280  }
0x52: {  	[sflag:s17] =	ssyncset.done $0x0  }
0x53: {  	[sflag:s17] =	ssyncadd.s32 $0xFFFFFD80  }
0x54: {  	[bflag:$0x0] =	sbarrier.arrive $0xFFFF  }
0x55: {  	s28 =	rddreg [dreg:$0x2]  }
0x56: {  	[tilespmem:s22], [sflag:$0x8] =	stream.linear.gather [hbm4b:s28+s6], $0x80, $0x38;
	[tilespmem:$0x11980] =	vst v63  }
0x57: {  	_ =	swait.ge [sflag:s17], $0x80  }
0x58: {  	[sflag:s17] =	ssyncset.done $0x0  }
0x59: {  	s28 =	simm.s32 $0x400;
	[sflag:s17] =	ssyncadd.s32 $0xFFFFFF80  }
0x5a: {  	[tilespmem:s28], [sflag:$0x8] =	stream.linear.gather [hbm4b:s8+s6], $0x5000, $0x38;
	[tilespmem:$0x11980] =	vst v63  }
0x5b: {  	_ =	swait.ge [sflag:s17], $0x5000  }
0x5c: {  	[sflag:s17] =	ssyncset.done $0x0  }
0x5d: {  	s28 =	simm.s32 $0x200;
	s6 =	simm.s32 $0x400;
	[sflag:s17] =	ssyncadd.s32 $0xFFFFB000  }
.LBB2_3:
0x5e: {  	[spmem:s4] =	stream.indirect.scatter.add.f32 [tilespmem:s22], [sflag:$0x7], $0x1, s6, s18, $0xb8;
	[tilespmem:$0x11980] =	vst v63  }
0x5f: {  	s6 =	smov.u32 s28;
	p1 =	sne.s32 s28, $0x13E00  }
.Ltmp3:
0x60: {  	s28 =	sadd.s32 $0x200, s28;
	(pc) =	sbr.rel @p1 .LBB2_3-.Ltmp3, $3  }
0x61: {  	_ =	sdelay $0x1  }
0x62: {  	s6 =	sshra.s32 s6, $0x2  }
0x63: {  	s6 =	sadd.s32 $0x400, s6  }
0x64: {  	[spmem:s4] =	stream.indirect.scatter.add.f32 [tilespmem:s22], [sflag:$0x7], $0x1, s6, s18, $0xb8;
	[tilespmem:$0x11980] =	vst v63  }
0x65: {  	_ =	swait.ge [sflag:s2], $0x5000  }
0x66: {  	s28 =	stileid.u32;
	[sflag:s2] =	ssyncset.done $0x0  }
0x67: {  	s6 =	sshll.u32 s28, $0x6;
	[sflag:s2] =	ssyncadd.s32 $0xFFFFB000  }
.Ltmp4:
0x68: {  	s6 =	sor.u32 $0x1C08, s6;
	[bflag:$0x0] =	sbarrier.arrive $0xFFFF;
	(pc) =	sbr.rel .LBB2_6-.Ltmp4, $4  }
0x69: {  	[hbm:s9], [sflag:s6] =	dma.local [spmem:s25], $0x50  }
0x6a: {  	_ =	swait.ge [sflag:s17], $0x50  }
0x6b: {  	[sflag:s17] =	ssyncset.done $0x0  }
0x6c: {  	[sflag:s17] =	ssyncadd.s32 $0xFFFFFFB0  }
.LBB2_7:
0x6d: {  	_ =	sfence.sel $0x180000  }
0x6e: {  	[bflag:$0x0] =	sbarrier.arrive $0xFFFF  }
0x6f: {  	_ =	strace $0x90000047  }
0x70: {  	s0 =	stileid.u32;
	[bflag:$0x2] =	sbarrier.arrive $0xFFFF  }
0x71: {  	p0 =	sne.s32 s0, $0x0;
	s0 =	rddreg [dreg:$0x4]  }
0x72: {  	s0 =	sadd.s32 @!p0 $0x100000, s0  }
0x73: {  	[sflag:s0] =	ssyncadd.tile.s32 @!p0 $0x1;
	_ =	shalt  }
.Lfunc_end2:
_tile_overlayer_lowered:
.L_overlay_start_2:
0x74: {  	(tag) =	ssettag $0x2  }
0x75: {  	s0 =	rddreg [dreg:$0x0];
	s2 =	stileid.u32  }
0x76: {  	s1 =	rddreg [dreg:$0x1];
	p0 =	sne.s32 s2, $0x0  }
0x77: {  	s3 =	rddreg [dreg:$0x2];
	[bflag:$0x3] =	sbarrier.arrive $0xFFFF;
	s2 =	simm.s32 @!p0 $0x1C08  }
0x78: {  	[timem:s3], [sflag:s2] =	dma.local @!p0 [hbm:s0], s1  }
0x79: {  	s0 =	simm.s32 @!p0 $0x8  }
0x7a: {  	_ =	swait.ge @!p0 [sflag:s0], s1  }
0x7b: {  	s1 =	ssub.s32 @!p0 $0x0, s1;
	[sflag:s0] =	ssyncset.done @!p0 $0x0  }
0x7c: {  	[sflag:s0] =	ssyncadd.s32 @!p0 s1  }
0x7d: {  	[bflag:$0x3] =	sbarrier.arrive $0xFFFF  }
0x7e: {  	_ =	shalt  }

// kernel: kernel.9.cloned.1.call-start
scs
__scs_entry_jumppad:
0x0: {  	(pc) =	sbr.rel $0x88, $3  }
0x1: {  	(tag) =	ssettag $0x0;
	lr =	simm.s32 $0x1  }
0x2: {  	[smem:$0x3F9A] =	sst lr;
	_ =	strace $0xD0000000  }
0x3: {  	_ = 	snop  }
0x4: {  	_ = 	snop  }
0x5: {  	_ = 	snop  }
0x6: {  	_ = 	snop  }
0x7: {  	_ = 	snop  }
__scs_overlays_trampoline_lowered:
0x8: {  	[smem:$0x3FA9] =	sst s0  }
0x9: {  	[smem:$0x3FAA] =	sst s1  }
0xa: {  	[smem:$0x3FAB] =	sst s2  }
0xb: {  	[smem:$0x3FAC] =	sst s3  }
0xc: {  	[smem:$0x3FAD] =	sst s4  }
0xd: {  	[smem:$0x3FAE] =	sst s5  }
0xe: {  	[smem:$0x3FAF] =	sst s6  }
0xf: {  	[smem:$0x3FB0] =	sst s7  }
0x10: {  	[smem:$0x3FB1] =	sst s8  }
0x11: {  	[smem:$0x3FB2] =	sst s9;
	s0 =	simm.s32 @!p0 $0x0  }
0x12: {  	s1 =	sld [smem:$0x3F98];
	s0 =	simm.s32 @p0 $0x1  }
0x13: {  	[smem:$0x3FB3] =	sst s0;
	s0 =	simm.s32 @!p1 $0x0  }
0x14: {  	s2 =	sld [smem:$0x3F97];
	s0 =	simm.s32 @p1 $0x1  }
0x15: {  	[smem:$0x3FB4] =	sst s0;
	s0 =	simm.s32 @!p2 $0x0  }
0x16: {  	s3 =	sld [smem:$0x3FDB];
	s0 =	simm.s32 @p2 $0x1  }
0x17: {  	s4 =	simm.s32 $0x1BF5;
	[smem:$0x3FB6] =	sst s0  }
0x18: {  	s0 =	sld [smem:$0x3F99];
	_ =	swait.ge [sflag:s4], $0x0  }
0x19: {  	s7 =	sld [smem:$0x3F9A]  }
0x1a: {  	s8 =	sadd.s32 $0xFFFFE003, lr  }
0x1b: {  	s9 =	sadd.s32 $0xFFFFFEF7, lr;
	s5 =	simm.s32 $0xFFFFFFFF;
	p2 =	slt.u32 s8, $0xFFFFF086  }
0x1c: {  	p1 =	slt.u32 s9, $0xF7A;
	s5 =	simm.s32 @!p2 $0x0  }
0x1d: {  	s5 =	simm.s32 @p1 $0x1;
	p0 =	seq.s32 s7, s2  }
0x1e: {  	s7 =	smul.u32 @!p0 $0xF7A, s2;
	p2 =	seq.s32 @!p0 s5, $0x0  }
0x1f: {  	s9 =	smul.u32 $0xF7A, s1;
	s8 =	simm.s32 @!p0 $0x1BF5;
	p2 =	por !p2, p0  }
0x20: {  	[sflag:s8] =	ssyncset.s32 @!p0 $0xFFFFF086;
	s6 =	sadd.s32 @!p0 s3, s7;
	s7 =	simm.s32 @!p0 $0x108  }
0x21: {  	s3 =	sadd.s32 s3, s9;
	s6 =	sadd.s32 @!p0 $0x88, s6;
	s7 =	simm.s32 @p2 $0x1082  }
0x22: {  	[simem:s7], [sflag:s8] =	dma.local @!p0 [hbm:s6], $0xF7A  }
0x23: {  	s9 =	sor.u32 $0xD0000000, s2;
	s6 =	simm.s32 $0x108;
	_ =	swait.ge @!p0 [sflag:s8], $0x0  }
0x24: {  	s3 =	sadd.s32 $0x88, s3;
	s6 =	simm.s32 @!p1 $0x1082;
	[sflag:s4] =	ssyncset.s32 $0xFFFFF086  }
0x25: {  	[simem:s6], [sflag:s4] =	dma.local [hbm:s3], $0xF7A  }
0x26: {  	[smem:$0x3F9A] =	sst s1;
	(tag) =	ssettag s2;
	_ =	strace s9  }
0x27: {  	s1 =	sld [smem:$0x3FAA]  }
0x28: {  	s2 =	sld [smem:$0x3FAB]  }
0x29: {  	s4 =	sld [smem:$0x3FAD]  }
0x2a: {  	p0 =	seq.s32 s5, $0x0;
	s5 =	sld [smem:$0x3FAE]  }
0x2b: {  	s6 =	sld [smem:$0x3FAF]  }
0x2c: {  	s7 =	sld [smem:$0x3FB0]  }
0x2d: {  	s3 =	simm.s32 $0x108;
	s8 =	sld [smem:$0x3FB1]  }
0x2e: {  	s3 =	simm.s32 @!p0 $0x1082;
	s9 =	sld [smem:$0x3FB2]  }
0x2f: {  	lr =	sadd.s32 s0, s3;
	s0 =	sld [smem:$0x3FA9]  }
0x30: {  	s3 =	sld [smem:$0x3FAC]  }
0x31: {  	[smem:$0x3FB5] =	sst s10  }
0x32: {  	s10 =	sld [smem:$0x3FB3];
	_ =	sdelay $0x3  }
0x33: {  	p0 =	seq.s32 s10, $0x1;
	s10 =	sld [smem:$0x3FB5];
	_ =	sdelay $0x3  }
0x34: {  	[smem:$0x3FB5] =	sst s10  }
0x35: {  	s10 =	sld [smem:$0x3FB4];
	_ =	sdelay $0x3  }
0x36: {  	p1 =	seq.s32 s10, $0x1;
	s10 =	sld [smem:$0x3FB5];
	_ =	sdelay $0x3  }
0x37: {  	[smem:$0x3FB5] =	sst s10  }
0x38: {  	s10 =	sld [smem:$0x3FB6]  }
0x39: {  	_ = 	snop;
	(pc) =	sbr.ind lr, $3  }
0x3a: {  	_ = 	snop  }
0x3b: {  	_ = 	snop  }
0x3c: {  	p2 =	seq.s32 s10, $0x1;
	s10 =	sld [smem:$0x3FB5]  }
0x3d: {  	_ =	shalt  }
0x3e: {  	_ =	shalt  }
0x3f: {  	_ =	shalt  }
0x40: {  	_ =	shalt  }
0x41: {  	_ =	shalt  }
0x42: {  	_ =	shalt  }
0x43: {  	_ =	shalt  }
0x44: {  	_ =	shalt  }
0x45: {  	_ =	shalt  }
0x46: {  	_ =	shalt  }
0x47: {  	_ =	shalt  }
0x48: {  	_ =	shalt  }
0x49: {  	_ =	shalt  }
0x4a: {  	_ =	shalt  }
0x4b: {  	_ =	shalt  }
0x4c: {  	_ =	shalt  }
0x4d: {  	_ =	shalt  }
0x4e: {  	_ =	shalt  }
0x4f: {  	_ =	shalt  }
0x50: {  	_ =	shalt  }
0x51: {  	_ =	shalt  }
0x52: {  	_ =	shalt  }
0x53: {  	_ =	shalt  }
0x54: {  	_ =	shalt  }
0x55: {  	_ =	shalt  }
0x56: {  	_ =	shalt  }
0x57: {  	_ =	shalt  }
0x58: {  	_ =	shalt  }
0x59: {  	_ =	shalt  }
0x5a: {  	_ =	shalt  }
0x5b: {  	_ =	shalt  }
0x5c: {  	_ =	shalt  }
0x5d: {  	_ =	shalt  }
0x5e: {  	_ =	shalt  }
0x5f: {  	_ =	shalt  }
0x60: {  	_ =	shalt  }
0x61: {  	_ =	shalt  }
0x62: {  	_ =	shalt  }
0x63: {  	_ =	shalt  }
0x64: {  	_ =	shalt  }
0x65: {  	_ =	shalt  }
0x66: {  	_ =	shalt  }
0x67: {  	_ =	shalt  }
0x68: {  	_ =	shalt  }
0x69: {  	_ =	shalt  }
0x6a: {  	_ =	shalt  }
0x6b: {  	_ =	shalt  }
0x6c: {  	_ =	shalt  }
0x6d: {  	_ =	shalt  }
0x6e: {  	_ =	shalt  }
0x6f: {  	_ =	shalt  }
0x70: {  	_ =	shalt  }
0x71: {  	_ =	shalt  }
0x72: {  	_ =	shalt  }
0x73: {  	_ =	shalt  }
0x74: {  	_ =	shalt  }
0x75: {  	_ =	shalt  }
0x76: {  	_ =	shalt  }
0x77: {  	_ =	shalt  }
0x78: {  	_ =	shalt  }
0x79: {  	_ =	shalt  }
0x7a: {  	_ =	shalt  }
0x7b: {  	_ =	shalt  }
0x7c: {  	_ =	shalt  }
0x7d: {  	_ =	shalt  }
0x7e: {  	_ =	shalt  }
0x7f: {  	_ =	shalt  }
0x80: {  	_ =	shalt  }
0x81: {  	_ =	shalt  }
0x82: {  	_ =	shalt  }
0x83: {  	_ =	shalt  }
0x84: {  	_ =	shalt  }
0x85: {  	_ =	shalt  }
0x86: {  	_ =	shalt  }
0x87: {  	_ =	shalt  }
.Lfunc_end0:
.L_simem_size_0:
called_computation.1_lowered:
.L_overlay_start_0:
0x88: {  	s2 =	sld [smem:$0x3FD9]  }
0x89: {  	s3 =	sld [smem:$0x3FFE];
	_ =	sdelay $0x1  }
0x8a: {  	s1 =	srdreg.scid  }
0x8b: {  	s0 =	sand.u32 $0x1, s1  }
0x8c: {  	s16 =	sshll.u32 s0, $0xA;
	s2 =	sadd.s32 s3, s2  }
0x8d: {  	s2 =	sadd.s32 s2, s16  }
0x8e: {  	[smem:$0x3FC1] =	sst s2  }
0x8f: {  	_ = 	snop  }
0x90: {  	(tm) =	ssettm $0x1  }
0x91: {  	s17 =	sld [smem:$0x3FFB];
	_ =	sdelay $0x3  }
0x92: {  	_ =	strace s17  }
0x93: {  	s2 =	sld [smem:$0x3FFC];
	_ =	sdelay $0x3  }
0x94: {  	_ =	strace s2  }
0x95: {  	s2 =	sld [smem:$0x3FFD];
	_ =	sdelay $0x3  }
0x96: {  	_ =	strace s2  }
0x97: {  	_ =	strace $0x8FFFFFFF  }
0x98: {  	s18 =	sld [smem:$0x3FDB];
	_ =	sdelay $0x1  }
0x99: {  	s19 =	simm.s32 $_scs_section_size  }
0x9a: {  	s4 =	simm.s32 $_size__tile_overlayer_lowered;
	s5 =	simm.s32 $_tile_overlayer_lowered  }
0x9b: {  	s22 =	simm.s32 $0x1BFF;
	s21 =	sshll.u32 s5, $0x1;
	s2 =	sadd.s32 s19, s18  }
0x9c: {  	s6 =	simm.s32 $0x0;
	s20 =	sshll.u32 s4, $0x1;
	s4 =	sadd.s32 s21, s2  }
0x9d: {  	[timem:s6], [sflag:s22] =	dma.local [hbm:s4], s20  }
0x9e: {  	_ =	swait.ge [sflag:s22], s20  }
0x9f: {  	s3 =	ssub.s32 $0x0, s20;
	[sflag:s22] =	ssyncset.done $0x0  }
0xa0: {  	[sflag:s22] =	ssyncadd.s32 s3;
	_ =	sdelay $0x1  }
0xa1: {  	s23 =	simm.s32 $0x1B8B  }
0xa2: {  	_ =	swait.ge [sflag:s23], $0x1  }
0xa3: {  	[sflag:s23] =	ssyncset.done $0x0  }
0xa4: {  	s25 =	simm.s32 $0x1B8E;
	s24 =	sld [smem:$0x3FFE];
	[sflag:s23] =	ssyncadd.s32 $0xFFFFFFFF  }
0xa5: {  	s26 =	simm.s32 $execute0_lowered;
	[smem:$0x3FD2] =	sst s25  }
0xa6: {  	s4 =	sshll.u32 s26, $0x1;
	_ =	strace $0x80000049;
	[dreg:$0x1] =	wrdreg $0xFFFFFFFF  }
0xa7: {  	s28 =	simm.s32 $_size_execute0_lowered;
	s2 =	sadd.s32 s2, s4;
	[dreg:$0x0] =	wrdreg $0x0  }
0xa8: {  	s4 =	sshll.u32 s28, $0x1;
	[dreg:$0x2] =	wrdreg s2  }
0xa9: {  	[dreg:$0x3] =	wrdreg s4  }
0xaa: {  	[dreg:$0x4] =	wrdreg $0xC0  }
0xab: {  	_ =	task [dreg:s6], $0x5FFFF  }
0xac: {  	[dreg:$0x1] =	wrdreg $0xFFFFFFFF  }
0xad: {  	[dreg:$0x0] =	wrdreg $0x60  }
0xae: {  	[dreg:$0x2] =	wrdreg s24  }
0xaf: {  	[dreg:$0x3] =	wrdreg $0x8B800  }
0xb0: {  	[dreg:$0x4] =	wrdreg $0x1CB800  }
0xb1: {  	[dreg:$0x5] =	wrdreg $0x9  }
0xb2: {  	_ =	task.clear_ibuf [dreg:s6], $0x6FFFF;
	_ =	strace $0x90000049  }
0xb3: {  	s29 =	simm.s32 $0x9;
	_ =	strace $0x8000004B  }
0xb4: {  	_ =	swait.ge [sflag:s29], $0x1  }
0xb5: {  	[sflag:s29] =	ssyncadd.s32 $0xFFFFFFFF  }
0xb6: {  	_ =	strace $0x9000004B  }
0xb7: {  	_ =	sfence  }
0xb8: {  	s30 =	sld [smem:$0x0];
	_ =	sdelay $0x2  }
0xb9: {  	s31 =	sshll.u32 s1, $0xD;
	s1 =	sshrl.u32 s1, $0x2  }
0xba: {  	s3 =	sand.u32 $0x4000, s31;
	s1 =	sadd.s32 s1, s30  }
0xbb: {  	s0 =	sor.u32 s3, s0;
	s1 =	sshll.u32 s1, $0x11  }
0xbc: {  	s0 =	sor.u32 s1, s0  }
0xbd: {  	s0 =	sadd.s32 $0x8F2B, s0  }
0xbe: {  	[sflag:s0] =	ssyncadd.remote.s32 $0x1  }
0xbf: {  	_ =	sfence.sel $0xFFFF  }
0xc0: {  	[dreg:$0x0] =	wrdreg $0xFFFFFFFF;
	(pc) =	sbr.abs _section_cstart, $3  }
0xc1: {  	[dreg:$0x1] =	wrdreg $0xFFFFFFFF  }
0xc2: {  	_ =	task.clear_ibuf [dreg:s6], $0x2FFFF;
	_ =	strace $0x9FFFFFFF  }
0xc3: {  	(tm) =	ssettm $0x7FFFFFFF  }
tec
execute0_lowered:
.L_overlay_start_1:
0x0: {  	(tag) =	ssettag $0x1  }
0x1: {  	s0 =	rddreg [dreg:$0x0]  }
0x2: {  	s1 =	rddreg [dreg:$0x1]  }
0x3: {  	s2 =	rddreg [dreg:$0x2];
	s3 =	simm.s32 $0x0;
	s8 =	srdreg.scid  }
0x4: {  	s20 =	stileid.u32;
	[smem:$0x7FF] =	sst s3  }
0x5: {  	s19 =	sadd.s32 $0x3E800, s0;
	s21 =	sadd.s32 $0xC200, s0;
	s4 =	sadd.s32 $0x34800, s0  }
0x6: {  	s5 =	sadd.s32 $0x2000, s0;
	s6 =	sadd.s32 $0x34200, s0;
	s12 =	smul.u32 $0x280, s20  }
0x7: {  	s7 =	sadd.s32 $0xC000, s0;
	s9 =	sadd.s32 $0x8EE00, s0;
	s14 =	smul.u32 $0x50000, s20  }
0x8: {  	s8 =	sand.u32 $0x1, s8;
	s10 =	sadd.s32 $0x1800, s0;
	s23 =	smul.u32 $0x5000, s20  }
0x9: {  	s30 =	smul.u32 $0xA00, s20;
	_ =	strace $0x8000004A;
	[dreg:$0x6] =	wrdreg s7  }
0xa: {  	s7 =	sadd.s32 $0x66E00, s0;
	s11 =	ssub.s32 $0x2, s8;
	s0 =	sadd.s32 $0x66800, s0  }
0xb: {  	s15 =	ssub.s32 $0x0, s8;
	p0 =	seq.s32 s8, $0x0;
	[dreg:$0x5] =	wrdreg s21  }
0xc: {  	[dreg:$0x4] =	wrdreg s19;
	s13 =	sshrl.u32 s11, $0x1;
	s18 =	sshrl.u32 s14, $0x2  }
0xd: {  	s22 =	sadd.s32 $0x80, s12;
	s24 =	sadd.s32 $0x100, s12;
	s14 =	sshrl.u32 s23, $0x3  }
0xe: {  	s9 =	smov.u32 @p0 s7;
	s26 =	sshrl.u32 s12, $0x3;
	s0 =	smov.u32 @p0 s10  }
0xf: {  	s23 =	sadd.s32 $0x180, s12;
	s10 =	smul.u32 $0x2800, s20;
	s31 =	sadd.s32 s12, s2  }
0x10: {  	s21 =	smov.u32 @p0 s19;
	s2 =	simm.s32 $0x0;
	s11 =	ssub.s32 s11, s13  }
0x11: {  	s17 =	sadd.s32 s18, s1;
	s8 =	sshll.u32 s22, $0x4;
	s13 =	sshll.u32 s22, $0x7  }
0x12: {  	s18 =	sshll.u32 s24, $0x4;
	s16 =	sadd.s32 s4, s14;
	[dreg:$0x11] =	wrdreg s31  }
0x13: {  	s25 =	sadd.s32 s5, s14;
	s14 =	sor.u32 $0x10, s14;
	[dreg:$0x9] =	wrdreg s16  }
0x14: {  	s0 =	sadd.s32 s0, s26;
	s22 =	sadd.s32 s30, s5;
	[dreg:$0xa] =	wrdreg s25  }
0x15: {  	s28 =	sadd.s32 s13, s1;
	s13 =	sshll.u32 s24, $0x7;
	[dreg:$0xb] =	wrdreg s0  }
0x16: {  	s7 =	sadd.s32 s4, s14;
	s16 =	sadd.s32 s5, s14;
	[dreg:$0x1e] =	wrdreg s22  }
0x17: {  	s24 =	sshll.u32 s23, $0x7;
	s25 =	sadd.s32 $0x200, s12;
	[dreg:$0x7] =	wrdreg s17  }
0x18: {  	s0 =	sshll.u32 s23, $0x4;
	s12 =	sand.u32 $0xA, s15;
	[dreg:$0xc] =	wrdreg s7  }
0x19: {  	s14 =	sadd.s32 s21, s10;
	s15 =	sadd.s32 s21, s8;
	[dreg:$0xd] =	wrdreg s16  }
0x1a: {  	s19 =	sadd.s32 s9, s8;
	s22 =	sadd.s32 s21, s18;
	[dreg:$0x12] =	wrdreg s12  }
0x1b: {  	s16 =	sadd.s32 s30, s4;
	s29 =	sadd.s32 s13, s1;
	[dreg:$0x14] =	wrdreg s14  }
0x1c: {  	s26 =	sadd.s32 s24, s1;
	s30 =	sshll.u32 s25, $0x7;
	[dreg:$0x16] =	wrdreg s15  }
0x1d: {  	s5 =	sshll.u32 s25, $0x4;
	s13 =	smax.u32 s11, $0x1;
	[dreg:$0x17] =	wrdreg s19  }
0x1e: {  	s4 =	sadd.s32 s9, s10;
	[dreg:$0x18] =	wrdreg s22;
	s24 =	sadd.s32 s9, s18  }
0x1f: {  	s25 =	sadd.s32 s21, s0;
	s0 =	sadd.s32 s9, s0;
	[dreg:$0x8] =	wrdreg s28  }
0x20: {  	s15 =	simm.s32 $0x11;
	s14 =	simm.s32 $0x80;
	[dreg:$0x13] =	wrdreg s13  }
0x21: {  	s12 =	simm.s32 $0xA;
	s18 =	simm.s32 $0x180;
	[dreg:$0x15] =	wrdreg s4  }
0x22: {  	s19 =	simm.s32 $0x4;
	s22 =	simm.s32 $0xC;
	[dreg:$0x19] =	wrdreg s24  }
0x23: {  	s11 =	simm.s32 $0x5;
	s7 =	simm.s32 $0x6;
	[dreg:$0x1a] =	wrdreg s25  }
0x24: {  	s23 =	sadd.s32 s30, s1;
	s20 =	smov.u32 s26;
	[dreg:$0x1b] =	wrdreg s0  }
.Ltmp0:
0x25: {  	s26 =	sadd.s32 s9, s5;
	[dreg:$0xe] =	wrdreg s29;
	(pc) =	sbr.rel .LBB2_1-.Ltmp0, $4  }
0x26: {  	s30 =	sadd.s32 s21, s5;
	s5 =	simm.s32 $0x800;
	[dreg:$0x1c] =	wrdreg s26  }
0x27: {  	s25 =	simm.s32 $0x9;
	s0 =	simm.s32 $0x3;
	[dreg:$0x1d] =	wrdreg s30  }
0x28: {  	s4 =	simm.s32 $0xB;
	s9 =	simm.s32 $0x7;
	[dreg:$0xf] =	wrdreg s20  }
0x29: {  	s13 =	simm.s32 $0x8;
	s26 =	simm.s32 $0x4800;
	[dreg:$0x10] =	wrdreg s23  }
.LBB2_24:
0x2a: {  	_ =	swait.ge [sflag:s4], $0x4000  }
0x2b: {  	[sflag:s4] =	ssyncset.done $0x0  }
0x2c: {  	[sflag:s4] =	ssyncadd.s32 $0xFFFFC000  }
0x2d: {  	_ =	swait.ge [sflag:s22], $0x4000  }
0x2e: {  	[sflag:s22] =	ssyncset.done $0x0  }
0x2f: {  	s2 =	simm.s32 $0xF;
	[sflag:s22] =	ssyncadd.s32 $0xFFFFC000  }
0x30: {  	_ =	swait.ge [sflag:s2], $0x80  }
0x31: {  	[sflag:s2] =	ssyncset.done $0x0  }
0x32: {  	s10 =	simm.s32 $0x10;
	[sflag:s2] =	ssyncadd.s32 $0xFFFFFF80  }
0x33: {  	_ =	swait.ge [sflag:s10], $0x80  }
0x34: {  	[sflag:s10] =	ssyncset.done $0x0  }
0x35: {  	[sflag:s10] =	ssyncadd.s32 $0xFFFFFF80  }
0x36: {  	s8 =	stileid.u32;
	[bflag:$0x0] =	sbarrier.arrive $0xFFFF  }
0x37: {  	s31 =	simm.s32 $0x11;
	s8 =	sshll.u32 s8, $0x6;
	s17 =	rddreg [dreg:$0x7]  }
0x38: {  	s8 =	sor.u32 $0x1C11, s8;
	s15 =	rddreg [dreg:$0x15];
	s10 =	sshrl.u32 s17, $0x3  }
0x39: {  	[hbm:s15], [sflag:s8] =	dma.local [spmem:s10], $0x800  }
0x3a: {  	_ =	swait.ge [sflag:s31], $0x800  }
0x3b: {  	[sflag:s31] =	ssyncset.done $0x0;
	s28 =	rddreg [dreg:$0x8]  }
0x3c: {  	s20 =	rddreg [dreg:$0x17];
	[sflag:s31] =	ssyncadd.s32 $0xFFFFF800;
	s15 =	sshrl.u32 s28, $0x3  }
0x3d: {  	[hbm:s20], [sflag:s8] =	dma.local [spmem:s15], $0x800  }
0x3e: {  	_ =	swait.ge [sflag:s31], $0x800  }
0x3f: {  	[sflag:s31] =	ssyncset.done $0x0;
	s29 =	rddreg [dreg:$0xe]  }
0x40: {  	s24 =	rddreg [dreg:$0x19];
	[sflag:s31] =	ssyncadd.s32 $0xFFFFF800;
	s23 =	sshrl.u32 s29, $0x3  }
0x41: {  	[hbm:s24], [sflag:s8] =	dma.local [spmem:s23], $0x800  }
0x42: {  	_ =	swait.ge [sflag:s31], $0x800  }
0x43: {  	[sflag:s31] =	ssyncset.done $0x0;
	s20 =	rddreg [dreg:$0xf]  }
0x44: {  	s2 =	rddreg [dreg:$0x1b];
	[sflag:s31] =	ssyncadd.s32 $0xFFFFF800;
	s30 =	sshrl.u32 s20, $0x3  }
0x45: {  	[hbm:s2], [sflag:s8] =	dma.local [spmem:s30], $0x800  }
0x46: {  	_ =	swait.ge [sflag:s31], $0x800  }
0x47: {  	[sflag:s31] =	ssyncset.done $0x0;
	s23 =	rddreg [dreg:$0x10]  }
0x48: {  	s24 =	rddreg [dreg:$0x1c];
	[sflag:s31] =	ssyncadd.s32 $0xFFFFF800;
	s15 =	sshrl.u32 s23, $0x3  }
0x49: {  	[hbm:s24], [sflag:s8] =	dma.local [spmem:s15], $0x800  }
0x4a: {  	_ =	swait.ge [sflag:s31], $0x800  }
0x4b: {  	[sflag:s31] =	ssyncset.done $0x0  }
0x4c: {  	[sflag:s31] =	ssyncadd.s32 $0xFFFFF800;
	s31 =	rddreg [dreg:$0x11]  }
0x4d: {  	s15 =	simm.s32 $0x11;
	s2 =	rddreg [dreg:$0xb];
	s30 =	sshrl.u32 s31, $0x3  }
0x4e: {  	[hbm:s2], [sflag:s8] =	dma.local [spmem:s30], $0x50  }
0x4f: {  	_ =	swait.ge [sflag:s15], $0x50  }
0x50: {  	s24 =	rddreg [dreg:$0x1f]  }
0x51: {  	s30 =	rddreg [dreg:$0x13];
	s2 =	sadd.s32 $0x1, s24  }
0x52: {  	p1 =	sne.s32 s2, s30  }
.Ltmp1:
0x53: {  	_ = 	snop;
	(pc) =	sbr.rel @!p1 .LBB2_25-.Ltmp1, $3  }
0x54: {  	_ =	sdelay $0x1  }
0x55: {  	[sflag:s15] =	ssyncset.done $0x0  }
0x56: {  	[sflag:s15] =	ssyncadd.s32 $0xFFFFFFB0  }
.LBB2_1:
0x57: {  	[dreg:$0x1f] =	wrdreg s2  }
0x58: {  	s8 =	rddreg [dreg:$0x14]  }
0x59: {  	[tilespmem:s5], [sflag:$0x11] =	stream.linear.gather [hbm4b:s8+s3], $0x4000, $0x38;
	[tilespmem:$0x1CE00] =	vst v63  }
0x5a: {  	_ =	swait.ge [sflag:s15], $0x4000  }
0x5b: {  	[sflag:s15] =	ssyncset.done $0x0  }
0x5c: {  	[sflag:s15] =	ssyncadd.s32 $0xFFFFC000  }
0x5d: {  	[spmem:s17] =	stream.linear.scatter [tilespmem:s5], [sflag:$0x11], $0x4000, $0x38;
	[tilespmem:$0x1CE00] =	vst v63  }
0x5e: {  	_ =	swait.ge [sflag:s15], $0x4000  }
0x5f: {  	[sflag:s15] =	ssyncset.done $0x0  }
0x60: {  	s17 =	rddreg [dreg:$0x16];
	[sflag:s15] =	ssyncadd.s32 $0xFFFFC000  }
0x61: {  	[tilespmem:s5], [sflag:$0x11] =	stream.linear.gather [hbm4b:s17+s3], $0x4000, $0x38;
	[tilespmem:$0x1CE00] =	vst v63  }
0x62: {  	_ =	swait.ge [sflag:s15], $0x4000  }
0x63: {  	[sflag:s15] =	ssyncset.done $0x0  }
0x64: {  	[sflag:s15] =	ssyncadd.s32 $0xFFFFC000  }
0x65: {  	[spmem:s28] =	stream.linear.scatter [tilespmem:s5], [sflag:$0x11], $0x4000, $0x38;
	[tilespmem:$0x1CE00] =	vst v63  }
0x66: {  	_ =	swait.ge [sflag:s15], $0x4000  }
0x67: {  	[sflag:s15] =	ssyncset.done $0x0  }
0x68: {  	s24 =	rddreg [dreg:$0x18];
	[sflag:s15] =	ssyncadd.s32 $0xFFFFC000  }
0x69: {  	[tilespmem:s5], [sflag:$0x11] =	stream.linear.gather [hbm4b:s24+s3], $0x4000, $0x38;
	[tilespmem:$0x1CE00] =	vst v63  }
0x6a: {  	_ =	swait.ge [sflag:s15], $0x4000  }
0x6b: {  	[sflag:s15] =	ssyncset.done $0x0  }
0x6c: {  	[sflag:s15] =	ssyncadd.s32 $0xFFFFC000  }
0x6d: {  	[spmem:s29] =	stream.linear.scatter [tilespmem:s5], [sflag:$0x11], $0x4000, $0x38;
	[tilespmem:$0x1CE00] =	vst v63  }
0x6e: {  	_ =	swait.ge [sflag:s15], $0x4000  }
0x6f: {  	[sflag:s15] =	ssyncset.done $0x0  }
0x70: {  	s28 =	rddreg [dreg:$0x1a];
	[sflag:s15] =	ssyncadd.s32 $0xFFFFC000  }
0x71: {  	[tilespmem:s5], [sflag:$0x11] =	stream.linear.gather [hbm4b:s28+s3], $0x4000, $0x38;
	[tilespmem:$0x1CE00] =	vst v63  }
0x72: {  	_ =	swait.ge [sflag:s15], $0x4000  }
0x73: {  	[sflag:s15] =	ssyncset.done $0x0  }
0x74: {  	[sflag:s15] =	ssyncadd.s32 $0xFFFFC000  }
0x75: {  	[spmem:s20] =	stream.linear.scatter [tilespmem:s5], [sflag:$0x11], $0x4000, $0x38;
	[tilespmem:$0x1CE00] =	vst v63  }
0x76: {  	_ =	swait.ge [sflag:s15], $0x4000  }
0x77: {  	[sflag:s15] =	ssyncset.done $0x0  }
0x78: {  	s29 =	rddreg [dreg:$0x1d];
	[sflag:s15] =	ssyncadd.s32 $0xFFFFC000  }
0x79: {  	[tilespmem:s5], [sflag:$0x11] =	stream.linear.gather [hbm4b:s29+s3], $0x4000, $0x38;
	[tilespmem:$0x1CE00] =	vst v63  }
0x7a: {  	_ =	swait.ge [sflag:s15], $0x4000  }
0x7b: {  	[sflag:s15] =	ssyncset.done $0x0  }
0x7c: {  	[sflag:s15] =	ssyncadd.s32 $0xFFFFC000  }
0x7d: {  	[spmem:s23] =	stream.linear.scatter [tilespmem:s5], [sflag:$0x11], $0x4000, $0x38;
	[tilespmem:$0x1CE00] =	vst v63  }
0x7e: {  	_ =	swait.ge [sflag:s15], $0x4000  }
0x7f: {  	[sflag:s15] =	ssyncset.done $0x0  }
0x80: {  	s10 =	simm.s32 $0x8900;
	s2 =	rddreg [dreg:$0x6];
	[sflag:s15] =	ssyncadd.s32 $0xFFFFC000  }
0x81: {  	[tilespmem:s10], [sflag:$0x11] =	stream.linear.gather [hbm4b:s2+s3], $0x280, $0x38;
	[tilespmem:$0x1CE00] =	vst v63  }
0x82: {  	_ =	swait.ge [sflag:s15], $0x280  }
0x83: {  	[sflag:s15] =	ssyncset.done $0x0  }
0x84: {  	[sflag:s15] =	ssyncadd.s32 $0xFFFFFD80  }
0x85: {  	[spmem:s31] =	stream.linear.scatter [tilespmem:s10], [sflag:$0x11], $0x280, $0x38;
	[tilespmem:$0x1CE00] =	vst v63  }
0x86: {  	_ =	swait.ge [sflag:s15], $0x280  }
0x87: {  	[sflag:s15] =	ssyncset.done $0x0  }
0x88: {  	[sflag:s15] =	ssyncadd.s32 $0xFFFFFD80  }
0x89: {  	[bflag:$0x0] =	sbarrier.arrive $0xFFFF  }
0x8a: {  	s17 =	rddreg [dreg:$0x9]  }
0x8b: {  	[tilespmem:s3], [sflag:$0x1] =	stream.linear.gather [hbm4b:s17+s3], $0x80, $0x38;
	[tilespmem:$0x1CE00] =	vst v63  }
0x8c: {  	s23 =	simm.s32 $0x400;
	s20 =	rddreg [dreg:$0xa]  }
0x8d: {  	[tilespmem:s23], [sflag:$0x1] =	stream.linear.gather [hbm4b:s20+s3], $0x80, $0x38;
	[tilespmem:$0x1CE00] =	vst v63  }
0x8e: {  	s24 =	rddreg [dreg:$0xc]  }
0x8f: {  	[tilespmem:s14], [sflag:$0x2] =	stream.linear.gather [hbm4b:s24+s3], $0x80, $0x38;
	[tilespmem:$0x1CE00] =	vst v63  }
0x90: {  	s29 =	simm.s32 $0x1;
	s31 =	simm.s32 $0x480;
	s28 =	rddreg [dreg:$0xd]  }
0x91: {  	[tilespmem:s31], [sflag:$0x2] =	stream.linear.gather [hbm4b:s28+s3], $0x80, $0x38;
	[tilespmem:$0x1CE00] =	vst v63  }
0x92: {  	_ =	swait.ge [sflag:s29], $0x80  }
0x93: {  	[sflag:s29] =	ssyncset.done $0x0  }
0x94: {  	[sflag:s29] =	ssyncadd.s32 $0xFFFFFF80  }
0x95: {  	_ =	swait.ge [sflag:s29], $0x80  }
0x96: {  	s15 =	simm.s32 @p0 $0x80;
	s20 =	simm.s32 @p0 $0x0;
	[sflag:s29] =	ssyncset.done $0x0  }
0x97: {  	s23 =	simm.s32 @p0 $0x800;
	s8 =	rddreg [dreg:$0x4];
	[sflag:s29] =	ssyncadd.s32 $0xFFFFFF80  }
0x98: {  	[tilespmem:s23], [sflag:$0x9] =	stream.indirect.gather @p0 [hbm4b:s8+s15], $0x80, s20, s15, $0xb8;
	[tilespmem:$0x1CE00] =	vst v63  }
0x99: {  	s20 =	simm.s32 @p0 $0x400  }
.Ltmp2:
0x9a: {  	s23 =	simm.s32 @p0 $0x8800;
	s8 =	rddreg [dreg:$0x5];
	(pc) =	sbr.rel .LBB2_2-.Ltmp2, $4  }
0x9b: {  	[tilespmem:s23], [sflag:$0xD] =	stream.indirect.gather @p0 [hbm4b:s6+s15], $0x1, s20, s15, $0xb8;
	[tilespmem:$0x1CE00] =	vst v63  }
0x9c: {  	s15 =	simm.s32 @!p0 $0x80;
	s20 =	simm.s32 @!p0 $0x0;
	s23 =	simm.s32 @!p0 $0x800  }
0x9d: {  	[tilespmem:s23], [sflag:$0x9] =	stream.indirect.gather @!p0 [hbm4b:s8+s15], $0x80, s20, s15, $0xb8;
	[tilespmem:$0x1CE00] =	vst v63  }
0x9e: {  	s30 =	simm.s32 $0x8880;
	s20 =	simm.s32 $0x0;
	s23 =	simm.s32 $0x0  }
.LBB2_23:
0x9f: {  	_ =	swait.ge [sflag:s4], $0x4000  }
0xa0: {  	[sflag:s4] =	ssyncset.done $0x0  }
0xa1: {  	[sflag:s4] =	ssyncadd.s32 $0xFFFFC000  }
0xa2: {  	[tilespmem:s5], [sflag:$0x9] =	stream.indirect.gather [hbm4b:s21+s14], $0x80, s3, s14, $0xb8;
	[tilespmem:$0x1CE00] =	vst v63  }
0xa3: {  	s30 =	simm.s32 $0x8880;
	s8 =	sadd.s32 $0x90, s28  }
0xa4: {  	[tilespmem:s14], [sflag:$0x2] =	stream.linear.gather [hbm4b:s8+s3], $0x80, $0x38;
	[tilespmem:$0x1CE00] =	vst v63  }
0xa5: {  	s29 =	sadd.s32 $0x90, s29;
	s23 =	sadd.s32 $0x1, s23;
	s20 =	sadd.s32 $0x80, s20  }
0xa6: {  	[tilespmem:s31], [sflag:$0x2] =	stream.linear.gather [hbm4b:s29+s3], $0x80, $0x38;
	[tilespmem:$0x1CE00] =	vst v63  }
.LBB2_2:
0xa7: {  	_ =	swait.ge [sflag:s25], $0x4000  }
0xa8: {  	p2 =	sgt.u32 s23, $0x9;
	s28 =	simm.s32 $0x1;
	s15 =	simm.s32 $0x1  }
0xa9: {  	[sflag:s25] =	ssyncset.done $0x0;
	s28 =	simm.s32 @!p2 $0x0;
	s15 =	simm.s32 @!p0 $0x0  }
0xaa: {  	s8 =	simm.s32 $0x400;
	[sflag:s25] =	ssyncadd.s32 $0xFFFFC000;
	p1 =	seq.s32 s15, s28  }
0xab: {  	[spmem:s1] =	stream.indirect.scatter.add.f32 [tilespmem:s5], [sflag:$0xB], $0x80, s8, s14, $0xb8;
	[tilespmem:$0x1CE00] =	vst v63  }
0xac: {  	s28 =	simm.s32 @p1 $0x2  }
0xad: {  	_ =	swait.ge @p1 [sflag:s28], $0x80  }
0xae: {  	[sflag:s28] =	ssyncset.done @p1 $0x0  }
0xaf: {  	[sflag:s28] =	ssyncadd.s32 @p1 $0xFFFFFF80  }
0xb0: {  	_ =	swait.ge @p1 [sflag:s28], $0x80  }
0xb1: {  	[sflag:s28] =	ssyncset.done @p1 $0x0  }
0xb2: {  	[sflag:s28] =	ssyncadd.s32 @p1 $0xFFFFFF80;
	s28 =	simm.s32 @!p1 $0xD  }
0xb3: {  	_ =	swait.ge @!p1 [sflag:s28], $0x80  }
0xb4: {  	[sflag:s28] =	ssyncset.done @!p1 $0x0  }
0xb5: {  	s29 =	simm.s32 @!p1 $0x0;
	[sflag:s28] =	ssyncadd.s32 @!p1 $0xFFFFFF80  }
0xb6: {  	s10 =	simm.s32 @!p1 $0x8800;
	s28 =	simm.s32 @!p1 $0x80;
	s2 =	rddreg [dreg:$0x2]  }
0xb7: {  	[spmem:s2] =	stream.indirect.scatter.add.f32 @!p1 [tilespmem:s10], [sflag:$0xF], $0x1, s29, s28, $0xb8;
	[tilespmem:$0x1CE00] =	vst v63  }
0xb8: {  	s10 =	simm.s32 @!p1 $0x2  }
0xb9: {  	_ =	swait.ge @!p1 [sflag:s10], $0x80  }
0xba: {  	[sflag:s10] =	ssyncset.done @!p1 $0x0  }
0xbb: {  	[sflag:s10] =	ssyncadd.s32 @!p1 $0xFFFFFF80  }
0xbc: {  	_ =	swait.ge @!p1 [sflag:s10], $0x80  }
0xbd: {  	s8 =	rddreg [dreg:$0x12]  }
0xbe: {  	p3 =	sle.u32 @!p1 s23, s8  }
0xbf: {  	[sflag:s10] =	ssyncset.done @!p1 $0x0;
	p3 =	por p3, p1  }
0xc0: {  	[sflag:s10] =	ssyncadd.s32 @!p1 $0xFFFFFF80;
	s10 =	simm.s32 @!p3 $0x10  }
0xc1: {  	_ =	swait.ge @!p3 [sflag:s10], $0x80  }
0xc2: {  	[sflag:s10] =	ssyncset.done @!p3 $0x0  }
0xc3: {  	s29 =	simm.s32 @!p1 $0x8880;
	[sflag:s10] =	ssyncadd.s32 @!p3 $0xFFFFFF80;
	s10 =	simm.s32 @!p1 $0x480  }
0xc4: {  	[tilespmem:s29], [sflag:$0xE] =	stream.indirect.gather @!p1 [hbm4b:s6+s28], $0x1, s10, s28, $0xb8;
	[tilespmem:$0x1CE00] =	vst v63  }
0xc5: {  	p1 =	seq.s32 s20, $0x0  }
0xc6: {  	s10 =	simm.s32 @!p1 $0xC  }
0xc7: {  	_ =	swait.ge @!p1 [sflag:s10], $0x4000  }
0xc8: {  	s17 =	smov.u32 s16;
	s8 =	simm.s32 $0x100;
	[sflag:s10] =	ssyncset.done @!p1 $0x0  }
0xc9: {  	s28 =	sadd.s32 s20, s16;
	s16 =	rddreg [dreg:$0x1e];
	[sflag:s10] =	ssyncadd.s32 @!p1 $0xFFFFC000  }
0xca: {  	[tilespmem:s26], [sflag:$0xA] =	stream.indirect.gather [hbm4b:s21+s14], $0x80, s14, s14, $0xb8;
	[tilespmem:$0x1CE00] =	vst v63  }
0xcb: {  	s24 =	sadd.s32 $0x20, s28;
	s29 =	sadd.s32 s20, s16;
	p1 =	por !p2, !p2  }
0xcc: {  	[tilespmem:s8], [sflag:$0x3] =	stream.linear.gather [hbm4b:s24+s3], $0x80, $0x38;
	[tilespmem:$0x1CE00] =	vst v63  }
0xcd: {  	s10 =	sadd.s32 $0x20, s29;
	p1 =	por @!p0 p2, p2;
	s24 =	simm.s32 $0x500  }
0xce: {  	[tilespmem:s24], [sflag:$0x3] =	stream.linear.gather [hbm4b:s10+s3], $0x80, $0x38;
	[tilespmem:$0x1CE00] =	vst v63  }
.Ltmp3:
0xcf: {  	_ = 	snop;
	(pc) =	sbr.rel @!p1 .LBB2_4-.Ltmp3, $4  }
0xd0: {  	_ =	swait.ge [sflag:s12], $0x4000  }
0xd1: {  	[sflag:s12] =	ssyncset.done $0x0  }
0xd2: {  	s10 =	simm.s32 $0x500;
	[sflag:s12] =	ssyncadd.s32 $0xFFFFC000  }
0xd3: {  	[spmem:s1] =	stream.indirect.scatter.add.f32 [tilespmem:s26], [sflag:$0xC], $0x80, s31, s14, $0xb8;
	[tilespmem:$0x1CE00] =	vst v63  }
0xd4: {  	s16 =	simm.s32 $0xE  }
0xd5: {  	_ =	swait.ge [sflag:s16], $0x80  }
0xd6: {  	[sflag:s16] =	ssyncset.done $0x0  }
0xd7: {  	[sflag:s16] =	ssyncadd.s32 $0xFFFFFF80  }
0xd8: {  	[spmem:s2] =	stream.indirect.scatter.add.f32 [tilespmem:s30], [sflag:$0x10], $0x1, s14, s14, $0xb8;
	[tilespmem:$0x1CE00] =	vst v63  }
0xd9: {  	_ =	swait.ge [sflag:s0], $0x80  }
0xda: {  	[sflag:s0] =	ssyncset.done $0x0  }
0xdb: {  	[sflag:s0] =	ssyncadd.s32 $0xFFFFFF80  }
0xdc: {  	p2 =	slt.u32 @!p0 s23, $0xA;
	_ =	swait.ge [sflag:s0], $0x80  }
0xdd: {  	p2 =	por p0, !p2;
	[sflag:s0] =	ssyncset.done $0x0  }
.Ltmp4:
0xde: {  	s16 =	simm.s32 @p2 $0xF;
	[sflag:s0] =	ssyncadd.s32 $0xFFFFFF80;
	(pc) =	sbr.rel .LBB2_5-.Ltmp4, $4  }
0xdf: {  	_ =	swait.ge @p2 [sflag:s16], $0x80  }
0xe0: {  	s31 =	simm.s32 $0x500;
	[sflag:s16] =	ssyncset.done @p2 $0x0  }
0xe1: {  	s30 =	simm.s32 $0x8800;
	[sflag:s16] =	ssyncadd.s32 @p2 $0xFFFFFF80;
	s16 =	smov.u32 s17  }
0xe2: {  	[tilespmem:s30], [sflag:$0xD] =	stream.indirect.gather [hbm4b:s6+s14], $0x1, s10, s14, $0xb8;
	[tilespmem:$0x1CE00] =	vst v63  }
.LBB2_4:
0xe3: {  	_ =	swait.ge [sflag:s0], $0x80  }
0xe4: {  	[sflag:s0] =	ssyncset.done $0x0  }
0xe5: {  	[sflag:s0] =	ssyncadd.s32 $0xFFFFFF80  }
0xe6: {  	_ =	swait.ge [sflag:s0], $0x80  }
0xe7: {  	s31 =	simm.s32 $0x500;
	[sflag:s0] =	ssyncset.done $0x0  }
0xe8: {  	s16 =	smov.u32 s17;
	s30 =	simm.s32 $0x8800;
	[sflag:s0] =	ssyncadd.s32 $0xFFFFFF80  }
.LBB2_5:
0xe9: {  	_ =	swait.ge [sflag:s4], $0x4000  }
0xea: {  	[sflag:s4] =	ssyncset.done $0x0  }
0xeb: {  	[sflag:s4] =	ssyncadd.s32 $0xFFFFC000  }
0xec: {  	[tilespmem:s5], [sflag:$0x9] =	stream.indirect.gather [hbm4b:s21+s14], $0x80, s8, s14, $0xb8;
	[tilespmem:$0x1CE00] =	vst v63  }
0xed: {  	s10 =	sadd.s32 $0x30, s28  }
0xee: {  	[tilespmem:s18], [sflag:$0x4] =	stream.linear.gather [hbm4b:s10+s3], $0x80, $0x38;
	[tilespmem:$0x1CE00] =	vst v63  }
0xef: {  	s24 =	sadd.s32 $0x30, s29;
	s17 =	simm.s32 $0x580  }
0xf0: {  	[tilespmem:s17], [sflag:$0x4] =	stream.linear.gather [hbm4b:s24+s3], $0x80, $0x38;
	[tilespmem:$0x1CE00] =	vst v63  }
.Ltmp5:
0xf1: {  	_ = 	snop;
	(pc) =	sbr.rel @!p1 .LBB2_7-.Ltmp5, $4  }
0xf2: {  	_ =	swait.ge [sflag:s25], $0x4000  }
0xf3: {  	[sflag:s25] =	ssyncset.done $0x0  }
0xf4: {  	s10 =	simm.s32 $0x580;
	s17 =	simm.s32 $0x8880;
	[sflag:s25] =	ssyncadd.s32 $0xFFFFC000  }
0xf5: {  	[spmem:s1] =	stream.indirect.scatter.add.f32 [tilespmem:s5], [sflag:$0xB], $0x80, s31, s14, $0xb8;
	[tilespmem:$0x1CE00] =	vst v63  }
0xf6: {  	s18 =	simm.s32 $0xD  }
0xf7: {  	_ =	swait.ge [sflag:s18], $0x80  }
0xf8: {  	[sflag:s18] =	ssyncset.done $0x0  }
0xf9: {  	[sflag:s18] =	ssyncadd.s32 $0xFFFFFF80  }
0xfa: {  	[spmem:s2] =	stream.indirect.scatter.add.f32 [tilespmem:s30], [sflag:$0xF], $0x1, s8, s14, $0xb8;
	[tilespmem:$0x1CE00] =	vst v63  }
0xfb: {  	_ =	swait.ge [sflag:s19], $0x80  }
0xfc: {  	[sflag:s19] =	ssyncset.done $0x0  }
0xfd: {  	[sflag:s19] =	ssyncadd.s32 $0xFFFFFF80  }
0xfe: {  	p2 =	slt.u32 @!p0 s23, $0xA;
	_ =	swait.ge [sflag:s19], $0x80  }
0xff: {  	p2 =	por p0, !p2;
	[sflag:s19] =	ssyncset.done $0x0  }
.Ltmp6:
0x100: {  	s8 =	simm.s32 @p2 $0x10;
	[sflag:s19] =	ssyncadd.s32 $0xFFFFFF80;
	(pc) =	sbr.rel .LBB2_8-.Ltmp6, $4  }
0x101: {  	_ =	swait.ge @p2 [sflag:s8], $0x80  }
0x102: {  	s31 =	simm.s32 $0x200;
	[sflag:s8] =	ssyncset.done @p2 $0x0  }
0x103: {  	s18 =	simm.s32 $0x180;
	[sflag:s8] =	ssyncadd.s32 @p2 $0xFFFFFF80;
	s8 =	simm.s32 $0x580  }
0x104: {  	[tilespmem:s17], [sflag:$0xE] =	stream.indirect.gather [hbm4b:s6+s14], $0x1, s10, s14, $0xb8;
	[tilespmem:$0x1CE00] =	vst v63  }
.LBB2_7:
0x105: {  	_ =	swait.ge [sflag:s19], $0x80  }
0x106: {  	[sflag:s19] =	ssyncset.done $0x0  }
0x107: {  	[sflag:s19] =	ssyncadd.s32 $0xFFFFFF80  }
0x108: {  	_ =	swait.ge [sflag:s19], $0x80  }
0x109: {  	s18 =	simm.s32 $0x180;
	[sflag:s19] =	ssyncset.done $0x0  }
0x10a: {  	s8 =	simm.s32 $0x580;
	s31 =	simm.s32 $0x200;
	[sflag:s19] =	ssyncadd.s32 $0xFFFFFF80  }
.LBB2_8:
0x10b: {  	_ =	swait.ge [sflag:s22], $0x4000  }
0x10c: {  	[sflag:s22] =	ssyncset.done $0x0  }
0x10d: {  	[sflag:s22] =	ssyncadd.s32 $0xFFFFC000  }
0x10e: {  	[tilespmem:s26], [sflag:$0xA] =	stream.indirect.gather [hbm4b:s21+s14], $0x80, s18, s14, $0xb8;
	[tilespmem:$0x1CE00] =	vst v63  }
0x10f: {  	s10 =	sadd.s32 $0x40, s28  }
0x110: {  	[tilespmem:s31], [sflag:$0x5] =	stream.linear.gather [hbm4b:s10+s3], $0x80, $0x38;
	[tilespmem:$0x1CE00] =	vst v63  }
0x111: {  	s24 =	simm.s32 $0x600;
	s10 =	sadd.s32 $0x40, s29  }
0x112: {  	[tilespmem:s24], [sflag:$0x5] =	stream.linear.gather [hbm4b:s10+s3], $0x80, $0x38;
	[tilespmem:$0x1CE00] =	vst v63  }
.Ltmp7:
0x113: {  	_ = 	snop;
	(pc) =	sbr.rel @!p1 .LBB2_10-.Ltmp7, $4  }
0x114: {  	_ =	swait.ge [sflag:s12], $0x4000  }
0x115: {  	[sflag:s12] =	ssyncset.done $0x0  }
0x116: {  	s10 =	simm.s32 $0x600;
	[sflag:s12] =	ssyncadd.s32 $0xFFFFC000  }
0x117: {  	[spmem:s1] =	stream.indirect.scatter.add.f32 [tilespmem:s26], [sflag:$0xC], $0x80, s8, s14, $0xb8;
	[tilespmem:$0x1CE00] =	vst v63  }
0x118: {  	s8 =	simm.s32 $0xE  }
0x119: {  	_ =	swait.ge [sflag:s8], $0x80  }
0x11a: {  	[sflag:s8] =	ssyncset.done $0x0  }
0x11b: {  	[sflag:s8] =	ssyncadd.s32 $0xFFFFFF80  }
0x11c: {  	[spmem:s2] =	stream.indirect.scatter.add.f32 [tilespmem:s17], [sflag:$0x10], $0x1, s18, s14, $0xb8;
	[tilespmem:$0x1CE00] =	vst v63  }
0x11d: {  	_ =	swait.ge [sflag:s11], $0x80  }
0x11e: {  	[sflag:s11] =	ssyncset.done $0x0  }
0x11f: {  	[sflag:s11] =	ssyncadd.s32 $0xFFFFFF80  }
0x120: {  	p2 =	slt.u32 @!p0 s23, $0xA;
	_ =	swait.ge [sflag:s11], $0x80  }
0x121: {  	p2 =	por p0, !p2;
	[sflag:s11] =	ssyncset.done $0x0  }
.Ltmp8:
0x122: {  	s8 =	simm.s32 @p2 $0xF;
	[sflag:s11] =	ssyncadd.s32 $0xFFFFFF80;
	(pc) =	sbr.rel .LBB2_11-.Ltmp8, $4  }
0x123: {  	_ =	swait.ge @p2 [sflag:s8], $0x80  }
0x124: {  	s24 =	simm.s32 $0x680;
	[sflag:s8] =	ssyncset.done @p2 $0x0  }
0x125: {  	s18 =	simm.s32 $0x280;
	[sflag:s8] =	ssyncadd.s32 @p2 $0xFFFFFF80;
	s8 =	simm.s32 $0x600  }
0x126: {  	[tilespmem:s30], [sflag:$0xD] =	stream.indirect.gather [hbm4b:s6+s14], $0x1, s10, s14, $0xb8;
	[tilespmem:$0x1CE00] =	vst v63  }
.LBB2_10:
0x127: {  	_ =	swait.ge [sflag:s11], $0x80  }
0x128: {  	[sflag:s11] =	ssyncset.done $0x0  }
0x129: {  	[sflag:s11] =	ssyncadd.s32 $0xFFFFFF80  }
0x12a: {  	_ =	swait.ge [sflag:s11], $0x80  }
0x12b: {  	s8 =	simm.s32 $0x600;
	[sflag:s11] =	ssyncset.done $0x0  }
0x12c: {  	s18 =	simm.s32 $0x280;
	s24 =	simm.s32 $0x680;
	[sflag:s11] =	ssyncadd.s32 $0xFFFFFF80  }
.LBB2_11:
0x12d: {  	_ =	swait.ge [sflag:s4], $0x4000  }
0x12e: {  	[sflag:s4] =	ssyncset.done $0x0  }
0x12f: {  	[sflag:s4] =	ssyncadd.s32 $0xFFFFC000  }
0x130: {  	[tilespmem:s5], [sflag:$0x9] =	stream.indirect.gather [hbm4b:s21+s14], $0x80, s31, s14, $0xb8;
	[tilespmem:$0x1CE00] =	vst v63  }
0x131: {  	s10 =	sadd.s32 $0x50, s28  }
0x132: {  	[tilespmem:s18], [sflag:$0x6] =	stream.linear.gather [hbm4b:s10+s3], $0x80, $0x38;
	[tilespmem:$0x1CE00] =	vst v63  }
0x133: {  	s10 =	sadd.s32 $0x50, s29  }
0x134: {  	[tilespmem:s24], [sflag:$0x6] =	stream.linear.gather [hbm4b:s10+s3], $0x80, $0x38;
	[tilespmem:$0x1CE00] =	vst v63  }
.Ltmp9:
0x135: {  	_ = 	snop;
	(pc) =	sbr.rel @!p1 .LBB2_13-.Ltmp9, $4  }
0x136: {  	_ =	swait.ge [sflag:s25], $0x4000  }
0x137: {  	[sflag:s25] =	ssyncset.done $0x0  }
0x138: {  	[sflag:s25] =	ssyncadd.s32 $0xFFFFC000  }
0x139: {  	[spmem:s1] =	stream.indirect.scatter.add.f32 [tilespmem:s5], [sflag:$0xB], $0x80, s8, s14, $0xb8;
	[tilespmem:$0x1CE00] =	vst v63  }
0x13a: {  	s8 =	simm.s32 $0xD  }
0x13b: {  	_ =	swait.ge [sflag:s8], $0x80  }
0x13c: {  	[sflag:s8] =	ssyncset.done $0x0  }
0x13d: {  	[sflag:s8] =	ssyncadd.s32 $0xFFFFFF80  }
0x13e: {  	[spmem:s2] =	stream.indirect.scatter.add.f32 [tilespmem:s30], [sflag:$0xF], $0x1, s31, s14, $0xb8;
	[tilespmem:$0x1CE00] =	vst v63  }
0x13f: {  	_ =	swait.ge [sflag:s7], $0x80  }
0x140: {  	[sflag:s7] =	ssyncset.done $0x0  }
0x141: {  	[sflag:s7] =	ssyncadd.s32 $0xFFFFFF80  }
0x142: {  	p2 =	slt.u32 @!p0 s23, $0xA;
	_ =	swait.ge [sflag:s7], $0x80  }
0x143: {  	p2 =	por p0, !p2;
	[sflag:s7] =	ssyncset.done $0x0  }
.Ltmp10:
0x144: {  	s8 =	simm.s32 @p2 $0x10;
	[sflag:s7] =	ssyncadd.s32 $0xFFFFFF80;
	(pc) =	sbr.rel .LBB2_14-.Ltmp10, $4  }
0x145: {  	_ =	swait.ge @p2 [sflag:s8], $0x80  }
0x146: {  	[sflag:s8] =	ssyncset.done @p2 $0x0  }
0x147: {  	s31 =	simm.s32 $0x300;
	[sflag:s8] =	ssyncadd.s32 @p2 $0xFFFFFF80  }
0x148: {  	[tilespmem:s17], [sflag:$0xE] =	stream.indirect.gather [hbm4b:s6+s14], $0x1, s24, s14, $0xb8;
	[tilespmem:$0x1CE00] =	vst v63  }
.LBB2_13:
0x149: {  	_ =	swait.ge [sflag:s7], $0x80  }
0x14a: {  	[sflag:s7] =	ssyncset.done $0x0  }
0x14b: {  	[sflag:s7] =	ssyncadd.s32 $0xFFFFFF80  }
0x14c: {  	_ =	swait.ge [sflag:s7], $0x80  }
0x14d: {  	[sflag:s7] =	ssyncset.done $0x0  }
0x14e: {  	s31 =	simm.s32 $0x300;
	[sflag:s7] =	ssyncadd.s32 $0xFFFFFF80  }
.LBB2_14:
0x14f: {  	_ =	swait.ge [sflag:s22], $0x4000  }
0x150: {  	[sflag:s22] =	ssyncset.done $0x0  }
0x151: {  	[sflag:s22] =	ssyncadd.s32 $0xFFFFC000  }
0x152: {  	[tilespmem:s26], [sflag:$0xA] =	stream.indirect.gather [hbm4b:s21+s14], $0x80, s18, s14, $0xb8;
	[tilespmem:$0x1CE00] =	vst v63  }
0x153: {  	s10 =	sadd.s32 $0x60, s28  }
0x154: {  	[tilespmem:s31], [sflag:$0x7] =	stream.linear.gather [hbm4b:s10+s3], $0x80, $0x38;
	[tilespmem:$0x1CE00] =	vst v63  }
0x155: {  	s8 =	simm.s32 $0x700;
	s10 =	sadd.s32 $0x60, s29  }
0x156: {  	[tilespmem:s8], [sflag:$0x7] =	stream.linear.gather [hbm4b:s10+s3], $0x80, $0x38;
	[tilespmem:$0x1CE00] =	vst v63  }
.Ltmp11:
0x157: {  	_ = 	snop;
	(pc) =	sbr.rel @!p1 .LBB2_16-.Ltmp11, $4  }
0x158: {  	_ =	swait.ge [sflag:s12], $0x4000  }
0x159: {  	[sflag:s12] =	ssyncset.done $0x0  }
0x15a: {  	[sflag:s12] =	ssyncadd.s32 $0xFFFFC000  }
0x15b: {  	[spmem:s1] =	stream.indirect.scatter.add.f32 [tilespmem:s26], [sflag:$0xC], $0x80, s24, s14, $0xb8;
	[tilespmem:$0x1CE00] =	vst v63  }
0x15c: {  	s8 =	simm.s32 $0xE  }
0x15d: {  	_ =	swait.ge [sflag:s8], $0x80  }
0x15e: {  	[sflag:s8] =	ssyncset.done $0x0  }
0x15f: {  	[sflag:s8] =	ssyncadd.s32 $0xFFFFFF80  }
0x160: {  	[spmem:s2] =	stream.indirect.scatter.add.f32 [tilespmem:s17], [sflag:$0x10], $0x1, s18, s14, $0xb8;
	[tilespmem:$0x1CE00] =	vst v63  }
0x161: {  	_ =	swait.ge [sflag:s9], $0x80  }
0x162: {  	[sflag:s9] =	ssyncset.done $0x0  }
0x163: {  	[sflag:s9] =	ssyncadd.s32 $0xFFFFFF80  }
0x164: {  	p2 =	slt.u32 @!p0 s23, $0xA;
	_ =	swait.ge [sflag:s9], $0x80  }
0x165: {  	p2 =	por p0, !p2;
	[sflag:s9] =	ssyncset.done $0x0  }
.Ltmp12:
0x166: {  	s8 =	simm.s32 @p2 $0xF;
	[sflag:s9] =	ssyncadd.s32 $0xFFFFFF80;
	(pc) =	sbr.rel .LBB2_17-.Ltmp12, $4  }
0x167: {  	_ =	swait.ge @p2 [sflag:s8], $0x80  }
0x168: {  	[sflag:s8] =	ssyncset.done @p2 $0x0  }
0x169: {  	s24 =	simm.s32 $0x380;
	[sflag:s8] =	ssyncadd.s32 @p2 $0xFFFFFF80;
	s8 =	simm.s32 $0x700  }
0x16a: {  	[tilespmem:s30], [sflag:$0xD] =	stream.indirect.gather [hbm4b:s6+s14], $0x1, s8, s14, $0xb8;
	[tilespmem:$0x1CE00] =	vst v63  }
.LBB2_16:
0x16b: {  	_ =	swait.ge [sflag:s9], $0x80  }
0x16c: {  	[sflag:s9] =	ssyncset.done $0x0  }
0x16d: {  	[sflag:s9] =	ssyncadd.s32 $0xFFFFFF80  }
0x16e: {  	_ =	swait.ge [sflag:s9], $0x80  }
0x16f: {  	[sflag:s9] =	ssyncset.done $0x0  }
0x170: {  	s24 =	simm.s32 $0x380;
	[sflag:s9] =	ssyncadd.s32 $0xFFFFFF80  }
.LBB2_17:
0x171: {  	_ =	swait.ge [sflag:s4], $0x4000  }
0x172: {  	[sflag:s4] =	ssyncset.done $0x0  }
0x173: {  	[sflag:s4] =	ssyncadd.s32 $0xFFFFC000  }
0x174: {  	[tilespmem:s5], [sflag:$0x9] =	stream.indirect.gather [hbm4b:s21+s14], $0x80, s31, s14, $0xb8;
	[tilespmem:$0x1CE00] =	vst v63  }
0x175: {  	s10 =	sadd.s32 $0x70, s28  }
0x176: {  	[tilespmem:s24], [sflag:$0x8] =	stream.linear.gather [hbm4b:s10+s3], $0x80, $0x38;
	[tilespmem:$0x1CE00] =	vst v63  }
0x177: {  	s18 =	simm.s32 $0x780;
	s10 =	sadd.s32 $0x70, s29  }
0x178: {  	[tilespmem:s18], [sflag:$0x8] =	stream.linear.gather [hbm4b:s10+s3], $0x80, $0x38;
	[tilespmem:$0x1CE00] =	vst v63  }
.Ltmp13:
0x179: {  	_ = 	snop;
	(pc) =	sbr.rel @!p1 .LBB2_19-.Ltmp13, $4  }
0x17a: {  	_ =	swait.ge [sflag:s25], $0x4000  }
0x17b: {  	[sflag:s25] =	ssyncset.done $0x0  }
0x17c: {  	[sflag:s25] =	ssyncadd.s32 $0xFFFFC000  }
0x17d: {  	[spmem:s1] =	stream.indirect.scatter.add.f32 [tilespmem:s5], [sflag:$0xB], $0x80, s8, s14, $0xb8;
	[tilespmem:$0x1CE00] =	vst v63  }
0x17e: {  	s8 =	simm.s32 $0xD  }
0x17f: {  	_ =	swait.ge [sflag:s8], $0x80  }
0x180: {  	[sflag:s8] =	ssyncset.done $0x0  }
0x181: {  	[sflag:s8] =	ssyncadd.s32 $0xFFFFFF80  }
0x182: {  	[spmem:s2] =	stream.indirect.scatter.add.f32 [tilespmem:s30], [sflag:$0xF], $0x1, s31, s14, $0xb8;
	[tilespmem:$0x1CE00] =	vst v63  }
0x183: {  	_ =	swait.ge [sflag:s13], $0x80  }
0x184: {  	[sflag:s13] =	ssyncset.done $0x0  }
0x185: {  	[sflag:s13] =	ssyncadd.s32 $0xFFFFFF80  }
0x186: {  	p2 =	slt.u32 @!p0 s23, $0xA;
	_ =	swait.ge [sflag:s13], $0x80  }
0x187: {  	p2 =	por p0, !p2;
	[sflag:s13] =	ssyncset.done $0x0  }
0x188: {  	s8 =	simm.s32 @p2 $0x10;
	[sflag:s13] =	ssyncadd.s32 $0xFFFFFF80  }
.Ltmp14:
0x189: {  	_ =	swait.ge @p2 [sflag:s8], $0x80;
	(pc) =	sbr.rel .LBB2_20-.Ltmp14, $4  }
0x18a: {  	[sflag:s8] =	ssyncset.done @p2 $0x0  }
0x18b: {  	s31 =	simm.s32 $0x780;
	[sflag:s8] =	ssyncadd.s32 @p2 $0xFFFFFF80  }
0x18c: {  	[tilespmem:s17], [sflag:$0xE] =	stream.indirect.gather [hbm4b:s6+s14], $0x1, s31, s14, $0xb8;
	[tilespmem:$0x1CE00] =	vst v63  }
0x18d: {  	s18 =	simm.s32 $0x180;
	s17 =	simm.s32 $0x780  }
.LBB2_19:
0x18e: {  	_ =	swait.ge [sflag:s13], $0x80  }
0x18f: {  	[sflag:s13] =	ssyncset.done $0x0  }
0x190: {  	[sflag:s13] =	ssyncadd.s32 $0xFFFFFF80  }
0x191: {  	_ =	swait.ge [sflag:s13], $0x80  }
0x192: {  	[sflag:s13] =	ssyncset.done $0x0  }
0x193: {  	s18 =	simm.s32 $0x180;
	s17 =	simm.s32 $0x780;
	[sflag:s13] =	ssyncadd.s32 $0xFFFFFF80  }
.LBB2_20:
0x194: {  	_ =	swait.ge [sflag:s22], $0x4000  }
0x195: {  	p2 =	seq.s32 s20, $0x980;
	[sflag:s22] =	ssyncset.done $0x0  }
0x196: {  	s10 =	sadd.s32 @!p2 s20, s16;
	[sflag:s22] =	ssyncadd.s32 $0xFFFFC000  }
0x197: {  	[tilespmem:s26], [sflag:$0xA] =	stream.indirect.gather [hbm4b:s21+s14], $0x80, s24, s14, $0xb8;
	[tilespmem:$0x1CE00] =	vst v63  }
0x198: {  	s31 =	simm.s32 @!p2 $0x0;
	s8 =	rddreg [dreg:$0x1e];
	s10 =	sadd.s32 @!p2 $0x80, s10  }
0x199: {  	[tilespmem:s31], [sflag:$0x1] =	stream.linear.gather @!p2 [hbm4b:s10+s31], $0x80, $0x38;
	[tilespmem:$0x1CE00] =	vst v63  }
0x19a: {  	s10 =	sadd.s32 @!p2 s20, s8  }
0x19b: {  	s8 =	simm.s32 @!p2 $0x400;
	s10 =	sadd.s32 @!p2 $0x80, s10  }
0x19c: {  	[tilespmem:s8], [sflag:$0x1] =	stream.linear.gather @!p2 [hbm4b:s10+s31], $0x80, $0x38;
	[tilespmem:$0x1CE00] =	vst v63  }
0x19d: {  	_ =	swait.ge [sflag:s12], $0x4000  }
0x19e: {  	[sflag:s12] =	ssyncset.done $0x0  }
0x19f: {  	[sflag:s12] =	ssyncadd.s32 $0xFFFFC000  }
0x1a0: {  	[spmem:s1] =	stream.indirect.scatter.add.f32 [tilespmem:s26], [sflag:$0xC], $0x80, s17, s14, $0xb8;
	[tilespmem:$0x1CE00] =	vst v63  }
.Ltmp15:
0x1a1: {  	s8 =	simm.s32 @p1 $0xE;
	(pc) =	sbr.rel @p2 .LBB2_24-.Ltmp15, $4  }
0x1a2: {  	_ =	swait.ge @p1 [sflag:s8], $0x80  }
0x1a3: {  	s10 =	simm.s32 @p1 $0x380;
	[sflag:s8] =	ssyncset.done @p1 $0x0  }
0x1a4: {  	s31 =	simm.s32 @p1 $0x8880;
	[sflag:s8] =	ssyncadd.s32 @p1 $0xFFFFFF80;
	s8 =	simm.s32 @p1 $0x80  }
0x1a5: {  	[spmem:s2] =	stream.indirect.scatter.add.f32 @p1 [tilespmem:s31], [sflag:$0x10], $0x1, s10, s8, $0xb8;
	[tilespmem:$0x1CE00] =	vst v63  }
0x1a6: {  	p1 =	sgt.u32 s23, $0x8;
	s8 =	simm.s32 $0x1  }
0x1a7: {  	s2 =	simm.s32 $0x1;
	s8 =	simm.s32 @!p1 $0x0  }
0x1a8: {  	_ =	swait.ge [sflag:s2], $0x80;
	p1 =	seq.s32 s15, s8  }
.Ltmp16:
0x1a9: {  	[sflag:s2] =	ssyncset.done $0x0;
	(pc) =	sbr.rel @p1 .LBB2_23-.Ltmp16, $4  }
0x1aa: {  	[sflag:s2] =	ssyncadd.s32 $0xFFFFFF80  }
0x1ab: {  	_ =	swait.ge [sflag:s2], $0x80  }
0x1ac: {  	[sflag:s2] =	ssyncset.done $0x0  }
0x1ad: {  	s31 =	simm.s32 $0x480;
	[sflag:s2] =	ssyncadd.s32 $0xFFFFFF80  }
0x1ae: {  	p1 =	slt.u32 @!p0 s23, $0xA  }
0x1af: {  	p1 =	por p0, !p1  }
.Ltmp17:
0x1b0: {  	s2 =	simm.s32 @p1 $0xF;
	(pc) =	sbr.rel .LBB2_23-.Ltmp17, $4  }
0x1b1: {  	_ =	swait.ge @p1 [sflag:s2], $0x80  }
0x1b2: {  	[sflag:s2] =	ssyncset.done @p1 $0x0  }
0x1b3: {  	s8 =	simm.s32 $0x400;
	[sflag:s2] =	ssyncadd.s32 @p1 $0xFFFFFF80  }
0x1b4: {  	[tilespmem:s30], [sflag:$0xD] =	stream.indirect.gather [hbm4b:s6+s14], $0x1, s8, s14, $0xb8;
	[tilespmem:$0x1CE00] =	vst v63  }
.LBB2_25:
0x1b5: {  	_ =	sfence.sel $0x180000  }
0x1b6: {  	[bflag:$0x0] =	sbarrier.arrive $0xFFFF  }
0x1b7: {  	_ =	strace $0x9000004A  }
0x1b8: {  	s0 =	stileid.u32;
	[bflag:$0x2] =	sbarrier.arrive $0xFFFF  }
0x1b9: {  	p0 =	sne.s32 s0, $0x0;
	s0 =	rddreg [dreg:$0x3]  }
0x1ba: {  	s0 =	sadd.s32 @!p0 $0x100000, s0  }
0x1bb: {  	[sflag:s0] =	ssyncadd.tile.s32 @!p0 $0x1;
	_ =	shalt  }
.Lfunc_end2:
_tile_overlayer_lowered:
.L_overlay_start_2:
0x1bc: {  	(tag) =	ssettag $0x2  }
0x1bd: {  	s0 =	rddreg [dreg:$0x0];
	s2 =	stileid.u32  }
0x1be: {  	s1 =	rddreg [dreg:$0x1];
	p0 =	sne.s32 s2, $0x0  }
0x1bf: {  	s3 =	rddreg [dreg:$0x2];
	[bflag:$0x3] =	sbarrier.arrive $0xFFFF;
	s2 =	simm.s32 @!p0 $0x1C11  }
0x1c0: {  	[timem:s3], [sflag:s2] =	dma.local @!p0 [hbm:s0], s1  }
0x1c1: {  	s0 =	simm.s32 @!p0 $0x11  }
0x1c2: {  	_ =	swait.ge @!p0 [sflag:s0], s1  }
0x1c3: {  	s1 =	ssub.s32 @!p0 $0x0, s1;
	[sflag:s0] =	ssyncset.done @!p0 $0x0  }
0x1c4: {  	[sflag:s0] =	ssyncadd.s32 @!p0 s1  }
0x1c5: {  	[bflag:$0x3] =	sbarrier.arrive $0xFFFF  }
0x1c6: {  	_ =	shalt  }

</sc_bundles>
